<compile_context>
chip_gen: v7x
topology: tpu7x:2x2x1
jax: 0.10.2.dev20260603
libtpu: 0.0.44.dev20260713+nightly
codegen_flags: <defaults>
</compile_context>

<pallas_src>
import functools

import jax
import jax.numpy as jnp
from jax import lax
from jax.experimental import pallas as pl
from jax.experimental.pallas import tpu as pltpu
from jax.experimental.pallas import tpu_sc as plsc

VOCAB = 1000
VPAD = 1024
VMAIN = 896
VTAIL = VOCAB - VMAIN
HIDDEN = 128
BATCH = 1024
SEQ = 50
SPAD = 56
SMAIN = 48
NW = 32
BPW = BATCH // NW


def _logit_table_body(emb_ref, w_ref, b_ref, m_ref):
    m_ref[...] = lax.dot_general(
        emb_ref[...], w_ref[...],
        dimension_numbers=(((1,), (1,)), ((), ())),
        preferred_element_type=jnp.float32,
    ) + b_ref[...]


def _logit_table(emb_table, proj_w_pad, proj_b_pad):
    return pl.pallas_call(
        _logit_table_body,
        out_shape=jax.ShapeDtypeStruct((VOCAB, VPAD), jnp.float32),
    )(emb_table, proj_w_pad, proj_b_pad)


@functools.cache
def _gather_logits():
    mesh = plsc.VectorSubcoreMesh(core_axis_name="c", subcore_axis_name="s")

    @functools.partial(
        pl.kernel,
        mesh=mesh,
        out_type=jax.ShapeDtypeStruct((BATCH, SEQ, VOCAB), jnp.float32),
        scratch_types=[
            pltpu.VMEM((BPW * SPAD,), jnp.int32),
            pltpu.VMEM((SPAD, VPAD), jnp.float32),
            pltpu.VMEM((SPAD, VPAD), jnp.float32),
            pltpu.VMEM((SMAIN, VTAIL), jnp.float32),
            pltpu.VMEM((SEQ - SMAIN, VOCAB), jnp.float32),
            pltpu.SemaphoreType.DMA,
            pltpu.SemaphoreType.DMA,
            pltpu.SemaphoreType.DMA,
        ],
    )
    def gather(m_hbm, idx_hbm, out_hbm, idx_v, rows0, rows1, tail_v, last_v,
               gsem, wsem, esem):
        wid = lax.axis_index("s") * 2 + lax.axis_index("c")
        base = wid * BPW
        pltpu.sync_copy(idx_hbm.at[pl.ds(base * SPAD, BPW * SPAD)], idx_v)

        def gather_desc(g, buf):
            return pltpu.make_async_copy(
                m_hbm.at[idx_v.at[pl.ds(g * SPAD, SPAD)]], buf, gsem
            )

        def write1_desc(g, buf):
            return pltpu.make_async_copy(
                buf.at[pl.ds(0, SMAIN), pl.ds(0, VMAIN)],
                out_hbm.at[base + g, pl.ds(0, SMAIN), pl.ds(0, VMAIN)],
                wsem,
            )

        def tail_desc(g):
            return pltpu.make_async_copy(
                tail_v,
                out_hbm.at[base + g, pl.ds(0, SMAIN), pl.ds(VMAIN, VTAIL)],
                esem,
            )

        def last_desc(g):
            return pltpu.make_async_copy(
                last_v,
                out_hbm.at[base + g, pl.ds(SMAIN, SEQ - SMAIN)],
                esem,
            )

        def narrow(buf):
            def narrow_row(r, carry):
                for j in range(6):
                    tail_v[r, pl.ds(16 * j, 16)] = buf[r, pl.ds(VMAIN + 16 * j, 16)]
                tail_v[r, pl.ds(VTAIL - 16, 16)] = buf[r, pl.ds(VMAIN + VTAIL - 16, 16)]
                return carry

            lax.fori_loop(0, SMAIN, narrow_row, 0)
            for r in range(SMAIN, SEQ):
                for j in range(VOCAB // 16):
                    last_v[r - SMAIN, pl.ds(16 * j, 16)] = buf[r, pl.ds(16 * j, 16)]
                last_v[r - SMAIN, pl.ds(VOCAB - 16, 16)] = buf[r, pl.ds(VOCAB - 16, 16)]

        gather_desc(0, rows0).start()

        def body(k, carry):
            for half in range(2):
                g = 2 * k + half
                buf = rows0 if half == 0 else rows1
                nbuf = rows1 if half == 0 else rows0
                gather_desc(g, buf).wait()

                @pl.when(g >= 1)
                def _():
                    write1_desc(g - 1, nbuf).wait()

                @pl.when(g < BPW - 1)
                def _():
                    gather_desc(g + 1, nbuf).start()

                write1_desc(g, buf).start()

                @pl.when(g >= 1)
                def _():
                    tail_desc(g - 1).wait()
                    last_desc(g - 1).wait()

                narrow(buf)
                tail_desc(g).start()
                last_desc(g).start()
            return carry

        lax.fori_loop(0, BPW // 2, body, 0)
        write1_desc(BPW - 1, rows1).wait()
        tail_desc(BPW - 1).wait()
        last_desc(BPW - 1).wait()

    return gather


def kernel(input_ids, emb_table, proj_w, proj_b):
    w_pad = jnp.pad(proj_w, ((0, VPAD - VOCAB), (0, 0)))
    b_pad = jnp.pad(proj_b, (0, VPAD - VOCAB)).reshape(1, VPAD)
    m = _logit_table(emb_table, w_pad, b_pad)
    pads = (jnp.arange(BATCH, dtype=jnp.int32)[:, None] * (SPAD - SEQ)
            + jnp.arange(SPAD - SEQ, dtype=jnp.int32)[None, :]) % VOCAB
    ids = jnp.concatenate([input_ids.astype(jnp.int32), pads], axis=1)
    out = _gather_logits()(m, ids.reshape(-1))
    return out

# --- scband reference (transcript-rebuilt; emitter-appended) ---
"""Pipeline reference for scband-tiny-causal-lm-88639535055256 (READ-ONLY COPY).

The authoritative reference and input builder live on the scoring server;
editing this copy changes nothing except your own understanding.
"""

import jax, jax.numpy as jnp
import numpy as np

VOCAB = 1000
HIDDEN = 128
BATCH = 1024
SEQ = 50

def setup_inputs(seed: int = 0) -> dict:
    key = jax.random.key(seed)
    k1, k2, k3, k4 = jax.random.split(key, 4)
    input_ids = jax.random.randint(k1, (BATCH, SEQ), 0, VOCAB, dtype=jnp.int64 if jax.config.jax_enable_x64 else jnp.int32)
    emb_table = jax.random.normal(k2, (VOCAB, HIDDEN), dtype=jnp.float32) * 0.02
    proj_w = jax.random.normal(k3, (VOCAB, HIDDEN), dtype=jnp.float32) * (1.0 / np.sqrt(HIDDEN))
    proj_b = jax.random.normal(k4, (VOCAB,), dtype=jnp.float32) * 0.01
    return {"input_ids": input_ids, "emb_table": emb_table, "proj_w": proj_w, "proj_b": proj_b}

def reference(input_ids, emb_table, proj_w, proj_b):
    # x = emb(input_ids)  -> gather rows from embedding table
    x = jnp.take(emb_table, input_ids, axis=0)          # [B, S, H]
    # logits = Linear(hidden -> vocab): x @ W^T + b (torch Linear weight is [out, in])
    logits = jnp.einsum('bsh,vh->bsv', x, proj_w) + proj_b  # [B, S, V]
    return logits

if __name__ == "__main__":
    import jax
    _d = setup_inputs()
    print(jax.jit(kernel)(*tuple(_d.values())))

</pallas_src>

<mosaic_0001>
#map = affine_map<(d0, d1) -> (0, 0)>
#map1 = affine_map<(d0, d1) -> (0)>
#map2 = affine_map<(d0, d1) -> (0, 0, 0)>
module attributes {stable_mosaic.version = 14 : i64} {
  func.func @gather(%arg0: i32, %arg1: i32, %arg2: memref<1000x1024xf32, #tpu.memory_space<hbm>>, %arg3: memref<57344xi32, #tpu.memory_space<hbm>>, %arg4: memref<1024x50x1000xf32, #tpu.memory_space<hbm>>, %arg5: memref<1792xi32, #tpu.memory_space<vmem>>, %arg6: memref<56x1024xf32, #tpu.memory_space<vmem>>, %arg7: memref<56x1024xf32, #tpu.memory_space<vmem>>, %arg8: memref<48x104xf32, #tpu.memory_space<vmem>>, %arg9: memref<2x1000xf32, #tpu.memory_space<vmem>>, %arg10: memref<!tpu.dma_semaphore, #tpu.memory_space<semaphore_mem>>, %arg11: memref<!tpu.dma_semaphore, #tpu.memory_space<semaphore_mem>>, %arg12: memref<!tpu.dma_semaphore, #tpu.memory_space<semaphore_mem>>) attributes {dimension_semantics = [#tpu.dimension_semantics<core_parallel>, #tpu.dimension_semantics<subcore_parallel>], iteration_bounds = array<i64: 2, 16>, scalar_prefetch = 0 : i64, scratch_operands = 8 : i64, tpu.core_type = #tpu.core_type<sc_vector_subcore>, window_params = [{transform_indices = #map}, {transform_indices = #map1}, {transform_indices = #map2}]} {
    %mul3A = arith.constant 2 : i32
    %mul3A_0 = arith.muli %arg1, %mul3A : i32
    %add3A = arith.addi %mul3A_0, %arg0 : i32
    %mul3A_1 = arith.constant 32 : i32
    %mul3A_2 = arith.muli %add3A, %mul3A_1 : i32
    %mul3A_3 = arith.constant 56 : i32
    %mul3A_4 = arith.muli %mul3A_2, %mul3A_3 : i32
    "tpu.region"() ({
      %run_scoped3A = tpu.sem_alloc : memref<!tpu.dma_semaphore, #tpu.memory_space<semaphore_mem>>
      %dma_start3A_49 = tpu.memref_slice %arg3[%mul3A_4] : memref<57344xi32, #tpu.memory_space<hbm>> -> memref<1792xi32, #tpu.memory_space<hbm>>
      %dma_start3A_50 = tpu.memref_slice %arg3[%mul3A_4] : memref<57344xi32, #tpu.memory_space<hbm>> -> memref<1792xi32, #tpu.memory_space<hbm>>
      tpu.enqueue_dma source(%dma_start3A_50 : memref<1792xi32, #tpu.memory_space<hbm>>) target(%arg5 : memref<1792xi32, #tpu.memory_space<vmem>>) target_semaphore(%run_scoped3A : memref<!tpu.dma_semaphore, #tpu.memory_space<semaphore_mem>>)
      %dma_wait3A_51 = tpu.memref_slice %arg3[%mul3A_4] : memref<57344xi32, #tpu.memory_space<hbm>> -> memref<1792xi32, #tpu.memory_space<hbm>>
      %dma_wait3A_52 = tpu.memref_slice %arg3[%mul3A_4] : memref<57344xi32, #tpu.memory_space<hbm>> -> memref<1792xi32, #tpu.memory_space<hbm>>
      tpu.wait_dma2 semaphore(%run_scoped3A : memref<!tpu.dma_semaphore, #tpu.memory_space<semaphore_mem>>) src(%dma_wait3A_52 : memref<1792xi32, #tpu.memory_space<hbm>>) dst(%arg5 : memref<1792xi32, #tpu.memory_space<vmem>>)
      tpu.yield
    }) : () -> ()
    %dma_start3A = arith.constant 0 : i32
    %dma_start3A_5 = tpu.memref_slice %arg5[%dma_start3A] : memref<1792xi32, #tpu.memory_space<vmem>> -> memref<56xi32, #tpu.memory_space<vmem>>
    %dma_start3A_6 = arith.constant 0 : i32
    %dma_start3A_7 = arith.constant 0 : i32
    %dma_start3A_8 = tpu.memref_slice %arg2[%dma_start3A_6, %dma_start3A_7] : memref<1000x1024xf32, #tpu.memory_space<hbm>> -> memref<1000x1024xf32, #tpu.memory_space<hbm>>
    tpu.enqueue_indirect_dma source(%dma_start3A_8 : memref<1000x1024xf32, #tpu.memory_space<hbm>>) target(%arg6 : memref<56x1024xf32, #tpu.memory_space<vmem>>) offsets(%dma_start3A_5 : memref<56xi32, #tpu.memory_space<vmem>>) semaphore(%arg10 : memref<!tpu.dma_semaphore, #tpu.memory_space<semaphore_mem>>)
    %scan3A = arith.constant 0 : i32
    %scan3A_9 = arith.constant 0 : i32
    %scan3A_10 = arith.constant 16 : i32
    %scan3A_11 = arith.addi %scan3A_9, %scan3A_10 : i32
    %scan3A_12 = arith.constant 1 : i32
    scf.for %scan3A_49 = %scan3A_9 to %scan3A_11 step %scan3A_12  : i32 {
      %mul3A_50 = arith.constant 2 : i32
      %mul3A_51 = arith.muli %mul3A_50, %scan3A_49 : i32
      %add3A_52 = arith.constant 0 : i32
      %add3A_53 = arith.addi %mul3A_51, %add3A_52 : i32
      %mul3A_54 = arith.constant 56 : i32
      %mul3A_55 = arith.muli %add3A_53, %mul3A_54 : i32
      %dma_wait3A_56 = tpu.memref_slice %arg5[%mul3A_55] : memref<1792xi32, #tpu.memory_space<vmem>> -> memref<56xi32, #tpu.memory_space<vmem>>
      %dma_wait3A_57 = arith.constant 0 : i32
      %dma_wait3A_58 = arith.constant 0 : i32
      %dma_wait3A_59 = tpu.memref_slice %arg2[%dma_wait3A_57, %dma_wait3A_58] : memref<1000x1024xf32, #tpu.memory_space<hbm>> -> memref<1000x1024xf32, #tpu.memory_space<hbm>>
      tpu.wait_indirect_dma semaphore(%arg10 : memref<!tpu.dma_semaphore, #tpu.memory_space<semaphore_mem>>) src(%dma_wait3A_59 : memref<1000x1024xf32, #tpu.memory_space<hbm>>) dst(%arg6 : memref<56x1024xf32, #tpu.memory_space<vmem>>)
      %ge3A = arith.constant 1 : i32
      %ge3A_60 = arith.cmpi sge, %add3A_53, %ge3A : i32
      %convert_element_type3A = arith.extui %ge3A_60 : i1 to i32
      %cond3A = arith.constant 0 : i32
      %cond3A_61 = arith.cmpi ne, %convert_element_type3A, %cond3A : i32
      scf.if %cond3A_61 {
        %sub3A = arith.constant 1 : i32
        %sub3A_2944 = arith.subi %add3A_53, %sub3A : i32
        %add3A_2945 = arith.addi %mul3A_2, %sub3A_2944 : i32
        %dma_wait3A_2946 = arith.constant 0 : i32
        %dma_wait3A_2947 = arith.constant 0 : i32
        %dma_wait3A_2948 = tpu.memref_slice %arg7[%dma_wait3A_2946, %dma_wait3A_2947] : memref<56x1024xf32, #tpu.memory_space<vmem>> -> memref<48x896xf32, #tpu.memory_space<vmem>>
        %dma_wait3A_2949 = arith.constant 0 : i32
        %dma_wait3A_2950 = arith.constant 0 : i32
        %dma_wait3A_2951 = tpu.memref_slice %arg4[%add3A_2945, %dma_wait3A_2949, %dma_wait3A_2950] : memref<1024x50x1000xf32, #tpu.memory_space<hbm>> -> memref<1x48x896xf32, #tpu.memory_space<hbm>>
        %dma_wait3A_2952 = tpu.memref_squeeze %dma_wait3A_2951 : memref<1x48x896xf32, #tpu.memory_space<hbm>> -> memref<48x896xf32, #tpu.memory_space<hbm>>
        %dma_wait3A_2953 = arith.constant 0 : i32
        %dma_wait3A_2954 = arith.constant 0 : i32
        %dma_wait3A_2955 = tpu.memref_slice %arg4[%add3A_2945, %dma_wait3A_2953, %dma_wait3A_2954] : memref<1024x50x1000xf32, #tpu.memory_space<hbm>> -> memref<1x48x896xf32, #tpu.memory_space<hbm>>
        %dma_wait3A_2956 = tpu.memref_squeeze %dma_wait3A_2955 : memref<1x48x896xf32, #tpu.memory_space<hbm>> -> memref<48x896xf32, #tpu.memory_space<hbm>>
        %dma_wait3A_2957 = arith.constant 0 : i32
        %dma_wait3A_2958 = arith.constant 0 : i32
        %dma_wait3A_2959 = tpu.memref_slice %arg7[%dma_wait3A_2957, %dma_wait3A_2958] : memref<56x1024xf32, #tpu.memory_space<vmem>> -> memref<48x896xf32, #tpu.memory_space<vmem>>
        tpu.wait_dma2 semaphore(%arg11 : memref<!tpu.dma_semaphore, #tpu.memory_space<semaphore_mem>>) src(%dma_wait3A_2959 : memref<48x896xf32, #tpu.memory_space<vmem>>) dst(%dma_wait3A_2956 : memref<48x896xf32, #tpu.memory_space<hbm>>)
      } else {
      }
      %lt3A = arith.constant 31 : i32
      %lt3A_62 = arith.cmpi slt, %add3A_53, %lt3A : i32
      %convert_element_type3A_63 = arith.extui %lt3A_62 : i1 to i32
      %cond3A_64 = arith.constant 0 : i32
      %cond3A_65 = arith.cmpi ne, %convert_element_type3A_63, %cond3A_64 : i32
      scf.if %cond3A_65 {
        %add3A_2944 = arith.constant 1 : i32
        %add3A_2945 = arith.addi %add3A_53, %add3A_2944 : i32
        %mul3A_2946 = arith.constant 56 : i32
        %mul3A_2947 = arith.muli %add3A_2945, %mul3A_2946 : i32
        %dma_start3A_2948 = tpu.memref_slice %arg5[%mul3A_2947] : memref<1792xi32, #tpu.memory_space<vmem>> -> memref<56xi32, #tpu.memory_space<vmem>>
        %dma_start3A_2949 = arith.constant 0 : i32
        %dma_start3A_2950 = arith.constant 0 : i32
        %dma_start3A_2951 = tpu.memref_slice %arg2[%dma_start3A_2949, %dma_start3A_2950] : memref<1000x1024xf32, #tpu.memory_space<hbm>> -> memref<1000x1024xf32, #tpu.memory_space<hbm>>
        tpu.enqueue_indirect_dma source(%dma_start3A_2951 : memref<1000x1024xf32, #tpu.memory_space<hbm>>) target(%arg7 : memref<56x1024xf32, #tpu.memory_space<vmem>>) offsets(%dma_start3A_2948 : memref<56xi32, #tpu.memory_space<vmem>>) semaphore(%arg10 : memref<!tpu.dma_semaphore, #tpu.memory_space<semaphore_mem>>)
      } else {
      }
      %add3A_66 = arith.addi %mul3A_2, %add3A_53 : i32
      %dma_start3A_67 = arith.constant 0 : i32
      %dma_start3A_68 = arith.constant 0 : i32
      %dma_start3A_69 = tpu.memref_slice %arg6[%dma_start3A_67, %dma_start3A_68] : memref<56x1024xf32, #tpu.memory_space<vmem>> -> memref<48x896xf32, #tpu.memory_space<vmem>>
      %dma_start3A_70 = arith.constant 0 : i32
      %dma_start3A_71 = arith.constant 0 : i32
      %dma_start3A_72 = tpu.memref_slice %arg4[%add3A_66, %dma_start3A_70, %dma_start3A_71] : memref<1024x50x1000xf32, #tpu.memory_space<hbm>> -> memref<1x48x896xf32, #tpu.memory_space<hbm>>
      %dma_start3A_73 = tpu.memref_squeeze %dma_start3A_72 : memref<1x48x896xf32, #tpu.memory_space<hbm>> -> memref<48x896xf32, #tpu.memory_space<hbm>>
      %dma_start3A_74 = arith.constant 0 : i32
      %dma_start3A_75 = arith.constant 0 : i32
      %dma_start3A_76 = tpu.memref_slice %arg4[%add3A_66, %dma_start3A_74, %dma_start3A_75] : memref<1024x50x1000xf32, #tpu.memory_space<hbm>> -> memref<1x48x896xf32, #tpu.memory_space<hbm>>
      %dma_start3A_77 = tpu.memref_squeeze %dma_start3A_76 : memref<1x48x896xf32, #tpu.memory_space<hbm>> -> memref<48x896xf32, #tpu.memory_space<hbm>>
      %dma_start3A_78 = arith.constant 0 : i32
      %dma_start3A_79 = arith.constant 0 : i32
      %dma_start3A_80 = tpu.memref_slice %arg6[%dma_start3A_78, %dma_start3A_79] : memref<56x1024xf32, #tpu.memory_space<vmem>> -> memref<48x896xf32, #tpu.memory_space<vmem>>
      tpu.enqueue_dma source(%dma_start3A_80 : memref<48x896xf32, #tpu.memory_space<vmem>>) target(%dma_start3A_77 : memref<48x896xf32, #tpu.memory_space<hbm>>) target_semaphore(%arg11 : memref<!tpu.dma_semaphore, #tpu.memory_space<semaphore_mem>>)
      %ge3A_81 = arith.constant 1 : i32
      %ge3A_82 = arith.cmpi sge, %add3A_53, %ge3A_81 : i32
      %convert_element_type3A_83 = arith.extui %ge3A_82 : i1 to i32
      %cond3A_84 = arith.constant 0 : i32
      %cond3A_85 = arith.cmpi ne, %convert_element_type3A_83, %cond3A_84 : i32
      scf.if %cond3A_85 {
        %sub3A = arith.constant 1 : i32
        %sub3A_2944 = arith.subi %add3A_53, %sub3A : i32
        %add3A_2945 = arith.addi %mul3A_2, %sub3A_2944 : i32
        %dma_wait3A_2946 = arith.constant 0 : i32
        %dma_wait3A_2947 = arith.constant 896 : i32
        %dma_wait3A_2948 = tpu.memref_slice %arg4[%add3A_2945, %dma_wait3A_2946, %dma_wait3A_2947] : memref<1024x50x1000xf32, #tpu.memory_space<hbm>> -> memref<1x48x104xf32, #tpu.memory_space<hbm>>
        %dma_wait3A_2949 = tpu.memref_squeeze %dma_wait3A_2948 : memref<1x48x104xf32, #tpu.memory_space<hbm>> -> memref<48x104xf32, #tpu.memory_space<hbm>>
        %dma_wait3A_2950 = arith.constant 0 : i32
        %dma_wait3A_2951 = arith.constant 896 : i32
        %dma_wait3A_2952 = tpu.memref_slice %arg4[%add3A_2945, %dma_wait3A_2950, %dma_wait3A_2951] : memref<1024x50x1000xf32, #tpu.memory_space<hbm>> -> memref<1x48x104xf32, #tpu.memory_space<hbm>>
        %dma_wait3A_2953 = tpu.memref_squeeze %dma_wait3A_2952 : memref<1x48x104xf32, #tpu.memory_space<hbm>> -> memref<48x104xf32, #tpu.memory_space<hbm>>
        tpu.wait_dma2 semaphore(%arg12 : memref<!tpu.dma_semaphore, #tpu.memory_space<semaphore_mem>>) src(%arg8 : memref<48x104xf32, #tpu.memory_space<vmem>>) dst(%dma_wait3A_2953 : memref<48x104xf32, #tpu.memory_space<hbm>>)
        %sub3A_2954 = arith.constant 1 : i32
        %sub3A_2955 = arith.subi %add3A_53, %sub3A_2954 : i32
        %add3A_2956 = arith.addi %mul3A_2, %sub3A_2955 : i32
        %dma_wait3A_2957 = arith.constant 48 : i32
        %dma_wait3A_2958 = arith.constant 0 : i32
        %dma_wait3A_2959 = tpu.memref_slice %arg4[%add3A_2956, %dma_wait3A_2957, %dma_wait3A_2958] : memref<1024x50x1000xf32, #tpu.memory_space<hbm>> -> memref<1x2x1000xf32, #tpu.memory_space<hbm>>
        %dma_wait3A_2960 = tpu.memref_squeeze %dma_wait3A_2959 : memref<1x2x1000xf32, #tpu.memory_space<hbm>> -> memref<2x1000xf32, #tpu.memory_space<hbm>>
        %dma_wait3A_2961 = arith.constant 48 : i32
        %dma_wait3A_2962 = arith.constant 0 : i32
        %dma_wait3A_2963 = tpu.memref_slice %arg4[%add3A_2956, %dma_wait3A_2961, %dma_wait3A_2962] : memref<1024x50x1000xf32, #tpu.memory_space<hbm>> -> memref<1x2x1000xf32, #tpu.memory_space<hbm>>
        %dma_wait3A_2964 = tpu.memref_squeeze %dma_wait3A_2963 : memref<1x2x1000xf32, #tpu.memory_space<hbm>> -> memref<2x1000xf32, #tpu.memory_space<hbm>>
        tpu.wait_dma2 semaphore(%arg12 : memref<!tpu.dma_semaphore, #tpu.memory_space<semaphore_mem>>) src(%arg9 : memref<2x1000xf32, #tpu.memory_space<vmem>>) dst(%dma_wait3A_2964 : memref<2x1000xf32, #tpu.memory_space<hbm>>)
      } else {
      }
      %scan3A_86 = arith.constant 0 : i32
      %scan3A_87 = arith.constant 0 : i32
      %scan3A_88 = arith.constant 48 : i32
      %scan3A_89 = arith.addi %scan3A_87, %scan3A_88 : i32
      %scan3A_90 = arith.constant 1 : i32
      scf.for %scan3A_2944 = %scan3A_87 to %scan3A_89 step %scan3A_90  : i32 {
        %get3A_2945 = arith.index_cast %scan3A_2944 : i32 to index
        %get3A_2946 = arith.constant 896 : index
        %get3A_2947 = tpu.vector_load %arg6[%get3A_2945, %get3A_2946] {strides = array<i32>} : memref<56x1024xf32, #tpu.memory_space<vmem>>, vector<1x16xf32>,
        %get3A_2948 = vector.shape_cast %get3A_2947 : vector<1x16xf32> to vector<16xf32>
        %swap3A_2949 = arith.index_cast %scan3A_2944 : i32 to index
        %swap3A_2950 = arith.constant 0 : index
        %swap3A_2951 = tpu.vector_load %arg8[%swap3A_2949, %swap3A_2950] {strides = array<i32>} : memref<48x104xf32, #tpu.memory_space<vmem>>, vector<1x16xf32>,
        %swap3A_2952 = vector.shape_cast %swap3A_2951 : vector<1x16xf32> to vector<16xf32>
        %swap3A_2953 = vector.shape_cast %get3A_2948 : vector<16xf32> to vector<1x16xf32>
        tpu.vector_store %arg8[%swap3A_2949, %swap3A_2950], %swap3A_2953 {strides = array<i32>} : memref<48x104xf32, #tpu.memory_space<vmem>>, vector<1x16xf32>,
        %get3A_2954 = arith.index_cast %scan3A_2944 : i32 to index
        %get3A_2955 = arith.constant 912 : index
        %get3A_2956 = tpu.vector_load %arg6[%get3A_2954, %get3A_2955] {strides = array<i32>} : memref<56x1024xf32, #tpu.memory_space<vmem>>, vector<1x16xf32>,
        %get3A_2957 = vector.shape_cast %get3A_2956 : vector<1x16xf32> to vector<16xf32>
        %swap3A_2958 = arith.index_cast %scan3A_2944 : i32 to index
        %swap3A_2959 = arith.constant 16 : index
        %swap3A_2960 = tpu.vector_load %arg8[%swap3A_2958, %swap3A_2959] {strides = array<i32>} : memref<48x104xf32, #tpu.memory_space<vmem>>, vector<1x16xf32>,
        %swap3A_2961 = vector.shape_cast %swap3A_2960 : vector<1x16xf32> to vector<16xf32>
        %swap3A_2962 = vector.shape_cast %get3A_2957 : vector<16xf32> to vector<1x16xf32>
        tpu.vector_store %arg8[%swap3A_2958, %swap3A_2959], %swap3A_2962 {strides = array<i32>} : memref<48x104xf32, #tpu.memory_space<vmem>>, vector<1x16xf32>,
        %get3A_2963 = arith.index_cast %scan3A_2944 : i32 to index
        %get3A_2964 = arith.constant 928 : index
        %get3A_2965 = tpu.vector_load %arg6[%get3A_2963, %get3A_2964] {strides = array<i32>} : memref<56x1024xf32, #tpu.memory_space<vmem>>, vector<1x16xf32>,
        %get3A_2966 = vector.shape_cast %get3A_2965 : vector<1x16xf32> to vector<16xf32>
        %swap3A_2967 = arith.index_cast %scan3A_2944 : i32 to index
        %swap3A_2968 = arith.constant 32 : index
        %swap3A_2969 = tpu.vector_load %arg8[%swap3A_2967, %swap3A_2968] {strides = array<i32>} : memref<48x104xf32, #tpu.memory_space<vmem>>, vector<1x16xf32>,
        %swap3A_2970 = vector.shape_cast %swap3A_2969 : vector<1x16xf32> to vector<16xf32>
        %swap3A_2971 = vector.shape_cast %get3A_2966 : vector<16xf32> to vector<1x16xf32>
        tpu.vector_store %arg8[%swap3A_2967, %swap3A_2968], %swap3A_2971 {strides = array<i32>} : memref<48x104xf32, #tpu.memory_space<vmem>>, vector<1x16xf32>,
        %get3A_2972 = arith.index_cast %scan3A_2944 : i32 to index
        %get3A_2973 = arith.constant 944 : index
        %get3A_2974 = tpu.vector_load %arg6[%get3A_2972, %get3A_2973] {strides = array<i32>} : memref<56x1024xf32, #tpu.memory_space<vmem>>, vector<1x16xf32>,
        %get3A_2975 = vector.shape_cast %get3A_2974 : vector<1x16xf32> to vector<16xf32>
        %swap3A_2976 = arith.index_cast %scan3A_2944 : i32 to index
        %swap3A_2977 = arith.constant 48 : index
        %swap3A_2978 = tpu.vector_load %arg8[%swap3A_2976, %swap3A_2977] {strides = array<i32>} : memref<48x104xf32, #tpu.memory_space<vmem>>, vector<1x16xf32>,
        %swap3A_2979 = vector.shape_cast %swap3A_2978 : vector<1x16xf32> to vector<16xf32>
        %swap3A_2980 = vector.shape_cast %get3A_2975 : vector<16xf32> to vector<1x16xf32>
        tpu.vector_store %arg8[%swap3A_2976, %swap3A_2977], %swap3A_2980 {strides = array<i32>} : memref<48x104xf32, #tpu.memory_space<vmem>>, vector<1x16xf32>,
        %get3A_2981 = arith.index_cast %scan3A_2944 : i32 to index
        %get3A_2982 = arith.constant 960 : index
        %get3A_2983 = tpu.vector_load %arg6[%get3A_2981, %get3A_2982] {strides = array<i32>} : memref<56x1024xf32, #tpu.memory_space<vmem>>, vector<1x16xf32>,
        %get3A_2984 = vector.shape_cast %get3A_2983 : vector<1x16xf32> to vector<16xf32>
        %swap3A_2985 = arith.index_cast %scan3A_2944 : i32 to index
        %swap3A_2986 = arith.constant 64 : index
        %swap3A_2987 = tpu.vector_load %arg8[%swap3A_2985, %swap3A_2986] {strides = array<i32>} : memref<48x104xf32, #tpu.memory_space<vmem>>, vector<1x16xf32>,
        %swap3A_2988 = vector.shape_cast %swap3A_2987 : vector<1x16xf32> to vector<16xf32>
        %swap3A_2989 = vector.shape_cast %get3A_2984 : vector<16xf32> to vector<1x16xf32>
        tpu.vector_store %arg8[%swap3A_2985, %swap3A_2986], %swap3A_2989 {strides = array<i32>} : memref<48x104xf32, #tpu.memory_space<vmem>>, vector<1x16xf32>,
        %get3A_2990 = arith.index_cast %scan3A_2944 : i32 to index
        %get3A_2991 = arith.constant 976 : index
        %get3A_2992 = tpu.vector_load %arg6[%get3A_2990, %get3A_2991] {strides = array<i32>} : memref<56x1024xf32, #tpu.memory_space<vmem>>, vector<1x16xf32>,
        %get3A_2993 = vector.shape_cast %get3A_2992 : vector<1x16xf32> to vector<16xf32>
        %swap3A_2994 = arith.index_cast %scan3A_2944 : i32 to index
        %swap3A_2995 = arith.constant 80 : index
        %swap3A_2996 = tpu.vector_load %arg8[%swap3A_2994, %swap3A_2995] {strides = array<i32>} : memref<48x104xf32, #tpu.memory_space<vmem>>, vector<1x16xf32>,
        %swap3A_2997 = vector.shape_cast %swap3A_2996 : vector<1x16xf32> to vector<16xf32>
        %swap3A_2998 = vector.shape_cast %get3A_2993 : vector<16xf32> to vector<1x16xf32>
        tpu.vector_store %arg8[%swap3A_2994, %swap3A_2995], %swap3A_2998 {strides = array<i32>} : memref<48x104xf32, #tpu.memory_space<vmem>>, vector<1x16xf32>,
        %get3A_2999 = arith.index_cast %scan3A_2944 : i32 to index
        %get3A_3000 = arith.constant 984 : index
        %get3A_3001 = tpu.vector_load %arg6[%get3A_2999, %get3A_3000] {strides = array<i32>} : memref<56x1024xf32, #tpu.memory_space<vmem>>, vector<1x16xf32>,
        %get3A_3002 = vector.shape_cast %get3A_3001 : vector<1x16xf32> to vector<16xf32>
        %swap3A_3003 = arith.index_cast %scan3A_2944 : i32 to index
        %swap3A_3004 = arith.constant 88 : index
        %swap3A_3005 = tpu.vector_load %arg8[%swap3A_3003, %swap3A_3004] {strides = array<i32>} : memref<48x104xf32, #tpu.memory_space<vmem>>, vector<1x16xf32>,
        %swap3A_3006 = vector.shape_cast %swap3A_3005 : vector<1x16xf32> to vector<16xf32>
        %swap3A_3007 = vector.shape_cast %get3A_3002 : vector<16xf32> to vector<1x16xf32>
        tpu.vector_store %arg8[%swap3A_3003, %swap3A_3004], %swap3A_3007 {strides = array<i32>} : memref<48x104xf32, #tpu.memory_space<vmem>>, vector<1x16xf32>,
      }
      %scan3A_91 = arith.constant 48 : i32
      %get3A = arith.constant 48 : i32
      %get3A_92 = arith.index_cast %get3A : i32 to index
      %get3A_93 = arith.constant 0 : index
      %get3A_94 = tpu.vector_load %arg6[%get3A_92, %get3A_93] {strides = array<i32>} : memref<56x1024xf32, #tpu.memory_space<vmem>>, vector<1x16xf32>,
      %get3A_95 = vector.shape_cast %get3A_94 : vector<1x16xf32> to vector<16xf32>
      %swap3A = arith.constant 0 : i32
      %swap3A_96 = arith.index_cast %swap3A : i32 to index
      %swap3A_97 = arith.constant 0 : index
      %swap3A_98 = tpu.vector_load %arg9[%swap3A_96, %swap3A_97] {strides = array<i32>} : memref<2x1000xf32, #tpu.memory_space<vmem>>, vector<1x16xf32>,
      %swap3A_99 = vector.shape_cast %swap3A_98 : vector<1x16xf32> to vector<16xf32>
      %swap3A_100 = vector.shape_cast %get3A_95 : vector<16xf32> to vector<1x16xf32>
      tpu.vector_store %arg9[%swap3A_96, %swap3A_97], %swap3A_100 {strides = array<i32>} : memref<2x1000xf32, #tpu.memory_space<vmem>>, vector<1x16xf32>,
      %get3A_101 = arith.constant 48 : i32
      %get3A_102 = arith.index_cast %get3A_101 : i32 to index
      %get3A_103 = arith.constant 16 : index
      %get3A_104 = tpu.vector_load %arg6[%get3A_102, %get3A_103] {strides = array<i32>} : memref<56x1024xf32, #tpu.memory_space<vmem>>, vector<1x16xf32>,
      %get3A_105 = vector.shape_cast %get3A_104 : vector<1x16xf32> to vector<16xf32>
      %swap3A_106 = arith.constant 0 : i32
      %swap3A_107 = arith.index_cast %swap3A_106 : i32 to index
      %swap3A_108 = arith.constant 16 : index
      %swap3A_109 = tpu.vector_load %arg9[%swap3A_107, %swap3A_108] {strides = array<i32>} : memref<2x1000xf32, #tpu.memory_space<vmem>>, vector<1x16xf32>,
      %swap3A_110 = vector.shape_cast %swap3A_109 : vector<1x16xf32> to vector<16xf32>
      %swap3A_111 = vector.shape_cast %get3A_105 : vector<16xf32> to vector<1x16xf32>
      tpu.vector_store %arg9[%swap3A_107, %swap3A_108], %swap3A_111 {strides = array<i32>} : memref<2x1000xf32, #tpu.memory_space<vmem>>, vector<1x16xf32>,
      %get3A_112 = arith.constant 48 : i32
      %get3A_113 = arith.index_cast %get3A_112 : i32 to index
      %get3A_114 = arith.constant 32 : index
      %get3A_115 = tpu.vector_load %arg6[%get3A_113, %get3A_114] {strides = array<i32>} : memref<56x1024xf32, #tpu.memory_space<vmem>>, vector<1x16xf32>,
      %get3A_116 = vector.shape_cast %get3A_115 : vector<1x16xf32> to vector<16xf32>
      %swap3A_117 = arith.constant 0 : i32
      %swap3A_118 = arith.index_cast %swap3A_117 : i32 to index
      %swap3A_119 = arith.constant 32 : index
      %swap3A_120 = tpu.vector_load %arg9[%swap3A_118, %swap3A_119] {strides = array<i32>} : memref<2x1000xf32, #tpu.memory_space<vmem>>, vector<1x16xf32>,
      %swap3A_121 = vector.shape_cast %swap3A_120 : vector<1x16xf32> to vector<16xf32>
      %swap3A_122 = vector.shape_cast %get3A_116 : vector<16xf32> to vector<1x16xf32>
      tpu.vector_store %arg9[%swap3A_118, %swap3A_119], %swap3A_122 {strides = array<i32>} : memref<2x1000xf32, #tpu.memory_space<vmem>>, vector<1x16xf32>,
      %get3A_123 = arith.constant 48 : i32
      %get3A_124 = arith.index_cast %get3A_123 : i32 to index
      %get3A_125 = arith.constant 48 : index
      %get3A_126 = tpu.vector_load %arg6[%get3A_124, %get3A_125] {strides = array<i32>} : memref<56x1024xf32, #tpu.memory_space<vmem>>, vector<1x16xf32>,
      %get3A_127 = vector.shape_cast %get3A_126 : vector<1x16xf32> to vector<16xf32>
      %swap3A_128 = arith.constant 0 : i32
      %swap3A_129 = arith.index_cast %swap3A_128 : i32 to index
      %swap3A_130 = arith.constant 48 : index
      %swap3A_131 = tpu.vector_load %arg9[%swap3A_129, %swap3A_130] {strides = array<i32>} : memref<2x1000xf32, #tpu.memory_space<vmem>>, vector<1x16xf32>,
      %swap3A_132 = vector.shape_cast %swap3A_131 : vector<1x16xf32> to vector<16xf32>
      %swap3A_133 = vector.shape_cast %get3A_127 : vector<16xf32> to vector<1x16xf32>
      tpu.vector_store %arg9[%swap3A_129, %swap3A_130], %swap3A_133 {strides = array<i32>} : memref<2x1000xf32, #tpu.memory_space<vmem>>, vector<1x16xf32>,
      %get3A_134 = arith.constant 48 : i32
      %get3A_135 = arith.index_cast %get3A_134 : i32 to index
      %get3A_136 = arith.constant 64 : index
      %get3A_137 = tpu.vector_load %arg6[%get3A_135, %get3A_136] {strides = array<i32>} : memref<56x1024xf32, #tpu.memory_space<vmem>>, vector<1x16xf32>,
      %get3A_138 = vector.shape_cast %get3A_137 : vector<1x16xf32> to vector<16xf32>
      %swap3A_139 = arith.constant 0 : i32
      %swap3A_140 = arith.index_cast %swap3A_139 : i32 to index
      %swap3A_141 = arith.constant 64 : index
      %swap3A_142 = tpu.vector_load %arg9[%swap3A_140, %swap3A_141] {strides = array<i32>} : memref<2x1000xf32, #tpu.memory_space<vmem>>, vector<1x16xf32>,
      %swap3A_143 = vector.shape_cast %swap3A_142 : vector<1x16xf32> to vector<16xf32>
      %swap3A_144 = vector.shape_cast %get3A_138 : vector<16xf32> to vector<1x16xf32>
      tpu.vector_store %arg9[%swap3A_140, %swap3A_141], %swap3A_144 {strides = array<i32>} : memref<2x1000xf32, #tpu.memory_space<vmem>>, vector<1x16xf32>,
      %get3A_145 = arith.constant 48 : i32
      %get3A_146 = arith.index_cast %get3A_145 : i32 to index
      %get3A_147 = arith.constant 80 : index
      %get3A_148 = tpu.vector_load %arg6[%get3A_146, %get3A_147] {strides = array<i32>} : memref<56x1024xf32, #tpu.memory_space<vmem>>, vector<1x16xf32>,
      %get3A_149 = vector.shape_cast %get3A_148 : vector<1x16xf32> to vector<16xf32>
      %swap3A_150 = arith.constant 0 : i32
      %swap3A_151 = arith.index_cast %swap3A_150 : i32 to index
      %swap3A_152 = arith.constant 80 : index
      %swap3A_153 = tpu.vector_load %arg9[%swap3A_151, %swap3A_152] {strides = array<i32>} : memref<2x1000xf32, #tpu.memory_space<vmem>>, vector<1x16xf32>,
      %swap3A_154 = vector.shape_cast %swap3A_153 : vector<1x16xf32> to vector<16xf32>
      %swap3A_155 = vector.shape_cast %get3A_149 : vector<16xf32> to vector<1x16xf32>
      tpu.vector_store %arg9[%swap3A_151, %swap3A_152], %swap3A_155 {strides = array<i32>} : memref<2x1000xf32, #tpu.memory_space<vmem>>, vector<1x16xf32>,
      %get3A_156 = arith.constant 48 : i32
      %get3A_157 = arith.index_cast %get3A_156 : i32 to index
      %get3A_158 = arith.constant 96 : index
      %get3A_159 = tpu.vector_load %arg6[%get3A_157, %get3A_158] {strides = array<i32>} : memref<56x1024xf32, #tpu.memory_space<vmem>>, vector<1x16xf32>,
      %get3A_160 = vector.shape_cast %get3A_159 : vector<1x16xf32> to vector<16xf32>
      %swap3A_161 = arith.constant 0 : i32
      %swap3A_162 = arith.index_cast %swap3A_161 : i32 to index
      %swap3A_163 = arith.constant 96 : index
      %swap3A_164 = tpu.vector_load %arg9[%swap3A_162, %swap3A_163] {strides = array<i32>} : memref<2x1000xf32, #tpu.memory_space<vmem>>, vector<1x16xf32>,
      %swap3A_165 = vector.shape_cast %swap3A_164 : vector<1x16xf32> to vector<16xf32>
      %swap3A_166 = vector.shape_cast %get3A_160 : vector<16xf32> to vector<1x16xf32>
      tpu.vector_store %arg9[%swap3A_162, %swap3A_163], %swap3A_166 {strides = array<i32>} : memref<2x1000xf32, #tpu.memory_space<vmem>>, vector<1x16xf32>,
      %get3A_167 = arith.constant 48 : i32
      %get3A_168 = arith.index_cast %get3A_167 : i32 to index
      %get3A_169 = arith.constant 112 : index
      %get3A_170 = tpu.vector_load %arg6[%get3A_168, %get3A_169] {strides = array<i32>} : memref<56x1024xf32, #tpu.memory_space<vmem>>, vector<1x16xf32>,
      %get3A_171 = vector.shape_cast %get3A_170 : vector<1x16xf32> to vector<16xf32>
      %swap3A_172 = arith.constant 0 : i32
      %swap3A_173 = arith.index_cast %swap3A_172 : i32 to index
      %swap3A_174 = arith.constant 112 : index
      %swap3A_175 = tpu.vector_load %arg9[%swap3A_173, %swap3A_174] {strides = array<i32>} : memref<2x1000xf32, #tpu.memory_space<vmem>>, vector<1x16xf32>,
      %swap3A_176 = vector.shape_cast %swap3A_175 : vector<1x16xf32> to vector<16xf32>
      %swap3A_177 = vector.shape_cast %get3A_171 : vector<16xf32> to vector<1x16xf32>
      tpu.vector_store %arg9[%swap3A_173, %swap3A_174], %swap3A_177 {strides = array<i32>} : memref<2x1000xf32, #tpu.memory_space<vmem>>, vector<1x16xf32>,
      %get3A_178 = arith.constant 48 : i32
      %get3A_179 = arith.index_cast %get3A_178 : i32 to index
      %get3A_180 = arith.constant 128 : index
      %get3A_181 = tpu.vector_load %arg6[%get3A_179, %get3A_180] {strides = array<i32>} : memref<56x1024xf32, #tpu.memory_space<vmem>>, vector<1x16xf32>,
      %get3A_182 = vector.shape_cast %get3A_181 : vector<1x16xf32> to vector<16xf32>
      %swap3A_183 = arith.constant 0 : i32
      %swap3A_184 = arith.index_cast %swap3A_183 : i32 to index
      %swap3A_185 = arith.constant 128 : index
      %swap3A_186 = tpu.vector_load %arg9[%swap3A_184, %swap3A_185] {strides = array<i32>} : memref<2x1000xf32, #tpu.memory_space<vmem>>, vector<1x16xf32>,
      %swap3A_187 = vector.shape_cast %swap3A_186 : vector<1x16xf32> to vector<16xf32>
      %swap3A_188 = vector.shape_cast %get3A_182 : vector<16xf32> to vector<1x16xf32>
      tpu.vector_store %arg9[%swap3A_184, %swap3A_185], %swap3A_188 {strides = array<i32>} : memref<2x1000xf32, #tpu.memory_space<vmem>>, vector<1x16xf32>,
      %get3A_189 = arith.constant 48 : i32
      %get3A_190 = arith.index_cast %get3A_189 : i32 to index
      %get3A_191 = arith.constant 144 : index
      %get3A_192 = tpu.vector_load %arg6[%get3A_190, %get3A_191] {strides = array<i32>} : memref<56x1024xf32, #tpu.memory_space<vmem>>, vector<1x16xf32>,
      %get3A_193 = vector.shape_cast %get3A_192 : vector<1x16xf32> to vector<16xf32>
      %swap3A_194 = arith.constant 0 : i32
      %swap3A_195 = arith.index_cast %swap3A_194 : i32 to index
      %swap3A_196 = arith.constant 144 : index
      %swap3A_197 = tpu.vector_load %arg9[%swap3A_195, %swap3A_196] {strides = array<i32>} : memref<2x1000xf32, #tpu.memory_space<vmem>>, vector<1x16xf32>,
      %swap3A_198 = vector.shape_cast %swap3A_197 : vector<1x16xf32> to vector<16xf32>
      %swap3A_199 = vector.shape_cast %get3A_193 : vector<16xf32> to vector<1x16xf32>
      tpu.vector_store %arg9[%swap3A_195, %swap3A_196], %swap3A_199 {strides = array<i32>} : memref<2x1000xf32, #tpu.memory_space<vmem>>, vector<1x16xf32>,
      %get3A_200 = arith.constant 48 : i32
      %get3A_201 = arith.index_cast %get3A_200 : i32 to index
      %get3A_202 = arith.constant 160 : index
      %get3A_203 = tpu.vector_load %arg6[%get3A_201, %get3A_202] {strides = array<i32>} : memref<56x1024xf32, #tpu.memory_space<vmem>>, vector<1x16xf32>,
      %get3A_204 = vector.shape_cast %get3A_203 : vector<1x16xf32> to vector<16xf32>
      %swap3A_205 = arith.constant 0 : i32
      %swap3A_206 = arith.index_cast %swap3A_205 : i32 to index
      %swap3A_207 = arith.constant 160 : index
      %swap3A_208 = tpu.vector_load %arg9[%swap3A_206, %swap3A_207] {strides = array<i32>} : memref<2x1000xf32, #tpu.memory_space<vmem>>, vector<1x16xf32>,
      %swap3A_209 = vector.shape_cast %swap3A_208 : vector<1x16xf32> to vector<16xf32>
      %swap3A_210 = vector.shape_cast %get3A_204 : vector<16xf32> to vector<1x16xf32>
      tpu.vector_store %arg9[%swap3A_206, %swap3A_207], %swap3A_210 {strides = array<i32>} : memref<2x1000xf32, #tpu.memory_space<vmem>>, vector<1x16xf32>,
      %get3A_211 = arith.constant 48 : i32
      %get3A_212 = arith.index_cast %get3A_211 : i32 to index
      %get3A_213 = arith.constant 176 : index
      %get3A_214 = tpu.vector_load %arg6[%get3A_212, %get3A_213] {strides = array<i32>} : memref<56x1024xf32, #tpu.memory_space<vmem>>, vector<1x16xf32>,
      %get3A_215 = vector.shape_cast %get3A_214 : vector<1x16xf32> to vector<16xf32>
      %swap3A_216 = arith.constant 0 : i32
      %swap3A_217 = arith.index_cast %swap3A_216 : i32 to index
      %swap3A_218 = arith.constant 176 : index
      %swap3A_219 = tpu.vector_load %arg9[%swap3A_217, %swap3A_218] {strides = array<i32>} : memref<2x1000xf32, #tpu.memory_space<vmem>>, vector<1x16xf32>,
      %swap3A_220 = vector.shape_cast %swap3A_219 : vector<1x16xf32> to vector<16xf32>
      %swap3A_221 = vector.shape_cast %get3A_215 : vector<16xf32> to vector<1x16xf32>
      tpu.vector_store %arg9[%swap3A_217, %swap3A_218], %swap3A_221 {strides = array<i32>} : memref<2x1000xf32, #tpu.memory_space<vmem>>, vector<1x16xf32>,
      %get3A_222 = arith.constant 48 : i32
      %get3A_223 = arith.index_cast %get3A_222 : i32 to index
      %get3A_224 = arith.constant 192 : index
      %get3A_225 = tpu.vector_load %arg6[%get3A_223, %get3A_224] {strides = array<i32>} : memref<56x1024xf32, #tpu.memory_space<vmem>>, vector<1x16xf32>,
      %get3A_226 = vector.shape_cast %get3A_225 : vector<1x16xf32> to vector<16xf32>
      %swap3A_227 = arith.constant 0 : i32
      %swap3A_228 = arith.index_cast %swap3A_227 : i32 to index
      %swap3A_229 = arith.constant 192 : index
      %swap3A_230 = tpu.vector_load %arg9[%swap3A_228, %swap3A_229] {strides = array<i32>} : memref<2x1000xf32, #tpu.memory_space<vmem>>, vector<1x16xf32>,
      %swap3A_231 = vector.shape_cast %swap3A_230 : vector<1x16xf32> to vector<16xf32>
      %swap3A_232 = vector.shape_cast %get3A_226 : vector<16xf32> to vector<1x16xf32>
      tpu.vector_store %arg9[%swap3A_228, %swap3A_229], %swap3A_232 {strides = array<i32>} : memref<2x1000xf32, #tpu.memory_space<vmem>>, vector<1x16xf32>,
      %get3A_233 = arith.constant 48 : i32
      %get3A_234 = arith.index_cast %get3A_233 : i32 to index
      %get3A_235 = arith.constant 208 : index
      %get3A_236 = tpu.vector_load %arg6[%get3A_234, %get3A_235] {strides = array<i32>} : memref<56x1024xf32, #tpu.memory_space<vmem>>, vector<1x16xf32>,
      %get3A_237 = vector.shape_cast %get3A_236 : vector<1x16xf32> to vector<16xf32>
      %swap3A_238 = arith.constant 0 : i32
      %swap3A_239 = arith.index_cast %swap3A_238 : i32 to index
      %swap3A_240 = arith.constant 208 : index
      %swap3A_241 = tpu.vector_load %arg9[%swap3A_239, %swap3A_240] {strides = array<i32>} : memref<2x1000xf32, #tpu.memory_space<vmem>>, vector<1x16xf32>,
      %swap3A_242 = vector.shape_cast %swap3A_241 : vector<1x16xf32> to vector<16xf32>
      %swap3A_243 = vector.shape_cast %get3A_237 : vector<16xf32> to vector<1x16xf32>
      tpu.vector_store %arg9[%swap3A_239, %swap3A_240], %swap3A_243 {strides = array<i32>} : memref<2x1000xf32, #tpu.memory_space<vmem>>, vector<1x16xf32>,
      %get3A_244 = arith.constant 48 : i32
      %get3A_245 = arith.index_cast %get3A_244 : i32 to index
      %get3A_246 = arith.constant 224 : index
      %get3A_247 = tpu.vector_load %arg6[%get3A_245, %get3A_246] {strides = array<i32>} : memref<56x1024xf32, #tpu.memory_space<vmem>>, vector<1x16xf32>,
      %get3A_248 = vector.shape_cast %get3A_247 : vector<1x16xf32> to vector<16xf32>
      %swap3A_249 = arith.constant 0 : i32
      %swap3A_250 = arith.index_cast %swap3A_249 : i32 to index
      %swap3A_251 = arith.constant 224 : index
      %swap3A_252 = tpu.vector_load %arg9[%swap3A_250, %swap3A_251] {strides = array<i32>} : memref<2x1000xf32, #tpu.memory_space<vmem>>, vector<1x16xf32>,
      %swap3A_253 = vector.shape_cast %swap3A_252 : vector<1x16xf32> to vector<16xf32>
      %swap3A_254 = vector.shape_cast %get3A_248 : vector<16xf32> to vector<1x16xf32>
      tpu.vector_store %arg9[%swap3A_250, %swap3A_251], %swap3A_254 {strides = array<i32>} : memref<2x1000xf32, #tpu.memory_space<vmem>>, vector<1x16xf32>,
      %get3A_255 = arith.constant 48 : i32
      %get3A_256 = arith.index_cast %get3A_255 : i32 to index
      %get3A_257 = arith.constant 240 : index
      %get3A_258 = tpu.vector_load %arg6[%get3A_256, %get3A_257] {strides = array<i32>} : memref<56x1024xf32, #tpu.memory_space<vmem>>, vector<1x16xf32>,
      %get3A_259 = vector.shape_cast %get3A_258 : vector<1x16xf32> to vector<16xf32>
      %swap3A_260 = arith.constant 0 : i32
      %swap3A_261 = arith.index_cast %swap3A_260 : i32 to index
      %swap3A_262 = arith.constant 240 : index
      %swap3A_263 = tpu.vector_load %arg9[%swap3A_261, %swap3A_262] {strides = array<i32>} : memref<2x1000xf32, #tpu.memory_space<vmem>>, vector<1x16xf32>,
      %swap3A_264 = vector.shape_cast %swap3A_263 : vector<1x16xf32> to vector<16xf32>
      %swap3A_265 = vector.shape_cast %get3A_259 : vector<16xf32> to vector<1x16xf32>
      tpu.vector_store %arg9[%swap3A_261, %swap3A_262], %swap3A_265 {strides = array<i32>} : memref<2x1000xf32, #tpu.memory_space<vmem>>, vector<1x16xf32>,
      %get3A_266 = arith.constant 48 : i32
      %get3A_267 = arith.index_cast %get3A_266 : i32 to index
      %get3A_268 = arith.constant 256 : index
      %get3A_269 = tpu.vector_load %arg6[%get3A_267, %get3A_268] {strides = array<i32>} : memref<56x1024xf32, #tpu.memory_space<vmem>>, vector<1x16xf32>,
      %get3A_270 = vector.shape_cast %get3A_269 : vector<1x16xf32> to vector<16xf32>
      %swap3A_271 = arith.constant 0 : i32
      %swap3A_272 = arith.index_cast %swap3A_271 : i32 to index
      %swap3A_273 = arith.constant 256 : index
      %swap3A_274 = tpu.vector_load %arg9[%swap3A_272, %swap3A_273] {strides = array<i32>} : memref<2x1000xf32, #tpu.memory_space<vmem>>, vector<1x16xf32>,
      %swap3A_275 = vector.shape_cast %swap3A_274 : vector<1x16xf32> to vector<16xf32>
      %swap3A_276 = vector.shape_cast %get3A_270 : vector<16xf32> to vector<1x16xf32>
      tpu.vector_store %arg9[%swap3A_272, %swap3A_273], %swap3A_276 {strides = array<i32>} : memref<2x1000xf32, #tpu.memory_space<vmem>>, vector<1x16xf32>,
      %get3A_277 = arith.constant 48 : i32
      %get3A_278 = arith.index_cast %get3A_277 : i32 to index
      %get3A_279 = arith.constant 272 : index
      %get3A_280 = tpu.vector_load %arg6[%get3A_278, %get3A_279] {strides = array<i32>} : memref<56x1024xf32, #tpu.memory_space<vmem>>, vector<1x16xf32>,
      %get3A_281 = vector.shape_cast %get3A_280 : vector<1x16xf32> to vector<16xf32>
      %swap3A_282 = arith.constant 0 : i32
      %swap3A_283 = arith.index_cast %swap3A_282 : i32 to index
      %swap3A_284 = arith.constant 272 : index
      %swap3A_285 = tpu.vector_load %arg9[%swap3A_283, %swap3A_284] {strides = array<i32>} : memref<2x1000xf32, #tpu.memory_space<vmem>>, vector<1x16xf32>,
      %swap3A_286 = vector.shape_cast %swap3A_285 : vector<1x16xf32> to vector<16xf32>
      %swap3A_287 = vector.shape_cast %get3A_281 : vector<16xf32> to vector<1x16xf32>
      tpu.vector_store %arg9[%swap3A_283, %swap3A_284], %swap3A_287 {strides = array<i32>} : memref<2x1000xf32, #tpu.memory_space<vmem>>, vector<1x16xf32>,
      %get3A_288 = arith.constant 48 : i32
      %get3A_289 = arith.index_cast %get3A_288 : i32 to index
      %get3A_290 = arith.constant 288 : index
      %get3A_291 = tpu.vector_load %arg6[%get3A_289, %get3A_290] {strides = array<i32>} : memref<56x1024xf32, #tpu.memory_space<vmem>>, vector<1x16xf32>,
      %get3A_292 = vector.shape_cast %get3A_291 : vector<1x16xf32> to vector<16xf32>
      %swap3A_293 = arith.constant 0 : i32
      %swap3A_294 = arith.index_cast %swap3A_293 : i32 to index
      %swap3A_295 = arith.constant 288 : index
      %swap3A_296 = tpu.vector_load %arg9[%swap3A_294, %swap3A_295] {strides = array<i32>} : memref<2x1000xf32, #tpu.memory_space<vmem>>, vector<1x16xf32>,
      %swap3A_297 = vector.shape_cast %swap3A_296 : vector<1x16xf32> to vector<16xf32>
      %swap3A_298 = vector.shape_cast %get3A_292 : vector<16xf32> to vector<1x16xf32>
      tpu.vector_store %arg9[%swap3A_294, %swap3A_295], %swap3A_298 {strides = array<i32>} : memref<2x1000xf32, #tpu.memory_space<vmem>>, vector<1x16xf32>,
      %get3A_299 = arith.constant 48 : i32
      %get3A_300 = arith.index_cast %get3A_299 : i32 to index
      %get3A_301 = arith.constant 304 : index
      %get3A_302 = tpu.vector_load %arg6[%get3A_300, %get3A_301] {strides = array<i32>} : memref<56x1024xf32, #tpu.memory_space<vmem>>, vector<1x16xf32>,
      %get3A_303 = vector.shape_cast %get3A_302 : vector<1x16xf32> to vector<16xf32>
      %swap3A_304 = arith.constant 0 : i32
      %swap3A_305 = arith.index_cast %swap3A_304 : i32 to index
      %swap3A_306 = arith.constant 304 : index
      %swap3A_307 = tpu.vector_load %arg9[%swap3A_305, %swap3A_306] {strides = array<i32>} : memref<2x1000xf32, #tpu.memory_space<vmem>>, vector<1x16xf32>,
      %swap3A_308 = vector.shape_cast %swap3A_307 : vector<1x16xf32> to vector<16xf32>
      %swap3A_309 = vector.shape_cast %get3A_303 : vector<16xf32> to vector<1x16xf32>
      tpu.vector_store %arg9[%swap3A_305, %swap3A_306], %swap3A_309 {strides = array<i32>} : memref<2x1000xf32, #tpu.memory_space<vmem>>, vector<1x16xf32>,
      %get3A_310 = arith.constant 48 : i32
      %get3A_311 = arith.index_cast %get3A_310 : i32 to index
      %get3A_312 = arith.constant 320 : index
      %get3A_313 = tpu.vector_load %arg6[%get3A_311, %get3A_312] {strides = array<i32>} : memref<56x1024xf32, #tpu.memory_space<vmem>>, vector<1x16xf32>,
      %get3A_314 = vector.shape_cast %get3A_313 : vector<1x16xf32> to vector<16xf32>
      %swap3A_315 = arith.constant 0 : i32
      %swap3A_316 = arith.index_cast %swap3A_315 : i32 to index
      %swap3A_317 = arith.constant 320 : index
      %swap3A_318 = tpu.vector_load %arg9[%swap3A_316, %swap3A_317] {strides = array<i32>} : memref<2x1000xf32, #tpu.memory_space<vmem>>, vector<1x16xf32>,
      %swap3A_319 = vector.shape_cast %swap3A_318 : vector<1x16xf32> to vector<16xf32>
      %swap3A_320 = vector.shape_cast %get3A_314 : vector<16xf32> to vector<1x16xf32>
      tpu.vector_store %arg9[%swap3A_316, %swap3A_317], %swap3A_320 {strides = array<i32>} : memref<2x1000xf32, #tpu.memory_space<vmem>>, vector<1x16xf32>,
      %get3A_321 = arith.constant 48 : i32
      %get3A_322 = arith.index_cast %get3A_321 : i32 to index
      %get3A_323 = arith.constant 336 : index
      %get3A_324 = tpu.vector_load %arg6[%get3A_322, %get3A_323] {strides = array<i32>} : memref<56x1024xf32, #tpu.memory_space<vmem>>, vector<1x16xf32>,
      %get3A_325 = vector.shape_cast %get3A_324 : vector<1x16xf32> to vector<16xf32>
      %swap3A_326 = arith.constant 0 : i32
      %swap3A_327 = arith.index_cast %swap3A_326 : i32 to index
      %swap3A_328 = arith.constant 336 : index
      %swap3A_329 = tpu.vector_load %arg9[%swap3A_327, %swap3A_328] {strides = array<i32>} : memref<2x1000xf32, #tpu.memory_space<vmem>>, vector<1x16xf32>,
      %swap3A_330 = vector.shape_cast %swap3A_329 : vector<1x16xf32> to vector<16xf32>
      %swap3A_331 = vector.shape_cast %get3A_325 : vector<16xf32> to vector<1x16xf32>
      tpu.vector_store %arg9[%swap3A_327, %swap3A_328], %swap3A_331 {strides = array<i32>} : memref<2x1000xf32, #tpu.memory_space<vmem>>, vector<1x16xf32>,
      %get3A_332 = arith.constant 48 : i32
      %get3A_333 = arith.index_cast %get3A_332 : i32 to index
      %get3A_334 = arith.constant 352 : index
      %get3A_335 = tpu.vector_load %arg6[%get3A_333, %get3A_334] {strides = array<i32>} : memref<56x1024xf32, #tpu.memory_space<vmem>>, vector<1x16xf32>,
      %get3A_336 = vector.shape_cast %get3A_335 : vector<1x16xf32> to vector<16xf32>
      %swap3A_337 = arith.constant 0 : i32
      %swap3A_338 = arith.index_cast %swap3A_337 : i32 to index
      %swap3A_339 = arith.constant 352 : index
      %swap3A_340 = tpu.vector_load %arg9[%swap3A_338, %swap3A_339] {strides = array<i32>} : memref<2x1000xf32, #tpu.memory_space<vmem>>, vector<1x16xf32>,
      %swap3A_341 = vector.shape_cast %swap3A_340 : vector<1x16xf32> to vector<16xf32>
      %swap3A_342 = vector.shape_cast %get3A_336 : vector<16xf32> to vector<1x16xf32>
      tpu.vector_store %arg9[%swap3A_338, %swap3A_339], %swap3A_342 {strides = array<i32>} : memref<2x1000xf32, #tpu.memory_space<vmem>>, vector<1x16xf32>,
      %get3A_343 = arith.constant 48 : i32
      %get3A_344 = arith.index_cast %get3A_343 : i32 to index
      %get3A_345 = arith.constant 368 : index
      %get3A_346 = tpu.vector_load %arg6[%get3A_344, %get3A_345] {strides = array<i32>} : memref<56x1024xf32, #tpu.memory_space<vmem>>, vector<1x16xf32>,
      %get3A_347 = vector.shape_cast %get3A_346 : vector<1x16xf32> to vector<16xf32>
      %swap3A_348 = arith.constant 0 : i32
      %swap3A_349 = arith.index_cast %swap3A_348 : i32 to index
      %swap3A_350 = arith.constant 368 : index
      %swap3A_351 = tpu.vector_load %arg9[%swap3A_349, %swap3A_350] {strides = array<i32>} : memref<2x1000xf32, #tpu.memory_space<vmem>>, vector<1x16xf32>,
      %swap3A_352 = vector.shape_cast %swap3A_351 : vector<1x16xf32> to vector<16xf32>
      %swap3A_353 = vector.shape_cast %get3A_347 : vector<16xf32> to vector<1x16xf32>
      tpu.vector_store %arg9[%swap3A_349, %swap3A_350], %swap3A_353 {strides = array<i32>} : memref<2x1000xf32, #tpu.memory_space<vmem>>, vector<1x16xf32>,
      %get3A_354 = arith.constant 48 : i32
      %get3A_355 = arith.index_cast %get3A_354 : i32 to index
      %get3A_356 = arith.constant 384 : index
      %get3A_357 = tpu.vector_load %arg6[%get3A_355, %get3A_356] {strides = array<i32>} : memref<56x1024xf32, #tpu.memory_space<vmem>>, vector<1x16xf32>,
      %get3A_358 = vector.shape_cast %get3A_357 : vector<1x16xf32> to vector<16xf32>
      %swap3A_359 = arith.constant 0 : i32
      %swap3A_360 = arith.index_cast %swap3A_359 : i32 to index
      %swap3A_361 = arith.constant 384 : index
      %swap3A_362 = tpu.vector_load %arg9[%swap3A_360, %swap3A_361] {strides = array<i32>} : memref<2x1000xf32, #tpu.memory_space<vmem>>, vector<1x16xf32>,
      %swap3A_363 = vector.shape_cast %swap3A_362 : vector<1x16xf32> to vector<16xf32>
      %swap3A_364 = vector.shape_cast %get3A_358 : vector<16xf32> to vector<1x16xf32>
      tpu.vector_store %arg9[%swap3A_360, %swap3A_361], %swap3A_364 {strides = array<i32>} : memref<2x1000xf32, #tpu.memory_space<vmem>>, vector<1x16xf32>,
      %get3A_365 = arith.constant 48 : i32
      %get3A_366 = arith.index_cast %get3A_365 : i32 to index
      %get3A_367 = arith.constant 400 : index
      %get3A_368 = tpu.vector_load %arg6[%get3A_366, %get3A_367] {strides = array<i32>} : memref<56x1024xf32, #tpu.memory_space<vmem>>, vector<1x16xf32>,
      %get3A_369 = vector.shape_cast %get3A_368 : vector<1x16xf32> to vector<16xf32>
      %swap3A_370 = arith.constant 0 : i32
      %swap3A_371 = arith.index_cast %swap3A_370 : i32 to index
      %swap3A_372 = arith.constant 400 : index
      %swap3A_373 = tpu.vector_load %arg9[%swap3A_371, %swap3A_372] {strides = array<i32>} : memref<2x1000xf32, #tpu.memory_space<vmem>>, vector<1x16xf32>,
      %swap3A_374 = vector.shape_cast %swap3A_373 : vector<1x16xf32> to vector<16xf32>
      %swap3A_375 = vector.shape_cast %get3A_369 : vector<16xf32> to vector<1x16xf32>
      tpu.vector_store %arg9[%swap3A_371, %swap3A_372], %swap3A_375 {strides = array<i32>} : memref<2x1000xf32, #tpu.memory_space<vmem>>, vector<1x16xf32>,
      %get3A_376 = arith.constant 48 : i32
      %get3A_377 = arith.index_cast %get3A_376 : i32 to index
      %get3A_378 = arith.constant 416 : index
      %get3A_379 = tpu.vector_load %arg6[%get3A_377, %get3A_378] {strides = array<i32>} : memref<56x1024xf32, #tpu.memory_space<vmem>>, vector<1x16xf32>,
      %get3A_380 = vector.shape_cast %get3A_379 : vector<1x16xf32> to vector<16xf32>
      %swap3A_381 = arith.constant 0 : i32
      %swap3A_382 = arith.index_cast %swap3A_381 : i32 to index
      %swap3A_383 = arith.constant 416 : index
      %swap3A_384 = tpu.vector_load %arg9[%swap3A_382, %swap3A_383] {strides = array<i32>} : memref<2x1000xf32, #tpu.memory_space<vmem>>, vector<1x16xf32>,
      %swap3A_385 = vector.shape_cast %swap3A_384 : vector<1x16xf32> to vector<16xf32>
      %swap3A_386 = vector.shape_cast %get3A_380 : vector<16xf32> to vector<1x16xf32>
      tpu.vector_store %arg9[%swap3A_382, %swap3A_383], %swap3A_386 {strides = array<i32>} : memref<2x1000xf32, #tpu.memory_space<vmem>>, vector<1x16xf32>,
      %get3A_387 = arith.constant 48 : i32
      %get3A_388 = arith.index_cast %get3A_387 : i32 to index
      %get3A_389 = arith.constant 432 : index
      %get3A_390 = tpu.vector_load %arg6[%get3A_388, %get3A_389] {strides = array<i32>} : memref<56x1024xf32, #tpu.memory_space<vmem>>, vector<1x16xf32>,
      %get3A_391 = vector.shape_cast %get3A_390 : vector<1x16xf32> to vector<16xf32>
      %swap3A_392 = arith.constant 0 : i32
      %swap3A_393 = arith.index_cast %swap3A_392 : i32 to index
      %swap3A_394 = arith.constant 432 : index
      %swap3A_395 = tpu.vector_load %arg9[%swap3A_393, %swap3A_394] {strides = array<i32>} : memref<2x1000xf32, #tpu.memory_space<vmem>>, vector<1x16xf32>,
      %swap3A_396 = vector.shape_cast %swap3A_395 : vector<1x16xf32> to vector<16xf32>
      %swap3A_397 = vector.shape_cast %get3A_391 : vector<16xf32> to vector<1x16xf32>
      tpu.vector_store %arg9[%swap3A_393, %swap3A_394], %swap3A_397 {strides = array<i32>} : memref<2x1000xf32, #tpu.memory_space<vmem>>, vector<1x16xf32>,
      %get3A_398 = arith.constant 48 : i32
      %get3A_399 = arith.index_cast %get3A_398 : i32 to index
      %get3A_400 = arith.constant 448 : index
      %get3A_401 = tpu.vector_load %arg6[%get3A_399, %get3A_400] {strides = array<i32>} : memref<56x1024xf32, #tpu.memory_space<vmem>>, vector<1x16xf32>,
      %get3A_402 = vector.shape_cast %get3A_401 : vector<1x16xf32> to vector<16xf32>
      %swap3A_403 = arith.constant 0 : i32
      %swap3A_404 = arith.index_cast %swap3A_403 : i32 to index
      %swap3A_405 = arith.constant 448 : index
      %swap3A_406 = tpu.vector_load %arg9[%swap3A_404, %swap3A_405] {strides = array<i32>} : memref<2x1000xf32, #tpu.memory_space<vmem>>, vector<1x16xf32>,
      %swap3A_407 = vector.shape_cast %swap3A_406 : vector<1x16xf32> to vector<16xf32>
      %swap3A_408 = vector.shape_cast %get3A_402 : vector<16xf32> to vector<1x16xf32>
      tpu.vector_store %arg9[%swap3A_404, %swap3A_405], %swap3A_408 {strides = array<i32>} : memref<2x1000xf32, #tpu.memory_space<vmem>>, vector<1x16xf32>,
      %get3A_409 = arith.constant 48 : i32
      %get3A_410 = arith.index_cast %get3A_409 : i32 to index
      %get3A_411 = arith.constant 464 : index
      %get3A_412 = tpu.vector_load %arg6[%get3A_410, %get3A_411] {strides = array<i32>} : memref<56x1024xf32, #tpu.memory_space<vmem>>, vector<1x16xf32>,
      %get3A_413 = vector.shape_cast %get3A_412 : vector<1x16xf32> to vector<16xf32>
      %swap3A_414 = arith.constant 0 : i32
      %swap3A_415 = arith.index_cast %swap3A_414 : i32 to index
      %swap3A_416 = arith.constant 464 : index
      %swap3A_417 = tpu.vector_load %arg9[%swap3A_415, %swap3A_416] {strides = array<i32>} : memref<2x1000xf32, #tpu.memory_space<vmem>>, vector<1x16xf32>,
      %swap3A_418 = vector.shape_cast %swap3A_417 : vector<1x16xf32> to vector<16xf32>
      %swap3A_419 = vector.shape_cast %get3A_413 : vector<16xf32> to vector<1x16xf32>
      tpu.vector_store %arg9[%swap3A_415, %swap3A_416], %swap3A_419 {strides = array<i32>} : memref<2x1000xf32, #tpu.memory_space<vmem>>, vector<1x16xf32>,
      %get3A_420 = arith.constant 48 : i32
      %get3A_421 = arith.index_cast %get3A_420 : i32 to index
      %get3A_422 = arith.constant 480 : index
      %get3A_423 = tpu.vector_load %arg6[%get3A_421, %get3A_422] {strides = array<i32>} : memref<56x1024xf32, #tpu.memory_space<vmem>>, vector<1x16xf32>,
      %get3A_424 = vector.shape_cast %get3A_423 : vector<1x16xf32> to vector<16xf32>
      %swap3A_425 = arith.constant 0 : i32
      %swap3A_426 = arith.index_cast %swap3A_425 : i32 to index
      %swap3A_427 = arith.constant 480 : index
      %swap3A_428 = tpu.vector_load %arg9[%swap3A_426, %swap3A_427] {strides = array<i32>} : memref<2x1000xf32, #tpu.memory_space<vmem>>, vector<1x16xf32>,
      %swap3A_429 = vector.shape_cast %swap3A_428 : vector<1x16xf32> to vector<16xf32>
      %swap3A_430 = vector.shape_cast %get3A_424 : vector<16xf32> to vector<1x16xf32>
      tpu.vector_store %arg9[%swap3A_426, %swap3A_427], %swap3A_430 {strides = array<i32>} : memref<2x1000xf32, #tpu.memory_space<vmem>>, vector<1x16xf32>,
      %get3A_431 = arith.constant 48 : i32
      %get3A_432 = arith.index_cast %get3A_431 : i32 to index
      %get3A_433 = arith.constant 496 : index
      %get3A_434 = tpu.vector_load %arg6[%get3A_432, %get3A_433] {strides = array<i32>} : memref<56x1024xf32, #tpu.memory_space<vmem>>, vector<1x16xf32>,
      %get3A_435 = vector.shape_cast %get3A_434 : vector<1x16xf32> to vector<16xf32>
      %swap3A_436 = arith.constant 0 : i32
      %swap3A_437 = arith.index_cast %swap3A_436 : i32 to index
      %swap3A_438 = arith.constant 496 : index
      %swap3A_439 = tpu.vector_load %arg9[%swap3A_437, %swap3A_438] {strides = array<i32>} : memref<2x1000xf32, #tpu.memory_space<vmem>>, vector<1x16xf32>,
      %swap3A_440 = vector.shape_cast %swap3A_439 : vector<1x16xf32> to vector<16xf32>
      %swap3A_441 = vector.shape_cast %get3A_435 : vector<16xf32> to vector<1x16xf32>
      tpu.vector_store %arg9[%swap3A_437, %swap3A_438], %swap3A_441 {strides = array<i32>} : memref<2x1000xf32, #tpu.memory_space<vmem>>, vector<1x16xf32>,
      %get3A_442 = arith.constant 48 : i32
      %get3A_443 = arith.index_cast %get3A_442 : i32 to index
      %get3A_444 = arith.constant 512 : index
      %get3A_445 = tpu.vector_load %arg6[%get3A_443, %get3A_444] {strides = array<i32>} : memref<56x1024xf32, #tpu.memory_space<vmem>>, vector<1x16xf32>,
      %get3A_446 = vector.shape_cast %get3A_445 : vector<1x16xf32> to vector<16xf32>
      %swap3A_447 = arith.constant 0 : i32
      %swap3A_448 = arith.index_cast %swap3A_447 : i32 to index
      %swap3A_449 = arith.constant 512 : index
      %swap3A_450 = tpu.vector_load %arg9[%swap3A_448, %swap3A_449] {strides = array<i32>} : memref<2x1000xf32, #tpu.memory_space<vmem>>, vector<1x16xf32>,
      %swap3A_451 = vector.shape_cast %swap3A_450 : vector<1x16xf32> to vector<16xf32>
      %swap3A_452 = vector.shape_cast %get3A_446 : vector<16xf32> to vector<1x16xf32>
      tpu.vector_store %arg9[%swap3A_448, %swap3A_449], %swap3A_452 {strides = array<i32>} : memref<2x1000xf32, #tpu.memory_space<vmem>>, vector<1x16xf32>,
      %get3A_453 = arith.constant 48 : i32
      %get3A_454 = arith.index_cast %get3A_453 : i32 to index
      %get3A_455 = arith.constant 528 : index
      %get3A_456 = tpu.vector_load %arg6[%get3A_454, %get3A_455] {strides = array<i32>} : memref<56x1024xf32, #tpu.memory_space<vmem>>, vector<1x16xf32>,
      %get3A_457 = vector.shape_cast %get3A_456 : vector<1x16xf32> to vector<16xf32>
      %swap3A_458 = arith.constant 0 : i32
      %swap3A_459 = arith.index_cast %swap3A_458 : i32 to index
      %swap3A_460 = arith.constant 528 : index
      %swap3A_461 = tpu.vector_load %arg9[%swap3A_459, %swap3A_460] {strides = array<i32>} : memref<2x1000xf32, #tpu.memory_space<vmem>>, vector<1x16xf32>,
      %swap3A_462 = vector.shape_cast %swap3A_461 : vector<1x16xf32> to vector<16xf32>
      %swap3A_463 = vector.shape_cast %get3A_457 : vector<16xf32> to vector<1x16xf32>
      tpu.vector_store %arg9[%swap3A_459, %swap3A_460], %swap3A_463 {strides = array<i32>} : memref<2x1000xf32, #tpu.memory_space<vmem>>, vector<1x16xf32>,
      %get3A_464 = arith.constant 48 : i32
      %get3A_465 = arith.index_cast %get3A_464 : i32 to index
      %get3A_466 = arith.constant 544 : index
      %get3A_467 = tpu.vector_load %arg6[%get3A_465, %get3A_466] {strides = array<i32>} : memref<56x1024xf32, #tpu.memory_space<vmem>>, vector<1x16xf32>,
      %get3A_468 = vector.shape_cast %get3A_467 : vector<1x16xf32> to vector<16xf32>
      %swap3A_469 = arith.constant 0 : i32
      %swap3A_470 = arith.index_cast %swap3A_469 : i32 to index
      %swap3A_471 = arith.constant 544 : index
      %swap3A_472 = tpu.vector_load %arg9[%swap3A_470, %swap3A_471] {strides = array<i32>} : memref<2x1000xf32, #tpu.memory_space<vmem>>, vector<1x16xf32>,
      %swap3A_473 = vector.shape_cast %swap3A_472 : vector<1x16xf32> to vector<16xf32>
      %swap3A_474 = vector.shape_cast %get3A_468 : vector<16xf32> to vector<1x16xf32>
      tpu.vector_store %arg9[%swap3A_470, %swap3A_471], %swap3A_474 {strides = array<i32>} : memref<2x1000xf32, #tpu.memory_space<vmem>>, vector<1x16xf32>,
      %get3A_475 = arith.constant 48 : i32
      %get3A_476 = arith.index_cast %get3A_475 : i32 to index
      %get3A_477 = arith.constant 560 : index
      %get3A_478 = tpu.vector_load %arg6[%get3A_476, %get3A_477] {strides = array<i32>} : memref<56x1024xf32, #tpu.memory_space<vmem>>, vector<1x16xf32>,
      %get3A_479 = vector.shape_cast %get3A_478 : vector<1x16xf32> to vector<16xf32>
      %swap3A_480 = arith.constant 0 : i32
      %swap3A_481 = arith.index_cast %swap3A_480 : i32 to index
      %swap3A_482 = arith.constant 560 : index
      %swap3A_483 = tpu.vector_load %arg9[%swap3A_481, %swap3A_482] {strides = array<i32>} : memref<2x1000xf32, #tpu.memory_space<vmem>>, vector<1x16xf32>,
      %swap3A_484 = vector.shape_cast %swap3A_483 : vector<1x16xf32> to vector<16xf32>
      %swap3A_485 = vector.shape_cast %get3A_479 : vector<16xf32> to vector<1x16xf32>
      tpu.vector_store %arg9[%swap3A_481, %swap3A_482], %swap3A_485 {strides = array<i32>} : memref<2x1000xf32, #tpu.memory_space<vmem>>, vector<1x16xf32>,
      %get3A_486 = arith.constant 48 : i32
      %get3A_487 = arith.index_cast %get3A_486 : i32 to index
      %get3A_488 = arith.constant 576 : index
      %get3A_489 = tpu.vector_load %arg6[%get3A_487, %get3A_488] {strides = array<i32>} : memref<56x1024xf32, #tpu.memory_space<vmem>>, vector<1x16xf32>,
      %get3A_490 = vector.shape_cast %get3A_489 : vector<1x16xf32> to vector<16xf32>
      %swap3A_491 = arith.constant 0 : i32
      %swap3A_492 = arith.index_cast %swap3A_491 : i32 to index
      %swap3A_493 = arith.constant 576 : index
      %swap3A_494 = tpu.vector_load %arg9[%swap3A_492, %swap3A_493] {strides = array<i32>} : memref<2x1000xf32, #tpu.memory_space<vmem>>, vector<1x16xf32>,
      %swap3A_495 = vector.shape_cast %swap3A_494 : vector<1x16xf32> to vector<16xf32>
      %swap3A_496 = vector.shape_cast %get3A_490 : vector<16xf32> to vector<1x16xf32>
      tpu.vector_store %arg9[%swap3A_492, %swap3A_493], %swap3A_496 {strides = array<i32>} : memref<2x1000xf32, #tpu.memory_space<vmem>>, vector<1x16xf32>,
      %get3A_497 = arith.constant 48 : i32
      %get3A_498 = arith.index_cast %get3A_497 : i32 to index
      %get3A_499 = arith.constant 592 : index
      %get3A_500 = tpu.vector_load %arg6[%get3A_498, %get3A_499] {strides = array<i32>} : memref<56x1024xf32, #tpu.memory_space<vmem>>, vector<1x16xf32>,
      %get3A_501 = vector.shape_cast %get3A_500 : vector<1x16xf32> to vector<16xf32>
      %swap3A_502 = arith.constant 0 : i32
      %swap3A_503 = arith.index_cast %swap3A_502 : i32 to index
      %swap3A_504 = arith.constant 592 : index
      %swap3A_505 = tpu.vector_load %arg9[%swap3A_503, %swap3A_504] {strides = array<i32>} : memref<2x1000xf32, #tpu.memory_space<vmem>>, vector<1x16xf32>,
      %swap3A_506 = vector.shape_cast %swap3A_505 : vector<1x16xf32> to vector<16xf32>
      %swap3A_507 = vector.shape_cast %get3A_501 : vector<16xf32> to vector<1x16xf32>
      tpu.vector_store %arg9[%swap3A_503, %swap3A_504], %swap3A_507 {strides = array<i32>} : memref<2x1000xf32, #tpu.memory_space<vmem>>, vector<1x16xf32>,
      %get3A_508 = arith.constant 48 : i32
      %get3A_509 = arith.index_cast %get3A_508 : i32 to index
      %get3A_510 = arith.constant 608 : index
      %get3A_511 = tpu.vector_load %arg6[%get3A_509, %get3A_510] {strides = array<i32>} : memref<56x1024xf32, #tpu.memory_space<vmem>>, vector<1x16xf32>,
      %get3A_512 = vector.shape_cast %get3A_511 : vector<1x16xf32> to vector<16xf32>
      %swap3A_513 = arith.constant 0 : i32
      %swap3A_514 = arith.index_cast %swap3A_513 : i32 to index
      %swap3A_515 = arith.constant 608 : index
      %swap3A_516 = tpu.vector_load %arg9[%swap3A_514, %swap3A_515] {strides = array<i32>} : memref<2x1000xf32, #tpu.memory_space<vmem>>, vector<1x16xf32>,
      %swap3A_517 = vector.shape_cast %swap3A_516 : vector<1x16xf32> to vector<16xf32>
      %swap3A_518 = vector.shape_cast %get3A_512 : vector<16xf32> to vector<1x16xf32>
      tpu.vector_store %arg9[%swap3A_514, %swap3A_515], %swap3A_518 {strides = array<i32>} : memref<2x1000xf32, #tpu.memory_space<vmem>>, vector<1x16xf32>,
      %get3A_519 = arith.constant 48 : i32
      %get3A_520 = arith.index_cast %get3A_519 : i32 to index
      %get3A_521 = arith.constant 624 : index
      %get3A_522 = tpu.vector_load %arg6[%get3A_520, %get3A_521] {strides = array<i32>} : memref<56x1024xf32, #tpu.memory_space<vmem>>, vector<1x16xf32>,
      %get3A_523 = vector.shape_cast %get3A_522 : vector<1x16xf32> to vector<16xf32>
      %swap3A_524 = arith.constant 0 : i32
      %swap3A_525 = arith.index_cast %swap3A_524 : i32 to index
      %swap3A_526 = arith.constant 624 : index
      %swap3A_527 = tpu.vector_load %arg9[%swap3A_525, %swap3A_526] {strides = array<i32>} : memref<2x1000xf32, #tpu.memory_space<vmem>>, vector<1x16xf32>,
      %swap3A_528 = vector.shape_cast %swap3A_527 : vector<1x16xf32> to vector<16xf32>
      %swap3A_529 = vector.shape_cast %get3A_523 : vector<16xf32> to vector<1x16xf32>
      tpu.vector_store %arg9[%swap3A_525, %swap3A_526], %swap3A_529 {strides = array<i32>} : memref<2x1000xf32, #tpu.memory_space<vmem>>, vector<1x16xf32>,
      %get3A_530 = arith.constant 48 : i32
      %get3A_531 = arith.index_cast %get3A_530 : i32 to index
      %get3A_532 = arith.constant 640 : index
      %get3A_533 = tpu.vector_load %arg6[%get3A_531, %get3A_532] {strides = array<i32>} : memref<56x1024xf32, #tpu.memory_space<vmem>>, vector<1x16xf32>,
      %get3A_534 = vector.shape_cast %get3A_533 : vector<1x16xf32> to vector<16xf32>
      %swap3A_535 = arith.constant 0 : i32
      %swap3A_536 = arith.index_cast %swap3A_535 : i32 to index
      %swap3A_537 = arith.constant 640 : index
      %swap3A_538 = tpu.vector_load %arg9[%swap3A_536, %swap3A_537] {strides = array<i32>} : memref<2x1000xf32, #tpu.memory_space<vmem>>, vector<1x16xf32>,
      %swap3A_539 = vector.shape_cast %swap3A_538 : vector<1x16xf32> to vector<16xf32>
      %swap3A_540 = vector.shape_cast %get3A_534 : vector<16xf32> to vector<1x16xf32>
      tpu.vector_store %arg9[%swap3A_536, %swap3A_537], %swap3A_540 {strides = array<i32>} : memref<2x1000xf32, #tpu.memory_space<vmem>>, vector<1x16xf32>,
      %get3A_541 = arith.constant 48 : i32
      %get3A_542 = arith.index_cast %get3A_541 : i32 to index
      %get3A_543 = arith.constant 656 : index
      %get3A_544 = tpu.vector_load %arg6[%get3A_542, %get3A_543] {strides = array<i32>} : memref<56x1024xf32, #tpu.memory_space<vmem>>, vector<1x16xf32>,
      %get3A_545 = vector.shape_cast %get3A_544 : vector<1x16xf32> to vector<16xf32>
      %swap3A_546 = arith.constant 0 : i32
      %swap3A_547 = arith.index_cast %swap3A_546 : i32 to index
      %swap3A_548 = arith.constant 656 : index
      %swap3A_549 = tpu.vector_load %arg9[%swap3A_547, %swap3A_548] {strides = array<i32>} : memref<2x1000xf32, #tpu.memory_space<vmem>>, vector<1x16xf32>,
      %swap3A_550 = vector.shape_cast %swap3A_549 : vector<1x16xf32> to vector<16xf32>
      %swap3A_551 = vector.shape_cast %get3A_545 : vector<16xf32> to vector<1x16xf32>
      tpu.vector_store %arg9[%swap3A_547, %swap3A_548], %swap3A_551 {strides = array<i32>} : memref<2x1000xf32, #tpu.memory_space<vmem>>, vector<1x16xf32>,
      %get3A_552 = arith.constant 48 : i32
      %get3A_553 = arith.index_cast %get3A_552 : i32 to index
      %get3A_554 = arith.constant 672 : index
      %get3A_555 = tpu.vector_load %arg6[%get3A_553, %get3A_554] {strides = array<i32>} : memref<56x1024xf32, #tpu.memory_space<vmem>>, vector<1x16xf32>,
      %get3A_556 = vector.shape_cast %get3A_555 : vector<1x16xf32> to vector<16xf32>
      %swap3A_557 = arith.constant 0 : i32
      %swap3A_558 = arith.index_cast %swap3A_557 : i32 to index
      %swap3A_559 = arith.constant 672 : index
      %swap3A_560 = tpu.vector_load %arg9[%swap3A_558, %swap3A_559] {strides = array<i32>} : memref<2x1000xf32, #tpu.memory_space<vmem>>, vector<1x16xf32>,
      %swap3A_561 = vector.shape_cast %swap3A_560 : vector<1x16xf32> to vector<16xf32>
      %swap3A_562 = vector.shape_cast %get3A_556 : vector<16xf32> to vector<1x16xf32>
      tpu.vector_store %arg9[%swap3A_558, %swap3A_559], %swap3A_562 {strides = array<i32>} : memref<2x1000xf32, #tpu.memory_space<vmem>>, vector<1x16xf32>,
      %get3A_563 = arith.constant 48 : i32
      %get3A_564 = arith.index_cast %get3A_563 : i32 to index
      %get3A_565 = arith.constant 688 : index
      %get3A_566 = tpu.vector_load %arg6[%get3A_564, %get3A_565] {strides = array<i32>} : memref<56x1024xf32, #tpu.memory_space<vmem>>, vector<1x16xf32>,
      %get3A_567 = vector.shape_cast %get3A_566 : vector<1x16xf32> to vector<16xf32>
      %swap3A_568 = arith.constant 0 : i32
      %swap3A_569 = arith.index_cast %swap3A_568 : i32 to index
      %swap3A_570 = arith.constant 688 : index
      %swap3A_571 = tpu.vector_load %arg9[%swap3A_569, %swap3A_570] {strides = array<i32>} : memref<2x1000xf32, #tpu.memory_space<vmem>>, vector<1x16xf32>,
      %swap3A_572 = vector.shape_cast %swap3A_571 : vector<1x16xf32> to vector<16xf32>
      %swap3A_573 = vector.shape_cast %get3A_567 : vector<16xf32> to vector<1x16xf32>
      tpu.vector_store %arg9[%swap3A_569, %swap3A_570], %swap3A_573 {strides = array<i32>} : memref<2x1000xf32, #tpu.memory_space<vmem>>, vector<1x16xf32>,
      %get3A_574 = arith.constant 48 : i32
      %get3A_575 = arith.index_cast %get3A_574 : i32 to index
      %get3A_576 = arith.constant 704 : index
      %get3A_577 = tpu.vector_load %arg6[%get3A_575, %get3A_576] {strides = array<i32>} : memref<56x1024xf32, #tpu.memory_space<vmem>>, vector<1x16xf32>,
      %get3A_578 = vector.shape_cast %get3A_577 : vector<1x16xf32> to vector<16xf32>
      %swap3A_579 = arith.constant 0 : i32
      %swap3A_580 = arith.index_cast %swap3A_579 : i32 to index
      %swap3A_581 = arith.constant 704 : index
      %swap3A_582 = tpu.vector_load %arg9[%swap3A_580, %swap3A_581] {strides = array<i32>} : memref<2x1000xf32, #tpu.memory_space<vmem>>, vector<1x16xf32>,
      %swap3A_583 = vector.shape_cast %swap3A_582 : vector<1x16xf32> to vector<16xf32>
      %swap3A_584 = vector.shape_cast %get3A_578 : vector<16xf32> to vector<1x16xf32>
      tpu.vector_store %arg9[%swap3A_580, %swap3A_581], %swap3A_584 {strides = array<i32>} : memref<2x1000xf32, #tpu.memory_space<vmem>>, vector<1x16xf32>,
      %get3A_585 = arith.constant 48 : i32
      %get3A_586 = arith.index_cast %get3A_585 : i32 to index
      %get3A_587 = arith.constant 720 : index
      %get3A_588 = tpu.vector_load %arg6[%get3A_586, %get3A_587] {strides = array<i32>} : memref<56x1024xf32, #tpu.memory_space<vmem>>, vector<1x16xf32>,
      %get3A_589 = vector.shape_cast %get3A_588 : vector<1x16xf32> to vector<16xf32>
      %swap3A_590 = arith.constant 0 : i32
      %swap3A_591 = arith.index_cast %swap3A_590 : i32 to index
      %swap3A_592 = arith.constant 720 : index
      %swap3A_593 = tpu.vector_load %arg9[%swap3A_591, %swap3A_592] {strides = array<i32>} : memref<2x1000xf32, #tpu.memory_space<vmem>>, vector<1x16xf32>,
      %swap3A_594 = vector.shape_cast %swap3A_593 : vector<1x16xf32> to vector<16xf32>
      %swap3A_595 = vector.shape_cast %get3A_589 : vector<16xf32> to vector<1x16xf32>
      tpu.vector_store %arg9[%swap3A_591, %swap3A_592], %swap3A_595 {strides = array<i32>} : memref<2x1000xf32, #tpu.memory_space<vmem>>, vector<1x16xf32>,
      %get3A_596 = arith.constant 48 : i32
      %get3A_597 = arith.index_cast %get3A_596 : i32 to index
      %get3A_598 = arith.constant 736 : index
      %get3A_599 = tpu.vector_load %arg6[%get3A_597, %get3A_598] {strides = array<i32>} : memref<56x1024xf32, #tpu.memory_space<vmem>>, vector<1x16xf32>,
      %get3A_600 = vector.shape_cast %get3A_599 : vector<1x16xf32> to vector<16xf32>
      %swap3A_601 = arith.constant 0 : i32
      %swap3A_602 = arith.index_cast %swap3A_601 : i32 to index
      %swap3A_603 = arith.constant 736 : index
      %swap3A_604 = tpu.vector_load %arg9[%swap3A_602, %swap3A_603] {strides = array<i32>} : memref<2x1000xf32, #tpu.memory_space<vmem>>, vector<1x16xf32>,
      %swap3A_605 = vector.shape_cast %swap3A_604 : vector<1x16xf32> to vector<16xf32>
      %swap3A_606 = vector.shape_cast %get3A_600 : vector<16xf32> to vector<1x16xf32>
      tpu.vector_store %arg9[%swap3A_602, %swap3A_603], %swap3A_606 {strides = array<i32>} : memref<2x1000xf32, #tpu.memory_space<vmem>>, vector<1x16xf32>,
      %get3A_607 = arith.constant 48 : i32
      %get3A_608 = arith.index_cast %get3A_607 : i32 to index
      %get3A_609 = arith.constant 752 : index
      %get3A_610 = tpu.vector_load %arg6[%get3A_608, %get3A_609] {strides = array<i32>} : memref<56x1024xf32, #tpu.memory_space<vmem>>, vector<1x16xf32>,
      %get3A_611 = vector.shape_cast %get3A_610 : vector<1x16xf32> to vector<16xf32>
      %swap3A_612 = arith.constant 0 : i32
      %swap3A_613 = arith.index_cast %swap3A_612 : i32 to index
      %swap3A_614 = arith.constant 752 : index
      %swap3A_615 = tpu.vector_load %arg9[%swap3A_613, %swap3A_614] {strides = array<i32>} : memref<2x1000xf32, #tpu.memory_space<vmem>>, vector<1x16xf32>,
      %swap3A_616 = vector.shape_cast %swap3A_615 : vector<1x16xf32> to vector<16xf32>
      %swap3A_617 = vector.shape_cast %get3A_611 : vector<16xf32> to vector<1x16xf32>
      tpu.vector_store %arg9[%swap3A_613, %swap3A_614], %swap3A_617 {strides = array<i32>} : memref<2x1000xf32, #tpu.memory_space<vmem>>, vector<1x16xf32>,
      %get3A_618 = arith.constant 48 : i32
      %get3A_619 = arith.index_cast %get3A_618 : i32 to index
      %get3A_620 = arith.constant 768 : index
      %get3A_621 = tpu.vector_load %arg6[%get3A_619, %get3A_620] {strides = array<i32>} : memref<56x1024xf32, #tpu.memory_space<vmem>>, vector<1x16xf32>,
      %get3A_622 = vector.shape_cast %get3A_621 : vector<1x16xf32> to vector<16xf32>
      %swap3A_623 = arith.constant 0 : i32
      %swap3A_624 = arith.index_cast %swap3A_623 : i32 to index
      %swap3A_625 = arith.constant 768 : index
      %swap3A_626 = tpu.vector_load %arg9[%swap3A_624, %swap3A_625] {strides = array<i32>} : memref<2x1000xf32, #tpu.memory_space<vmem>>, vector<1x16xf32>,
      %swap3A_627 = vector.shape_cast %swap3A_626 : vector<1x16xf32> to vector<16xf32>
      %swap3A_628 = vector.shape_cast %get3A_622 : vector<16xf32> to vector<1x16xf32>
      tpu.vector_store %arg9[%swap3A_624, %swap3A_625], %swap3A_628 {strides = array<i32>} : memref<2x1000xf32, #tpu.memory_space<vmem>>, vector<1x16xf32>,
      %get3A_629 = arith.constant 48 : i32
      %get3A_630 = arith.index_cast %get3A_629 : i32 to index
      %get3A_631 = arith.constant 784 : index
      %get3A_632 = tpu.vector_load %arg6[%get3A_630, %get3A_631] {strides = array<i32>} : memref<56x1024xf32, #tpu.memory_space<vmem>>, vector<1x16xf32>,
      %get3A_633 = vector.shape_cast %get3A_632 : vector<1x16xf32> to vector<16xf32>
      %swap3A_634 = arith.constant 0 : i32
      %swap3A_635 = arith.index_cast %swap3A_634 : i32 to index
      %swap3A_636 = arith.constant 784 : index
      %swap3A_637 = tpu.vector_load %arg9[%swap3A_635, %swap3A_636] {strides = array<i32>} : memref<2x1000xf32, #tpu.memory_space<vmem>>, vector<1x16xf32>,
      %swap3A_638 = vector.shape_cast %swap3A_637 : vector<1x16xf32> to vector<16xf32>
      %swap3A_639 = vector.shape_cast %get3A_633 : vector<16xf32> to vector<1x16xf32>
      tpu.vector_store %arg9[%swap3A_635, %swap3A_636], %swap3A_639 {strides = array<i32>} : memref<2x1000xf32, #tpu.memory_space<vmem>>, vector<1x16xf32>,
      %get3A_640 = arith.constant 48 : i32
      %get3A_641 = arith.index_cast %get3A_640 : i32 to index
      %get3A_642 = arith.constant 800 : index
      %get3A_643 = tpu.vector_load %arg6[%get3A_641, %get3A_642] {strides = array<i32>} : memref<56x1024xf32, #tpu.memory_space<vmem>>, vector<1x16xf32>,
      %get3A_644 = vector.shape_cast %get3A_643 : vector<1x16xf32> to vector<16xf32>
      %swap3A_645 = arith.constant 0 : i32
      %swap3A_646 = arith.index_cast %swap3A_645 : i32 to index
      %swap3A_647 = arith.constant 800 : index
      %swap3A_648 = tpu.vector_load %arg9[%swap3A_646, %swap3A_647] {strides = array<i32>} : memref<2x1000xf32, #tpu.memory_space<vmem>>, vector<1x16xf32>,
      %swap3A_649 = vector.shape_cast %swap3A_648 : vector<1x16xf32> to vector<16xf32>
      %swap3A_650 = vector.shape_cast %get3A_644 : vector<16xf32> to vector<1x16xf32>
      tpu.vector_store %arg9[%swap3A_646, %swap3A_647], %swap3A_650 {strides = array<i32>} : memref<2x1000xf32, #tpu.memory_space<vmem>>, vector<1x16xf32>,
      %get3A_651 = arith.constant 48 : i32
      %get3A_652 = arith.index_cast %get3A_651 : i32 to index
      %get3A_653 = arith.constant 816 : index
      %get3A_654 = tpu.vector_load %arg6[%get3A_652, %get3A_653] {strides = array<i32>} : memref<56x1024xf32, #tpu.memory_space<vmem>>, vector<1x16xf32>,
      %get3A_655 = vector.shape_cast %get3A_654 : vector<1x16xf32> to vector<16xf32>
      %swap3A_656 = arith.constant 0 : i32
      %swap3A_657 = arith.index_cast %swap3A_656 : i32 to index
      %swap3A_658 = arith.constant 816 : index
      %swap3A_659 = tpu.vector_load %arg9[%swap3A_657, %swap3A_658] {strides = array<i32>} : memref<2x1000xf32, #tpu.memory_space<vmem>>, vector<1x16xf32>,
      %swap3A_660 = vector.shape_cast %swap3A_659 : vector<1x16xf32> to vector<16xf32>
      %swap3A_661 = vector.shape_cast %get3A_655 : vector<16xf32> to vector<1x16xf32>
      tpu.vector_store %arg9[%swap3A_657, %swap3A_658], %swap3A_661 {strides = array<i32>} : memref<2x1000xf32, #tpu.memory_space<vmem>>, vector<1x16xf32>,
      %get3A_662 = arith.constant 48 : i32
      %get3A_663 = arith.index_cast %get3A_662 : i32 to index
      %get3A_664 = arith.constant 832 : index
      %get3A_665 = tpu.vector_load %arg6[%get3A_663, %get3A_664] {strides = array<i32>} : memref<56x1024xf32, #tpu.memory_space<vmem>>, vector<1x16xf32>,
      %get3A_666 = vector.shape_cast %get3A_665 : vector<1x16xf32> to vector<16xf32>
      %swap3A_667 = arith.constant 0 : i32
      %swap3A_668 = arith.index_cast %swap3A_667 : i32 to index
      %swap3A_669 = arith.constant 832 : index
      %swap3A_670 = tpu.vector_load %arg9[%swap3A_668, %swap3A_669] {strides = array<i32>} : memref<2x1000xf32, #tpu.memory_space<vmem>>, vector<1x16xf32>,
      %swap3A_671 = vector.shape_cast %swap3A_670 : vector<1x16xf32> to vector<16xf32>
      %swap3A_672 = vector.shape_cast %get3A_666 : vector<16xf32> to vector<1x16xf32>
      tpu.vector_store %arg9[%swap3A_668, %swap3A_669], %swap3A_672 {strides = array<i32>} : memref<2x1000xf32, #tpu.memory_space<vmem>>, vector<1x16xf32>,
      %get3A_673 = arith.constant 48 : i32
      %get3A_674 = arith.index_cast %get3A_673 : i32 to index
      %get3A_675 = arith.constant 848 : index
      %get3A_676 = tpu.vector_load %arg6[%get3A_674, %get3A_675] {strides = array<i32>} : memref<56x1024xf32, #tpu.memory_space<vmem>>, vector<1x16xf32>,
      %get3A_677 = vector.shape_cast %get3A_676 : vector<1x16xf32> to vector<16xf32>
      %swap3A_678 = arith.constant 0 : i32
      %swap3A_679 = arith.index_cast %swap3A_678 : i32 to index
      %swap3A_680 = arith.constant 848 : index
      %swap3A_681 = tpu.vector_load %arg9[%swap3A_679, %swap3A_680] {strides = array<i32>} : memref<2x1000xf32, #tpu.memory_space<vmem>>, vector<1x16xf32>,
      %swap3A_682 = vector.shape_cast %swap3A_681 : vector<1x16xf32> to vector<16xf32>
      %swap3A_683 = vector.shape_cast %get3A_677 : vector<16xf32> to vector<1x16xf32>
      tpu.vector_store %arg9[%swap3A_679, %swap3A_680], %swap3A_683 {strides = array<i32>} : memref<2x1000xf32, #tpu.memory_space<vmem>>, vector<1x16xf32>,
      %get3A_684 = arith.constant 48 : i32
      %get3A_685 = arith.index_cast %get3A_684 : i32 to index
      %get3A_686 = arith.constant 864 : index
      %get3A_687 = tpu.vector_load %arg6[%get3A_685, %get3A_686] {strides = array<i32>} : memref<56x1024xf32, #tpu.memory_space<vmem>>, vector<1x16xf32>,
      %get3A_688 = vector.shape_cast %get3A_687 : vector<1x16xf32> to vector<16xf32>
      %swap3A_689 = arith.constant 0 : i32
      %swap3A_690 = arith.index_cast %swap3A_689 : i32 to index
      %swap3A_691 = arith.constant 864 : index
      %swap3A_692 = tpu.vector_load %arg9[%swap3A_690, %swap3A_691] {strides = array<i32>} : memref<2x1000xf32, #tpu.memory_space<vmem>>, vector<1x16xf32>,
      %swap3A_693 = vector.shape_cast %swap3A_692 : vector<1x16xf32> to vector<16xf32>
      %swap3A_694 = vector.shape_cast %get3A_688 : vector<16xf32> to vector<1x16xf32>
      tpu.vector_store %arg9[%swap3A_690, %swap3A_691], %swap3A_694 {strides = array<i32>} : memref<2x1000xf32, #tpu.memory_space<vmem>>, vector<1x16xf32>,
      %get3A_695 = arith.constant 48 : i32
      %get3A_696 = arith.index_cast %get3A_695 : i32 to index
      %get3A_697 = arith.constant 880 : index
      %get3A_698 = tpu.vector_load %arg6[%get3A_696, %get3A_697] {strides = array<i32>} : memref<56x1024xf32, #tpu.memory_space<vmem>>, vector<1x16xf32>,
      %get3A_699 = vector.shape_cast %get3A_698 : vector<1x16xf32> to vector<16xf32>
      %swap3A_700 = arith.constant 0 : i32
      %swap3A_701 = arith.index_cast %swap3A_700 : i32 to index
      %swap3A_702 = arith.constant 880 : index
      %swap3A_703 = tpu.vector_load %arg9[%swap3A_701, %swap3A_702] {strides = array<i32>} : memref<2x1000xf32, #tpu.memory_space<vmem>>, vector<1x16xf32>,
      %swap3A_704 = vector.shape_cast %swap3A_703 : vector<1x16xf32> to vector<16xf32>
      %swap3A_705 = vector.shape_cast %get3A_699 : vector<16xf32> to vector<1x16xf32>
      tpu.vector_store %arg9[%swap3A_701, %swap3A_702], %swap3A_705 {strides = array<i32>} : memref<2x1000xf32, #tpu.memory_space<vmem>>, vector<1x16xf32>,
      %get3A_706 = arith.constant 48 : i32
      %get3A_707 = arith.index_cast %get3A_706 : i32 to index
      %get3A_708 = arith.constant 896 : index
      %get3A_709 = tpu.vector_load %arg6[%get3A_707, %get3A_708] {strides = array<i32>} : memref<56x1024xf32, #tpu.memory_space<vmem>>, vector<1x16xf32>,
      %get3A_710 = vector.shape_cast %get3A_709 : vector<1x16xf32> to vector<16xf32>
      %swap3A_711 = arith.constant 0 : i32
      %swap3A_712 = arith.index_cast %swap3A_711 : i32 to index
      %swap3A_713 = arith.constant 896 : index
      %swap3A_714 = tpu.vector_load %arg9[%swap3A_712, %swap3A_713] {strides = array<i32>} : memref<2x1000xf32, #tpu.memory_space<vmem>>, vector<1x16xf32>,
      %swap3A_715 = vector.shape_cast %swap3A_714 : vector<1x16xf32> to vector<16xf32>
      %swap3A_716 = vector.shape_cast %get3A_710 : vector<16xf32> to vector<1x16xf32>
      tpu.vector_store %arg9[%swap3A_712, %swap3A_713], %swap3A_716 {strides = array<i32>} : memref<2x1000xf32, #tpu.memory_space<vmem>>, vector<1x16xf32>,
      %get3A_717 = arith.constant 48 : i32
      %get3A_718 = arith.index_cast %get3A_717 : i32 to index
      %get3A_719 = arith.constant 912 : index
      %get3A_720 = tpu.vector_load %arg6[%get3A_718, %get3A_719] {strides = array<i32>} : memref<56x1024xf32, #tpu.memory_space<vmem>>, vector<1x16xf32>,
      %get3A_721 = vector.shape_cast %get3A_720 : vector<1x16xf32> to vector<16xf32>
      %swap3A_722 = arith.constant 0 : i32
      %swap3A_723 = arith.index_cast %swap3A_722 : i32 to index
      %swap3A_724 = arith.constant 912 : index
      %swap3A_725 = tpu.vector_load %arg9[%swap3A_723, %swap3A_724] {strides = array<i32>} : memref<2x1000xf32, #tpu.memory_space<vmem>>, vector<1x16xf32>,
      %swap3A_726 = vector.shape_cast %swap3A_725 : vector<1x16xf32> to vector<16xf32>
      %swap3A_727 = vector.shape_cast %get3A_721 : vector<16xf32> to vector<1x16xf32>
      tpu.vector_store %arg9[%swap3A_723, %swap3A_724], %swap3A_727 {strides = array<i32>} : memref<2x1000xf32, #tpu.memory_space<vmem>>, vector<1x16xf32>,
      %get3A_728 = arith.constant 48 : i32
      %get3A_729 = arith.index_cast %get3A_728 : i32 to index
      %get3A_730 = arith.constant 928 : index
      %get3A_731 = tpu.vector_load %arg6[%get3A_729, %get3A_730] {strides = array<i32>} : memref<56x1024xf32, #tpu.memory_space<vmem>>, vector<1x16xf32>,
      %get3A_732 = vector.shape_cast %get3A_731 : vector<1x16xf32> to vector<16xf32>
      %swap3A_733 = arith.constant 0 : i32
      %swap3A_734 = arith.index_cast %swap3A_733 : i32 to index
      %swap3A_735 = arith.constant 928 : index
      %swap3A_736 = tpu.vector_load %arg9[%swap3A_734, %swap3A_735] {strides = array<i32>} : memref<2x1000xf32, #tpu.memory_space<vmem>>, vector<1x16xf32>,
      %swap3A_737 = vector.shape_cast %swap3A_736 : vector<1x16xf32> to vector<16xf32>
      %swap3A_738 = vector.shape_cast %get3A_732 : vector<16xf32> to vector<1x16xf32>
      tpu.vector_store %arg9[%swap3A_734, %swap3A_735], %swap3A_738 {strides = array<i32>} : memref<2x1000xf32, #tpu.memory_space<vmem>>, vector<1x16xf32>,
      %get3A_739 = arith.constant 48 : i32
      %get3A_740 = arith.index_cast %get3A_739 : i32 to index
      %get3A_741 = arith.constant 944 : index
      %get3A_742 = tpu.vector_load %arg6[%get3A_740, %get3A_741] {strides = array<i32>} : memref<56x1024xf32, #tpu.memory_space<vmem>>, vector<1x16xf32>,
      %get3A_743 = vector.shape_cast %get3A_742 : vector<1x16xf32> to vector<16xf32>
      %swap3A_744 = arith.constant 0 : i32
      %swap3A_745 = arith.index_cast %swap3A_744 : i32 to index
      %swap3A_746 = arith.constant 944 : index
      %swap3A_747 = tpu.vector_load %arg9[%swap3A_745, %swap3A_746] {strides = array<i32>} : memref<2x1000xf32, #tpu.memory_space<vmem>>, vector<1x16xf32>,
      %swap3A_748 = vector.shape_cast %swap3A_747 : vector<1x16xf32> to vector<16xf32>
      %swap3A_749 = vector.shape_cast %get3A_743 : vector<16xf32> to vector<1x16xf32>
      tpu.vector_store %arg9[%swap3A_745, %swap3A_746], %swap3A_749 {strides = array<i32>} : memref<2x1000xf32, #tpu.memory_space<vmem>>, vector<1x16xf32>,
      %get3A_750 = arith.constant 48 : i32
      %get3A_751 = arith.index_cast %get3A_750 : i32 to index
      %get3A_752 = arith.constant 960 : index
      %get3A_753 = tpu.vector_load %arg6[%get3A_751, %get3A_752] {strides = array<i32>} : memref<56x1024xf32, #tpu.memory_space<vmem>>, vector<1x16xf32>,
      %get3A_754 = vector.shape_cast %get3A_753 : vector<1x16xf32> to vector<16xf32>
      %swap3A_755 = arith.constant 0 : i32
      %swap3A_756 = arith.index_cast %swap3A_755 : i32 to index
      %swap3A_757 = arith.constant 960 : index
      %swap3A_758 = tpu.vector_load %arg9[%swap3A_756, %swap3A_757] {strides = array<i32>} : memref<2x1000xf32, #tpu.memory_space<vmem>>, vector<1x16xf32>,
      %swap3A_759 = vector.shape_cast %swap3A_758 : vector<1x16xf32> to vector<16xf32>
      %swap3A_760 = vector.shape_cast %get3A_754 : vector<16xf32> to vector<1x16xf32>
      tpu.vector_store %arg9[%swap3A_756, %swap3A_757], %swap3A_760 {strides = array<i32>} : memref<2x1000xf32, #tpu.memory_space<vmem>>, vector<1x16xf32>,
      %get3A_761 = arith.constant 48 : i32
      %get3A_762 = arith.index_cast %get3A_761 : i32 to index
      %get3A_763 = arith.constant 976 : index
      %get3A_764 = tpu.vector_load %arg6[%get3A_762, %get3A_763] {strides = array<i32>} : memref<56x1024xf32, #tpu.memory_space<vmem>>, vector<1x16xf32>,
      %get3A_765 = vector.shape_cast %get3A_764 : vector<1x16xf32> to vector<16xf32>
      %swap3A_766 = arith.constant 0 : i32
      %swap3A_767 = arith.index_cast %swap3A_766 : i32 to index
      %swap3A_768 = arith.constant 976 : index
      %swap3A_769 = tpu.vector_load %arg9[%swap3A_767, %swap3A_768] {strides = array<i32>} : memref<2x1000xf32, #tpu.memory_space<vmem>>, vector<1x16xf32>,
      %swap3A_770 = vector.shape_cast %swap3A_769 : vector<1x16xf32> to vector<16xf32>
      %swap3A_771 = vector.shape_cast %get3A_765 : vector<16xf32> to vector<1x16xf32>
      tpu.vector_store %arg9[%swap3A_767, %swap3A_768], %swap3A_771 {strides = array<i32>} : memref<2x1000xf32, #tpu.memory_space<vmem>>, vector<1x16xf32>,
      %get3A_772 = arith.constant 48 : i32
      %get3A_773 = arith.index_cast %get3A_772 : i32 to index
      %get3A_774 = arith.constant 984 : index
      %get3A_775 = tpu.vector_load %arg6[%get3A_773, %get3A_774] {strides = array<i32>} : memref<56x1024xf32, #tpu.memory_space<vmem>>, vector<1x16xf32>,
      %get3A_776 = vector.shape_cast %get3A_775 : vector<1x16xf32> to vector<16xf32>
      %swap3A_777 = arith.constant 0 : i32
      %swap3A_778 = arith.index_cast %swap3A_777 : i32 to index
      %swap3A_779 = arith.constant 984 : index
      %swap3A_780 = tpu.vector_load %arg9[%swap3A_778, %swap3A_779] {strides = array<i32>} : memref<2x1000xf32, #tpu.memory_space<vmem>>, vector<1x16xf32>,
      %swap3A_781 = vector.shape_cast %swap3A_780 : vector<1x16xf32> to vector<16xf32>
      %swap3A_782 = vector.shape_cast %get3A_776 : vector<16xf32> to vector<1x16xf32>
      tpu.vector_store %arg9[%swap3A_778, %swap3A_779], %swap3A_782 {strides = array<i32>} : memref<2x1000xf32, #tpu.memory_space<vmem>>, vector<1x16xf32>,
      %get3A_783 = arith.constant 49 : i32
      %get3A_784 = arith.index_cast %get3A_783 : i32 to index
      %get3A_785 = arith.constant 0 : index
      %get3A_786 = tpu.vector_load %arg6[%get3A_784, %get3A_785] {strides = array<i32>} : memref<56x1024xf32, #tpu.memory_space<vmem>>, vector<1x16xf32>,
      %get3A_787 = vector.shape_cast %get3A_786 : vector<1x16xf32> to vector<16xf32>
      %swap3A_788 = arith.constant 1 : i32
      %swap3A_789 = arith.index_cast %swap3A_788 : i32 to index
      %swap3A_790 = arith.constant 0 : index
      %swap3A_791 = tpu.vector_load %arg9[%swap3A_789, %swap3A_790] {strides = array<i32>} : memref<2x1000xf32, #tpu.memory_space<vmem>>, vector<1x16xf32>,
      %swap3A_792 = vector.shape_cast %swap3A_791 : vector<1x16xf32> to vector<16xf32>
      %swap3A_793 = vector.shape_cast %get3A_787 : vector<16xf32> to vector<1x16xf32>
      tpu.vector_store %arg9[%swap3A_789, %swap3A_790], %swap3A_793 {strides = array<i32>} : memref<2x1000xf32, #tpu.memory_space<vmem>>, vector<1x16xf32>,
      %get3A_794 = arith.constant 49 : i32
      %get3A_795 = arith.index_cast %get3A_794 : i32 to index
      %get3A_796 = arith.constant 16 : index
      %get3A_797 = tpu.vector_load %arg6[%get3A_795, %get3A_796] {strides = array<i32>} : memref<56x1024xf32, #tpu.memory_space<vmem>>, vector<1x16xf32>,
      %get3A_798 = vector.shape_cast %get3A_797 : vector<1x16xf32> to vector<16xf32>
      %swap3A_799 = arith.constant 1 : i32
      %swap3A_800 = arith.index_cast %swap3A_799 : i32 to index
      %swap3A_801 = arith.constant 16 : index
      %swap3A_802 = tpu.vector_load %arg9[%swap3A_800, %swap3A_801] {strides = array<i32>} : memref<2x1000xf32, #tpu.memory_space<vmem>>, vector<1x16xf32>,
      %swap3A_803 = vector.shape_cast %swap3A_802 : vector<1x16xf32> to vector<16xf32>
      %swap3A_804 = vector.shape_cast %get3A_798 : vector<16xf32> to vector<1x16xf32>
      tpu.vector_store %arg9[%swap3A_800, %swap3A_801], %swap3A_804 {strides = array<i32>} : memref<2x1000xf32, #tpu.memory_space<vmem>>, vector<1x16xf32>,
      %get3A_805 = arith.constant 49 : i32
      %get3A_806 = arith.index_cast %get3A_805 : i32 to index
      %get3A_807 = arith.constant 32 : index
      %get3A_808 = tpu.vector_load %arg6[%get3A_806, %get3A_807] {strides = array<i32>} : memref<56x1024xf32, #tpu.memory_space<vmem>>, vector<1x16xf32>,
      %get3A_809 = vector.shape_cast %get3A_808 : vector<1x16xf32> to vector<16xf32>
      %swap3A_810 = arith.constant 1 : i32
      %swap3A_811 = arith.index_cast %swap3A_810 : i32 to index
      %swap3A_812 = arith.constant 32 : index
      %swap3A_813 = tpu.vector_load %arg9[%swap3A_811, %swap3A_812] {strides = array<i32>} : memref<2x1000xf32, #tpu.memory_space<vmem>>, vector<1x16xf32>,
      %swap3A_814 = vector.shape_cast %swap3A_813 : vector<1x16xf32> to vector<16xf32>
      %swap3A_815 = vector.shape_cast %get3A_809 : vector<16xf32> to vector<1x16xf32>
      tpu.vector_store %arg9[%swap3A_811, %swap3A_812], %swap3A_815 {strides = array<i32>} : memref<2x1000xf32, #tpu.memory_space<vmem>>, vector<1x16xf32>,
      %get3A_816 = arith.constant 49 : i32
      %get3A_817 = arith.index_cast %get3A_816 : i32 to index
      %get3A_818 = arith.constant 48 : index
      %get3A_819 = tpu.vector_load %arg6[%get3A_817, %get3A_818] {strides = array<i32>} : memref<56x1024xf32, #tpu.memory_space<vmem>>, vector<1x16xf32>,
      %get3A_820 = vector.shape_cast %get3A_819 : vector<1x16xf32> to vector<16xf32>
      %swap3A_821 = arith.constant 1 : i32
      %swap3A_822 = arith.index_cast %swap3A_821 : i32 to index
      %swap3A_823 = arith.constant 48 : index
      %swap3A_824 = tpu.vector_load %arg9[%swap3A_822, %swap3A_823] {strides = array<i32>} : memref<2x1000xf32, #tpu.memory_space<vmem>>, vector<1x16xf32>,
      %swap3A_825 = vector.shape_cast %swap3A_824 : vector<1x16xf32> to vector<16xf32>
      %swap3A_826 = vector.shape_cast %get3A_820 : vector<16xf32> to vector<1x16xf32>
      tpu.vector_store %arg9[%swap3A_822, %swap3A_823], %swap3A_826 {strides = array<i32>} : memref<2x1000xf32, #tpu.memory_space<vmem>>, vector<1x16xf32>,
      %get3A_827 = arith.constant 49 : i32
      %get3A_828 = arith.index_cast %get3A_827 : i32 to index
      %get3A_829 = arith.constant 64 : index
      %get3A_830 = tpu.vector_load %arg6[%get3A_828, %get3A_829] {strides = array<i32>} : memref<56x1024xf32, #tpu.memory_space<vmem>>, vector<1x16xf32>,
      %get3A_831 = vector.shape_cast %get3A_830 : vector<1x16xf32> to vector<16xf32>
      %swap3A_832 = arith.constant 1 : i32
      %swap3A_833 = arith.index_cast %swap3A_832 : i32 to index
      %swap3A_834 = arith.constant 64 : index
      %swap3A_835 = tpu.vector_load %arg9[%swap3A_833, %swap3A_834] {strides = array<i32>} : memref<2x1000xf32, #tpu.memory_space<vmem>>, vector<1x16xf32>,
      %swap3A_836 = vector.shape_cast %swap3A_835 : vector<1x16xf32> to vector<16xf32>
      %swap3A_837 = vector.shape_cast %get3A_831 : vector<16xf32> to vector<1x16xf32>
      tpu.vector_store %arg9[%swap3A_833, %swap3A_834], %swap3A_837 {strides = array<i32>} : memref<2x1000xf32, #tpu.memory_space<vmem>>, vector<1x16xf32>,
      %get3A_838 = arith.constant 49 : i32
      %get3A_839 = arith.index_cast %get3A_838 : i32 to index
      %get3A_840 = arith.constant 80 : index
      %get3A_841 = tpu.vector_load %arg6[%get3A_839, %get3A_840] {strides = array<i32>} : memref<56x1024xf32, #tpu.memory_space<vmem>>, vector<1x16xf32>,
      %get3A_842 = vector.shape_cast %get3A_841 : vector<1x16xf32> to vector<16xf32>
      %swap3A_843 = arith.constant 1 : i32
      %swap3A_844 = arith.index_cast %swap3A_843 : i32 to index
      %swap3A_845 = arith.constant 80 : index
      %swap3A_846 = tpu.vector_load %arg9[%swap3A_844, %swap3A_845] {strides = array<i32>} : memref<2x1000xf32, #tpu.memory_space<vmem>>, vector<1x16xf32>,
      %swap3A_847 = vector.shape_cast %swap3A_846 : vector<1x16xf32> to vector<16xf32>
      %swap3A_848 = vector.shape_cast %get3A_842 : vector<16xf32> to vector<1x16xf32>
      tpu.vector_store %arg9[%swap3A_844, %swap3A_845], %swap3A_848 {strides = array<i32>} : memref<2x1000xf32, #tpu.memory_space<vmem>>, vector<1x16xf32>,
      %get3A_849 = arith.constant 49 : i32
      %get3A_850 = arith.index_cast %get3A_849 : i32 to index
      %get3A_851 = arith.constant 96 : index
      %get3A_852 = tpu.vector_load %arg6[%get3A_850, %get3A_851] {strides = array<i32>} : memref<56x1024xf32, #tpu.memory_space<vmem>>, vector<1x16xf32>,
      %get3A_853 = vector.shape_cast %get3A_852 : vector<1x16xf32> to vector<16xf32>
      %swap3A_854 = arith.constant 1 : i32
      %swap3A_855 = arith.index_cast %swap3A_854 : i32 to index
      %swap3A_856 = arith.constant 96 : index
      %swap3A_857 = tpu.vector_load %arg9[%swap3A_855, %swap3A_856] {strides = array<i32>} : memref<2x1000xf32, #tpu.memory_space<vmem>>, vector<1x16xf32>,
      %swap3A_858 = vector.shape_cast %swap3A_857 : vector<1x16xf32> to vector<16xf32>
      %swap3A_859 = vector.shape_cast %get3A_853 : vector<16xf32> to vector<1x16xf32>
      tpu.vector_store %arg9[%swap3A_855, %swap3A_856], %swap3A_859 {strides = array<i32>} : memref<2x1000xf32, #tpu.memory_space<vmem>>, vector<1x16xf32>,
      %get3A_860 = arith.constant 49 : i32
      %get3A_861 = arith.index_cast %get3A_860 : i32 to index
      %get3A_862 = arith.constant 112 : index
      %get3A_863 = tpu.vector_load %arg6[%get3A_861, %get3A_862] {strides = array<i32>} : memref<56x1024xf32, #tpu.memory_space<vmem>>, vector<1x16xf32>,
      %get3A_864 = vector.shape_cast %get3A_863 : vector<1x16xf32> to vector<16xf32>
      %swap3A_865 = arith.constant 1 : i32
      %swap3A_866 = arith.index_cast %swap3A_865 : i32 to index
      %swap3A_867 = arith.constant 112 : index
      %swap3A_868 = tpu.vector_load %arg9[%swap3A_866, %swap3A_867] {strides = array<i32>} : memref<2x1000xf32, #tpu.memory_space<vmem>>, vector<1x16xf32>,
      %swap3A_869 = vector.shape_cast %swap3A_868 : vector<1x16xf32> to vector<16xf32>
      %swap3A_870 = vector.shape_cast %get3A_864 : vector<16xf32> to vector<1x16xf32>
      tpu.vector_store %arg9[%swap3A_866, %swap3A_867], %swap3A_870 {strides = array<i32>} : memref<2x1000xf32, #tpu.memory_space<vmem>>, vector<1x16xf32>,
      %get3A_871 = arith.constant 49 : i32
      %get3A_872 = arith.index_cast %get3A_871 : i32 to index
      %get3A_873 = arith.constant 128 : index
      %get3A_874 = tpu.vector_load %arg6[%get3A_872, %get3A_873] {strides = array<i32>} : memref<56x1024xf32, #tpu.memory_space<vmem>>, vector<1x16xf32>,
      %get3A_875 = vector.shape_cast %get3A_874 : vector<1x16xf32> to vector<16xf32>
      %swap3A_876 = arith.constant 1 : i32
      %swap3A_877 = arith.index_cast %swap3A_876 : i32 to index
      %swap3A_878 = arith.constant 128 : index
      %swap3A_879 = tpu.vector_load %arg9[%swap3A_877, %swap3A_878] {strides = array<i32>} : memref<2x1000xf32, #tpu.memory_space<vmem>>, vector<1x16xf32>,
      %swap3A_880 = vector.shape_cast %swap3A_879 : vector<1x16xf32> to vector<16xf32>
      %swap3A_881 = vector.shape_cast %get3A_875 : vector<16xf32> to vector<1x16xf32>
      tpu.vector_store %arg9[%swap3A_877, %swap3A_878], %swap3A_881 {strides = array<i32>} : memref<2x1000xf32, #tpu.memory_space<vmem>>, vector<1x16xf32>,
      %get3A_882 = arith.constant 49 : i32
      %get3A_883 = arith.index_cast %get3A_882 : i32 to index
      %get3A_884 = arith.constant 144 : index
      %get3A_885 = tpu.vector_load %arg6[%get3A_883, %get3A_884] {strides = array<i32>} : memref<56x1024xf32, #tpu.memory_space<vmem>>, vector<1x16xf32>,
      %get3A_886 = vector.shape_cast %get3A_885 : vector<1x16xf32> to vector<16xf32>
      %swap3A_887 = arith.constant 1 : i32
      %swap3A_888 = arith.index_cast %swap3A_887 : i32 to index
      %swap3A_889 = arith.constant 144 : index
      %swap3A_890 = tpu.vector_load %arg9[%swap3A_888, %swap3A_889] {strides = array<i32>} : memref<2x1000xf32, #tpu.memory_space<vmem>>, vector<1x16xf32>,
      %swap3A_891 = vector.shape_cast %swap3A_890 : vector<1x16xf32> to vector<16xf32>
      %swap3A_892 = vector.shape_cast %get3A_886 : vector<16xf32> to vector<1x16xf32>
      tpu.vector_store %arg9[%swap3A_888, %swap3A_889], %swap3A_892 {strides = array<i32>} : memref<2x1000xf32, #tpu.memory_space<vmem>>, vector<1x16xf32>,
      %get3A_893 = arith.constant 49 : i32
      %get3A_894 = arith.index_cast %get3A_893 : i32 to index
      %get3A_895 = arith.constant 160 : index
      %get3A_896 = tpu.vector_load %arg6[%get3A_894, %get3A_895] {strides = array<i32>} : memref<56x1024xf32, #tpu.memory_space<vmem>>, vector<1x16xf32>,
      %get3A_897 = vector.shape_cast %get3A_896 : vector<1x16xf32> to vector<16xf32>
      %swap3A_898 = arith.constant 1 : i32
      %swap3A_899 = arith.index_cast %swap3A_898 : i32 to index
      %swap3A_900 = arith.constant 160 : index
      %swap3A_901 = tpu.vector_load %arg9[%swap3A_899, %swap3A_900] {strides = array<i32>} : memref<2x1000xf32, #tpu.memory_space<vmem>>, vector<1x16xf32>,
      %swap3A_902 = vector.shape_cast %swap3A_901 : vector<1x16xf32> to vector<16xf32>
      %swap3A_903 = vector.shape_cast %get3A_897 : vector<16xf32> to vector<1x16xf32>
      tpu.vector_store %arg9[%swap3A_899, %swap3A_900], %swap3A_903 {strides = array<i32>} : memref<2x1000xf32, #tpu.memory_space<vmem>>, vector<1x16xf32>,
      %get3A_904 = arith.constant 49 : i32
      %get3A_905 = arith.index_cast %get3A_904 : i32 to index
      %get3A_906 = arith.constant 176 : index
      %get3A_907 = tpu.vector_load %arg6[%get3A_905, %get3A_906] {strides = array<i32>} : memref<56x1024xf32, #tpu.memory_space<vmem>>, vector<1x16xf32>,
      %get3A_908 = vector.shape_cast %get3A_907 : vector<1x16xf32> to vector<16xf32>
      %swap3A_909 = arith.constant 1 : i32
      %swap3A_910 = arith.index_cast %swap3A_909 : i32 to index
      %swap3A_911 = arith.constant 176 : index
      %swap3A_912 = tpu.vector_load %arg9[%swap3A_910, %swap3A_911] {strides = array<i32>} : memref<2x1000xf32, #tpu.memory_space<vmem>>, vector<1x16xf32>,
      %swap3A_913 = vector.shape_cast %swap3A_912 : vector<1x16xf32> to vector<16xf32>
      %swap3A_914 = vector.shape_cast %get3A_908 : vector<16xf32> to vector<1x16xf32>
      tpu.vector_store %arg9[%swap3A_910, %swap3A_911], %swap3A_914 {strides = array<i32>} : memref<2x1000xf32, #tpu.memory_space<vmem>>, vector<1x16xf32>,
      %get3A_915 = arith.constant 49 : i32
      %get3A_916 = arith.index_cast %get3A_915 : i32 to index
      %get3A_917 = arith.constant 192 : index
      %get3A_918 = tpu.vector_load %arg6[%get3A_916, %get3A_917] {strides = array<i32>} : memref<56x1024xf32, #tpu.memory_space<vmem>>, vector<1x16xf32>,
      %get3A_919 = vector.shape_cast %get3A_918 : vector<1x16xf32> to vector<16xf32>
      %swap3A_920 = arith.constant 1 : i32
      %swap3A_921 = arith.index_cast %swap3A_920 : i32 to index
      %swap3A_922 = arith.constant 192 : index
      %swap3A_923 = tpu.vector_load %arg9[%swap3A_921, %swap3A_922] {strides = array<i32>} : memref<2x1000xf32, #tpu.memory_space<vmem>>, vector<1x16xf32>,
      %swap3A_924 = vector.shape_cast %swap3A_923 : vector<1x16xf32> to vector<16xf32>
      %swap3A_925 = vector.shape_cast %get3A_919 : vector<16xf32> to vector<1x16xf32>
      tpu.vector_store %arg9[%swap3A_921, %swap3A_922], %swap3A_925 {strides = array<i32>} : memref<2x1000xf32, #tpu.memory_space<vmem>>, vector<1x16xf32>,
      %get3A_926 = arith.constant 49 : i32
      %get3A_927 = arith.index_cast %get3A_926 : i32 to index
      %get3A_928 = arith.constant 208 : index
      %get3A_929 = tpu.vector_load %arg6[%get3A_927, %get3A_928] {strides = array<i32>} : memref<56x1024xf32, #tpu.memory_space<vmem>>, vector<1x16xf32>,
      %get3A_930 = vector.shape_cast %get3A_929 : vector<1x16xf32> to vector<16xf32>
      %swap3A_931 = arith.constant 1 : i32
      %swap3A_932 = arith.index_cast %swap3A_931 : i32 to index
      %swap3A_933 = arith.constant 208 : index
      %swap3A_934 = tpu.vector_load %arg9[%swap3A_932, %swap3A_933] {strides = array<i32>} : memref<2x1000xf32, #tpu.memory_space<vmem>>, vector<1x16xf32>,
      %swap3A_935 = vector.shape_cast %swap3A_934 : vector<1x16xf32> to vector<16xf32>
      %swap3A_936 = vector.shape_cast %get3A_930 : vector<16xf32> to vector<1x16xf32>
      tpu.vector_store %arg9[%swap3A_932, %swap3A_933], %swap3A_936 {strides = array<i32>} : memref<2x1000xf32, #tpu.memory_space<vmem>>, vector<1x16xf32>,
      %get3A_937 = arith.constant 49 : i32
      %get3A_938 = arith.index_cast %get3A_937 : i32 to index
      %get3A_939 = arith.constant 224 : index
      %get3A_940 = tpu.vector_load %arg6[%get3A_938, %get3A_939] {strides = array<i32>} : memref<56x1024xf32, #tpu.memory_space<vmem>>, vector<1x16xf32>,
      %get3A_941 = vector.shape_cast %get3A_940 : vector<1x16xf32> to vector<16xf32>
      %swap3A_942 = arith.constant 1 : i32
      %swap3A_943 = arith.index_cast %swap3A_942 : i32 to index
      %swap3A_944 = arith.constant 224 : index
      %swap3A_945 = tpu.vector_load %arg9[%swap3A_943, %swap3A_944] {strides = array<i32>} : memref<2x1000xf32, #tpu.memory_space<vmem>>, vector<1x16xf32>,
      %swap3A_946 = vector.shape_cast %swap3A_945 : vector<1x16xf32> to vector<16xf32>
      %swap3A_947 = vector.shape_cast %get3A_941 : vector<16xf32> to vector<1x16xf32>
      tpu.vector_store %arg9[%swap3A_943, %swap3A_944], %swap3A_947 {strides = array<i32>} : memref<2x1000xf32, #tpu.memory_space<vmem>>, vector<1x16xf32>,
      %get3A_948 = arith.constant 49 : i32
      %get3A_949 = arith.index_cast %get3A_948 : i32 to index
      %get3A_950 = arith.constant 240 : index
      %get3A_951 = tpu.vector_load %arg6[%get3A_949, %get3A_950] {strides = array<i32>} : memref<56x1024xf32, #tpu.memory_space<vmem>>, vector<1x16xf32>,
      %get3A_952 = vector.shape_cast %get3A_951 : vector<1x16xf32> to vector<16xf32>
      %swap3A_953 = arith.constant 1 : i32
      %swap3A_954 = arith.index_cast %swap3A_953 : i32 to index
      %swap3A_955 = arith.constant 240 : index
      %swap3A_956 = tpu.vector_load %arg9[%swap3A_954, %swap3A_955] {strides = array<i32>} : memref<2x1000xf32, #tpu.memory_space<vmem>>, vector<1x16xf32>,
      %swap3A_957 = vector.shape_cast %swap3A_956 : vector<1x16xf32> to vector<16xf32>
      %swap3A_958 = vector.shape_cast %get3A_952 : vector<16xf32> to vector<1x16xf32>
      tpu.vector_store %arg9[%swap3A_954, %swap3A_955], %swap3A_958 {strides = array<i32>} : memref<2x1000xf32, #tpu.memory_space<vmem>>, vector<1x16xf32>,
      %get3A_959 = arith.constant 49 : i32
      %get3A_960 = arith.index_cast %get3A_959 : i32 to index
      %get3A_961 = arith.constant 256 : index
      %get3A_962 = tpu.vector_load %arg6[%get3A_960, %get3A_961] {strides = array<i32>} : memref<56x1024xf32, #tpu.memory_space<vmem>>, vector<1x16xf32>,
      %get3A_963 = vector.shape_cast %get3A_962 : vector<1x16xf32> to vector<16xf32>
      %swap3A_964 = arith.constant 1 : i32
      %swap3A_965 = arith.index_cast %swap3A_964 : i32 to index
      %swap3A_966 = arith.constant 256 : index
      %swap3A_967 = tpu.vector_load %arg9[%swap3A_965, %swap3A_966] {strides = array<i32>} : memref<2x1000xf32, #tpu.memory_space<vmem>>, vector<1x16xf32>,
      %swap3A_968 = vector.shape_cast %swap3A_967 : vector<1x16xf32> to vector<16xf32>
      %swap3A_969 = vector.shape_cast %get3A_963 : vector<16xf32> to vector<1x16xf32>
      tpu.vector_store %arg9[%swap3A_965, %swap3A_966], %swap3A_969 {strides = array<i32>} : memref<2x1000xf32, #tpu.memory_space<vmem>>, vector<1x16xf32>,
      %get3A_970 = arith.constant 49 : i32
      %get3A_971 = arith.index_cast %get3A_970 : i32 to index
      %get3A_972 = arith.constant 272 : index
      %get3A_973 = tpu.vector_load %arg6[%get3A_971, %get3A_972] {strides = array<i32>} : memref<56x1024xf32, #tpu.memory_space<vmem>>, vector<1x16xf32>,
      %get3A_974 = vector.shape_cast %get3A_973 : vector<1x16xf32> to vector<16xf32>
      %swap3A_975 = arith.constant 1 : i32
      %swap3A_976 = arith.index_cast %swap3A_975 : i32 to index
      %swap3A_977 = arith.constant 272 : index
      %swap3A_978 = tpu.vector_load %arg9[%swap3A_976, %swap3A_977] {strides = array<i32>} : memref<2x1000xf32, #tpu.memory_space<vmem>>, vector<1x16xf32>,
      %swap3A_979 = vector.shape_cast %swap3A_978 : vector<1x16xf32> to vector<16xf32>
      %swap3A_980 = vector.shape_cast %get3A_974 : vector<16xf32> to vector<1x16xf32>
      tpu.vector_store %arg9[%swap3A_976, %swap3A_977], %swap3A_980 {strides = array<i32>} : memref<2x1000xf32, #tpu.memory_space<vmem>>, vector<1x16xf32>,
      %get3A_981 = arith.constant 49 : i32
      %get3A_982 = arith.index_cast %get3A_981 : i32 to index
      %get3A_983 = arith.constant 288 : index
      %get3A_984 = tpu.vector_load %arg6[%get3A_982, %get3A_983] {strides = array<i32>} : memref<56x1024xf32, #tpu.memory_space<vmem>>, vector<1x16xf32>,
      %get3A_985 = vector.shape_cast %get3A_984 : vector<1x16xf32> to vector<16xf32>
      %swap3A_986 = arith.constant 1 : i32
      %swap3A_987 = arith.index_cast %swap3A_986 : i32 to index
      %swap3A_988 = arith.constant 288 : index
      %swap3A_989 = tpu.vector_load %arg9[%swap3A_987, %swap3A_988] {strides = array<i32>} : memref<2x1000xf32, #tpu.memory_space<vmem>>, vector<1x16xf32>,
      %swap3A_990 = vector.shape_cast %swap3A_989 : vector<1x16xf32> to vector<16xf32>
      %swap3A_991 = vector.shape_cast %get3A_985 : vector<16xf32> to vector<1x16xf32>
      tpu.vector_store %arg9[%swap3A_987, %swap3A_988], %swap3A_991 {strides = array<i32>} : memref<2x1000xf32, #tpu.memory_space<vmem>>, vector<1x16xf32>,
      %get3A_992 = arith.constant 49 : i32
      %get3A_993 = arith.index_cast %get3A_992 : i32 to index
      %get3A_994 = arith.constant 304 : index
      %get3A_995 = tpu.vector_load %arg6[%get3A_993, %get3A_994] {strides = array<i32>} : memref<56x1024xf32, #tpu.memory_space<vmem>>, vector<1x16xf32>,
      %get3A_996 = vector.shape_cast %get3A_995 : vector<1x16xf32> to vector<16xf32>
      %swap3A_997 = arith.constant 1 : i32
      %swap3A_998 = arith.index_cast %swap3A_997 : i32 to index
      %swap3A_999 = arith.constant 304 : index
      %swap3A_1000 = tpu.vector_load %arg9[%swap3A_998, %swap3A_999] {strides = array<i32>} : memref<2x1000xf32, #tpu.memory_space<vmem>>, vector<1x16xf32>,
      %swap3A_1001 = vector.shape_cast %swap3A_1000 : vector<1x16xf32> to vector<16xf32>
      %swap3A_1002 = vector.shape_cast %get3A_996 : vector<16xf32> to vector<1x16xf32>
      tpu.vector_store %arg9[%swap3A_998, %swap3A_999], %swap3A_1002 {strides = array<i32>} : memref<2x1000xf32, #tpu.memory_space<vmem>>, vector<1x16xf32>,
      %get3A_1003 = arith.constant 49 : i32
      %get3A_1004 = arith.index_cast %get3A_1003 : i32 to index
      %get3A_1005 = arith.constant 320 : index
      %get3A_1006 = tpu.vector_load %arg6[%get3A_1004, %get3A_1005] {strides = array<i32>} : memref<56x1024xf32, #tpu.memory_space<vmem>>, vector<1x16xf32>,
      %get3A_1007 = vector.shape_cast %get3A_1006 : vector<1x16xf32> to vector<16xf32>
      %swap3A_1008 = arith.constant 1 : i32
      %swap3A_1009 = arith.index_cast %swap3A_1008 : i32 to index
      %swap3A_1010 = arith.constant 320 : index
      %swap3A_1011 = tpu.vector_load %arg9[%swap3A_1009, %swap3A_1010] {strides = array<i32>} : memref<2x1000xf32, #tpu.memory_space<vmem>>, vector<1x16xf32>,
      %swap3A_1012 = vector.shape_cast %swap3A_1011 : vector<1x16xf32> to vector<16xf32>
      %swap3A_1013 = vector.shape_cast %get3A_1007 : vector<16xf32> to vector<1x16xf32>
      tpu.vector_store %arg9[%swap3A_1009, %swap3A_1010], %swap3A_1013 {strides = array<i32>} : memref<2x1000xf32, #tpu.memory_space<vmem>>, vector<1x16xf32>,
      %get3A_1014 = arith.constant 49 : i32
      %get3A_1015 = arith.index_cast %get3A_1014 : i32 to index
      %get3A_1016 = arith.constant 336 : index
      %get3A_1017 = tpu.vector_load %arg6[%get3A_1015, %get3A_1016] {strides = array<i32>} : memref<56x1024xf32, #tpu.memory_space<vmem>>, vector<1x16xf32>,
      %get3A_1018 = vector.shape_cast %get3A_1017 : vector<1x16xf32> to vector<16xf32>
      %swap3A_1019 = arith.constant 1 : i32
      %swap3A_1020 = arith.index_cast %swap3A_1019 : i32 to index
      %swap3A_1021 = arith.constant 336 : index
      %swap3A_1022 = tpu.vector_load %arg9[%swap3A_1020, %swap3A_1021] {strides = array<i32>} : memref<2x1000xf32, #tpu.memory_space<vmem>>, vector<1x16xf32>,
      %swap3A_1023 = vector.shape_cast %swap3A_1022 : vector<1x16xf32> to vector<16xf32>
      %swap3A_1024 = vector.shape_cast %get3A_1018 : vector<16xf32> to vector<1x16xf32>
      tpu.vector_store %arg9[%swap3A_1020, %swap3A_1021], %swap3A_1024 {strides = array<i32>} : memref<2x1000xf32, #tpu.memory_space<vmem>>, vector<1x16xf32>,
      %get3A_1025 = arith.constant 49 : i32
      %get3A_1026 = arith.index_cast %get3A_1025 : i32 to index
      %get3A_1027 = arith.constant 352 : index
      %get3A_1028 = tpu.vector_load %arg6[%get3A_1026, %get3A_1027] {strides = array<i32>} : memref<56x1024xf32, #tpu.memory_space<vmem>>, vector<1x16xf32>,
      %get3A_1029 = vector.shape_cast %get3A_1028 : vector<1x16xf32> to vector<16xf32>
      %swap3A_1030 = arith.constant 1 : i32
      %swap3A_1031 = arith.index_cast %swap3A_1030 : i32 to index
      %swap3A_1032 = arith.constant 352 : index
      %swap3A_1033 = tpu.vector_load %arg9[%swap3A_1031, %swap3A_1032] {strides = array<i32>} : memref<2x1000xf32, #tpu.memory_space<vmem>>, vector<1x16xf32>,
      %swap3A_1034 = vector.shape_cast %swap3A_1033 : vector<1x16xf32> to vector<16xf32>
      %swap3A_1035 = vector.shape_cast %get3A_1029 : vector<16xf32> to vector<1x16xf32>
      tpu.vector_store %arg9[%swap3A_1031, %swap3A_1032], %swap3A_1035 {strides = array<i32>} : memref<2x1000xf32, #tpu.memory_space<vmem>>, vector<1x16xf32>,
      %get3A_1036 = arith.constant 49 : i32
      %get3A_1037 = arith.index_cast %get3A_1036 : i32 to index
      %get3A_1038 = arith.constant 368 : index
      %get3A_1039 = tpu.vector_load %arg6[%get3A_1037, %get3A_1038] {strides = array<i32>} : memref<56x1024xf32, #tpu.memory_space<vmem>>, vector<1x16xf32>,
      %get3A_1040 = vector.shape_cast %get3A_1039 : vector<1x16xf32> to vector<16xf32>
      %swap3A_1041 = arith.constant 1 : i32
      %swap3A_1042 = arith.index_cast %swap3A_1041 : i32 to index
      %swap3A_1043 = arith.constant 368 : index
      %swap3A_1044 = tpu.vector_load %arg9[%swap3A_1042, %swap3A_1043] {strides = array<i32>} : memref<2x1000xf32, #tpu.memory_space<vmem>>, vector<1x16xf32>,
      %swap3A_1045 = vector.shape_cast %swap3A_1044 : vector<1x16xf32> to vector<16xf32>
      %swap3A_1046 = vector.shape_cast %get3A_1040 : vector<16xf32> to vector<1x16xf32>
      tpu.vector_store %arg9[%swap3A_1042, %swap3A_1043], %swap3A_1046 {strides = array<i32>} : memref<2x1000xf32, #tpu.memory_space<vmem>>, vector<1x16xf32>,
      %get3A_1047 = arith.constant 49 : i32
      %get3A_1048 = arith.index_cast %get3A_1047 : i32 to index
      %get3A_1049 = arith.constant 384 : index
      %get3A_1050 = tpu.vector_load %arg6[%get3A_1048, %get3A_1049] {strides = array<i32>} : memref<56x1024xf32, #tpu.memory_space<vmem>>, vector<1x16xf32>,
      %get3A_1051 = vector.shape_cast %get3A_1050 : vector<1x16xf32> to vector<16xf32>
      %swap3A_1052 = arith.constant 1 : i32
      %swap3A_1053 = arith.index_cast %swap3A_1052 : i32 to index
      %swap3A_1054 = arith.constant 384 : index
      %swap3A_1055 = tpu.vector_load %arg9[%swap3A_1053, %swap3A_1054] {strides = array<i32>} : memref<2x1000xf32, #tpu.memory_space<vmem>>, vector<1x16xf32>,
      %swap3A_1056 = vector.shape_cast %swap3A_1055 : vector<1x16xf32> to vector<16xf32>
      %swap3A_1057 = vector.shape_cast %get3A_1051 : vector<16xf32> to vector<1x16xf32>
      tpu.vector_store %arg9[%swap3A_1053, %swap3A_1054], %swap3A_1057 {strides = array<i32>} : memref<2x1000xf32, #tpu.memory_space<vmem>>, vector<1x16xf32>,
      %get3A_1058 = arith.constant 49 : i32
      %get3A_1059 = arith.index_cast %get3A_1058 : i32 to index
      %get3A_1060 = arith.constant 400 : index
      %get3A_1061 = tpu.vector_load %arg6[%get3A_1059, %get3A_1060] {strides = array<i32>} : memref<56x1024xf32, #tpu.memory_space<vmem>>, vector<1x16xf32>,
      %get3A_1062 = vector.shape_cast %get3A_1061 : vector<1x16xf32> to vector<16xf32>
      %swap3A_1063 = arith.constant 1 : i32
      %swap3A_1064 = arith.index_cast %swap3A_1063 : i32 to index
      %swap3A_1065 = arith.constant 400 : index
      %swap3A_1066 = tpu.vector_load %arg9[%swap3A_1064, %swap3A_1065] {strides = array<i32>} : memref<2x1000xf32, #tpu.memory_space<vmem>>, vector<1x16xf32>,
      %swap3A_1067 = vector.shape_cast %swap3A_1066 : vector<1x16xf32> to vector<16xf32>
      %swap3A_1068 = vector.shape_cast %get3A_1062 : vector<16xf32> to vector<1x16xf32>
      tpu.vector_store %arg9[%swap3A_1064, %swap3A_1065], %swap3A_1068 {strides = array<i32>} : memref<2x1000xf32, #tpu.memory_space<vmem>>, vector<1x16xf32>,
      %get3A_1069 = arith.constant 49 : i32
      %get3A_1070 = arith.index_cast %get3A_1069 : i32 to index
      %get3A_1071 = arith.constant 416 : index
      %get3A_1072 = tpu.vector_load %arg6[%get3A_1070, %get3A_1071] {strides = array<i32>} : memref<56x1024xf32, #tpu.memory_space<vmem>>, vector<1x16xf32>,
      %get3A_1073 = vector.shape_cast %get3A_1072 : vector<1x16xf32> to vector<16xf32>
      %swap3A_1074 = arith.constant 1 : i32
      %swap3A_1075 = arith.index_cast %swap3A_1074 : i32 to index
      %swap3A_1076 = arith.constant 416 : index
      %swap3A_1077 = tpu.vector_load %arg9[%swap3A_1075, %swap3A_1076] {strides = array<i32>} : memref<2x1000xf32, #tpu.memory_space<vmem>>, vector<1x16xf32>,
      %swap3A_1078 = vector.shape_cast %swap3A_1077 : vector<1x16xf32> to vector<16xf32>
      %swap3A_1079 = vector.shape_cast %get3A_1073 : vector<16xf32> to vector<1x16xf32>
      tpu.vector_store %arg9[%swap3A_1075, %swap3A_1076], %swap3A_1079 {strides = array<i32>} : memref<2x1000xf32, #tpu.memory_space<vmem>>, vector<1x16xf32>,
      %get3A_1080 = arith.constant 49 : i32
      %get3A_1081 = arith.index_cast %get3A_1080 : i32 to index
      %get3A_1082 = arith.constant 432 : index
      %get3A_1083 = tpu.vector_load %arg6[%get3A_1081, %get3A_1082] {strides = array<i32>} : memref<56x1024xf32, #tpu.memory_space<vmem>>, vector<1x16xf32>,
      %get3A_1084 = vector.shape_cast %get3A_1083 : vector<1x16xf32> to vector<16xf32>
      %swap3A_1085 = arith.constant 1 : i32
      %swap3A_1086 = arith.index_cast %swap3A_1085 : i32 to index
      %swap3A_1087 = arith.constant 432 : index
      %swap3A_1088 = tpu.vector_load %arg9[%swap3A_1086, %swap3A_1087] {strides = array<i32>} : memref<2x1000xf32, #tpu.memory_space<vmem>>, vector<1x16xf32>,
      %swap3A_1089 = vector.shape_cast %swap3A_1088 : vector<1x16xf32> to vector<16xf32>
      %swap3A_1090 = vector.shape_cast %get3A_1084 : vector<16xf32> to vector<1x16xf32>
      tpu.vector_store %arg9[%swap3A_1086, %swap3A_1087], %swap3A_1090 {strides = array<i32>} : memref<2x1000xf32, #tpu.memory_space<vmem>>, vector<1x16xf32>,
      %get3A_1091 = arith.constant 49 : i32
      %get3A_1092 = arith.index_cast %get3A_1091 : i32 to index
      %get3A_1093 = arith.constant 448 : index
      %get3A_1094 = tpu.vector_load %arg6[%get3A_1092, %get3A_1093] {strides = array<i32>} : memref<56x1024xf32, #tpu.memory_space<vmem>>, vector<1x16xf32>,
      %get3A_1095 = vector.shape_cast %get3A_1094 : vector<1x16xf32> to vector<16xf32>
      %swap3A_1096 = arith.constant 1 : i32
      %swap3A_1097 = arith.index_cast %swap3A_1096 : i32 to index
      %swap3A_1098 = arith.constant 448 : index
      %swap3A_1099 = tpu.vector_load %arg9[%swap3A_1097, %swap3A_1098] {strides = array<i32>} : memref<2x1000xf32, #tpu.memory_space<vmem>>, vector<1x16xf32>,
      %swap3A_1100 = vector.shape_cast %swap3A_1099 : vector<1x16xf32> to vector<16xf32>
      %swap3A_1101 = vector.shape_cast %get3A_1095 : vector<16xf32> to vector<1x16xf32>
      tpu.vector_store %arg9[%swap3A_1097, %swap3A_1098], %swap3A_1101 {strides = array<i32>} : memref<2x1000xf32, #tpu.memory_space<vmem>>, vector<1x16xf32>,
      %get3A_1102 = arith.constant 49 : i32
      %get3A_1103 = arith.index_cast %get3A_1102 : i32 to index
      %get3A_1104 = arith.constant 464 : index
      %get3A_1105 = tpu.vector_load %arg6[%get3A_1103, %get3A_1104] {strides = array<i32>} : memref<56x1024xf32, #tpu.memory_space<vmem>>, vector<1x16xf32>,
      %get3A_1106 = vector.shape_cast %get3A_1105 : vector<1x16xf32> to vector<16xf32>
      %swap3A_1107 = arith.constant 1 : i32
      %swap3A_1108 = arith.index_cast %swap3A_1107 : i32 to index
      %swap3A_1109 = arith.constant 464 : index
      %swap3A_1110 = tpu.vector_load %arg9[%swap3A_1108, %swap3A_1109] {strides = array<i32>} : memref<2x1000xf32, #tpu.memory_space<vmem>>, vector<1x16xf32>,
      %swap3A_1111 = vector.shape_cast %swap3A_1110 : vector<1x16xf32> to vector<16xf32>
      %swap3A_1112 = vector.shape_cast %get3A_1106 : vector<16xf32> to vector<1x16xf32>
      tpu.vector_store %arg9[%swap3A_1108, %swap3A_1109], %swap3A_1112 {strides = array<i32>} : memref<2x1000xf32, #tpu.memory_space<vmem>>, vector<1x16xf32>,
      %get3A_1113 = arith.constant 49 : i32
      %get3A_1114 = arith.index_cast %get3A_1113 : i32 to index
      %get3A_1115 = arith.constant 480 : index
      %get3A_1116 = tpu.vector_load %arg6[%get3A_1114, %get3A_1115] {strides = array<i32>} : memref<56x1024xf32, #tpu.memory_space<vmem>>, vector<1x16xf32>,
      %get3A_1117 = vector.shape_cast %get3A_1116 : vector<1x16xf32> to vector<16xf32>
      %swap3A_1118 = arith.constant 1 : i32
      %swap3A_1119 = arith.index_cast %swap3A_1118 : i32 to index
      %swap3A_1120 = arith.constant 480 : index
      %swap3A_1121 = tpu.vector_load %arg9[%swap3A_1119, %swap3A_1120] {strides = array<i32>} : memref<2x1000xf32, #tpu.memory_space<vmem>>, vector<1x16xf32>,
      %swap3A_1122 = vector.shape_cast %swap3A_1121 : vector<1x16xf32> to vector<16xf32>
      %swap3A_1123 = vector.shape_cast %get3A_1117 : vector<16xf32> to vector<1x16xf32>
      tpu.vector_store %arg9[%swap3A_1119, %swap3A_1120], %swap3A_1123 {strides = array<i32>} : memref<2x1000xf32, #tpu.memory_space<vmem>>, vector<1x16xf32>,
      %get3A_1124 = arith.constant 49 : i32
      %get3A_1125 = arith.index_cast %get3A_1124 : i32 to index
      %get3A_1126 = arith.constant 496 : index
      %get3A_1127 = tpu.vector_load %arg6[%get3A_1125, %get3A_1126] {strides = array<i32>} : memref<56x1024xf32, #tpu.memory_space<vmem>>, vector<1x16xf32>,
      %get3A_1128 = vector.shape_cast %get3A_1127 : vector<1x16xf32> to vector<16xf32>
      %swap3A_1129 = arith.constant 1 : i32
      %swap3A_1130 = arith.index_cast %swap3A_1129 : i32 to index
      %swap3A_1131 = arith.constant 496 : index
      %swap3A_1132 = tpu.vector_load %arg9[%swap3A_1130, %swap3A_1131] {strides = array<i32>} : memref<2x1000xf32, #tpu.memory_space<vmem>>, vector<1x16xf32>,
      %swap3A_1133 = vector.shape_cast %swap3A_1132 : vector<1x16xf32> to vector<16xf32>
      %swap3A_1134 = vector.shape_cast %get3A_1128 : vector<16xf32> to vector<1x16xf32>
      tpu.vector_store %arg9[%swap3A_1130, %swap3A_1131], %swap3A_1134 {strides = array<i32>} : memref<2x1000xf32, #tpu.memory_space<vmem>>, vector<1x16xf32>,
      %get3A_1135 = arith.constant 49 : i32
      %get3A_1136 = arith.index_cast %get3A_1135 : i32 to index
      %get3A_1137 = arith.constant 512 : index
      %get3A_1138 = tpu.vector_load %arg6[%get3A_1136, %get3A_1137] {strides = array<i32>} : memref<56x1024xf32, #tpu.memory_space<vmem>>, vector<1x16xf32>,
      %get3A_1139 = vector.shape_cast %get3A_1138 : vector<1x16xf32> to vector<16xf32>
      %swap3A_1140 = arith.constant 1 : i32
      %swap3A_1141 = arith.index_cast %swap3A_1140 : i32 to index
      %swap3A_1142 = arith.constant 512 : index
      %swap3A_1143 = tpu.vector_load %arg9[%swap3A_1141, %swap3A_1142] {strides = array<i32>} : memref<2x1000xf32, #tpu.memory_space<vmem>>, vector<1x16xf32>,
      %swap3A_1144 = vector.shape_cast %swap3A_1143 : vector<1x16xf32> to vector<16xf32>
      %swap3A_1145 = vector.shape_cast %get3A_1139 : vector<16xf32> to vector<1x16xf32>
      tpu.vector_store %arg9[%swap3A_1141, %swap3A_1142], %swap3A_1145 {strides = array<i32>} : memref<2x1000xf32, #tpu.memory_space<vmem>>, vector<1x16xf32>,
      %get3A_1146 = arith.constant 49 : i32
      %get3A_1147 = arith.index_cast %get3A_1146 : i32 to index
      %get3A_1148 = arith.constant 528 : index
      %get3A_1149 = tpu.vector_load %arg6[%get3A_1147, %get3A_1148] {strides = array<i32>} : memref<56x1024xf32, #tpu.memory_space<vmem>>, vector<1x16xf32>,
      %get3A_1150 = vector.shape_cast %get3A_1149 : vector<1x16xf32> to vector<16xf32>
      %swap3A_1151 = arith.constant 1 : i32
      %swap3A_1152 = arith.index_cast %swap3A_1151 : i32 to index
      %swap3A_1153 = arith.constant 528 : index
      %swap3A_1154 = tpu.vector_load %arg9[%swap3A_1152, %swap3A_1153] {strides = array<i32>} : memref<2x1000xf32, #tpu.memory_space<vmem>>, vector<1x16xf32>,
      %swap3A_1155 = vector.shape_cast %swap3A_1154 : vector<1x16xf32> to vector<16xf32>
      %swap3A_1156 = vector.shape_cast %get3A_1150 : vector<16xf32> to vector<1x16xf32>
      tpu.vector_store %arg9[%swap3A_1152, %swap3A_1153], %swap3A_1156 {strides = array<i32>} : memref<2x1000xf32, #tpu.memory_space<vmem>>, vector<1x16xf32>,
      %get3A_1157 = arith.constant 49 : i32
      %get3A_1158 = arith.index_cast %get3A_1157 : i32 to index
      %get3A_1159 = arith.constant 544 : index
      %get3A_1160 = tpu.vector_load %arg6[%get3A_1158, %get3A_1159] {strides = array<i32>} : memref<56x1024xf32, #tpu.memory_space<vmem>>, vector<1x16xf32>,
      %get3A_1161 = vector.shape_cast %get3A_1160 : vector<1x16xf32> to vector<16xf32>
      %swap3A_1162 = arith.constant 1 : i32
      %swap3A_1163 = arith.index_cast %swap3A_1162 : i32 to index
      %swap3A_1164 = arith.constant 544 : index
      %swap3A_1165 = tpu.vector_load %arg9[%swap3A_1163, %swap3A_1164] {strides = array<i32>} : memref<2x1000xf32, #tpu.memory_space<vmem>>, vector<1x16xf32>,
      %swap3A_1166 = vector.shape_cast %swap3A_1165 : vector<1x16xf32> to vector<16xf32>
      %swap3A_1167 = vector.shape_cast %get3A_1161 : vector<16xf32> to vector<1x16xf32>
      tpu.vector_store %arg9[%swap3A_1163, %swap3A_1164], %swap3A_1167 {strides = array<i32>} : memref<2x1000xf32, #tpu.memory_space<vmem>>, vector<1x16xf32>,
      %get3A_1168 = arith.constant 49 : i32
      %get3A_1169 = arith.index_cast %get3A_1168 : i32 to index
      %get3A_1170 = arith.constant 560 : index
      %get3A_1171 = tpu.vector_load %arg6[%get3A_1169, %get3A_1170] {strides = array<i32>} : memref<56x1024xf32, #tpu.memory_space<vmem>>, vector<1x16xf32>,
      %get3A_1172 = vector.shape_cast %get3A_1171 : vector<1x16xf32> to vector<16xf32>
      %swap3A_1173 = arith.constant 1 : i32
      %swap3A_1174 = arith.index_cast %swap3A_1173 : i32 to index
      %swap3A_1175 = arith.constant 560 : index
      %swap3A_1176 = tpu.vector_load %arg9[%swap3A_1174, %swap3A_1175] {strides = array<i32>} : memref<2x1000xf32, #tpu.memory_space<vmem>>, vector<1x16xf32>,
      %swap3A_1177 = vector.shape_cast %swap3A_1176 : vector<1x16xf32> to vector<16xf32>
      %swap3A_1178 = vector.shape_cast %get3A_1172 : vector<16xf32> to vector<1x16xf32>
      tpu.vector_store %arg9[%swap3A_1174, %swap3A_1175], %swap3A_1178 {strides = array<i32>} : memref<2x1000xf32, #tpu.memory_space<vmem>>, vector<1x16xf32>,
      %get3A_1179 = arith.constant 49 : i32
      %get3A_1180 = arith.index_cast %get3A_1179 : i32 to index
      %get3A_1181 = arith.constant 576 : index
      %get3A_1182 = tpu.vector_load %arg6[%get3A_1180, %get3A_1181] {strides = array<i32>} : memref<56x1024xf32, #tpu.memory_space<vmem>>, vector<1x16xf32>,
      %get3A_1183 = vector.shape_cast %get3A_1182 : vector<1x16xf32> to vector<16xf32>
      %swap3A_1184 = arith.constant 1 : i32
      %swap3A_1185 = arith.index_cast %swap3A_1184 : i32 to index
      %swap3A_1186 = arith.constant 576 : index
      %swap3A_1187 = tpu.vector_load %arg9[%swap3A_1185, %swap3A_1186] {strides = array<i32>} : memref<2x1000xf32, #tpu.memory_space<vmem>>, vector<1x16xf32>,
      %swap3A_1188 = vector.shape_cast %swap3A_1187 : vector<1x16xf32> to vector<16xf32>
      %swap3A_1189 = vector.shape_cast %get3A_1183 : vector<16xf32> to vector<1x16xf32>
      tpu.vector_store %arg9[%swap3A_1185, %swap3A_1186], %swap3A_1189 {strides = array<i32>} : memref<2x1000xf32, #tpu.memory_space<vmem>>, vector<1x16xf32>,
      %get3A_1190 = arith.constant 49 : i32
      %get3A_1191 = arith.index_cast %get3A_1190 : i32 to index
      %get3A_1192 = arith.constant 592 : index
      %get3A_1193 = tpu.vector_load %arg6[%get3A_1191, %get3A_1192] {strides = array<i32>} : memref<56x1024xf32, #tpu.memory_space<vmem>>, vector<1x16xf32>,
      %get3A_1194 = vector.shape_cast %get3A_1193 : vector<1x16xf32> to vector<16xf32>
      %swap3A_1195 = arith.constant 1 : i32
      %swap3A_1196 = arith.index_cast %swap3A_1195 : i32 to index
      %swap3A_1197 = arith.constant 592 : index
      %swap3A_1198 = tpu.vector_load %arg9[%swap3A_1196, %swap3A_1197] {strides = array<i32>} : memref<2x1000xf32, #tpu.memory_space<vmem>>, vector<1x16xf32>,
      %swap3A_1199 = vector.shape_cast %swap3A_1198 : vector<1x16xf32> to vector<16xf32>
      %swap3A_1200 = vector.shape_cast %get3A_1194 : vector<16xf32> to vector<1x16xf32>
      tpu.vector_store %arg9[%swap3A_1196, %swap3A_1197], %swap3A_1200 {strides = array<i32>} : memref<2x1000xf32, #tpu.memory_space<vmem>>, vector<1x16xf32>,
      %get3A_1201 = arith.constant 49 : i32
      %get3A_1202 = arith.index_cast %get3A_1201 : i32 to index
      %get3A_1203 = arith.constant 608 : index
      %get3A_1204 = tpu.vector_load %arg6[%get3A_1202, %get3A_1203] {strides = array<i32>} : memref<56x1024xf32, #tpu.memory_space<vmem>>, vector<1x16xf32>,
      %get3A_1205 = vector.shape_cast %get3A_1204 : vector<1x16xf32> to vector<16xf32>
      %swap3A_1206 = arith.constant 1 : i32
      %swap3A_1207 = arith.index_cast %swap3A_1206 : i32 to index
      %swap3A_1208 = arith.constant 608 : index
      %swap3A_1209 = tpu.vector_load %arg9[%swap3A_1207, %swap3A_1208] {strides = array<i32>} : memref<2x1000xf32, #tpu.memory_space<vmem>>, vector<1x16xf32>,
      %swap3A_1210 = vector.shape_cast %swap3A_1209 : vector<1x16xf32> to vector<16xf32>
      %swap3A_1211 = vector.shape_cast %get3A_1205 : vector<16xf32> to vector<1x16xf32>
      tpu.vector_store %arg9[%swap3A_1207, %swap3A_1208], %swap3A_1211 {strides = array<i32>} : memref<2x1000xf32, #tpu.memory_space<vmem>>, vector<1x16xf32>,
      %get3A_1212 = arith.constant 49 : i32
      %get3A_1213 = arith.index_cast %get3A_1212 : i32 to index
      %get3A_1214 = arith.constant 624 : index
      %get3A_1215 = tpu.vector_load %arg6[%get3A_1213, %get3A_1214] {strides = array<i32>} : memref<56x1024xf32, #tpu.memory_space<vmem>>, vector<1x16xf32>,
      %get3A_1216 = vector.shape_cast %get3A_1215 : vector<1x16xf32> to vector<16xf32>
      %swap3A_1217 = arith.constant 1 : i32
      %swap3A_1218 = arith.index_cast %swap3A_1217 : i32 to index
      %swap3A_1219 = arith.constant 624 : index
      %swap3A_1220 = tpu.vector_load %arg9[%swap3A_1218, %swap3A_1219] {strides = array<i32>} : memref<2x1000xf32, #tpu.memory_space<vmem>>, vector<1x16xf32>,
      %swap3A_1221 = vector.shape_cast %swap3A_1220 : vector<1x16xf32> to vector<16xf32>
      %swap3A_1222 = vector.shape_cast %get3A_1216 : vector<16xf32> to vector<1x16xf32>
      tpu.vector_store %arg9[%swap3A_1218, %swap3A_1219], %swap3A_1222 {strides = array<i32>} : memref<2x1000xf32, #tpu.memory_space<vmem>>, vector<1x16xf32>,
      %get3A_1223 = arith.constant 49 : i32
      %get3A_1224 = arith.index_cast %get3A_1223 : i32 to index
      %get3A_1225 = arith.constant 640 : index
      %get3A_1226 = tpu.vector_load %arg6[%get3A_1224, %get3A_1225] {strides = array<i32>} : memref<56x1024xf32, #tpu.memory_space<vmem>>, vector<1x16xf32>,
      %get3A_1227 = vector.shape_cast %get3A_1226 : vector<1x16xf32> to vector<16xf32>
      %swap3A_1228 = arith.constant 1 : i32
      %swap3A_1229 = arith.index_cast %swap3A_1228 : i32 to index
      %swap3A_1230 = arith.constant 640 : index
      %swap3A_1231 = tpu.vector_load %arg9[%swap3A_1229, %swap3A_1230] {strides = array<i32>} : memref<2x1000xf32, #tpu.memory_space<vmem>>, vector<1x16xf32>,
      %swap3A_1232 = vector.shape_cast %swap3A_1231 : vector<1x16xf32> to vector<16xf32>
      %swap3A_1233 = vector.shape_cast %get3A_1227 : vector<16xf32> to vector<1x16xf32>
      tpu.vector_store %arg9[%swap3A_1229, %swap3A_1230], %swap3A_1233 {strides = array<i32>} : memref<2x1000xf32, #tpu.memory_space<vmem>>, vector<1x16xf32>,
      %get3A_1234 = arith.constant 49 : i32
      %get3A_1235 = arith.index_cast %get3A_1234 : i32 to index
      %get3A_1236 = arith.constant 656 : index
      %get3A_1237 = tpu.vector_load %arg6[%get3A_1235, %get3A_1236] {strides = array<i32>} : memref<56x1024xf32, #tpu.memory_space<vmem>>, vector<1x16xf32>,
      %get3A_1238 = vector.shape_cast %get3A_1237 : vector<1x16xf32> to vector<16xf32>
      %swap3A_1239 = arith.constant 1 : i32
      %swap3A_1240 = arith.index_cast %swap3A_1239 : i32 to index
      %swap3A_1241 = arith.constant 656 : index
      %swap3A_1242 = tpu.vector_load %arg9[%swap3A_1240, %swap3A_1241] {strides = array<i32>} : memref<2x1000xf32, #tpu.memory_space<vmem>>, vector<1x16xf32>,
      %swap3A_1243 = vector.shape_cast %swap3A_1242 : vector<1x16xf32> to vector<16xf32>
      %swap3A_1244 = vector.shape_cast %get3A_1238 : vector<16xf32> to vector<1x16xf32>
      tpu.vector_store %arg9[%swap3A_1240, %swap3A_1241], %swap3A_1244 {strides = array<i32>} : memref<2x1000xf32, #tpu.memory_space<vmem>>, vector<1x16xf32>,
      %get3A_1245 = arith.constant 49 : i32
      %get3A_1246 = arith.index_cast %get3A_1245 : i32 to index
      %get3A_1247 = arith.constant 672 : index
      %get3A_1248 = tpu.vector_load %arg6[%get3A_1246, %get3A_1247] {strides = array<i32>} : memref<56x1024xf32, #tpu.memory_space<vmem>>, vector<1x16xf32>,
      %get3A_1249 = vector.shape_cast %get3A_1248 : vector<1x16xf32> to vector<16xf32>
      %swap3A_1250 = arith.constant 1 : i32
      %swap3A_1251 = arith.index_cast %swap3A_1250 : i32 to index
      %swap3A_1252 = arith.constant 672 : index
      %swap3A_1253 = tpu.vector_load %arg9[%swap3A_1251, %swap3A_1252] {strides = array<i32>} : memref<2x1000xf32, #tpu.memory_space<vmem>>, vector<1x16xf32>,
      %swap3A_1254 = vector.shape_cast %swap3A_1253 : vector<1x16xf32> to vector<16xf32>
      %swap3A_1255 = vector.shape_cast %get3A_1249 : vector<16xf32> to vector<1x16xf32>
      tpu.vector_store %arg9[%swap3A_1251, %swap3A_1252], %swap3A_1255 {strides = array<i32>} : memref<2x1000xf32, #tpu.memory_space<vmem>>, vector<1x16xf32>,
      %get3A_1256 = arith.constant 49 : i32
      %get3A_1257 = arith.index_cast %get3A_1256 : i32 to index
      %get3A_1258 = arith.constant 688 : index
      %get3A_1259 = tpu.vector_load %arg6[%get3A_1257, %get3A_1258] {strides = array<i32>} : memref<56x1024xf32, #tpu.memory_space<vmem>>, vector<1x16xf32>,
      %get3A_1260 = vector.shape_cast %get3A_1259 : vector<1x16xf32> to vector<16xf32>
      %swap3A_1261 = arith.constant 1 : i32
      %swap3A_1262 = arith.index_cast %swap3A_1261 : i32 to index
      %swap3A_1263 = arith.constant 688 : index
      %swap3A_1264 = tpu.vector_load %arg9[%swap3A_1262, %swap3A_1263] {strides = array<i32>} : memref<2x1000xf32, #tpu.memory_space<vmem>>, vector<1x16xf32>,
      %swap3A_1265 = vector.shape_cast %swap3A_1264 : vector<1x16xf32> to vector<16xf32>
      %swap3A_1266 = vector.shape_cast %get3A_1260 : vector<16xf32> to vector<1x16xf32>
      tpu.vector_store %arg9[%swap3A_1262, %swap3A_1263], %swap3A_1266 {strides = array<i32>} : memref<2x1000xf32, #tpu.memory_space<vmem>>, vector<1x16xf32>,
      %get3A_1267 = arith.constant 49 : i32
      %get3A_1268 = arith.index_cast %get3A_1267 : i32 to index
      %get3A_1269 = arith.constant 704 : index
      %get3A_1270 = tpu.vector_load %arg6[%get3A_1268, %get3A_1269] {strides = array<i32>} : memref<56x1024xf32, #tpu.memory_space<vmem>>, vector<1x16xf32>,
      %get3A_1271 = vector.shape_cast %get3A_1270 : vector<1x16xf32> to vector<16xf32>
      %swap3A_1272 = arith.constant 1 : i32
      %swap3A_1273 = arith.index_cast %swap3A_1272 : i32 to index
      %swap3A_1274 = arith.constant 704 : index
      %swap3A_1275 = tpu.vector_load %arg9[%swap3A_1273, %swap3A_1274] {strides = array<i32>} : memref<2x1000xf32, #tpu.memory_space<vmem>>, vector<1x16xf32>,
      %swap3A_1276 = vector.shape_cast %swap3A_1275 : vector<1x16xf32> to vector<16xf32>
      %swap3A_1277 = vector.shape_cast %get3A_1271 : vector<16xf32> to vector<1x16xf32>
      tpu.vector_store %arg9[%swap3A_1273, %swap3A_1274], %swap3A_1277 {strides = array<i32>} : memref<2x1000xf32, #tpu.memory_space<vmem>>, vector<1x16xf32>,
      %get3A_1278 = arith.constant 49 : i32
      %get3A_1279 = arith.index_cast %get3A_1278 : i32 to index
      %get3A_1280 = arith.constant 720 : index
      %get3A_1281 = tpu.vector_load %arg6[%get3A_1279, %get3A_1280] {strides = array<i32>} : memref<56x1024xf32, #tpu.memory_space<vmem>>, vector<1x16xf32>,
      %get3A_1282 = vector.shape_cast %get3A_1281 : vector<1x16xf32> to vector<16xf32>
      %swap3A_1283 = arith.constant 1 : i32
      %swap3A_1284 = arith.index_cast %swap3A_1283 : i32 to index
      %swap3A_1285 = arith.constant 720 : index
      %swap3A_1286 = tpu.vector_load %arg9[%swap3A_1284, %swap3A_1285] {strides = array<i32>} : memref<2x1000xf32, #tpu.memory_space<vmem>>, vector<1x16xf32>,
      %swap3A_1287 = vector.shape_cast %swap3A_1286 : vector<1x16xf32> to vector<16xf32>
      %swap3A_1288 = vector.shape_cast %get3A_1282 : vector<16xf32> to vector<1x16xf32>
      tpu.vector_store %arg9[%swap3A_1284, %swap3A_1285], %swap3A_1288 {strides = array<i32>} : memref<2x1000xf32, #tpu.memory_space<vmem>>, vector<1x16xf32>,
      %get3A_1289 = arith.constant 49 : i32
      %get3A_1290 = arith.index_cast %get3A_1289 : i32 to index
      %get3A_1291 = arith.constant 736 : index
      %get3A_1292 = tpu.vector_load %arg6[%get3A_1290, %get3A_1291] {strides = array<i32>} : memref<56x1024xf32, #tpu.memory_space<vmem>>, vector<1x16xf32>,
      %get3A_1293 = vector.shape_cast %get3A_1292 : vector<1x16xf32> to vector<16xf32>
      %swap3A_1294 = arith.constant 1 : i32
      %swap3A_1295 = arith.index_cast %swap3A_1294 : i32 to index
      %swap3A_1296 = arith.constant 736 : index
      %swap3A_1297 = tpu.vector_load %arg9[%swap3A_1295, %swap3A_1296] {strides = array<i32>} : memref<2x1000xf32, #tpu.memory_space<vmem>>, vector<1x16xf32>,
      %swap3A_1298 = vector.shape_cast %swap3A_1297 : vector<1x16xf32> to vector<16xf32>
      %swap3A_1299 = vector.shape_cast %get3A_1293 : vector<16xf32> to vector<1x16xf32>
      tpu.vector_store %arg9[%swap3A_1295, %swap3A_1296], %swap3A_1299 {strides = array<i32>} : memref<2x1000xf32, #tpu.memory_space<vmem>>, vector<1x16xf32>,
      %get3A_1300 = arith.constant 49 : i32
      %get3A_1301 = arith.index_cast %get3A_1300 : i32 to index
      %get3A_1302 = arith.constant 752 : index
      %get3A_1303 = tpu.vector_load %arg6[%get3A_1301, %get3A_1302] {strides = array<i32>} : memref<56x1024xf32, #tpu.memory_space<vmem>>, vector<1x16xf32>,
      %get3A_1304 = vector.shape_cast %get3A_1303 : vector<1x16xf32> to vector<16xf32>
      %swap3A_1305 = arith.constant 1 : i32
      %swap3A_1306 = arith.index_cast %swap3A_1305 : i32 to index
      %swap3A_1307 = arith.constant 752 : index
      %swap3A_1308 = tpu.vector_load %arg9[%swap3A_1306, %swap3A_1307] {strides = array<i32>} : memref<2x1000xf32, #tpu.memory_space<vmem>>, vector<1x16xf32>,
      %swap3A_1309 = vector.shape_cast %swap3A_1308 : vector<1x16xf32> to vector<16xf32>
      %swap3A_1310 = vector.shape_cast %get3A_1304 : vector<16xf32> to vector<1x16xf32>
      tpu.vector_store %arg9[%swap3A_1306, %swap3A_1307], %swap3A_1310 {strides = array<i32>} : memref<2x1000xf32, #tpu.memory_space<vmem>>, vector<1x16xf32>,
      %get3A_1311 = arith.constant 49 : i32
      %get3A_1312 = arith.index_cast %get3A_1311 : i32 to index
      %get3A_1313 = arith.constant 768 : index
      %get3A_1314 = tpu.vector_load %arg6[%get3A_1312, %get3A_1313] {strides = array<i32>} : memref<56x1024xf32, #tpu.memory_space<vmem>>, vector<1x16xf32>,
      %get3A_1315 = vector.shape_cast %get3A_1314 : vector<1x16xf32> to vector<16xf32>
      %swap3A_1316 = arith.constant 1 : i32
      %swap3A_1317 = arith.index_cast %swap3A_1316 : i32 to index
      %swap3A_1318 = arith.constant 768 : index
      %swap3A_1319 = tpu.vector_load %arg9[%swap3A_1317, %swap3A_1318] {strides = array<i32>} : memref<2x1000xf32, #tpu.memory_space<vmem>>, vector<1x16xf32>,
      %swap3A_1320 = vector.shape_cast %swap3A_1319 : vector<1x16xf32> to vector<16xf32>
      %swap3A_1321 = vector.shape_cast %get3A_1315 : vector<16xf32> to vector<1x16xf32>
      tpu.vector_store %arg9[%swap3A_1317, %swap3A_1318], %swap3A_1321 {strides = array<i32>} : memref<2x1000xf32, #tpu.memory_space<vmem>>, vector<1x16xf32>,
      %get3A_1322 = arith.constant 49 : i32
      %get3A_1323 = arith.index_cast %get3A_1322 : i32 to index
      %get3A_1324 = arith.constant 784 : index
      %get3A_1325 = tpu.vector_load %arg6[%get3A_1323, %get3A_1324] {strides = array<i32>} : memref<56x1024xf32, #tpu.memory_space<vmem>>, vector<1x16xf32>,
      %get3A_1326 = vector.shape_cast %get3A_1325 : vector<1x16xf32> to vector<16xf32>
      %swap3A_1327 = arith.constant 1 : i32
      %swap3A_1328 = arith.index_cast %swap3A_1327 : i32 to index
      %swap3A_1329 = arith.constant 784 : index
      %swap3A_1330 = tpu.vector_load %arg9[%swap3A_1328, %swap3A_1329] {strides = array<i32>} : memref<2x1000xf32, #tpu.memory_space<vmem>>, vector<1x16xf32>,
      %swap3A_1331 = vector.shape_cast %swap3A_1330 : vector<1x16xf32> to vector<16xf32>
      %swap3A_1332 = vector.shape_cast %get3A_1326 : vector<16xf32> to vector<1x16xf32>
      tpu.vector_store %arg9[%swap3A_1328, %swap3A_1329], %swap3A_1332 {strides = array<i32>} : memref<2x1000xf32, #tpu.memory_space<vmem>>, vector<1x16xf32>,
      %get3A_1333 = arith.constant 49 : i32
      %get3A_1334 = arith.index_cast %get3A_1333 : i32 to index
      %get3A_1335 = arith.constant 800 : index
      %get3A_1336 = tpu.vector_load %arg6[%get3A_1334, %get3A_1335] {strides = array<i32>} : memref<56x1024xf32, #tpu.memory_space<vmem>>, vector<1x16xf32>,
      %get3A_1337 = vector.shape_cast %get3A_1336 : vector<1x16xf32> to vector<16xf32>
      %swap3A_1338 = arith.constant 1 : i32
      %swap3A_1339 = arith.index_cast %swap3A_1338 : i32 to index
      %swap3A_1340 = arith.constant 800 : index
      %swap3A_1341 = tpu.vector_load %arg9[%swap3A_1339, %swap3A_1340] {strides = array<i32>} : memref<2x1000xf32, #tpu.memory_space<vmem>>, vector<1x16xf32>,
      %swap3A_1342 = vector.shape_cast %swap3A_1341 : vector<1x16xf32> to vector<16xf32>
      %swap3A_1343 = vector.shape_cast %get3A_1337 : vector<16xf32> to vector<1x16xf32>
      tpu.vector_store %arg9[%swap3A_1339, %swap3A_1340], %swap3A_1343 {strides = array<i32>} : memref<2x1000xf32, #tpu.memory_space<vmem>>, vector<1x16xf32>,
      %get3A_1344 = arith.constant 49 : i32
      %get3A_1345 = arith.index_cast %get3A_1344 : i32 to index
      %get3A_1346 = arith.constant 816 : index
      %get3A_1347 = tpu.vector_load %arg6[%get3A_1345, %get3A_1346] {strides = array<i32>} : memref<56x1024xf32, #tpu.memory_space<vmem>>, vector<1x16xf32>,
      %get3A_1348 = vector.shape_cast %get3A_1347 : vector<1x16xf32> to vector<16xf32>
      %swap3A_1349 = arith.constant 1 : i32
      %swap3A_1350 = arith.index_cast %swap3A_1349 : i32 to index
      %swap3A_1351 = arith.constant 816 : index
      %swap3A_1352 = tpu.vector_load %arg9[%swap3A_1350, %swap3A_1351] {strides = array<i32>} : memref<2x1000xf32, #tpu.memory_space<vmem>>, vector<1x16xf32>,
      %swap3A_1353 = vector.shape_cast %swap3A_1352 : vector<1x16xf32> to vector<16xf32>
      %swap3A_1354 = vector.shape_cast %get3A_1348 : vector<16xf32> to vector<1x16xf32>
      tpu.vector_store %arg9[%swap3A_1350, %swap3A_1351], %swap3A_1354 {strides = array<i32>} : memref<2x1000xf32, #tpu.memory_space<vmem>>, vector<1x16xf32>,
      %get3A_1355 = arith.constant 49 : i32
      %get3A_1356 = arith.index_cast %get3A_1355 : i32 to index
      %get3A_1357 = arith.constant 832 : index
      %get3A_1358 = tpu.vector_load %arg6[%get3A_1356, %get3A_1357] {strides = array<i32>} : memref<56x1024xf32, #tpu.memory_space<vmem>>, vector<1x16xf32>,
      %get3A_1359 = vector.shape_cast %get3A_1358 : vector<1x16xf32> to vector<16xf32>
      %swap3A_1360 = arith.constant 1 : i32
      %swap3A_1361 = arith.index_cast %swap3A_1360 : i32 to index
      %swap3A_1362 = arith.constant 832 : index
      %swap3A_1363 = tpu.vector_load %arg9[%swap3A_1361, %swap3A_1362] {strides = array<i32>} : memref<2x1000xf32, #tpu.memory_space<vmem>>, vector<1x16xf32>,
      %swap3A_1364 = vector.shape_cast %swap3A_1363 : vector<1x16xf32> to vector<16xf32>
      %swap3A_1365 = vector.shape_cast %get3A_1359 : vector<16xf32> to vector<1x16xf32>
      tpu.vector_store %arg9[%swap3A_1361, %swap3A_1362], %swap3A_1365 {strides = array<i32>} : memref<2x1000xf32, #tpu.memory_space<vmem>>, vector<1x16xf32>,
      %get3A_1366 = arith.constant 49 : i32
      %get3A_1367 = arith.index_cast %get3A_1366 : i32 to index
      %get3A_1368 = arith.constant 848 : index
      %get3A_1369 = tpu.vector_load %arg6[%get3A_1367, %get3A_1368] {strides = array<i32>} : memref<56x1024xf32, #tpu.memory_space<vmem>>, vector<1x16xf32>,
      %get3A_1370 = vector.shape_cast %get3A_1369 : vector<1x16xf32> to vector<16xf32>
      %swap3A_1371 = arith.constant 1 : i32
      %swap3A_1372 = arith.index_cast %swap3A_1371 : i32 to index
      %swap3A_1373 = arith.constant 848 : index
      %swap3A_1374 = tpu.vector_load %arg9[%swap3A_1372, %swap3A_1373] {strides = array<i32>} : memref<2x1000xf32, #tpu.memory_space<vmem>>, vector<1x16xf32>,
      %swap3A_1375 = vector.shape_cast %swap3A_1374 : vector<1x16xf32> to vector<16xf32>
      %swap3A_1376 = vector.shape_cast %get3A_1370 : vector<16xf32> to vector<1x16xf32>
      tpu.vector_store %arg9[%swap3A_1372, %swap3A_1373], %swap3A_1376 {strides = array<i32>} : memref<2x1000xf32, #tpu.memory_space<vmem>>, vector<1x16xf32>,
      %get3A_1377 = arith.constant 49 : i32
      %get3A_1378 = arith.index_cast %get3A_1377 : i32 to index
      %get3A_1379 = arith.constant 864 : index
      %get3A_1380 = tpu.vector_load %arg6[%get3A_1378, %get3A_1379] {strides = array<i32>} : memref<56x1024xf32, #tpu.memory_space<vmem>>, vector<1x16xf32>,
      %get3A_1381 = vector.shape_cast %get3A_1380 : vector<1x16xf32> to vector<16xf32>
      %swap3A_1382 = arith.constant 1 : i32
      %swap3A_1383 = arith.index_cast %swap3A_1382 : i32 to index
      %swap3A_1384 = arith.constant 864 : index
      %swap3A_1385 = tpu.vector_load %arg9[%swap3A_1383, %swap3A_1384] {strides = array<i32>} : memref<2x1000xf32, #tpu.memory_space<vmem>>, vector<1x16xf32>,
      %swap3A_1386 = vector.shape_cast %swap3A_1385 : vector<1x16xf32> to vector<16xf32>
      %swap3A_1387 = vector.shape_cast %get3A_1381 : vector<16xf32> to vector<1x16xf32>
      tpu.vector_store %arg9[%swap3A_1383, %swap3A_1384], %swap3A_1387 {strides = array<i32>} : memref<2x1000xf32, #tpu.memory_space<vmem>>, vector<1x16xf32>,
      %get3A_1388 = arith.constant 49 : i32
      %get3A_1389 = arith.index_cast %get3A_1388 : i32 to index
      %get3A_1390 = arith.constant 880 : index
      %get3A_1391 = tpu.vector_load %arg6[%get3A_1389, %get3A_1390] {strides = array<i32>} : memref<56x1024xf32, #tpu.memory_space<vmem>>, vector<1x16xf32>,
      %get3A_1392 = vector.shape_cast %get3A_1391 : vector<1x16xf32> to vector<16xf32>
      %swap3A_1393 = arith.constant 1 : i32
      %swap3A_1394 = arith.index_cast %swap3A_1393 : i32 to index
      %swap3A_1395 = arith.constant 880 : index
      %swap3A_1396 = tpu.vector_load %arg9[%swap3A_1394, %swap3A_1395] {strides = array<i32>} : memref<2x1000xf32, #tpu.memory_space<vmem>>, vector<1x16xf32>,
      %swap3A_1397 = vector.shape_cast %swap3A_1396 : vector<1x16xf32> to vector<16xf32>
      %swap3A_1398 = vector.shape_cast %get3A_1392 : vector<16xf32> to vector<1x16xf32>
      tpu.vector_store %arg9[%swap3A_1394, %swap3A_1395], %swap3A_1398 {strides = array<i32>} : memref<2x1000xf32, #tpu.memory_space<vmem>>, vector<1x16xf32>,
      %get3A_1399 = arith.constant 49 : i32
      %get3A_1400 = arith.index_cast %get3A_1399 : i32 to index
      %get3A_1401 = arith.constant 896 : index
      %get3A_1402 = tpu.vector_load %arg6[%get3A_1400, %get3A_1401] {strides = array<i32>} : memref<56x1024xf32, #tpu.memory_space<vmem>>, vector<1x16xf32>,
      %get3A_1403 = vector.shape_cast %get3A_1402 : vector<1x16xf32> to vector<16xf32>
      %swap3A_1404 = arith.constant 1 : i32
      %swap3A_1405 = arith.index_cast %swap3A_1404 : i32 to index
      %swap3A_1406 = arith.constant 896 : index
      %swap3A_1407 = tpu.vector_load %arg9[%swap3A_1405, %swap3A_1406] {strides = array<i32>} : memref<2x1000xf32, #tpu.memory_space<vmem>>, vector<1x16xf32>,
      %swap3A_1408 = vector.shape_cast %swap3A_1407 : vector<1x16xf32> to vector<16xf32>
      %swap3A_1409 = vector.shape_cast %get3A_1403 : vector<16xf32> to vector<1x16xf32>
      tpu.vector_store %arg9[%swap3A_1405, %swap3A_1406], %swap3A_1409 {strides = array<i32>} : memref<2x1000xf32, #tpu.memory_space<vmem>>, vector<1x16xf32>,
      %get3A_1410 = arith.constant 49 : i32
      %get3A_1411 = arith.index_cast %get3A_1410 : i32 to index
      %get3A_1412 = arith.constant 912 : index
      %get3A_1413 = tpu.vector_load %arg6[%get3A_1411, %get3A_1412] {strides = array<i32>} : memref<56x1024xf32, #tpu.memory_space<vmem>>, vector<1x16xf32>,
      %get3A_1414 = vector.shape_cast %get3A_1413 : vector<1x16xf32> to vector<16xf32>
      %swap3A_1415 = arith.constant 1 : i32
      %swap3A_1416 = arith.index_cast %swap3A_1415 : i32 to index
      %swap3A_1417 = arith.constant 912 : index
      %swap3A_1418 = tpu.vector_load %arg9[%swap3A_1416, %swap3A_1417] {strides = array<i32>} : memref<2x1000xf32, #tpu.memory_space<vmem>>, vector<1x16xf32>,
      %swap3A_1419 = vector.shape_cast %swap3A_1418 : vector<1x16xf32> to vector<16xf32>
      %swap3A_1420 = vector.shape_cast %get3A_1414 : vector<16xf32> to vector<1x16xf32>
      tpu.vector_store %arg9[%swap3A_1416, %swap3A_1417], %swap3A_1420 {strides = array<i32>} : memref<2x1000xf32, #tpu.memory_space<vmem>>, vector<1x16xf32>,
      %get3A_1421 = arith.constant 49 : i32
      %get3A_1422 = arith.index_cast %get3A_1421 : i32 to index
      %get3A_1423 = arith.constant 928 : index
      %get3A_1424 = tpu.vector_load %arg6[%get3A_1422, %get3A_1423] {strides = array<i32>} : memref<56x1024xf32, #tpu.memory_space<vmem>>, vector<1x16xf32>,
      %get3A_1425 = vector.shape_cast %get3A_1424 : vector<1x16xf32> to vector<16xf32>
      %swap3A_1426 = arith.constant 1 : i32
      %swap3A_1427 = arith.index_cast %swap3A_1426 : i32 to index
      %swap3A_1428 = arith.constant 928 : index
      %swap3A_1429 = tpu.vector_load %arg9[%swap3A_1427, %swap3A_1428] {strides = array<i32>} : memref<2x1000xf32, #tpu.memory_space<vmem>>, vector<1x16xf32>,
      %swap3A_1430 = vector.shape_cast %swap3A_1429 : vector<1x16xf32> to vector<16xf32>
      %swap3A_1431 = vector.shape_cast %get3A_1425 : vector<16xf32> to vector<1x16xf32>
      tpu.vector_store %arg9[%swap3A_1427, %swap3A_1428], %swap3A_1431 {strides = array<i32>} : memref<2x1000xf32, #tpu.memory_space<vmem>>, vector<1x16xf32>,
      %get3A_1432 = arith.constant 49 : i32
      %get3A_1433 = arith.index_cast %get3A_1432 : i32 to index
      %get3A_1434 = arith.constant 944 : index
      %get3A_1435 = tpu.vector_load %arg6[%get3A_1433, %get3A_1434] {strides = array<i32>} : memref<56x1024xf32, #tpu.memory_space<vmem>>, vector<1x16xf32>,
      %get3A_1436 = vector.shape_cast %get3A_1435 : vector<1x16xf32> to vector<16xf32>
      %swap3A_1437 = arith.constant 1 : i32
      %swap3A_1438 = arith.index_cast %swap3A_1437 : i32 to index
      %swap3A_1439 = arith.constant 944 : index
      %swap3A_1440 = tpu.vector_load %arg9[%swap3A_1438, %swap3A_1439] {strides = array<i32>} : memref<2x1000xf32, #tpu.memory_space<vmem>>, vector<1x16xf32>,
      %swap3A_1441 = vector.shape_cast %swap3A_1440 : vector<1x16xf32> to vector<16xf32>
      %swap3A_1442 = vector.shape_cast %get3A_1436 : vector<16xf32> to vector<1x16xf32>
      tpu.vector_store %arg9[%swap3A_1438, %swap3A_1439], %swap3A_1442 {strides = array<i32>} : memref<2x1000xf32, #tpu.memory_space<vmem>>, vector<1x16xf32>,
      %get3A_1443 = arith.constant 49 : i32
      %get3A_1444 = arith.index_cast %get3A_1443 : i32 to index
      %get3A_1445 = arith.constant 960 : index
      %get3A_1446 = tpu.vector_load %arg6[%get3A_1444, %get3A_1445] {strides = array<i32>} : memref<56x1024xf32, #tpu.memory_space<vmem>>, vector<1x16xf32>,
      %get3A_1447 = vector.shape_cast %get3A_1446 : vector<1x16xf32> to vector<16xf32>
      %swap3A_1448 = arith.constant 1 : i32
      %swap3A_1449 = arith.index_cast %swap3A_1448 : i32 to index
      %swap3A_1450 = arith.constant 960 : index
      %swap3A_1451 = tpu.vector_load %arg9[%swap3A_1449, %swap3A_1450] {strides = array<i32>} : memref<2x1000xf32, #tpu.memory_space<vmem>>, vector<1x16xf32>,
      %swap3A_1452 = vector.shape_cast %swap3A_1451 : vector<1x16xf32> to vector<16xf32>
      %swap3A_1453 = vector.shape_cast %get3A_1447 : vector<16xf32> to vector<1x16xf32>
      tpu.vector_store %arg9[%swap3A_1449, %swap3A_1450], %swap3A_1453 {strides = array<i32>} : memref<2x1000xf32, #tpu.memory_space<vmem>>, vector<1x16xf32>,
      %get3A_1454 = arith.constant 49 : i32
      %get3A_1455 = arith.index_cast %get3A_1454 : i32 to index
      %get3A_1456 = arith.constant 976 : index
      %get3A_1457 = tpu.vector_load %arg6[%get3A_1455, %get3A_1456] {strides = array<i32>} : memref<56x1024xf32, #tpu.memory_space<vmem>>, vector<1x16xf32>,
      %get3A_1458 = vector.shape_cast %get3A_1457 : vector<1x16xf32> to vector<16xf32>
      %swap3A_1459 = arith.constant 1 : i32
      %swap3A_1460 = arith.index_cast %swap3A_1459 : i32 to index
      %swap3A_1461 = arith.constant 976 : index
      %swap3A_1462 = tpu.vector_load %arg9[%swap3A_1460, %swap3A_1461] {strides = array<i32>} : memref<2x1000xf32, #tpu.memory_space<vmem>>, vector<1x16xf32>,
      %swap3A_1463 = vector.shape_cast %swap3A_1462 : vector<1x16xf32> to vector<16xf32>
      %swap3A_1464 = vector.shape_cast %get3A_1458 : vector<16xf32> to vector<1x16xf32>
      tpu.vector_store %arg9[%swap3A_1460, %swap3A_1461], %swap3A_1464 {strides = array<i32>} : memref<2x1000xf32, #tpu.memory_space<vmem>>, vector<1x16xf32>,
      %get3A_1465 = arith.constant 49 : i32
      %get3A_1466 = arith.index_cast %get3A_1465 : i32 to index
      %get3A_1467 = arith.constant 984 : index
      %get3A_1468 = tpu.vector_load %arg6[%get3A_1466, %get3A_1467] {strides = array<i32>} : memref<56x1024xf32, #tpu.memory_space<vmem>>, vector<1x16xf32>,
      %get3A_1469 = vector.shape_cast %get3A_1468 : vector<1x16xf32> to vector<16xf32>
      %swap3A_1470 = arith.constant 1 : i32
      %swap3A_1471 = arith.index_cast %swap3A_1470 : i32 to index
      %swap3A_1472 = arith.constant 984 : index
      %swap3A_1473 = tpu.vector_load %arg9[%swap3A_1471, %swap3A_1472] {strides = array<i32>} : memref<2x1000xf32, #tpu.memory_space<vmem>>, vector<1x16xf32>,
      %swap3A_1474 = vector.shape_cast %swap3A_1473 : vector<1x16xf32> to vector<16xf32>
      %swap3A_1475 = vector.shape_cast %get3A_1469 : vector<16xf32> to vector<1x16xf32>
      tpu.vector_store %arg9[%swap3A_1471, %swap3A_1472], %swap3A_1475 {strides = array<i32>} : memref<2x1000xf32, #tpu.memory_space<vmem>>, vector<1x16xf32>,
      %add3A_1476 = arith.addi %mul3A_2, %add3A_53 : i32
      %dma_start3A_1477 = arith.constant 0 : i32
      %dma_start3A_1478 = arith.constant 896 : i32
      %dma_start3A_1479 = tpu.memref_slice %arg4[%add3A_1476, %dma_start3A_1477, %dma_start3A_1478] : memref<1024x50x1000xf32, #tpu.memory_space<hbm>> -> memref<1x48x104xf32, #tpu.memory_space<hbm>>
      %dma_start3A_1480 = tpu.memref_squeeze %dma_start3A_1479 : memref<1x48x104xf32, #tpu.memory_space<hbm>> -> memref<48x104xf32, #tpu.memory_space<hbm>>
      %dma_start3A_1481 = arith.constant 0 : i32
      %dma_start3A_1482 = arith.constant 896 : i32
      %dma_start3A_1483 = tpu.memref_slice %arg4[%add3A_1476, %dma_start3A_1481, %dma_start3A_1482] : memref<1024x50x1000xf32, #tpu.memory_space<hbm>> -> memref<1x48x104xf32, #tpu.memory_space<hbm>>
      %dma_start3A_1484 = tpu.memref_squeeze %dma_start3A_1483 : memref<1x48x104xf32, #tpu.memory_space<hbm>> -> memref<48x104xf32, #tpu.memory_space<hbm>>
      tpu.enqueue_dma source(%arg8 : memref<48x104xf32, #tpu.memory_space<vmem>>) target(%dma_start3A_1484 : memref<48x104xf32, #tpu.memory_space<hbm>>) target_semaphore(%arg12 : memref<!tpu.dma_semaphore, #tpu.memory_space<semaphore_mem>>)
      %add3A_1485 = arith.addi %mul3A_2, %add3A_53 : i32
      %dma_start3A_1486 = arith.constant 48 : i32
      %dma_start3A_1487 = arith.constant 0 : i32
      %dma_start3A_1488 = tpu.memref_slice %arg4[%add3A_1485, %dma_start3A_1486, %dma_start3A_1487] : memref<1024x50x1000xf32, #tpu.memory_space<hbm>> -> memref<1x2x1000xf32, #tpu.memory_space<hbm>>
      %dma_start3A_1489 = tpu.memref_squeeze %dma_start3A_1488 : memref<1x2x1000xf32, #tpu.memory_space<hbm>> -> memref<2x1000xf32, #tpu.memory_space<hbm>>
      %dma_start3A_1490 = arith.constant 48 : i32
      %dma_start3A_1491 = arith.constant 0 : i32
      %dma_start3A_1492 = tpu.memref_slice %arg4[%add3A_1485, %dma_start3A_1490, %dma_start3A_1491] : memref<1024x50x1000xf32, #tpu.memory_space<hbm>> -> memref<1x2x1000xf32, #tpu.memory_space<hbm>>
      %dma_start3A_1493 = tpu.memref_squeeze %dma_start3A_1492 : memref<1x2x1000xf32, #tpu.memory_space<hbm>> -> memref<2x1000xf32, #tpu.memory_space<hbm>>
      tpu.enqueue_dma source(%arg9 : memref<2x1000xf32, #tpu.memory_space<vmem>>) target(%dma_start3A_1493 : memref<2x1000xf32, #tpu.memory_space<hbm>>) target_semaphore(%arg12 : memref<!tpu.dma_semaphore, #tpu.memory_space<semaphore_mem>>)
      %mul3A_1494 = arith.constant 2 : i32
      %mul3A_1495 = arith.muli %mul3A_1494, %scan3A_49 : i32
      %add3A_1496 = arith.constant 1 : i32
      %add3A_1497 = arith.addi %mul3A_1495, %add3A_1496 : i32
      %mul3A_1498 = arith.constant 56 : i32
      %mul3A_1499 = arith.muli %add3A_1497, %mul3A_1498 : i32
      %dma_wait3A_1500 = tpu.memref_slice %arg5[%mul3A_1499] : memref<1792xi32, #tpu.memory_space<vmem>> -> memref<56xi32, #tpu.memory_space<vmem>>
      %dma_wait3A_1501 = arith.constant 0 : i32
      %dma_wait3A_1502 = arith.constant 0 : i32
      %dma_wait3A_1503 = tpu.memref_slice %arg2[%dma_wait3A_1501, %dma_wait3A_1502] : memref<1000x1024xf32, #tpu.memory_space<hbm>> -> memref<1000x1024xf32, #tpu.memory_space<hbm>>
      tpu.wait_indirect_dma semaphore(%arg10 : memref<!tpu.dma_semaphore, #tpu.memory_space<semaphore_mem>>) src(%dma_wait3A_1503 : memref<1000x1024xf32, #tpu.memory_space<hbm>>) dst(%arg7 : memref<56x1024xf32, #tpu.memory_space<vmem>>)
      %ge3A_1504 = arith.constant 1 : i32
      %ge3A_1505 = arith.cmpi sge, %add3A_1497, %ge3A_1504 : i32
      %convert_element_type3A_1506 = arith.extui %ge3A_1505 : i1 to i32
      %cond3A_1507 = arith.constant 0 : i32
      %cond3A_1508 = arith.cmpi ne, %convert_element_type3A_1506, %cond3A_1507 : i32
      scf.if %cond3A_1508 {
        %sub3A = arith.constant 1 : i32
        %sub3A_2944 = arith.subi %add3A_1497, %sub3A : i32
        %add3A_2945 = arith.addi %mul3A_2, %sub3A_2944 : i32
        %dma_wait3A_2946 = arith.constant 0 : i32
        %dma_wait3A_2947 = arith.constant 0 : i32
        %dma_wait3A_2948 = tpu.memref_slice %arg6[%dma_wait3A_2946, %dma_wait3A_2947] : memref<56x1024xf32, #tpu.memory_space<vmem>> -> memref<48x896xf32, #tpu.memory_space<vmem>>
        %dma_wait3A_2949 = arith.constant 0 : i32
        %dma_wait3A_2950 = arith.constant 0 : i32
        %dma_wait3A_2951 = tpu.memref_slice %arg4[%add3A_2945, %dma_wait3A_2949, %dma_wait3A_2950] : memref<1024x50x1000xf32, #tpu.memory_space<hbm>> -> memref<1x48x896xf32, #tpu.memory_space<hbm>>
        %dma_wait3A_2952 = tpu.memref_squeeze %dma_wait3A_2951 : memref<1x48x896xf32, #tpu.memory_space<hbm>> -> memref<48x896xf32, #tpu.memory_space<hbm>>
        %dma_wait3A_2953 = arith.constant 0 : i32
        %dma_wait3A_2954 = arith.constant 0 : i32
        %dma_wait3A_2955 = tpu.memref_slice %arg4[%add3A_2945, %dma_wait3A_2953, %dma_wait3A_2954] : memref<1024x50x1000xf32, #tpu.memory_space<hbm>> -> memref<1x48x896xf32, #tpu.memory_space<hbm>>
        %dma_wait3A_2956 = tpu.memref_squeeze %dma_wait3A_2955 : memref<1x48x896xf32, #tpu.memory_space<hbm>> -> memref<48x896xf32, #tpu.memory_space<hbm>>
        %dma_wait3A_2957 = arith.constant 0 : i32
        %dma_wait3A_2958 = arith.constant 0 : i32
        %dma_wait3A_2959 = tpu.memref_slice %arg6[%dma_wait3A_2957, %dma_wait3A_2958] : memref<56x1024xf32, #tpu.memory_space<vmem>> -> memref<48x896xf32, #tpu.memory_space<vmem>>
        tpu.wait_dma2 semaphore(%arg11 : memref<!tpu.dma_semaphore, #tpu.memory_space<semaphore_mem>>) src(%dma_wait3A_2959 : memref<48x896xf32, #tpu.memory_space<vmem>>) dst(%dma_wait3A_2956 : memref<48x896xf32, #tpu.memory_space<hbm>>)
      } else {
      }
      %lt3A_1509 = arith.constant 31 : i32
      %lt3A_1510 = arith.cmpi slt, %add3A_1497, %lt3A_1509 : i32
      %convert_element_type3A_1511 = arith.extui %lt3A_1510 : i1 to i32
      %cond3A_1512 = arith.constant 0 : i32
      %cond3A_1513 = arith.cmpi ne, %convert_element_type3A_1511, %cond3A_1512 : i32
      scf.if %cond3A_1513 {
        %add3A_2944 = arith.constant 1 : i32
        %add3A_2945 = arith.addi %add3A_1497, %add3A_2944 : i32
        %mul3A_2946 = arith.constant 56 : i32
        %mul3A_2947 = arith.muli %add3A_2945, %mul3A_2946 : i32
        %dma_start3A_2948 = tpu.memref_slice %arg5[%mul3A_2947] : memref<1792xi32, #tpu.memory_space<vmem>> -> memref<56xi32, #tpu.memory_space<vmem>>
        %dma_start3A_2949 = arith.constant 0 : i32
        %dma_start3A_2950 = arith.constant 0 : i32
        %dma_start3A_2951 = tpu.memref_slice %arg2[%dma_start3A_2949, %dma_start3A_2950] : memref<1000x1024xf32, #tpu.memory_space<hbm>> -> memref<1000x1024xf32, #tpu.memory_space<hbm>>
        tpu.enqueue_indirect_dma source(%dma_start3A_2951 : memref<1000x1024xf32, #tpu.memory_space<hbm>>) target(%arg6 : memref<56x1024xf32, #tpu.memory_space<vmem>>) offsets(%dma_start3A_2948 : memref<56xi32, #tpu.memory_space<vmem>>) semaphore(%arg10 : memref<!tpu.dma_semaphore, #tpu.memory_space<semaphore_mem>>)
      } else {
      }
      %add3A_1514 = arith.addi %mul3A_2, %add3A_1497 : i32
      %dma_start3A_1515 = arith.constant 0 : i32
      %dma_start3A_1516 = arith.constant 0 : i32
      %dma_start3A_1517 = tpu.memref_slice %arg7[%dma_start3A_1515, %dma_start3A_1516] : memref<56x1024xf32, #tpu.memory_space<vmem>> -> memref<48x896xf32, #tpu.memory_space<vmem>>
      %dma_start3A_1518 = arith.constant 0 : i32
      %dma_start3A_1519 = arith.constant 0 : i32
      %dma_start3A_1520 = tpu.memref_slice %arg4[%add3A_1514, %dma_start3A_1518, %dma_start3A_1519] : memref<1024x50x1000xf32, #tpu.memory_space<hbm>> -> memref<1x48x896xf32, #tpu.memory_space<hbm>>
      %dma_start3A_1521 = tpu.memref_squeeze %dma_start3A_1520 : memref<1x48x896xf32, #tpu.memory_space<hbm>> -> memref<48x896xf32, #tpu.memory_space<hbm>>
      %dma_start3A_1522 = arith.constant 0 : i32
      %dma_start3A_1523 = arith.constant 0 : i32
      %dma_start3A_1524 = tpu.memref_slice %arg4[%add3A_1514, %dma_start3A_1522, %dma_start3A_1523] : memref<1024x50x1000xf32, #tpu.memory_space<hbm>> -> memref<1x48x896xf32, #tpu.memory_space<hbm>>
      %dma_start3A_1525 = tpu.memref_squeeze %dma_start3A_1524 : memref<1x48x896xf32, #tpu.memory_space<hbm>> -> memref<48x896xf32, #tpu.memory_space<hbm>>
      %dma_start3A_1526 = arith.constant 0 : i32
      %dma_start3A_1527 = arith.constant 0 : i32
      %dma_start3A_1528 = tpu.memref_slice %arg7[%dma_start3A_1526, %dma_start3A_1527] : memref<56x1024xf32, #tpu.memory_space<vmem>> -> memref<48x896xf32, #tpu.memory_space<vmem>>
      tpu.enqueue_dma source(%dma_start3A_1528 : memref<48x896xf32, #tpu.memory_space<vmem>>) target(%dma_start3A_1525 : memref<48x896xf32, #tpu.memory_space<hbm>>) target_semaphore(%arg11 : memref<!tpu.dma_semaphore, #tpu.memory_space<semaphore_mem>>)
      %ge3A_1529 = arith.constant 1 : i32
      %ge3A_1530 = arith.cmpi sge, %add3A_1497, %ge3A_1529 : i32
      %convert_element_type3A_1531 = arith.extui %ge3A_1530 : i1 to i32
      %cond3A_1532 = arith.constant 0 : i32
      %cond3A_1533 = arith.cmpi ne, %convert_element_type3A_1531, %cond3A_1532 : i32
      scf.if %cond3A_1533 {
        %sub3A = arith.constant 1 : i32
        %sub3A_2944 = arith.subi %add3A_1497, %sub3A : i32
        %add3A_2945 = arith.addi %mul3A_2, %sub3A_2944 : i32
        %dma_wait3A_2946 = arith.constant 0 : i32
        %dma_wait3A_2947 = arith.constant 896 : i32
        %dma_wait3A_2948 = tpu.memref_slice %arg4[%add3A_2945, %dma_wait3A_2946, %dma_wait3A_2947] : memref<1024x50x1000xf32, #tpu.memory_space<hbm>> -> memref<1x48x104xf32, #tpu.memory_space<hbm>>
        %dma_wait3A_2949 = tpu.memref_squeeze %dma_wait3A_2948 : memref<1x48x104xf32, #tpu.memory_space<hbm>> -> memref<48x104xf32, #tpu.memory_space<hbm>>
        %dma_wait3A_2950 = arith.constant 0 : i32
        %dma_wait3A_2951 = arith.constant 896 : i32
        %dma_wait3A_2952 = tpu.memref_slice %arg4[%add3A_2945, %dma_wait3A_2950, %dma_wait3A_2951] : memref<1024x50x1000xf32, #tpu.memory_space<hbm>> -> memref<1x48x104xf32, #tpu.memory_space<hbm>>
        %dma_wait3A_2953 = tpu.memref_squeeze %dma_wait3A_2952 : memref<1x48x104xf32, #tpu.memory_space<hbm>> -> memref<48x104xf32, #tpu.memory_space<hbm>>
        tpu.wait_dma2 semaphore(%arg12 : memref<!tpu.dma_semaphore, #tpu.memory_space<semaphore_mem>>) src(%arg8 : memref<48x104xf32, #tpu.memory_space<vmem>>) dst(%dma_wait3A_2953 : memref<48x104xf32, #tpu.memory_space<hbm>>)
        %sub3A_2954 = arith.constant 1 : i32
        %sub3A_2955 = arith.subi %add3A_1497, %sub3A_2954 : i32
        %add3A_2956 = arith.addi %mul3A_2, %sub3A_2955 : i32
        %dma_wait3A_2957 = arith.constant 48 : i32
        %dma_wait3A_2958 = arith.constant 0 : i32
        %dma_wait3A_2959 = tpu.memref_slice %arg4[%add3A_2956, %dma_wait3A_2957, %dma_wait3A_2958] : memref<1024x50x1000xf32, #tpu.memory_space<hbm>> -> memref<1x2x1000xf32, #tpu.memory_space<hbm>>
        %dma_wait3A_2960 = tpu.memref_squeeze %dma_wait3A_2959 : memref<1x2x1000xf32, #tpu.memory_space<hbm>> -> memref<2x1000xf32, #tpu.memory_space<hbm>>
        %dma_wait3A_2961 = arith.constant 48 : i32
        %dma_wait3A_2962 = arith.constant 0 : i32
        %dma_wait3A_2963 = tpu.memref_slice %arg4[%add3A_2956, %dma_wait3A_2961, %dma_wait3A_2962] : memref<1024x50x1000xf32, #tpu.memory_space<hbm>> -> memref<1x2x1000xf32, #tpu.memory_space<hbm>>
        %dma_wait3A_2964 = tpu.memref_squeeze %dma_wait3A_2963 : memref<1x2x1000xf32, #tpu.memory_space<hbm>> -> memref<2x1000xf32, #tpu.memory_space<hbm>>
        tpu.wait_dma2 semaphore(%arg12 : memref<!tpu.dma_semaphore, #tpu.memory_space<semaphore_mem>>) src(%arg9 : memref<2x1000xf32, #tpu.memory_space<vmem>>) dst(%dma_wait3A_2964 : memref<2x1000xf32, #tpu.memory_space<hbm>>)
      } else {
      }
      %scan3A_1534 = arith.constant 0 : i32
      %scan3A_1535 = arith.constant 0 : i32
      %scan3A_1536 = arith.constant 48 : i32
      %scan3A_1537 = arith.addi %scan3A_1535, %scan3A_1536 : i32
      %scan3A_1538 = arith.constant 1 : i32
      scf.for %scan3A_2944 = %scan3A_1535 to %scan3A_1537 step %scan3A_1538  : i32 {
        %get3A_2945 = arith.index_cast %scan3A_2944 : i32 to index
        %get3A_2946 = arith.constant 896 : index
        %get3A_2947 = tpu.vector_load %arg7[%get3A_2945, %get3A_2946] {strides = array<i32>} : memref<56x1024xf32, #tpu.memory_space<vmem>>, vector<1x16xf32>,
        %get3A_2948 = vector.shape_cast %get3A_2947 : vector<1x16xf32> to vector<16xf32>
        %swap3A_2949 = arith.index_cast %scan3A_2944 : i32 to index
        %swap3A_2950 = arith.constant 0 : index
        %swap3A_2951 = tpu.vector_load %arg8[%swap3A_2949, %swap3A_2950] {strides = array<i32>} : memref<48x104xf32, #tpu.memory_space<vmem>>, vector<1x16xf32>,
        %swap3A_2952 = vector.shape_cast %swap3A_2951 : vector<1x16xf32> to vector<16xf32>
        %swap3A_2953 = vector.shape_cast %get3A_2948 : vector<16xf32> to vector<1x16xf32>
        tpu.vector_store %arg8[%swap3A_2949, %swap3A_2950], %swap3A_2953 {strides = array<i32>} : memref<48x104xf32, #tpu.memory_space<vmem>>, vector<1x16xf32>,
        %get3A_2954 = arith.index_cast %scan3A_2944 : i32 to index
        %get3A_2955 = arith.constant 912 : index
        %get3A_2956 = tpu.vector_load %arg7[%get3A_2954, %get3A_2955] {strides = array<i32>} : memref<56x1024xf32, #tpu.memory_space<vmem>>, vector<1x16xf32>,
        %get3A_2957 = vector.shape_cast %get3A_2956 : vector<1x16xf32> to vector<16xf32>
        %swap3A_2958 = arith.index_cast %scan3A_2944 : i32 to index
        %swap3A_2959 = arith.constant 16 : index
        %swap3A_2960 = tpu.vector_load %arg8[%swap3A_2958, %swap3A_2959] {strides = array<i32>} : memref<48x104xf32, #tpu.memory_space<vmem>>, vector<1x16xf32>,
        %swap3A_2961 = vector.shape_cast %swap3A_2960 : vector<1x16xf32> to vector<16xf32>
        %swap3A_2962 = vector.shape_cast %get3A_2957 : vector<16xf32> to vector<1x16xf32>
        tpu.vector_store %arg8[%swap3A_2958, %swap3A_2959], %swap3A_2962 {strides = array<i32>} : memref<48x104xf32, #tpu.memory_space<vmem>>, vector<1x16xf32>,
        %get3A_2963 = arith.index_cast %scan3A_2944 : i32 to index
        %get3A_2964 = arith.constant 928 : index
        %get3A_2965 = tpu.vector_load %arg7[%get3A_2963, %get3A_2964] {strides = array<i32>} : memref<56x1024xf32, #tpu.memory_space<vmem>>, vector<1x16xf32>,
        %get3A_2966 = vector.shape_cast %get3A_2965 : vector<1x16xf32> to vector<16xf32>
        %swap3A_2967 = arith.index_cast %scan3A_2944 : i32 to index
        %swap3A_2968 = arith.constant 32 : index
        %swap3A_2969 = tpu.vector_load %arg8[%swap3A_2967, %swap3A_2968] {strides = array<i32>} : memref<48x104xf32, #tpu.memory_space<vmem>>, vector<1x16xf32>,
        %swap3A_2970 = vector.shape_cast %swap3A_2969 : vector<1x16xf32> to vector<16xf32>
        %swap3A_2971 = vector.shape_cast %get3A_2966 : vector<16xf32> to vector<1x16xf32>
        tpu.vector_store %arg8[%swap3A_2967, %swap3A_2968], %swap3A_2971 {strides = array<i32>} : memref<48x104xf32, #tpu.memory_space<vmem>>, vector<1x16xf32>,
        %get3A_2972 = arith.index_cast %scan3A_2944 : i32 to index
        %get3A_2973 = arith.constant 944 : index
        %get3A_2974 = tpu.vector_load %arg7[%get3A_2972, %get3A_2973] {strides = array<i32>} : memref<56x1024xf32, #tpu.memory_space<vmem>>, vector<1x16xf32>,
        %get3A_2975 = vector.shape_cast %get3A_2974 : vector<1x16xf32> to vector<16xf32>
        %swap3A_2976 = arith.index_cast %scan3A_2944 : i32 to index
        %swap3A_2977 = arith.constant 48 : index
        %swap3A_2978 = tpu.vector_load %arg8[%swap3A_2976, %swap3A_2977] {strides = array<i32>} : memref<48x104xf32, #tpu.memory_space<vmem>>, vector<1x16xf32>,
        %swap3A_2979 = vector.shape_cast %swap3A_2978 : vector<1x16xf32> to vector<16xf32>
        %swap3A_2980 = vector.shape_cast %get3A_2975 : vector<16xf32> to vector<1x16xf32>
        tpu.vector_store %arg8[%swap3A_2976, %swap3A_2977], %swap3A_2980 {strides = array<i32>} : memref<48x104xf32, #tpu.memory_space<vmem>>, vector<1x16xf32>,
        %get3A_2981 = arith.index_cast %scan3A_2944 : i32 to index
        %get3A_2982 = arith.constant 960 : index
        %get3A_2983 = tpu.vector_load %arg7[%get3A_2981, %get3A_2982] {strides = array<i32>} : memref<56x1024xf32, #tpu.memory_space<vmem>>, vector<1x16xf32>,
        %get3A_2984 = vector.shape_cast %get3A_2983 : vector<1x16xf32> to vector<16xf32>
        %swap3A_2985 = arith.index_cast %scan3A_2944 : i32 to index
        %swap3A_2986 = arith.constant 64 : index
        %swap3A_2987 = tpu.vector_load %arg8[%swap3A_2985, %swap3A_2986] {strides = array<i32>} : memref<48x104xf32, #tpu.memory_space<vmem>>, vector<1x16xf32>,
        %swap3A_2988 = vector.shape_cast %swap3A_2987 : vector<1x16xf32> to vector<16xf32>
        %swap3A_2989 = vector.shape_cast %get3A_2984 : vector<16xf32> to vector<1x16xf32>
        tpu.vector_store %arg8[%swap3A_2985, %swap3A_2986], %swap3A_2989 {strides = array<i32>} : memref<48x104xf32, #tpu.memory_space<vmem>>, vector<1x16xf32>,
        %get3A_2990 = arith.index_cast %scan3A_2944 : i32 to index
        %get3A_2991 = arith.constant 976 : index
        %get3A_2992 = tpu.vector_load %arg7[%get3A_2990, %get3A_2991] {strides = array<i32>} : memref<56x1024xf32, #tpu.memory_space<vmem>>, vector<1x16xf32>,
        %get3A_2993 = vector.shape_cast %get3A_2992 : vector<1x16xf32> to vector<16xf32>
        %swap3A_2994 = arith.index_cast %scan3A_2944 : i32 to index
        %swap3A_2995 = arith.constant 80 : index
        %swap3A_2996 = tpu.vector_load %arg8[%swap3A_2994, %swap3A_2995] {strides = array<i32>} : memref<48x104xf32, #tpu.memory_space<vmem>>, vector<1x16xf32>,
        %swap3A_2997 = vector.shape_cast %swap3A_2996 : vector<1x16xf32> to vector<16xf32>
        %swap3A_2998 = vector.shape_cast %get3A_2993 : vector<16xf32> to vector<1x16xf32>
        tpu.vector_store %arg8[%swap3A_2994, %swap3A_2995], %swap3A_2998 {strides = array<i32>} : memref<48x104xf32, #tpu.memory_space<vmem>>, vector<1x16xf32>,
        %get3A_2999 = arith.index_cast %scan3A_2944 : i32 to index
        %get3A_3000 = arith.constant 984 : index
        %get3A_3001 = tpu.vector_load %arg7[%get3A_2999, %get3A_3000] {strides = array<i32>} : memref<56x1024xf32, #tpu.memory_space<vmem>>, vector<1x16xf32>,
        %get3A_3002 = vector.shape_cast %get3A_3001 : vector<1x16xf32> to vector<16xf32>
        %swap3A_3003 = arith.index_cast %scan3A_2944 : i32 to index
        %swap3A_3004 = arith.constant 88 : index
        %swap3A_3005 = tpu.vector_load %arg8[%swap3A_3003, %swap3A_3004] {strides = array<i32>} : memref<48x104xf32, #tpu.memory_space<vmem>>, vector<1x16xf32>,
        %swap3A_3006 = vector.shape_cast %swap3A_3005 : vector<1x16xf32> to vector<16xf32>
        %swap3A_3007 = vector.shape_cast %get3A_3002 : vector<16xf32> to vector<1x16xf32>
        tpu.vector_store %arg8[%swap3A_3003, %swap3A_3004], %swap3A_3007 {strides = array<i32>} : memref<48x104xf32, #tpu.memory_space<vmem>>, vector<1x16xf32>,
      }
      %scan3A_1539 = arith.constant 48 : i32
      %get3A_1540 = arith.constant 48 : i32
      %get3A_1541 = arith.index_cast %get3A_1540 : i32 to index
      %get3A_1542 = arith.constant 0 : index
      %get3A_1543 = tpu.vector_load %arg7[%get3A_1541, %get3A_1542] {strides = array<i32>} : memref<56x1024xf32, #tpu.memory_space<vmem>>, vector<1x16xf32>,
      %get3A_1544 = vector.shape_cast %get3A_1543 : vector<1x16xf32> to vector<16xf32>
      %swap3A_1545 = arith.constant 0 : i32
      %swap3A_1546 = arith.index_cast %swap3A_1545 : i32 to index
      %swap3A_1547 = arith.constant 0 : index
      %swap3A_1548 = tpu.vector_load %arg9[%swap3A_1546, %swap3A_1547] {strides = array<i32>} : memref<2x1000xf32, #tpu.memory_space<vmem>>, vector<1x16xf32>,
      %swap3A_1549 = vector.shape_cast %swap3A_1548 : vector<1x16xf32> to vector<16xf32>
      %swap3A_1550 = vector.shape_cast %get3A_1544 : vector<16xf32> to vector<1x16xf32>
      tpu.vector_store %arg9[%swap3A_1546, %swap3A_1547], %swap3A_1550 {strides = array<i32>} : memref<2x1000xf32, #tpu.memory_space<vmem>>, vector<1x16xf32>,
      %get3A_1551 = arith.constant 48 : i32
      %get3A_1552 = arith.index_cast %get3A_1551 : i32 to index
      %get3A_1553 = arith.constant 16 : index
      %get3A_1554 = tpu.vector_load %arg7[%get3A_1552, %get3A_1553] {strides = array<i32>} : memref<56x1024xf32, #tpu.memory_space<vmem>>, vector<1x16xf32>,
      %get3A_1555 = vector.shape_cast %get3A_1554 : vector<1x16xf32> to vector<16xf32>
      %swap3A_1556 = arith.constant 0 : i32
      %swap3A_1557 = arith.index_cast %swap3A_1556 : i32 to index
      %swap3A_1558 = arith.constant 16 : index
      %swap3A_1559 = tpu.vector_load %arg9[%swap3A_1557, %swap3A_1558] {strides = array<i32>} : memref<2x1000xf32, #tpu.memory_space<vmem>>, vector<1x16xf32>,
      %swap3A_1560 = vector.shape_cast %swap3A_1559 : vector<1x16xf32> to vector<16xf32>
      %swap3A_1561 = vector.shape_cast %get3A_1555 : vector<16xf32> to vector<1x16xf32>
      tpu.vector_store %arg9[%swap3A_1557, %swap3A_1558], %swap3A_1561 {strides = array<i32>} : memref<2x1000xf32, #tpu.memory_space<vmem>>, vector<1x16xf32>,
      %get3A_1562 = arith.constant 48 : i32
      %get3A_1563 = arith.index_cast %get3A_1562 : i32 to index
      %get3A_1564 = arith.constant 32 : index
      %get3A_1565 = tpu.vector_load %arg7[%get3A_1563, %get3A_1564] {strides = array<i32>} : memref<56x1024xf32, #tpu.memory_space<vmem>>, vector<1x16xf32>,
      %get3A_1566 = vector.shape_cast %get3A_1565 : vector<1x16xf32> to vector<16xf32>
      %swap3A_1567 = arith.constant 0 : i32
      %swap3A_1568 = arith.index_cast %swap3A_1567 : i32 to index
      %swap3A_1569 = arith.constant 32 : index
      %swap3A_1570 = tpu.vector_load %arg9[%swap3A_1568, %swap3A_1569] {strides = array<i32>} : memref<2x1000xf32, #tpu.memory_space<vmem>>, vector<1x16xf32>,
      %swap3A_1571 = vector.shape_cast %swap3A_1570 : vector<1x16xf32> to vector<16xf32>
      %swap3A_1572 = vector.shape_cast %get3A_1566 : vector<16xf32> to vector<1x16xf32>
      tpu.vector_store %arg9[%swap3A_1568, %swap3A_1569], %swap3A_1572 {strides = array<i32>} : memref<2x1000xf32, #tpu.memory_space<vmem>>, vector<1x16xf32>,
      %get3A_1573 = arith.constant 48 : i32
      %get3A_1574 = arith.index_cast %get3A_1573 : i32 to index
      %get3A_1575 = arith.constant 48 : index
      %get3A_1576 = tpu.vector_load %arg7[%get3A_1574, %get3A_1575] {strides = array<i32>} : memref<56x1024xf32, #tpu.memory_space<vmem>>, vector<1x16xf32>,
      %get3A_1577 = vector.shape_cast %get3A_1576 : vector<1x16xf32> to vector<16xf32>
      %swap3A_1578 = arith.constant 0 : i32
      %swap3A_1579 = arith.index_cast %swap3A_1578 : i32 to index
      %swap3A_1580 = arith.constant 48 : index
      %swap3A_1581 = tpu.vector_load %arg9[%swap3A_1579, %swap3A_1580] {strides = array<i32>} : memref<2x1000xf32, #tpu.memory_space<vmem>>, vector<1x16xf32>,
      %swap3A_1582 = vector.shape_cast %swap3A_1581 : vector<1x16xf32> to vector<16xf32>
      %swap3A_1583 = vector.shape_cast %get3A_1577 : vector<16xf32> to vector<1x16xf32>
      tpu.vector_store %arg9[%swap3A_1579, %swap3A_1580], %swap3A_1583 {strides = array<i32>} : memref<2x1000xf32, #tpu.memory_space<vmem>>, vector<1x16xf32>,
      %get3A_1584 = arith.constant 48 : i32
      %get3A_1585 = arith.index_cast %get3A_1584 : i32 to index
      %get3A_1586 = arith.constant 64 : index
      %get3A_1587 = tpu.vector_load %arg7[%get3A_1585, %get3A_1586] {strides = array<i32>} : memref<56x1024xf32, #tpu.memory_space<vmem>>, vector<1x16xf32>,
      %get3A_1588 = vector.shape_cast %get3A_1587 : vector<1x16xf32> to vector<16xf32>
      %swap3A_1589 = arith.constant 0 : i32
      %swap3A_1590 = arith.index_cast %swap3A_1589 : i32 to index
      %swap3A_1591 = arith.constant 64 : index
      %swap3A_1592 = tpu.vector_load %arg9[%swap3A_1590, %swap3A_1591] {strides = array<i32>} : memref<2x1000xf32, #tpu.memory_space<vmem>>, vector<1x16xf32>,
      %swap3A_1593 = vector.shape_cast %swap3A_1592 : vector<1x16xf32> to vector<16xf32>
      %swap3A_1594 = vector.shape_cast %get3A_1588 : vector<16xf32> to vector<1x16xf32>
      tpu.vector_store %arg9[%swap3A_1590, %swap3A_1591], %swap3A_1594 {strides = array<i32>} : memref<2x1000xf32, #tpu.memory_space<vmem>>, vector<1x16xf32>,
      %get3A_1595 = arith.constant 48 : i32
      %get3A_1596 = arith.index_cast %get3A_1595 : i32 to index
      %get3A_1597 = arith.constant 80 : index
      %get3A_1598 = tpu.vector_load %arg7[%get3A_1596, %get3A_1597] {strides = array<i32>} : memref<56x1024xf32, #tpu.memory_space<vmem>>, vector<1x16xf32>,
      %get3A_1599 = vector.shape_cast %get3A_1598 : vector<1x16xf32> to vector<16xf32>
      %swap3A_1600 = arith.constant 0 : i32
      %swap3A_1601 = arith.index_cast %swap3A_1600 : i32 to index
      %swap3A_1602 = arith.constant 80 : index
      %swap3A_1603 = tpu.vector_load %arg9[%swap3A_1601, %swap3A_1602] {strides = array<i32>} : memref<2x1000xf32, #tpu.memory_space<vmem>>, vector<1x16xf32>,
      %swap3A_1604 = vector.shape_cast %swap3A_1603 : vector<1x16xf32> to vector<16xf32>
      %swap3A_1605 = vector.shape_cast %get3A_1599 : vector<16xf32> to vector<1x16xf32>
      tpu.vector_store %arg9[%swap3A_1601, %swap3A_1602], %swap3A_1605 {strides = array<i32>} : memref<2x1000xf32, #tpu.memory_space<vmem>>, vector<1x16xf32>,
      %get3A_1606 = arith.constant 48 : i32
      %get3A_1607 = arith.index_cast %get3A_1606 : i32 to index
      %get3A_1608 = arith.constant 96 : index
      %get3A_1609 = tpu.vector_load %arg7[%get3A_1607, %get3A_1608] {strides = array<i32>} : memref<56x1024xf32, #tpu.memory_space<vmem>>, vector<1x16xf32>,
      %get3A_1610 = vector.shape_cast %get3A_1609 : vector<1x16xf32> to vector<16xf32>
      %swap3A_1611 = arith.constant 0 : i32
      %swap3A_1612 = arith.index_cast %swap3A_1611 : i32 to index
      %swap3A_1613 = arith.constant 96 : index
      %swap3A_1614 = tpu.vector_load %arg9[%swap3A_1612, %swap3A_1613] {strides = array<i32>} : memref<2x1000xf32, #tpu.memory_space<vmem>>, vector<1x16xf32>,
      %swap3A_1615 = vector.shape_cast %swap3A_1614 : vector<1x16xf32> to vector<16xf32>
      %swap3A_1616 = vector.shape_cast %get3A_1610 : vector<16xf32> to vector<1x16xf32>
      tpu.vector_store %arg9[%swap3A_1612, %swap3A_1613], %swap3A_1616 {strides = array<i32>} : memref<2x1000xf32, #tpu.memory_space<vmem>>, vector<1x16xf32>,
      %get3A_1617 = arith.constant 48 : i32
      %get3A_1618 = arith.index_cast %get3A_1617 : i32 to index
      %get3A_1619 = arith.constant 112 : index
      %get3A_1620 = tpu.vector_load %arg7[%get3A_1618, %get3A_1619] {strides = array<i32>} : memref<56x1024xf32, #tpu.memory_space<vmem>>, vector<1x16xf32>,
      %get3A_1621 = vector.shape_cast %get3A_1620 : vector<1x16xf32> to vector<16xf32>
      %swap3A_1622 = arith.constant 0 : i32
      %swap3A_1623 = arith.index_cast %swap3A_1622 : i32 to index
      %swap3A_1624 = arith.constant 112 : index
      %swap3A_1625 = tpu.vector_load %arg9[%swap3A_1623, %swap3A_1624] {strides = array<i32>} : memref<2x1000xf32, #tpu.memory_space<vmem>>, vector<1x16xf32>,
      %swap3A_1626 = vector.shape_cast %swap3A_1625 : vector<1x16xf32> to vector<16xf32>
      %swap3A_1627 = vector.shape_cast %get3A_1621 : vector<16xf32> to vector<1x16xf32>
      tpu.vector_store %arg9[%swap3A_1623, %swap3A_1624], %swap3A_1627 {strides = array<i32>} : memref<2x1000xf32, #tpu.memory_space<vmem>>, vector<1x16xf32>,
      %get3A_1628 = arith.constant 48 : i32
      %get3A_1629 = arith.index_cast %get3A_1628 : i32 to index
      %get3A_1630 = arith.constant 128 : index
      %get3A_1631 = tpu.vector_load %arg7[%get3A_1629, %get3A_1630] {strides = array<i32>} : memref<56x1024xf32, #tpu.memory_space<vmem>>, vector<1x16xf32>,
      %get3A_1632 = vector.shape_cast %get3A_1631 : vector<1x16xf32> to vector<16xf32>
      %swap3A_1633 = arith.constant 0 : i32
      %swap3A_1634 = arith.index_cast %swap3A_1633 : i32 to index
      %swap3A_1635 = arith.constant 128 : index
      %swap3A_1636 = tpu.vector_load %arg9[%swap3A_1634, %swap3A_1635] {strides = array<i32>} : memref<2x1000xf32, #tpu.memory_space<vmem>>, vector<1x16xf32>,
      %swap3A_1637 = vector.shape_cast %swap3A_1636 : vector<1x16xf32> to vector<16xf32>
      %swap3A_1638 = vector.shape_cast %get3A_1632 : vector<16xf32> to vector<1x16xf32>
      tpu.vector_store %arg9[%swap3A_1634, %swap3A_1635], %swap3A_1638 {strides = array<i32>} : memref<2x1000xf32, #tpu.memory_space<vmem>>, vector<1x16xf32>,
      %get3A_1639 = arith.constant 48 : i32
      %get3A_1640 = arith.index_cast %get3A_1639 : i32 to index
      %get3A_1641 = arith.constant 144 : index
      %get3A_1642 = tpu.vector_load %arg7[%get3A_1640, %get3A_1641] {strides = array<i32>} : memref<56x1024xf32, #tpu.memory_space<vmem>>, vector<1x16xf32>,
      %get3A_1643 = vector.shape_cast %get3A_1642 : vector<1x16xf32> to vector<16xf32>
      %swap3A_1644 = arith.constant 0 : i32
      %swap3A_1645 = arith.index_cast %swap3A_1644 : i32 to index
      %swap3A_1646 = arith.constant 144 : index
      %swap3A_1647 = tpu.vector_load %arg9[%swap3A_1645, %swap3A_1646] {strides = array<i32>} : memref<2x1000xf32, #tpu.memory_space<vmem>>, vector<1x16xf32>,
      %swap3A_1648 = vector.shape_cast %swap3A_1647 : vector<1x16xf32> to vector<16xf32>
      %swap3A_1649 = vector.shape_cast %get3A_1643 : vector<16xf32> to vector<1x16xf32>
      tpu.vector_store %arg9[%swap3A_1645, %swap3A_1646], %swap3A_1649 {strides = array<i32>} : memref<2x1000xf32, #tpu.memory_space<vmem>>, vector<1x16xf32>,
      %get3A_1650 = arith.constant 48 : i32
      %get3A_1651 = arith.index_cast %get3A_1650 : i32 to index
      %get3A_1652 = arith.constant 160 : index
      %get3A_1653 = tpu.vector_load %arg7[%get3A_1651, %get3A_1652] {strides = array<i32>} : memref<56x1024xf32, #tpu.memory_space<vmem>>, vector<1x16xf32>,
      %get3A_1654 = vector.shape_cast %get3A_1653 : vector<1x16xf32> to vector<16xf32>
      %swap3A_1655 = arith.constant 0 : i32
      %swap3A_1656 = arith.index_cast %swap3A_1655 : i32 to index
      %swap3A_1657 = arith.constant 160 : index
      %swap3A_1658 = tpu.vector_load %arg9[%swap3A_1656, %swap3A_1657] {strides = array<i32>} : memref<2x1000xf32, #tpu.memory_space<vmem>>, vector<1x16xf32>,
      %swap3A_1659 = vector.shape_cast %swap3A_1658 : vector<1x16xf32> to vector<16xf32>
      %swap3A_1660 = vector.shape_cast %get3A_1654 : vector<16xf32> to vector<1x16xf32>
      tpu.vector_store %arg9[%swap3A_1656, %swap3A_1657], %swap3A_1660 {strides = array<i32>} : memref<2x1000xf32, #tpu.memory_space<vmem>>, vector<1x16xf32>,
      %get3A_1661 = arith.constant 48 : i32
      %get3A_1662 = arith.index_cast %get3A_1661 : i32 to index
      %get3A_1663 = arith.constant 176 : index
      %get3A_1664 = tpu.vector_load %arg7[%get3A_1662, %get3A_1663] {strides = array<i32>} : memref<56x1024xf32, #tpu.memory_space<vmem>>, vector<1x16xf32>,
      %get3A_1665 = vector.shape_cast %get3A_1664 : vector<1x16xf32> to vector<16xf32>
      %swap3A_1666 = arith.constant 0 : i32
      %swap3A_1667 = arith.index_cast %swap3A_1666 : i32 to index
      %swap3A_1668 = arith.constant 176 : index
      %swap3A_1669 = tpu.vector_load %arg9[%swap3A_1667, %swap3A_1668] {strides = array<i32>} : memref<2x1000xf32, #tpu.memory_space<vmem>>, vector<1x16xf32>,
      %swap3A_1670 = vector.shape_cast %swap3A_1669 : vector<1x16xf32> to vector<16xf32>
      %swap3A_1671 = vector.shape_cast %get3A_1665 : vector<16xf32> to vector<1x16xf32>
      tpu.vector_store %arg9[%swap3A_1667, %swap3A_1668], %swap3A_1671 {strides = array<i32>} : memref<2x1000xf32, #tpu.memory_space<vmem>>, vector<1x16xf32>,
      %get3A_1672 = arith.constant 48 : i32
      %get3A_1673 = arith.index_cast %get3A_1672 : i32 to index
      %get3A_1674 = arith.constant 192 : index
      %get3A_1675 = tpu.vector_load %arg7[%get3A_1673, %get3A_1674] {strides = array<i32>} : memref<56x1024xf32, #tpu.memory_space<vmem>>, vector<1x16xf32>,
      %get3A_1676 = vector.shape_cast %get3A_1675 : vector<1x16xf32> to vector<16xf32>
      %swap3A_1677 = arith.constant 0 : i32
      %swap3A_1678 = arith.index_cast %swap3A_1677 : i32 to index
      %swap3A_1679 = arith.constant 192 : index
      %swap3A_1680 = tpu.vector_load %arg9[%swap3A_1678, %swap3A_1679] {strides = array<i32>} : memref<2x1000xf32, #tpu.memory_space<vmem>>, vector<1x16xf32>,
      %swap3A_1681 = vector.shape_cast %swap3A_1680 : vector<1x16xf32> to vector<16xf32>
      %swap3A_1682 = vector.shape_cast %get3A_1676 : vector<16xf32> to vector<1x16xf32>
      tpu.vector_store %arg9[%swap3A_1678, %swap3A_1679], %swap3A_1682 {strides = array<i32>} : memref<2x1000xf32, #tpu.memory_space<vmem>>, vector<1x16xf32>,
      %get3A_1683 = arith.constant 48 : i32
      %get3A_1684 = arith.index_cast %get3A_1683 : i32 to index
      %get3A_1685 = arith.constant 208 : index
      %get3A_1686 = tpu.vector_load %arg7[%get3A_1684, %get3A_1685] {strides = array<i32>} : memref<56x1024xf32, #tpu.memory_space<vmem>>, vector<1x16xf32>,
      %get3A_1687 = vector.shape_cast %get3A_1686 : vector<1x16xf32> to vector<16xf32>
      %swap3A_1688 = arith.constant 0 : i32
      %swap3A_1689 = arith.index_cast %swap3A_1688 : i32 to index
      %swap3A_1690 = arith.constant 208 : index
      %swap3A_1691 = tpu.vector_load %arg9[%swap3A_1689, %swap3A_1690] {strides = array<i32>} : memref<2x1000xf32, #tpu.memory_space<vmem>>, vector<1x16xf32>,
      %swap3A_1692 = vector.shape_cast %swap3A_1691 : vector<1x16xf32> to vector<16xf32>
      %swap3A_1693 = vector.shape_cast %get3A_1687 : vector<16xf32> to vector<1x16xf32>
      tpu.vector_store %arg9[%swap3A_1689, %swap3A_1690], %swap3A_1693 {strides = array<i32>} : memref<2x1000xf32, #tpu.memory_space<vmem>>, vector<1x16xf32>,
      %get3A_1694 = arith.constant 48 : i32
      %get3A_1695 = arith.index_cast %get3A_1694 : i32 to index
      %get3A_1696 = arith.constant 224 : index
      %get3A_1697 = tpu.vector_load %arg7[%get3A_1695, %get3A_1696] {strides = array<i32>} : memref<56x1024xf32, #tpu.memory_space<vmem>>, vector<1x16xf32>,
      %get3A_1698 = vector.shape_cast %get3A_1697 : vector<1x16xf32> to vector<16xf32>
      %swap3A_1699 = arith.constant 0 : i32
      %swap3A_1700 = arith.index_cast %swap3A_1699 : i32 to index
      %swap3A_1701 = arith.constant 224 : index
      %swap3A_1702 = tpu.vector_load %arg9[%swap3A_1700, %swap3A_1701] {strides = array<i32>} : memref<2x1000xf32, #tpu.memory_space<vmem>>, vector<1x16xf32>,
      %swap3A_1703 = vector.shape_cast %swap3A_1702 : vector<1x16xf32> to vector<16xf32>
      %swap3A_1704 = vector.shape_cast %get3A_1698 : vector<16xf32> to vector<1x16xf32>
      tpu.vector_store %arg9[%swap3A_1700, %swap3A_1701], %swap3A_1704 {strides = array<i32>} : memref<2x1000xf32, #tpu.memory_space<vmem>>, vector<1x16xf32>,
      %get3A_1705 = arith.constant 48 : i32
      %get3A_1706 = arith.index_cast %get3A_1705 : i32 to index
      %get3A_1707 = arith.constant 240 : index
      %get3A_1708 = tpu.vector_load %arg7[%get3A_1706, %get3A_1707] {strides = array<i32>} : memref<56x1024xf32, #tpu.memory_space<vmem>>, vector<1x16xf32>,
      %get3A_1709 = vector.shape_cast %get3A_1708 : vector<1x16xf32> to vector<16xf32>
      %swap3A_1710 = arith.constant 0 : i32
      %swap3A_1711 = arith.index_cast %swap3A_1710 : i32 to index
      %swap3A_1712 = arith.constant 240 : index
      %swap3A_1713 = tpu.vector_load %arg9[%swap3A_1711, %swap3A_1712] {strides = array<i32>} : memref<2x1000xf32, #tpu.memory_space<vmem>>, vector<1x16xf32>,
      %swap3A_1714 = vector.shape_cast %swap3A_1713 : vector<1x16xf32> to vector<16xf32>
      %swap3A_1715 = vector.shape_cast %get3A_1709 : vector<16xf32> to vector<1x16xf32>
      tpu.vector_store %arg9[%swap3A_1711, %swap3A_1712], %swap3A_1715 {strides = array<i32>} : memref<2x1000xf32, #tpu.memory_space<vmem>>, vector<1x16xf32>,
      %get3A_1716 = arith.constant 48 : i32
      %get3A_1717 = arith.index_cast %get3A_1716 : i32 to index
      %get3A_1718 = arith.constant 256 : index
      %get3A_1719 = tpu.vector_load %arg7[%get3A_1717, %get3A_1718] {strides = array<i32>} : memref<56x1024xf32, #tpu.memory_space<vmem>>, vector<1x16xf32>,
      %get3A_1720 = vector.shape_cast %get3A_1719 : vector<1x16xf32> to vector<16xf32>
      %swap3A_1721 = arith.constant 0 : i32
      %swap3A_1722 = arith.index_cast %swap3A_1721 : i32 to index
      %swap3A_1723 = arith.constant 256 : index
      %swap3A_1724 = tpu.vector_load %arg9[%swap3A_1722, %swap3A_1723] {strides = array<i32>} : memref<2x1000xf32, #tpu.memory_space<vmem>>, vector<1x16xf32>,
      %swap3A_1725 = vector.shape_cast %swap3A_1724 : vector<1x16xf32> to vector<16xf32>
      %swap3A_1726 = vector.shape_cast %get3A_1720 : vector<16xf32> to vector<1x16xf32>
      tpu.vector_store %arg9[%swap3A_1722, %swap3A_1723], %swap3A_1726 {strides = array<i32>} : memref<2x1000xf32, #tpu.memory_space<vmem>>, vector<1x16xf32>,
      %get3A_1727 = arith.constant 48 : i32
      %get3A_1728 = arith.index_cast %get3A_1727 : i32 to index
      %get3A_1729 = arith.constant 272 : index
      %get3A_1730 = tpu.vector_load %arg7[%get3A_1728, %get3A_1729] {strides = array<i32>} : memref<56x1024xf32, #tpu.memory_space<vmem>>, vector<1x16xf32>,
      %get3A_1731 = vector.shape_cast %get3A_1730 : vector<1x16xf32> to vector<16xf32>
      %swap3A_1732 = arith.constant 0 : i32
      %swap3A_1733 = arith.index_cast %swap3A_1732 : i32 to index
      %swap3A_1734 = arith.constant 272 : index
      %swap3A_1735 = tpu.vector_load %arg9[%swap3A_1733, %swap3A_1734] {strides = array<i32>} : memref<2x1000xf32, #tpu.memory_space<vmem>>, vector<1x16xf32>,
      %swap3A_1736 = vector.shape_cast %swap3A_1735 : vector<1x16xf32> to vector<16xf32>
      %swap3A_1737 = vector.shape_cast %get3A_1731 : vector<16xf32> to vector<1x16xf32>
      tpu.vector_store %arg9[%swap3A_1733, %swap3A_1734], %swap3A_1737 {strides = array<i32>} : memref<2x1000xf32, #tpu.memory_space<vmem>>, vector<1x16xf32>,
      %get3A_1738 = arith.constant 48 : i32
      %get3A_1739 = arith.index_cast %get3A_1738 : i32 to index
      %get3A_1740 = arith.constant 288 : index
      %get3A_1741 = tpu.vector_load %arg7[%get3A_1739, %get3A_1740] {strides = array<i32>} : memref<56x1024xf32, #tpu.memory_space<vmem>>, vector<1x16xf32>,
      %get3A_1742 = vector.shape_cast %get3A_1741 : vector<1x16xf32> to vector<16xf32>
      %swap3A_1743 = arith.constant 0 : i32
      %swap3A_1744 = arith.index_cast %swap3A_1743 : i32 to index
      %swap3A_1745 = arith.constant 288 : index
      %swap3A_1746 = tpu.vector_load %arg9[%swap3A_1744, %swap3A_1745] {strides = array<i32>} : memref<2x1000xf32, #tpu.memory_space<vmem>>, vector<1x16xf32>,
      %swap3A_1747 = vector.shape_cast %swap3A_1746 : vector<1x16xf32> to vector<16xf32>
      %swap3A_1748 = vector.shape_cast %get3A_1742 : vector<16xf32> to vector<1x16xf32>
      tpu.vector_store %arg9[%swap3A_1744, %swap3A_1745], %swap3A_1748 {strides = array<i32>} : memref<2x1000xf32, #tpu.memory_space<vmem>>, vector<1x16xf32>,
      %get3A_1749 = arith.constant 48 : i32
      %get3A_1750 = arith.index_cast %get3A_1749 : i32 to index
      %get3A_1751 = arith.constant 304 : index
      %get3A_1752 = tpu.vector_load %arg7[%get3A_1750, %get3A_1751] {strides = array<i32>} : memref<56x1024xf32, #tpu.memory_space<vmem>>, vector<1x16xf32>,
      %get3A_1753 = vector.shape_cast %get3A_1752 : vector<1x16xf32> to vector<16xf32>
      %swap3A_1754 = arith.constant 0 : i32
      %swap3A_1755 = arith.index_cast %swap3A_1754 : i32 to index
      %swap3A_1756 = arith.constant 304 : index
      %swap3A_1757 = tpu.vector_load %arg9[%swap3A_1755, %swap3A_1756] {strides = array<i32>} : memref<2x1000xf32, #tpu.memory_space<vmem>>, vector<1x16xf32>,
      %swap3A_1758 = vector.shape_cast %swap3A_1757 : vector<1x16xf32> to vector<16xf32>
      %swap3A_1759 = vector.shape_cast %get3A_1753 : vector<16xf32> to vector<1x16xf32>
      tpu.vector_store %arg9[%swap3A_1755, %swap3A_1756], %swap3A_1759 {strides = array<i32>} : memref<2x1000xf32, #tpu.memory_space<vmem>>, vector<1x16xf32>,
      %get3A_1760 = arith.constant 48 : i32
      %get3A_1761 = arith.index_cast %get3A_1760 : i32 to index
      %get3A_1762 = arith.constant 320 : index
      %get3A_1763 = tpu.vector_load %arg7[%get3A_1761, %get3A_1762] {strides = array<i32>} : memref<56x1024xf32, #tpu.memory_space<vmem>>, vector<1x16xf32>,
      %get3A_1764 = vector.shape_cast %get3A_1763 : vector<1x16xf32> to vector<16xf32>
      %swap3A_1765 = arith.constant 0 : i32
      %swap3A_1766 = arith.index_cast %swap3A_1765 : i32 to index
      %swap3A_1767 = arith.constant 320 : index
      %swap3A_1768 = tpu.vector_load %arg9[%swap3A_1766, %swap3A_1767] {strides = array<i32>} : memref<2x1000xf32, #tpu.memory_space<vmem>>, vector<1x16xf32>,
      %swap3A_1769 = vector.shape_cast %swap3A_1768 : vector<1x16xf32> to vector<16xf32>
      %swap3A_1770 = vector.shape_cast %get3A_1764 : vector<16xf32> to vector<1x16xf32>
      tpu.vector_store %arg9[%swap3A_1766, %swap3A_1767], %swap3A_1770 {strides = array<i32>} : memref<2x1000xf32, #tpu.memory_space<vmem>>, vector<1x16xf32>,
      %get3A_1771 = arith.constant 48 : i32
      %get3A_1772 = arith.index_cast %get3A_1771 : i32 to index
      %get3A_1773 = arith.constant 336 : index
      %get3A_1774 = tpu.vector_load %arg7[%get3A_1772, %get3A_1773] {strides = array<i32>} : memref<56x1024xf32, #tpu.memory_space<vmem>>, vector<1x16xf32>,
      %get3A_1775 = vector.shape_cast %get3A_1774 : vector<1x16xf32> to vector<16xf32>
      %swap3A_1776 = arith.constant 0 : i32
      %swap3A_1777 = arith.index_cast %swap3A_1776 : i32 to index
      %swap3A_1778 = arith.constant 336 : index
      %swap3A_1779 = tpu.vector_load %arg9[%swap3A_1777, %swap3A_1778] {strides = array<i32>} : memref<2x1000xf32, #tpu.memory_space<vmem>>, vector<1x16xf32>,
      %swap3A_1780 = vector.shape_cast %swap3A_1779 : vector<1x16xf32> to vector<16xf32>
      %swap3A_1781 = vector.shape_cast %get3A_1775 : vector<16xf32> to vector<1x16xf32>
      tpu.vector_store %arg9[%swap3A_1777, %swap3A_1778], %swap3A_1781 {strides = array<i32>} : memref<2x1000xf32, #tpu.memory_space<vmem>>, vector<1x16xf32>,
      %get3A_1782 = arith.constant 48 : i32
      %get3A_1783 = arith.index_cast %get3A_1782 : i32 to index
      %get3A_1784 = arith.constant 352 : index
      %get3A_1785 = tpu.vector_load %arg7[%get3A_1783, %get3A_1784] {strides = array<i32>} : memref<56x1024xf32, #tpu.memory_space<vmem>>, vector<1x16xf32>,
      %get3A_1786 = vector.shape_cast %get3A_1785 : vector<1x16xf32> to vector<16xf32>
      %swap3A_1787 = arith.constant 0 : i32
      %swap3A_1788 = arith.index_cast %swap3A_1787 : i32 to index
      %swap3A_1789 = arith.constant 352 : index
      %swap3A_1790 = tpu.vector_load %arg9[%swap3A_1788, %swap3A_1789] {strides = array<i32>} : memref<2x1000xf32, #tpu.memory_space<vmem>>, vector<1x16xf32>,
      %swap3A_1791 = vector.shape_cast %swap3A_1790 : vector<1x16xf32> to vector<16xf32>
      %swap3A_1792 = vector.shape_cast %get3A_1786 : vector<16xf32> to vector<1x16xf32>
      tpu.vector_store %arg9[%swap3A_1788, %swap3A_1789], %swap3A_1792 {strides = array<i32>} : memref<2x1000xf32, #tpu.memory_space<vmem>>, vector<1x16xf32>,
      %get3A_1793 = arith.constant 48 : i32
      %get3A_1794 = arith.index_cast %get3A_1793 : i32 to index
      %get3A_1795 = arith.constant 368 : index
      %get3A_1796 = tpu.vector_load %arg7[%get3A_1794, %get3A_1795] {strides = array<i32>} : memref<56x1024xf32, #tpu.memory_space<vmem>>, vector<1x16xf32>,
      %get3A_1797 = vector.shape_cast %get3A_1796 : vector<1x16xf32> to vector<16xf32>
      %swap3A_1798 = arith.constant 0 : i32
      %swap3A_1799 = arith.index_cast %swap3A_1798 : i32 to index
      %swap3A_1800 = arith.constant 368 : index
      %swap3A_1801 = tpu.vector_load %arg9[%swap3A_1799, %swap3A_1800] {strides = array<i32>} : memref<2x1000xf32, #tpu.memory_space<vmem>>, vector<1x16xf32>,
      %swap3A_1802 = vector.shape_cast %swap3A_1801 : vector<1x16xf32> to vector<16xf32>
      %swap3A_1803 = vector.shape_cast %get3A_1797 : vector<16xf32> to vector<1x16xf32>
      tpu.vector_store %arg9[%swap3A_1799, %swap3A_1800], %swap3A_1803 {strides = array<i32>} : memref<2x1000xf32, #tpu.memory_space<vmem>>, vector<1x16xf32>,
      %get3A_1804 = arith.constant 48 : i32
      %get3A_1805 = arith.index_cast %get3A_1804 : i32 to index
      %get3A_1806 = arith.constant 384 : index
      %get3A_1807 = tpu.vector_load %arg7[%get3A_1805, %get3A_1806] {strides = array<i32>} : memref<56x1024xf32, #tpu.memory_space<vmem>>, vector<1x16xf32>,
      %get3A_1808 = vector.shape_cast %get3A_1807 : vector<1x16xf32> to vector<16xf32>
      %swap3A_1809 = arith.constant 0 : i32
      %swap3A_1810 = arith.index_cast %swap3A_1809 : i32 to index
      %swap3A_1811 = arith.constant 384 : index
      %swap3A_1812 = tpu.vector_load %arg9[%swap3A_1810, %swap3A_1811] {strides = array<i32>} : memref<2x1000xf32, #tpu.memory_space<vmem>>, vector<1x16xf32>,
      %swap3A_1813 = vector.shape_cast %swap3A_1812 : vector<1x16xf32> to vector<16xf32>
      %swap3A_1814 = vector.shape_cast %get3A_1808 : vector<16xf32> to vector<1x16xf32>
      tpu.vector_store %arg9[%swap3A_1810, %swap3A_1811], %swap3A_1814 {strides = array<i32>} : memref<2x1000xf32, #tpu.memory_space<vmem>>, vector<1x16xf32>,
      %get3A_1815 = arith.constant 48 : i32
      %get3A_1816 = arith.index_cast %get3A_1815 : i32 to index
      %get3A_1817 = arith.constant 400 : index
      %get3A_1818 = tpu.vector_load %arg7[%get3A_1816, %get3A_1817] {strides = array<i32>} : memref<56x1024xf32, #tpu.memory_space<vmem>>, vector<1x16xf32>,
      %get3A_1819 = vector.shape_cast %get3A_1818 : vector<1x16xf32> to vector<16xf32>
      %swap3A_1820 = arith.constant 0 : i32
      %swap3A_1821 = arith.index_cast %swap3A_1820 : i32 to index
      %swap3A_1822 = arith.constant 400 : index
      %swap3A_1823 = tpu.vector_load %arg9[%swap3A_1821, %swap3A_1822] {strides = array<i32>} : memref<2x1000xf32, #tpu.memory_space<vmem>>, vector<1x16xf32>,
      %swap3A_1824 = vector.shape_cast %swap3A_1823 : vector<1x16xf32> to vector<16xf32>
      %swap3A_1825 = vector.shape_cast %get3A_1819 : vector<16xf32> to vector<1x16xf32>
      tpu.vector_store %arg9[%swap3A_1821, %swap3A_1822], %swap3A_1825 {strides = array<i32>} : memref<2x1000xf32, #tpu.memory_space<vmem>>, vector<1x16xf32>,
      %get3A_1826 = arith.constant 48 : i32
      %get3A_1827 = arith.index_cast %get3A_1826 : i32 to index
      %get3A_1828 = arith.constant 416 : index
      %get3A_1829 = tpu.vector_load %arg7[%get3A_1827, %get3A_1828] {strides = array<i32>} : memref<56x1024xf32, #tpu.memory_space<vmem>>, vector<1x16xf32>,
      %get3A_1830 = vector.shape_cast %get3A_1829 : vector<1x16xf32> to vector<16xf32>
      %swap3A_1831 = arith.constant 0 : i32
      %swap3A_1832 = arith.index_cast %swap3A_1831 : i32 to index
      %swap3A_1833 = arith.constant 416 : index
      %swap3A_1834 = tpu.vector_load %arg9[%swap3A_1832, %swap3A_1833] {strides = array<i32>} : memref<2x1000xf32, #tpu.memory_space<vmem>>, vector<1x16xf32>,
      %swap3A_1835 = vector.shape_cast %swap3A_1834 : vector<1x16xf32> to vector<16xf32>
      %swap3A_1836 = vector.shape_cast %get3A_1830 : vector<16xf32> to vector<1x16xf32>
      tpu.vector_store %arg9[%swap3A_1832, %swap3A_1833], %swap3A_1836 {strides = array<i32>} : memref<2x1000xf32, #tpu.memory_space<vmem>>, vector<1x16xf32>,
      %get3A_1837 = arith.constant 48 : i32
      %get3A_1838 = arith.index_cast %get3A_1837 : i32 to index
      %get3A_1839 = arith.constant 432 : index
      %get3A_1840 = tpu.vector_load %arg7[%get3A_1838, %get3A_1839] {strides = array<i32>} : memref<56x1024xf32, #tpu.memory_space<vmem>>, vector<1x16xf32>,
      %get3A_1841 = vector.shape_cast %get3A_1840 : vector<1x16xf32> to vector<16xf32>
      %swap3A_1842 = arith.constant 0 : i32
      %swap3A_1843 = arith.index_cast %swap3A_1842 : i32 to index
      %swap3A_1844 = arith.constant 432 : index
      %swap3A_1845 = tpu.vector_load %arg9[%swap3A_1843, %swap3A_1844] {strides = array<i32>} : memref<2x1000xf32, #tpu.memory_space<vmem>>, vector<1x16xf32>,
      %swap3A_1846 = vector.shape_cast %swap3A_1845 : vector<1x16xf32> to vector<16xf32>
      %swap3A_1847 = vector.shape_cast %get3A_1841 : vector<16xf32> to vector<1x16xf32>
      tpu.vector_store %arg9[%swap3A_1843, %swap3A_1844], %swap3A_1847 {strides = array<i32>} : memref<2x1000xf32, #tpu.memory_space<vmem>>, vector<1x16xf32>,
      %get3A_1848 = arith.constant 48 : i32
      %get3A_1849 = arith.index_cast %get3A_1848 : i32 to index
      %get3A_1850 = arith.constant 448 : index
      %get3A_1851 = tpu.vector_load %arg7[%get3A_1849, %get3A_1850] {strides = array<i32>} : memref<56x1024xf32, #tpu.memory_space<vmem>>, vector<1x16xf32>,
      %get3A_1852 = vector.shape_cast %get3A_1851 : vector<1x16xf32> to vector<16xf32>
      %swap3A_1853 = arith.constant 0 : i32
      %swap3A_1854 = arith.index_cast %swap3A_1853 : i32 to index
      %swap3A_1855 = arith.constant 448 : index
      %swap3A_1856 = tpu.vector_load %arg9[%swap3A_1854, %swap3A_1855] {strides = array<i32>} : memref<2x1000xf32, #tpu.memory_space<vmem>>, vector<1x16xf32>,
      %swap3A_1857 = vector.shape_cast %swap3A_1856 : vector<1x16xf32> to vector<16xf32>
      %swap3A_1858 = vector.shape_cast %get3A_1852 : vector<16xf32> to vector<1x16xf32>
      tpu.vector_store %arg9[%swap3A_1854, %swap3A_1855], %swap3A_1858 {strides = array<i32>} : memref<2x1000xf32, #tpu.memory_space<vmem>>, vector<1x16xf32>,
      %get3A_1859 = arith.constant 48 : i32
      %get3A_1860 = arith.index_cast %get3A_1859 : i32 to index
      %get3A_1861 = arith.constant 464 : index
      %get3A_1862 = tpu.vector_load %arg7[%get3A_1860, %get3A_1861] {strides = array<i32>} : memref<56x1024xf32, #tpu.memory_space<vmem>>, vector<1x16xf32>,
      %get3A_1863 = vector.shape_cast %get3A_1862 : vector<1x16xf32> to vector<16xf32>
      %swap3A_1864 = arith.constant 0 : i32
      %swap3A_1865 = arith.index_cast %swap3A_1864 : i32 to index
      %swap3A_1866 = arith.constant 464 : index
      %swap3A_1867 = tpu.vector_load %arg9[%swap3A_1865, %swap3A_1866] {strides = array<i32>} : memref<2x1000xf32, #tpu.memory_space<vmem>>, vector<1x16xf32>,
      %swap3A_1868 = vector.shape_cast %swap3A_1867 : vector<1x16xf32> to vector<16xf32>
      %swap3A_1869 = vector.shape_cast %get3A_1863 : vector<16xf32> to vector<1x16xf32>
      tpu.vector_store %arg9[%swap3A_1865, %swap3A_1866], %swap3A_1869 {strides = array<i32>} : memref<2x1000xf32, #tpu.memory_space<vmem>>, vector<1x16xf32>,
      %get3A_1870 = arith.constant 48 : i32
      %get3A_1871 = arith.index_cast %get3A_1870 : i32 to index
      %get3A_1872 = arith.constant 480 : index
      %get3A_1873 = tpu.vector_load %arg7[%get3A_1871, %get3A_1872] {strides = array<i32>} : memref<56x1024xf32, #tpu.memory_space<vmem>>, vector<1x16xf32>,
      %get3A_1874 = vector.shape_cast %get3A_1873 : vector<1x16xf32> to vector<16xf32>
      %swap3A_1875 = arith.constant 0 : i32
      %swap3A_1876 = arith.index_cast %swap3A_1875 : i32 to index
      %swap3A_1877 = arith.constant 480 : index
      %swap3A_1878 = tpu.vector_load %arg9[%swap3A_1876, %swap3A_1877] {strides = array<i32>} : memref<2x1000xf32, #tpu.memory_space<vmem>>, vector<1x16xf32>,
      %swap3A_1879 = vector.shape_cast %swap3A_1878 : vector<1x16xf32> to vector<16xf32>
      %swap3A_1880 = vector.shape_cast %get3A_1874 : vector<16xf32> to vector<1x16xf32>
      tpu.vector_store %arg9[%swap3A_1876, %swap3A_1877], %swap3A_1880 {strides = array<i32>} : memref<2x1000xf32, #tpu.memory_space<vmem>>, vector<1x16xf32>,
      %get3A_1881 = arith.constant 48 : i32
      %get3A_1882 = arith.index_cast %get3A_1881 : i32 to index
      %get3A_1883 = arith.constant 496 : index
      %get3A_1884 = tpu.vector_load %arg7[%get3A_1882, %get3A_1883] {strides = array<i32>} : memref<56x1024xf32, #tpu.memory_space<vmem>>, vector<1x16xf32>,
      %get3A_1885 = vector.shape_cast %get3A_1884 : vector<1x16xf32> to vector<16xf32>
      %swap3A_1886 = arith.constant 0 : i32
      %swap3A_1887 = arith.index_cast %swap3A_1886 : i32 to index
      %swap3A_1888 = arith.constant 496 : index
      %swap3A_1889 = tpu.vector_load %arg9[%swap3A_1887, %swap3A_1888] {strides = array<i32>} : memref<2x1000xf32, #tpu.memory_space<vmem>>, vector<1x16xf32>,
      %swap3A_1890 = vector.shape_cast %swap3A_1889 : vector<1x16xf32> to vector<16xf32>
      %swap3A_1891 = vector.shape_cast %get3A_1885 : vector<16xf32> to vector<1x16xf32>
      tpu.vector_store %arg9[%swap3A_1887, %swap3A_1888], %swap3A_1891 {strides = array<i32>} : memref<2x1000xf32, #tpu.memory_space<vmem>>, vector<1x16xf32>,
      %get3A_1892 = arith.constant 48 : i32
      %get3A_1893 = arith.index_cast %get3A_1892 : i32 to index
      %get3A_1894 = arith.constant 512 : index
      %get3A_1895 = tpu.vector_load %arg7[%get3A_1893, %get3A_1894] {strides = array<i32>} : memref<56x1024xf32, #tpu.memory_space<vmem>>, vector<1x16xf32>,
      %get3A_1896 = vector.shape_cast %get3A_1895 : vector<1x16xf32> to vector<16xf32>
      %swap3A_1897 = arith.constant 0 : i32
      %swap3A_1898 = arith.index_cast %swap3A_1897 : i32 to index
      %swap3A_1899 = arith.constant 512 : index
      %swap3A_1900 = tpu.vector_load %arg9[%swap3A_1898, %swap3A_1899] {strides = array<i32>} : memref<2x1000xf32, #tpu.memory_space<vmem>>, vector<1x16xf32>,
      %swap3A_1901 = vector.shape_cast %swap3A_1900 : vector<1x16xf32> to vector<16xf32>
      %swap3A_1902 = vector.shape_cast %get3A_1896 : vector<16xf32> to vector<1x16xf32>
      tpu.vector_store %arg9[%swap3A_1898, %swap3A_1899], %swap3A_1902 {strides = array<i32>} : memref<2x1000xf32, #tpu.memory_space<vmem>>, vector<1x16xf32>,
      %get3A_1903 = arith.constant 48 : i32
      %get3A_1904 = arith.index_cast %get3A_1903 : i32 to index
      %get3A_1905 = arith.constant 528 : index
      %get3A_1906 = tpu.vector_load %arg7[%get3A_1904, %get3A_1905] {strides = array<i32>} : memref<56x1024xf32, #tpu.memory_space<vmem>>, vector<1x16xf32>,
      %get3A_1907 = vector.shape_cast %get3A_1906 : vector<1x16xf32> to vector<16xf32>
      %swap3A_1908 = arith.constant 0 : i32
      %swap3A_1909 = arith.index_cast %swap3A_1908 : i32 to index
      %swap3A_1910 = arith.constant 528 : index
      %swap3A_1911 = tpu.vector_load %arg9[%swap3A_1909, %swap3A_1910] {strides = array<i32>} : memref<2x1000xf32, #tpu.memory_space<vmem>>, vector<1x16xf32>,
      %swap3A_1912 = vector.shape_cast %swap3A_1911 : vector<1x16xf32> to vector<16xf32>
      %swap3A_1913 = vector.shape_cast %get3A_1907 : vector<16xf32> to vector<1x16xf32>
      tpu.vector_store %arg9[%swap3A_1909, %swap3A_1910], %swap3A_1913 {strides = array<i32>} : memref<2x1000xf32, #tpu.memory_space<vmem>>, vector<1x16xf32>,
      %get3A_1914 = arith.constant 48 : i32
      %get3A_1915 = arith.index_cast %get3A_1914 : i32 to index
      %get3A_1916 = arith.constant 544 : index
      %get3A_1917 = tpu.vector_load %arg7[%get3A_1915, %get3A_1916] {strides = array<i32>} : memref<56x1024xf32, #tpu.memory_space<vmem>>, vector<1x16xf32>,
      %get3A_1918 = vector.shape_cast %get3A_1917 : vector<1x16xf32> to vector<16xf32>
      %swap3A_1919 = arith.constant 0 : i32
      %swap3A_1920 = arith.index_cast %swap3A_1919 : i32 to index
      %swap3A_1921 = arith.constant 544 : index
      %swap3A_1922 = tpu.vector_load %arg9[%swap3A_1920, %swap3A_1921] {strides = array<i32>} : memref<2x1000xf32, #tpu.memory_space<vmem>>, vector<1x16xf32>,
      %swap3A_1923 = vector.shape_cast %swap3A_1922 : vector<1x16xf32> to vector<16xf32>
      %swap3A_1924 = vector.shape_cast %get3A_1918 : vector<16xf32> to vector<1x16xf32>
      tpu.vector_store %arg9[%swap3A_1920, %swap3A_1921], %swap3A_1924 {strides = array<i32>} : memref<2x1000xf32, #tpu.memory_space<vmem>>, vector<1x16xf32>,
      %get3A_1925 = arith.constant 48 : i32
      %get3A_1926 = arith.index_cast %get3A_1925 : i32 to index
      %get3A_1927 = arith.constant 560 : index
      %get3A_1928 = tpu.vector_load %arg7[%get3A_1926, %get3A_1927] {strides = array<i32>} : memref<56x1024xf32, #tpu.memory_space<vmem>>, vector<1x16xf32>,
      %get3A_1929 = vector.shape_cast %get3A_1928 : vector<1x16xf32> to vector<16xf32>
      %swap3A_1930 = arith.constant 0 : i32
      %swap3A_1931 = arith.index_cast %swap3A_1930 : i32 to index
      %swap3A_1932 = arith.constant 560 : index
      %swap3A_1933 = tpu.vector_load %arg9[%swap3A_1931, %swap3A_1932] {strides = array<i32>} : memref<2x1000xf32, #tpu.memory_space<vmem>>, vector<1x16xf32>,
      %swap3A_1934 = vector.shape_cast %swap3A_1933 : vector<1x16xf32> to vector<16xf32>
      %swap3A_1935 = vector.shape_cast %get3A_1929 : vector<16xf32> to vector<1x16xf32>
      tpu.vector_store %arg9[%swap3A_1931, %swap3A_1932], %swap3A_1935 {strides = array<i32>} : memref<2x1000xf32, #tpu.memory_space<vmem>>, vector<1x16xf32>,
      %get3A_1936 = arith.constant 48 : i32
      %get3A_1937 = arith.index_cast %get3A_1936 : i32 to index
      %get3A_1938 = arith.constant 576 : index
      %get3A_1939 = tpu.vector_load %arg7[%get3A_1937, %get3A_1938] {strides = array<i32>} : memref<56x1024xf32, #tpu.memory_space<vmem>>, vector<1x16xf32>,
      %get3A_1940 = vector.shape_cast %get3A_1939 : vector<1x16xf32> to vector<16xf32>
      %swap3A_1941 = arith.constant 0 : i32
      %swap3A_1942 = arith.index_cast %swap3A_1941 : i32 to index
      %swap3A_1943 = arith.constant 576 : index
      %swap3A_1944 = tpu.vector_load %arg9[%swap3A_1942, %swap3A_1943] {strides = array<i32>} : memref<2x1000xf32, #tpu.memory_space<vmem>>, vector<1x16xf32>,
      %swap3A_1945 = vector.shape_cast %swap3A_1944 : vector<1x16xf32> to vector<16xf32>
      %swap3A_1946 = vector.shape_cast %get3A_1940 : vector<16xf32> to vector<1x16xf32>
      tpu.vector_store %arg9[%swap3A_1942, %swap3A_1943], %swap3A_1946 {strides = array<i32>} : memref<2x1000xf32, #tpu.memory_space<vmem>>, vector<1x16xf32>,
      %get3A_1947 = arith.constant 48 : i32
      %get3A_1948 = arith.index_cast %get3A_1947 : i32 to index
      %get3A_1949 = arith.constant 592 : index
      %get3A_1950 = tpu.vector_load %arg7[%get3A_1948, %get3A_1949] {strides = array<i32>} : memref<56x1024xf32, #tpu.memory_space<vmem>>, vector<1x16xf32>,
      %get3A_1951 = vector.shape_cast %get3A_1950 : vector<1x16xf32> to vector<16xf32>
      %swap3A_1952 = arith.constant 0 : i32
      %swap3A_1953 = arith.index_cast %swap3A_1952 : i32 to index
      %swap3A_1954 = arith.constant 592 : index
      %swap3A_1955 = tpu.vector_load %arg9[%swap3A_1953, %swap3A_1954] {strides = array<i32>} : memref<2x1000xf32, #tpu.memory_space<vmem>>, vector<1x16xf32>,
      %swap3A_1956 = vector.shape_cast %swap3A_1955 : vector<1x16xf32> to vector<16xf32>
      %swap3A_1957 = vector.shape_cast %get3A_1951 : vector<16xf32> to vector<1x16xf32>
      tpu.vector_store %arg9[%swap3A_1953, %swap3A_1954], %swap3A_1957 {strides = array<i32>} : memref<2x1000xf32, #tpu.memory_space<vmem>>, vector<1x16xf32>,
      %get3A_1958 = arith.constant 48 : i32
      %get3A_1959 = arith.index_cast %get3A_1958 : i32 to index
      %get3A_1960 = arith.constant 608 : index
      %get3A_1961 = tpu.vector_load %arg7[%get3A_1959, %get3A_1960] {strides = array<i32>} : memref<56x1024xf32, #tpu.memory_space<vmem>>, vector<1x16xf32>,
      %get3A_1962 = vector.shape_cast %get3A_1961 : vector<1x16xf32> to vector<16xf32>
      %swap3A_1963 = arith.constant 0 : i32
      %swap3A_1964 = arith.index_cast %swap3A_1963 : i32 to index
      %swap3A_1965 = arith.constant 608 : index
      %swap3A_1966 = tpu.vector_load %arg9[%swap3A_1964, %swap3A_1965] {strides = array<i32>} : memref<2x1000xf32, #tpu.memory_space<vmem>>, vector<1x16xf32>,
      %swap3A_1967 = vector.shape_cast %swap3A_1966 : vector<1x16xf32> to vector<16xf32>
      %swap3A_1968 = vector.shape_cast %get3A_1962 : vector<16xf32> to vector<1x16xf32>
      tpu.vector_store %arg9[%swap3A_1964, %swap3A_1965], %swap3A_1968 {strides = array<i32>} : memref<2x1000xf32, #tpu.memory_space<vmem>>, vector<1x16xf32>,
      %get3A_1969 = arith.constant 48 : i32
      %get3A_1970 = arith.index_cast %get3A_1969 : i32 to index
      %get3A_1971 = arith.constant 624 : index
      %get3A_1972 = tpu.vector_load %arg7[%get3A_1970, %get3A_1971] {strides = array<i32>} : memref<56x1024xf32, #tpu.memory_space<vmem>>, vector<1x16xf32>,
      %get3A_1973 = vector.shape_cast %get3A_1972 : vector<1x16xf32> to vector<16xf32>
      %swap3A_1974 = arith.constant 0 : i32
      %swap3A_1975 = arith.index_cast %swap3A_1974 : i32 to index
      %swap3A_1976 = arith.constant 624 : index
      %swap3A_1977 = tpu.vector_load %arg9[%swap3A_1975, %swap3A_1976] {strides = array<i32>} : memref<2x1000xf32, #tpu.memory_space<vmem>>, vector<1x16xf32>,
      %swap3A_1978 = vector.shape_cast %swap3A_1977 : vector<1x16xf32> to vector<16xf32>
      %swap3A_1979 = vector.shape_cast %get3A_1973 : vector<16xf32> to vector<1x16xf32>
      tpu.vector_store %arg9[%swap3A_1975, %swap3A_1976], %swap3A_1979 {strides = array<i32>} : memref<2x1000xf32, #tpu.memory_space<vmem>>, vector<1x16xf32>,
      %get3A_1980 = arith.constant 48 : i32
      %get3A_1981 = arith.index_cast %get3A_1980 : i32 to index
      %get3A_1982 = arith.constant 640 : index
      %get3A_1983 = tpu.vector_load %arg7[%get3A_1981, %get3A_1982] {strides = array<i32>} : memref<56x1024xf32, #tpu.memory_space<vmem>>, vector<1x16xf32>,
      %get3A_1984 = vector.shape_cast %get3A_1983 : vector<1x16xf32> to vector<16xf32>
      %swap3A_1985 = arith.constant 0 : i32
      %swap3A_1986 = arith.index_cast %swap3A_1985 : i32 to index
      %swap3A_1987 = arith.constant 640 : index
      %swap3A_1988 = tpu.vector_load %arg9[%swap3A_1986, %swap3A_1987] {strides = array<i32>} : memref<2x1000xf32, #tpu.memory_space<vmem>>, vector<1x16xf32>,
      %swap3A_1989 = vector.shape_cast %swap3A_1988 : vector<1x16xf32> to vector<16xf32>
      %swap3A_1990 = vector.shape_cast %get3A_1984 : vector<16xf32> to vector<1x16xf32>
      tpu.vector_store %arg9[%swap3A_1986, %swap3A_1987], %swap3A_1990 {strides = array<i32>} : memref<2x1000xf32, #tpu.memory_space<vmem>>, vector<1x16xf32>,
      %get3A_1991 = arith.constant 48 : i32
      %get3A_1992 = arith.index_cast %get3A_1991 : i32 to index
      %get3A_1993 = arith.constant 656 : index
      %get3A_1994 = tpu.vector_load %arg7[%get3A_1992, %get3A_1993] {strides = array<i32>} : memref<56x1024xf32, #tpu.memory_space<vmem>>, vector<1x16xf32>,
      %get3A_1995 = vector.shape_cast %get3A_1994 : vector<1x16xf32> to vector<16xf32>
      %swap3A_1996 = arith.constant 0 : i32
      %swap3A_1997 = arith.index_cast %swap3A_1996 : i32 to index
      %swap3A_1998 = arith.constant 656 : index
      %swap3A_1999 = tpu.vector_load %arg9[%swap3A_1997, %swap3A_1998] {strides = array<i32>} : memref<2x1000xf32, #tpu.memory_space<vmem>>, vector<1x16xf32>,
      %swap3A_2000 = vector.shape_cast %swap3A_1999 : vector<1x16xf32> to vector<16xf32>
      %swap3A_2001 = vector.shape_cast %get3A_1995 : vector<16xf32> to vector<1x16xf32>
      tpu.vector_store %arg9[%swap3A_1997, %swap3A_1998], %swap3A_2001 {strides = array<i32>} : memref<2x1000xf32, #tpu.memory_space<vmem>>, vector<1x16xf32>,
      %get3A_2002 = arith.constant 48 : i32
      %get3A_2003 = arith.index_cast %get3A_2002 : i32 to index
      %get3A_2004 = arith.constant 672 : index
      %get3A_2005 = tpu.vector_load %arg7[%get3A_2003, %get3A_2004] {strides = array<i32>} : memref<56x1024xf32, #tpu.memory_space<vmem>>, vector<1x16xf32>,
      %get3A_2006 = vector.shape_cast %get3A_2005 : vector<1x16xf32> to vector<16xf32>
      %swap3A_2007 = arith.constant 0 : i32
      %swap3A_2008 = arith.index_cast %swap3A_2007 : i32 to index
      %swap3A_2009 = arith.constant 672 : index
      %swap3A_2010 = tpu.vector_load %arg9[%swap3A_2008, %swap3A_2009] {strides = array<i32>} : memref<2x1000xf32, #tpu.memory_space<vmem>>, vector<1x16xf32>,
      %swap3A_2011 = vector.shape_cast %swap3A_2010 : vector<1x16xf32> to vector<16xf32>
      %swap3A_2012 = vector.shape_cast %get3A_2006 : vector<16xf32> to vector<1x16xf32>
      tpu.vector_store %arg9[%swap3A_2008, %swap3A_2009], %swap3A_2012 {strides = array<i32>} : memref<2x1000xf32, #tpu.memory_space<vmem>>, vector<1x16xf32>,
      %get3A_2013 = arith.constant 48 : i32
      %get3A_2014 = arith.index_cast %get3A_2013 : i32 to index
      %get3A_2015 = arith.constant 688 : index
      %get3A_2016 = tpu.vector_load %arg7[%get3A_2014, %get3A_2015] {strides = array<i32>} : memref<56x1024xf32, #tpu.memory_space<vmem>>, vector<1x16xf32>,
      %get3A_2017 = vector.shape_cast %get3A_2016 : vector<1x16xf32> to vector<16xf32>
      %swap3A_2018 = arith.constant 0 : i32
      %swap3A_2019 = arith.index_cast %swap3A_2018 : i32 to index
      %swap3A_2020 = arith.constant 688 : index
      %swap3A_2021 = tpu.vector_load %arg9[%swap3A_2019, %swap3A_2020] {strides = array<i32>} : memref<2x1000xf32, #tpu.memory_space<vmem>>, vector<1x16xf32>,
      %swap3A_2022 = vector.shape_cast %swap3A_2021 : vector<1x16xf32> to vector<16xf32>
      %swap3A_2023 = vector.shape_cast %get3A_2017 : vector<16xf32> to vector<1x16xf32>
      tpu.vector_store %arg9[%swap3A_2019, %swap3A_2020], %swap3A_2023 {strides = array<i32>} : memref<2x1000xf32, #tpu.memory_space<vmem>>, vector<1x16xf32>,
      %get3A_2024 = arith.constant 48 : i32
      %get3A_2025 = arith.index_cast %get3A_2024 : i32 to index
      %get3A_2026 = arith.constant 704 : index
      %get3A_2027 = tpu.vector_load %arg7[%get3A_2025, %get3A_2026] {strides = array<i32>} : memref<56x1024xf32, #tpu.memory_space<vmem>>, vector<1x16xf32>,
      %get3A_2028 = vector.shape_cast %get3A_2027 : vector<1x16xf32> to vector<16xf32>
      %swap3A_2029 = arith.constant 0 : i32
      %swap3A_2030 = arith.index_cast %swap3A_2029 : i32 to index
      %swap3A_2031 = arith.constant 704 : index
      %swap3A_2032 = tpu.vector_load %arg9[%swap3A_2030, %swap3A_2031] {strides = array<i32>} : memref<2x1000xf32, #tpu.memory_space<vmem>>, vector<1x16xf32>,
      %swap3A_2033 = vector.shape_cast %swap3A_2032 : vector<1x16xf32> to vector<16xf32>
      %swap3A_2034 = vector.shape_cast %get3A_2028 : vector<16xf32> to vector<1x16xf32>
      tpu.vector_store %arg9[%swap3A_2030, %swap3A_2031], %swap3A_2034 {strides = array<i32>} : memref<2x1000xf32, #tpu.memory_space<vmem>>, vector<1x16xf32>,
      %get3A_2035 = arith.constant 48 : i32
      %get3A_2036 = arith.index_cast %get3A_2035 : i32 to index
      %get3A_2037 = arith.constant 720 : index
      %get3A_2038 = tpu.vector_load %arg7[%get3A_2036, %get3A_2037] {strides = array<i32>} : memref<56x1024xf32, #tpu.memory_space<vmem>>, vector<1x16xf32>,
      %get3A_2039 = vector.shape_cast %get3A_2038 : vector<1x16xf32> to vector<16xf32>
      %swap3A_2040 = arith.constant 0 : i32
      %swap3A_2041 = arith.index_cast %swap3A_2040 : i32 to index
      %swap3A_2042 = arith.constant 720 : index
      %swap3A_2043 = tpu.vector_load %arg9[%swap3A_2041, %swap3A_2042] {strides = array<i32>} : memref<2x1000xf32, #tpu.memory_space<vmem>>, vector<1x16xf32>,
      %swap3A_2044 = vector.shape_cast %swap3A_2043 : vector<1x16xf32> to vector<16xf32>
      %swap3A_2045 = vector.shape_cast %get3A_2039 : vector<16xf32> to vector<1x16xf32>
      tpu.vector_store %arg9[%swap3A_2041, %swap3A_2042], %swap3A_2045 {strides = array<i32>} : memref<2x1000xf32, #tpu.memory_space<vmem>>, vector<1x16xf32>,
      %get3A_2046 = arith.constant 48 : i32
      %get3A_2047 = arith.index_cast %get3A_2046 : i32 to index
      %get3A_2048 = arith.constant 736 : index
      %get3A_2049 = tpu.vector_load %arg7[%get3A_2047, %get3A_2048] {strides = array<i32>} : memref<56x1024xf32, #tpu.memory_space<vmem>>, vector<1x16xf32>,
      %get3A_2050 = vector.shape_cast %get3A_2049 : vector<1x16xf32> to vector<16xf32>
      %swap3A_2051 = arith.constant 0 : i32
      %swap3A_2052 = arith.index_cast %swap3A_2051 : i32 to index
      %swap3A_2053 = arith.constant 736 : index
      %swap3A_2054 = tpu.vector_load %arg9[%swap3A_2052, %swap3A_2053] {strides = array<i32>} : memref<2x1000xf32, #tpu.memory_space<vmem>>, vector<1x16xf32>,
      %swap3A_2055 = vector.shape_cast %swap3A_2054 : vector<1x16xf32> to vector<16xf32>
      %swap3A_2056 = vector.shape_cast %get3A_2050 : vector<16xf32> to vector<1x16xf32>
      tpu.vector_store %arg9[%swap3A_2052, %swap3A_2053], %swap3A_2056 {strides = array<i32>} : memref<2x1000xf32, #tpu.memory_space<vmem>>, vector<1x16xf32>,
      %get3A_2057 = arith.constant 48 : i32
      %get3A_2058 = arith.index_cast %get3A_2057 : i32 to index
      %get3A_2059 = arith.constant 752 : index
      %get3A_2060 = tpu.vector_load %arg7[%get3A_2058, %get3A_2059] {strides = array<i32>} : memref<56x1024xf32, #tpu.memory_space<vmem>>, vector<1x16xf32>,
      %get3A_2061 = vector.shape_cast %get3A_2060 : vector<1x16xf32> to vector<16xf32>
      %swap3A_2062 = arith.constant 0 : i32
      %swap3A_2063 = arith.index_cast %swap3A_2062 : i32 to index
      %swap3A_2064 = arith.constant 752 : index
      %swap3A_2065 = tpu.vector_load %arg9[%swap3A_2063, %swap3A_2064] {strides = array<i32>} : memref<2x1000xf32, #tpu.memory_space<vmem>>, vector<1x16xf32>,
      %swap3A_2066 = vector.shape_cast %swap3A_2065 : vector<1x16xf32> to vector<16xf32>
      %swap3A_2067 = vector.shape_cast %get3A_2061 : vector<16xf32> to vector<1x16xf32>
      tpu.vector_store %arg9[%swap3A_2063, %swap3A_2064], %swap3A_2067 {strides = array<i32>} : memref<2x1000xf32, #tpu.memory_space<vmem>>, vector<1x16xf32>,
      %get3A_2068 = arith.constant 48 : i32
      %get3A_2069 = arith.index_cast %get3A_2068 : i32 to index
      %get3A_2070 = arith.constant 768 : index
      %get3A_2071 = tpu.vector_load %arg7[%get3A_2069, %get3A_2070] {strides = array<i32>} : memref<56x1024xf32, #tpu.memory_space<vmem>>, vector<1x16xf32>,
      %get3A_2072 = vector.shape_cast %get3A_2071 : vector<1x16xf32> to vector<16xf32>
      %swap3A_2073 = arith.constant 0 : i32
      %swap3A_2074 = arith.index_cast %swap3A_2073 : i32 to index
      %swap3A_2075 = arith.constant 768 : index
      %swap3A_2076 = tpu.vector_load %arg9[%swap3A_2074, %swap3A_2075] {strides = array<i32>} : memref<2x1000xf32, #tpu.memory_space<vmem>>, vector<1x16xf32>,
      %swap3A_2077 = vector.shape_cast %swap3A_2076 : vector<1x16xf32> to vector<16xf32>
      %swap3A_2078 = vector.shape_cast %get3A_2072 : vector<16xf32> to vector<1x16xf32>
      tpu.vector_store %arg9[%swap3A_2074, %swap3A_2075], %swap3A_2078 {strides = array<i32>} : memref<2x1000xf32, #tpu.memory_space<vmem>>, vector<1x16xf32>,
      %get3A_2079 = arith.constant 48 : i32
      %get3A_2080 = arith.index_cast %get3A_2079 : i32 to index
      %get3A_2081 = arith.constant 784 : index
      %get3A_2082 = tpu.vector_load %arg7[%get3A_2080, %get3A_2081] {strides = array<i32>} : memref<56x1024xf32, #tpu.memory_space<vmem>>, vector<1x16xf32>,
      %get3A_2083 = vector.shape_cast %get3A_2082 : vector<1x16xf32> to vector<16xf32>
      %swap3A_2084 = arith.constant 0 : i32
      %swap3A_2085 = arith.index_cast %swap3A_2084 : i32 to index
      %swap3A_2086 = arith.constant 784 : index
      %swap3A_2087 = tpu.vector_load %arg9[%swap3A_2085, %swap3A_2086] {strides = array<i32>} : memref<2x1000xf32, #tpu.memory_space<vmem>>, vector<1x16xf32>,
      %swap3A_2088 = vector.shape_cast %swap3A_2087 : vector<1x16xf32> to vector<16xf32>
      %swap3A_2089 = vector.shape_cast %get3A_2083 : vector<16xf32> to vector<1x16xf32>
      tpu.vector_store %arg9[%swap3A_2085, %swap3A_2086], %swap3A_2089 {strides = array<i32>} : memref<2x1000xf32, #tpu.memory_space<vmem>>, vector<1x16xf32>,
      %get3A_2090 = arith.constant 48 : i32
      %get3A_2091 = arith.index_cast %get3A_2090 : i32 to index
      %get3A_2092 = arith.constant 800 : index
      %get3A_2093 = tpu.vector_load %arg7[%get3A_2091, %get3A_2092] {strides = array<i32>} : memref<56x1024xf32, #tpu.memory_space<vmem>>, vector<1x16xf32>,
      %get3A_2094 = vector.shape_cast %get3A_2093 : vector<1x16xf32> to vector<16xf32>
      %swap3A_2095 = arith.constant 0 : i32
      %swap3A_2096 = arith.index_cast %swap3A_2095 : i32 to index
      %swap3A_2097 = arith.constant 800 : index
      %swap3A_2098 = tpu.vector_load %arg9[%swap3A_2096, %swap3A_2097] {strides = array<i32>} : memref<2x1000xf32, #tpu.memory_space<vmem>>, vector<1x16xf32>,
      %swap3A_2099 = vector.shape_cast %swap3A_2098 : vector<1x16xf32> to vector<16xf32>
      %swap3A_2100 = vector.shape_cast %get3A_2094 : vector<16xf32> to vector<1x16xf32>
      tpu.vector_store %arg9[%swap3A_2096, %swap3A_2097], %swap3A_2100 {strides = array<i32>} : memref<2x1000xf32, #tpu.memory_space<vmem>>, vector<1x16xf32>,
      %get3A_2101 = arith.constant 48 : i32
      %get3A_2102 = arith.index_cast %get3A_2101 : i32 to index
      %get3A_2103 = arith.constant 816 : index
      %get3A_2104 = tpu.vector_load %arg7[%get3A_2102, %get3A_2103] {strides = array<i32>} : memref<56x1024xf32, #tpu.memory_space<vmem>>, vector<1x16xf32>,
      %get3A_2105 = vector.shape_cast %get3A_2104 : vector<1x16xf32> to vector<16xf32>
      %swap3A_2106 = arith.constant 0 : i32
      %swap3A_2107 = arith.index_cast %swap3A_2106 : i32 to index
      %swap3A_2108 = arith.constant 816 : index
      %swap3A_2109 = tpu.vector_load %arg9[%swap3A_2107, %swap3A_2108] {strides = array<i32>} : memref<2x1000xf32, #tpu.memory_space<vmem>>, vector<1x16xf32>,
      %swap3A_2110 = vector.shape_cast %swap3A_2109 : vector<1x16xf32> to vector<16xf32>
      %swap3A_2111 = vector.shape_cast %get3A_2105 : vector<16xf32> to vector<1x16xf32>
      tpu.vector_store %arg9[%swap3A_2107, %swap3A_2108], %swap3A_2111 {strides = array<i32>} : memref<2x1000xf32, #tpu.memory_space<vmem>>, vector<1x16xf32>,
      %get3A_2112 = arith.constant 48 : i32
      %get3A_2113 = arith.index_cast %get3A_2112 : i32 to index
      %get3A_2114 = arith.constant 832 : index
      %get3A_2115 = tpu.vector_load %arg7[%get3A_2113, %get3A_2114] {strides = array<i32>} : memref<56x1024xf32, #tpu.memory_space<vmem>>, vector<1x16xf32>,
      %get3A_2116 = vector.shape_cast %get3A_2115 : vector<1x16xf32> to vector<16xf32>
      %swap3A_2117 = arith.constant 0 : i32
      %swap3A_2118 = arith.index_cast %swap3A_2117 : i32 to index
      %swap3A_2119 = arith.constant 832 : index
      %swap3A_2120 = tpu.vector_load %arg9[%swap3A_2118, %swap3A_2119] {strides = array<i32>} : memref<2x1000xf32, #tpu.memory_space<vmem>>, vector<1x16xf32>,
      %swap3A_2121 = vector.shape_cast %swap3A_2120 : vector<1x16xf32> to vector<16xf32>
      %swap3A_2122 = vector.shape_cast %get3A_2116 : vector<16xf32> to vector<1x16xf32>
      tpu.vector_store %arg9[%swap3A_2118, %swap3A_2119], %swap3A_2122 {strides = array<i32>} : memref<2x1000xf32, #tpu.memory_space<vmem>>, vector<1x16xf32>,
      %get3A_2123 = arith.constant 48 : i32
      %get3A_2124 = arith.index_cast %get3A_2123 : i32 to index
      %get3A_2125 = arith.constant 848 : index
      %get3A_2126 = tpu.vector_load %arg7[%get3A_2124, %get3A_2125] {strides = array<i32>} : memref<56x1024xf32, #tpu.memory_space<vmem>>, vector<1x16xf32>,
      %get3A_2127 = vector.shape_cast %get3A_2126 : vector<1x16xf32> to vector<16xf32>
      %swap3A_2128 = arith.constant 0 : i32
      %swap3A_2129 = arith.index_cast %swap3A_2128 : i32 to index
      %swap3A_2130 = arith.constant 848 : index
      %swap3A_2131 = tpu.vector_load %arg9[%swap3A_2129, %swap3A_2130] {strides = array<i32>} : memref<2x1000xf32, #tpu.memory_space<vmem>>, vector<1x16xf32>,
      %swap3A_2132 = vector.shape_cast %swap3A_2131 : vector<1x16xf32> to vector<16xf32>
      %swap3A_2133 = vector.shape_cast %get3A_2127 : vector<16xf32> to vector<1x16xf32>
      tpu.vector_store %arg9[%swap3A_2129, %swap3A_2130], %swap3A_2133 {strides = array<i32>} : memref<2x1000xf32, #tpu.memory_space<vmem>>, vector<1x16xf32>,
      %get3A_2134 = arith.constant 48 : i32
      %get3A_2135 = arith.index_cast %get3A_2134 : i32 to index
      %get3A_2136 = arith.constant 864 : index
      %get3A_2137 = tpu.vector_load %arg7[%get3A_2135, %get3A_2136] {strides = array<i32>} : memref<56x1024xf32, #tpu.memory_space<vmem>>, vector<1x16xf32>,
      %get3A_2138 = vector.shape_cast %get3A_2137 : vector<1x16xf32> to vector<16xf32>
      %swap3A_2139 = arith.constant 0 : i32
      %swap3A_2140 = arith.index_cast %swap3A_2139 : i32 to index
      %swap3A_2141 = arith.constant 864 : index
      %swap3A_2142 = tpu.vector_load %arg9[%swap3A_2140, %swap3A_2141] {strides = array<i32>} : memref<2x1000xf32, #tpu.memory_space<vmem>>, vector<1x16xf32>,
      %swap3A_2143 = vector.shape_cast %swap3A_2142 : vector<1x16xf32> to vector<16xf32>
      %swap3A_2144 = vector.shape_cast %get3A_2138 : vector<16xf32> to vector<1x16xf32>
      tpu.vector_store %arg9[%swap3A_2140, %swap3A_2141], %swap3A_2144 {strides = array<i32>} : memref<2x1000xf32, #tpu.memory_space<vmem>>, vector<1x16xf32>,
      %get3A_2145 = arith.constant 48 : i32
      %get3A_2146 = arith.index_cast %get3A_2145 : i32 to index
      %get3A_2147 = arith.constant 880 : index
      %get3A_2148 = tpu.vector_load %arg7[%get3A_2146, %get3A_2147] {strides = array<i32>} : memref<56x1024xf32, #tpu.memory_space<vmem>>, vector<1x16xf32>,
      %get3A_2149 = vector.shape_cast %get3A_2148 : vector<1x16xf32> to vector<16xf32>
      %swap3A_2150 = arith.constant 0 : i32
      %swap3A_2151 = arith.index_cast %swap3A_2150 : i32 to index
      %swap3A_2152 = arith.constant 880 : index
      %swap3A_2153 = tpu.vector_load %arg9[%swap3A_2151, %swap3A_2152] {strides = array<i32>} : memref<2x1000xf32, #tpu.memory_space<vmem>>, vector<1x16xf32>,
      %swap3A_2154 = vector.shape_cast %swap3A_2153 : vector<1x16xf32> to vector<16xf32>
      %swap3A_2155 = vector.shape_cast %get3A_2149 : vector<16xf32> to vector<1x16xf32>
      tpu.vector_store %arg9[%swap3A_2151, %swap3A_2152], %swap3A_2155 {strides = array<i32>} : memref<2x1000xf32, #tpu.memory_space<vmem>>, vector<1x16xf32>,
      %get3A_2156 = arith.constant 48 : i32
      %get3A_2157 = arith.index_cast %get3A_2156 : i32 to index
      %get3A_2158 = arith.constant 896 : index
      %get3A_2159 = tpu.vector_load %arg7[%get3A_2157, %get3A_2158] {strides = array<i32>} : memref<56x1024xf32, #tpu.memory_space<vmem>>, vector<1x16xf32>,
      %get3A_2160 = vector.shape_cast %get3A_2159 : vector<1x16xf32> to vector<16xf32>
      %swap3A_2161 = arith.constant 0 : i32
      %swap3A_2162 = arith.index_cast %swap3A_2161 : i32 to index
      %swap3A_2163 = arith.constant 896 : index
      %swap3A_2164 = tpu.vector_load %arg9[%swap3A_2162, %swap3A_2163] {strides = array<i32>} : memref<2x1000xf32, #tpu.memory_space<vmem>>, vector<1x16xf32>,
      %swap3A_2165 = vector.shape_cast %swap3A_2164 : vector<1x16xf32> to vector<16xf32>
      %swap3A_2166 = vector.shape_cast %get3A_2160 : vector<16xf32> to vector<1x16xf32>
      tpu.vector_store %arg9[%swap3A_2162, %swap3A_2163], %swap3A_2166 {strides = array<i32>} : memref<2x1000xf32, #tpu.memory_space<vmem>>, vector<1x16xf32>,
      %get3A_2167 = arith.constant 48 : i32
      %get3A_2168 = arith.index_cast %get3A_2167 : i32 to index
      %get3A_2169 = arith.constant 912 : index
      %get3A_2170 = tpu.vector_load %arg7[%get3A_2168, %get3A_2169] {strides = array<i32>} : memref<56x1024xf32, #tpu.memory_space<vmem>>, vector<1x16xf32>,
      %get3A_2171 = vector.shape_cast %get3A_2170 : vector<1x16xf32> to vector<16xf32>
      %swap3A_2172 = arith.constant 0 : i32
      %swap3A_2173 = arith.index_cast %swap3A_2172 : i32 to index
      %swap3A_2174 = arith.constant 912 : index
      %swap3A_2175 = tpu.vector_load %arg9[%swap3A_2173, %swap3A_2174] {strides = array<i32>} : memref<2x1000xf32, #tpu.memory_space<vmem>>, vector<1x16xf32>,
      %swap3A_2176 = vector.shape_cast %swap3A_2175 : vector<1x16xf32> to vector<16xf32>
      %swap3A_2177 = vector.shape_cast %get3A_2171 : vector<16xf32> to vector<1x16xf32>
      tpu.vector_store %arg9[%swap3A_2173, %swap3A_2174], %swap3A_2177 {strides = array<i32>} : memref<2x1000xf32, #tpu.memory_space<vmem>>, vector<1x16xf32>,
      %get3A_2178 = arith.constant 48 : i32
      %get3A_2179 = arith.index_cast %get3A_2178 : i32 to index
      %get3A_2180 = arith.constant 928 : index
      %get3A_2181 = tpu.vector_load %arg7[%get3A_2179, %get3A_2180] {strides = array<i32>} : memref<56x1024xf32, #tpu.memory_space<vmem>>, vector<1x16xf32>,
      %get3A_2182 = vector.shape_cast %get3A_2181 : vector<1x16xf32> to vector<16xf32>
      %swap3A_2183 = arith.constant 0 : i32
      %swap3A_2184 = arith.index_cast %swap3A_2183 : i32 to index
      %swap3A_2185 = arith.constant 928 : index
      %swap3A_2186 = tpu.vector_load %arg9[%swap3A_2184, %swap3A_2185] {strides = array<i32>} : memref<2x1000xf32, #tpu.memory_space<vmem>>, vector<1x16xf32>,
      %swap3A_2187 = vector.shape_cast %swap3A_2186 : vector<1x16xf32> to vector<16xf32>
      %swap3A_2188 = vector.shape_cast %get3A_2182 : vector<16xf32> to vector<1x16xf32>
      tpu.vector_store %arg9[%swap3A_2184, %swap3A_2185], %swap3A_2188 {strides = array<i32>} : memref<2x1000xf32, #tpu.memory_space<vmem>>, vector<1x16xf32>,
      %get3A_2189 = arith.constant 48 : i32
      %get3A_2190 = arith.index_cast %get3A_2189 : i32 to index
      %get3A_2191 = arith.constant 944 : index
      %get3A_2192 = tpu.vector_load %arg7[%get3A_2190, %get3A_2191] {strides = array<i32>} : memref<56x1024xf32, #tpu.memory_space<vmem>>, vector<1x16xf32>,
      %get3A_2193 = vector.shape_cast %get3A_2192 : vector<1x16xf32> to vector<16xf32>
      %swap3A_2194 = arith.constant 0 : i32
      %swap3A_2195 = arith.index_cast %swap3A_2194 : i32 to index
      %swap3A_2196 = arith.constant 944 : index
      %swap3A_2197 = tpu.vector_load %arg9[%swap3A_2195, %swap3A_2196] {strides = array<i32>} : memref<2x1000xf32, #tpu.memory_space<vmem>>, vector<1x16xf32>,
      %swap3A_2198 = vector.shape_cast %swap3A_2197 : vector<1x16xf32> to vector<16xf32>
      %swap3A_2199 = vector.shape_cast %get3A_2193 : vector<16xf32> to vector<1x16xf32>
      tpu.vector_store %arg9[%swap3A_2195, %swap3A_2196], %swap3A_2199 {strides = array<i32>} : memref<2x1000xf32, #tpu.memory_space<vmem>>, vector<1x16xf32>,
      %get3A_2200 = arith.constant 48 : i32
      %get3A_2201 = arith.index_cast %get3A_2200 : i32 to index
      %get3A_2202 = arith.constant 960 : index
      %get3A_2203 = tpu.vector_load %arg7[%get3A_2201, %get3A_2202] {strides = array<i32>} : memref<56x1024xf32, #tpu.memory_space<vmem>>, vector<1x16xf32>,
      %get3A_2204 = vector.shape_cast %get3A_2203 : vector<1x16xf32> to vector<16xf32>
      %swap3A_2205 = arith.constant 0 : i32
      %swap3A_2206 = arith.index_cast %swap3A_2205 : i32 to index
      %swap3A_2207 = arith.constant 960 : index
      %swap3A_2208 = tpu.vector_load %arg9[%swap3A_2206, %swap3A_2207] {strides = array<i32>} : memref<2x1000xf32, #tpu.memory_space<vmem>>, vector<1x16xf32>,
      %swap3A_2209 = vector.shape_cast %swap3A_2208 : vector<1x16xf32> to vector<16xf32>
      %swap3A_2210 = vector.shape_cast %get3A_2204 : vector<16xf32> to vector<1x16xf32>
      tpu.vector_store %arg9[%swap3A_2206, %swap3A_2207], %swap3A_2210 {strides = array<i32>} : memref<2x1000xf32, #tpu.memory_space<vmem>>, vector<1x16xf32>,
      %get3A_2211 = arith.constant 48 : i32
      %get3A_2212 = arith.index_cast %get3A_2211 : i32 to index
      %get3A_2213 = arith.constant 976 : index
      %get3A_2214 = tpu.vector_load %arg7[%get3A_2212, %get3A_2213] {strides = array<i32>} : memref<56x1024xf32, #tpu.memory_space<vmem>>, vector<1x16xf32>,
      %get3A_2215 = vector.shape_cast %get3A_2214 : vector<1x16xf32> to vector<16xf32>
      %swap3A_2216 = arith.constant 0 : i32
      %swap3A_2217 = arith.index_cast %swap3A_2216 : i32 to index
      %swap3A_2218 = arith.constant 976 : index
      %swap3A_2219 = tpu.vector_load %arg9[%swap3A_2217, %swap3A_2218] {strides = array<i32>} : memref<2x1000xf32, #tpu.memory_space<vmem>>, vector<1x16xf32>,
      %swap3A_2220 = vector.shape_cast %swap3A_2219 : vector<1x16xf32> to vector<16xf32>
      %swap3A_2221 = vector.shape_cast %get3A_2215 : vector<16xf32> to vector<1x16xf32>
      tpu.vector_store %arg9[%swap3A_2217, %swap3A_2218], %swap3A_2221 {strides = array<i32>} : memref<2x1000xf32, #tpu.memory_space<vmem>>, vector<1x16xf32>,
      %get3A_2222 = arith.constant 48 : i32
      %get3A_2223 = arith.index_cast %get3A_2222 : i32 to index
      %get3A_2224 = arith.constant 984 : index
      %get3A_2225 = tpu.vector_load %arg7[%get3A_2223, %get3A_2224] {strides = array<i32>} : memref<56x1024xf32, #tpu.memory_space<vmem>>, vector<1x16xf32>,
      %get3A_2226 = vector.shape_cast %get3A_2225 : vector<1x16xf32> to vector<16xf32>
      %swap3A_2227 = arith.constant 0 : i32
      %swap3A_2228 = arith.index_cast %swap3A_2227 : i32 to index
      %swap3A_2229 = arith.constant 984 : index
      %swap3A_2230 = tpu.vector_load %arg9[%swap3A_2228, %swap3A_2229] {strides = array<i32>} : memref<2x1000xf32, #tpu.memory_space<vmem>>, vector<1x16xf32>,
      %swap3A_2231 = vector.shape_cast %swap3A_2230 : vector<1x16xf32> to vector<16xf32>
      %swap3A_2232 = vector.shape_cast %get3A_2226 : vector<16xf32> to vector<1x16xf32>
      tpu.vector_store %arg9[%swap3A_2228, %swap3A_2229], %swap3A_2232 {strides = array<i32>} : memref<2x1000xf32, #tpu.memory_space<vmem>>, vector<1x16xf32>,
      %get3A_2233 = arith.constant 49 : i32
      %get3A_2234 = arith.index_cast %get3A_2233 : i32 to index
      %get3A_2235 = arith.constant 0 : index
      %get3A_2236 = tpu.vector_load %arg7[%get3A_2234, %get3A_2235] {strides = array<i32>} : memref<56x1024xf32, #tpu.memory_space<vmem>>, vector<1x16xf32>,
      %get3A_2237 = vector.shape_cast %get3A_2236 : vector<1x16xf32> to vector<16xf32>
      %swap3A_2238 = arith.constant 1 : i32
      %swap3A_2239 = arith.index_cast %swap3A_2238 : i32 to index
      %swap3A_2240 = arith.constant 0 : index
      %swap3A_2241 = tpu.vector_load %arg9[%swap3A_2239, %swap3A_2240] {strides = array<i32>} : memref<2x1000xf32, #tpu.memory_space<vmem>>, vector<1x16xf32>,
      %swap3A_2242 = vector.shape_cast %swap3A_2241 : vector<1x16xf32> to vector<16xf32>
      %swap3A_2243 = vector.shape_cast %get3A_2237 : vector<16xf32> to vector<1x16xf32>
      tpu.vector_store %arg9[%swap3A_2239, %swap3A_2240], %swap3A_2243 {strides = array<i32>} : memref<2x1000xf32, #tpu.memory_space<vmem>>, vector<1x16xf32>,
      %get3A_2244 = arith.constant 49 : i32
      %get3A_2245 = arith.index_cast %get3A_2244 : i32 to index
      %get3A_2246 = arith.constant 16 : index
      %get3A_2247 = tpu.vector_load %arg7[%get3A_2245, %get3A_2246] {strides = array<i32>} : memref<56x1024xf32, #tpu.memory_space<vmem>>, vector<1x16xf32>,
      %get3A_2248 = vector.shape_cast %get3A_2247 : vector<1x16xf32> to vector<16xf32>
      %swap3A_2249 = arith.constant 1 : i32
      %swap3A_2250 = arith.index_cast %swap3A_2249 : i32 to index
      %swap3A_2251 = arith.constant 16 : index
      %swap3A_2252 = tpu.vector_load %arg9[%swap3A_2250, %swap3A_2251] {strides = array<i32>} : memref<2x1000xf32, #tpu.memory_space<vmem>>, vector<1x16xf32>,
      %swap3A_2253 = vector.shape_cast %swap3A_2252 : vector<1x16xf32> to vector<16xf32>
      %swap3A_2254 = vector.shape_cast %get3A_2248 : vector<16xf32> to vector<1x16xf32>
      tpu.vector_store %arg9[%swap3A_2250, %swap3A_2251], %swap3A_2254 {strides = array<i32>} : memref<2x1000xf32, #tpu.memory_space<vmem>>, vector<1x16xf32>,
      %get3A_2255 = arith.constant 49 : i32
      %get3A_2256 = arith.index_cast %get3A_2255 : i32 to index
      %get3A_2257 = arith.constant 32 : index
      %get3A_2258 = tpu.vector_load %arg7[%get3A_2256, %get3A_2257] {strides = array<i32>} : memref<56x1024xf32, #tpu.memory_space<vmem>>, vector<1x16xf32>,
      %get3A_2259 = vector.shape_cast %get3A_2258 : vector<1x16xf32> to vector<16xf32>
      %swap3A_2260 = arith.constant 1 : i32
      %swap3A_2261 = arith.index_cast %swap3A_2260 : i32 to index
      %swap3A_2262 = arith.constant 32 : index
      %swap3A_2263 = tpu.vector_load %arg9[%swap3A_2261, %swap3A_2262] {strides = array<i32>} : memref<2x1000xf32, #tpu.memory_space<vmem>>, vector<1x16xf32>,
      %swap3A_2264 = vector.shape_cast %swap3A_2263 : vector<1x16xf32> to vector<16xf32>
      %swap3A_2265 = vector.shape_cast %get3A_2259 : vector<16xf32> to vector<1x16xf32>
      tpu.vector_store %arg9[%swap3A_2261, %swap3A_2262], %swap3A_2265 {strides = array<i32>} : memref<2x1000xf32, #tpu.memory_space<vmem>>, vector<1x16xf32>,
      %get3A_2266 = arith.constant 49 : i32
      %get3A_2267 = arith.index_cast %get3A_2266 : i32 to index
      %get3A_2268 = arith.constant 48 : index
      %get3A_2269 = tpu.vector_load %arg7[%get3A_2267, %get3A_2268] {strides = array<i32>} : memref<56x1024xf32, #tpu.memory_space<vmem>>, vector<1x16xf32>,
      %get3A_2270 = vector.shape_cast %get3A_2269 : vector<1x16xf32> to vector<16xf32>
      %swap3A_2271 = arith.constant 1 : i32
      %swap3A_2272 = arith.index_cast %swap3A_2271 : i32 to index
      %swap3A_2273 = arith.constant 48 : index
      %swap3A_2274 = tpu.vector_load %arg9[%swap3A_2272, %swap3A_2273] {strides = array<i32>} : memref<2x1000xf32, #tpu.memory_space<vmem>>, vector<1x16xf32>,
      %swap3A_2275 = vector.shape_cast %swap3A_2274 : vector<1x16xf32> to vector<16xf32>
      %swap3A_2276 = vector.shape_cast %get3A_2270 : vector<16xf32> to vector<1x16xf32>
      tpu.vector_store %arg9[%swap3A_2272, %swap3A_2273], %swap3A_2276 {strides = array<i32>} : memref<2x1000xf32, #tpu.memory_space<vmem>>, vector<1x16xf32>,
      %get3A_2277 = arith.constant 49 : i32
      %get3A_2278 = arith.index_cast %get3A_2277 : i32 to index
      %get3A_2279 = arith.constant 64 : index
      %get3A_2280 = tpu.vector_load %arg7[%get3A_2278, %get3A_2279] {strides = array<i32>} : memref<56x1024xf32, #tpu.memory_space<vmem>>, vector<1x16xf32>,
      %get3A_2281 = vector.shape_cast %get3A_2280 : vector<1x16xf32> to vector<16xf32>
      %swap3A_2282 = arith.constant 1 : i32
      %swap3A_2283 = arith.index_cast %swap3A_2282 : i32 to index
      %swap3A_2284 = arith.constant 64 : index
      %swap3A_2285 = tpu.vector_load %arg9[%swap3A_2283, %swap3A_2284] {strides = array<i32>} : memref<2x1000xf32, #tpu.memory_space<vmem>>, vector<1x16xf32>,
      %swap3A_2286 = vector.shape_cast %swap3A_2285 : vector<1x16xf32> to vector<16xf32>
      %swap3A_2287 = vector.shape_cast %get3A_2281 : vector<16xf32> to vector<1x16xf32>
      tpu.vector_store %arg9[%swap3A_2283, %swap3A_2284], %swap3A_2287 {strides = array<i32>} : memref<2x1000xf32, #tpu.memory_space<vmem>>, vector<1x16xf32>,
      %get3A_2288 = arith.constant 49 : i32
      %get3A_2289 = arith.index_cast %get3A_2288 : i32 to index
      %get3A_2290 = arith.constant 80 : index
      %get3A_2291 = tpu.vector_load %arg7[%get3A_2289, %get3A_2290] {strides = array<i32>} : memref<56x1024xf32, #tpu.memory_space<vmem>>, vector<1x16xf32>,
      %get3A_2292 = vector.shape_cast %get3A_2291 : vector<1x16xf32> to vector<16xf32>
      %swap3A_2293 = arith.constant 1 : i32
      %swap3A_2294 = arith.index_cast %swap3A_2293 : i32 to index
      %swap3A_2295 = arith.constant 80 : index
      %swap3A_2296 = tpu.vector_load %arg9[%swap3A_2294, %swap3A_2295] {strides = array<i32>} : memref<2x1000xf32, #tpu.memory_space<vmem>>, vector<1x16xf32>,
      %swap3A_2297 = vector.shape_cast %swap3A_2296 : vector<1x16xf32> to vector<16xf32>
      %swap3A_2298 = vector.shape_cast %get3A_2292 : vector<16xf32> to vector<1x16xf32>
      tpu.vector_store %arg9[%swap3A_2294, %swap3A_2295], %swap3A_2298 {strides = array<i32>} : memref<2x1000xf32, #tpu.memory_space<vmem>>, vector<1x16xf32>,
      %get3A_2299 = arith.constant 49 : i32
      %get3A_2300 = arith.index_cast %get3A_2299 : i32 to index
      %get3A_2301 = arith.constant 96 : index
      %get3A_2302 = tpu.vector_load %arg7[%get3A_2300, %get3A_2301] {strides = array<i32>} : memref<56x1024xf32, #tpu.memory_space<vmem>>, vector<1x16xf32>,
      %get3A_2303 = vector.shape_cast %get3A_2302 : vector<1x16xf32> to vector<16xf32>
      %swap3A_2304 = arith.constant 1 : i32
      %swap3A_2305 = arith.index_cast %swap3A_2304 : i32 to index
      %swap3A_2306 = arith.constant 96 : index
      %swap3A_2307 = tpu.vector_load %arg9[%swap3A_2305, %swap3A_2306] {strides = array<i32>} : memref<2x1000xf32, #tpu.memory_space<vmem>>, vector<1x16xf32>,
      %swap3A_2308 = vector.shape_cast %swap3A_2307 : vector<1x16xf32> to vector<16xf32>
      %swap3A_2309 = vector.shape_cast %get3A_2303 : vector<16xf32> to vector<1x16xf32>
      tpu.vector_store %arg9[%swap3A_2305, %swap3A_2306], %swap3A_2309 {strides = array<i32>} : memref<2x1000xf32, #tpu.memory_space<vmem>>, vector<1x16xf32>,
      %get3A_2310 = arith.constant 49 : i32
      %get3A_2311 = arith.index_cast %get3A_2310 : i32 to index
      %get3A_2312 = arith.constant 112 : index
      %get3A_2313 = tpu.vector_load %arg7[%get3A_2311, %get3A_2312] {strides = array<i32>} : memref<56x1024xf32, #tpu.memory_space<vmem>>, vector<1x16xf32>,
      %get3A_2314 = vector.shape_cast %get3A_2313 : vector<1x16xf32> to vector<16xf32>
      %swap3A_2315 = arith.constant 1 : i32
      %swap3A_2316 = arith.index_cast %swap3A_2315 : i32 to index
      %swap3A_2317 = arith.constant 112 : index
      %swap3A_2318 = tpu.vector_load %arg9[%swap3A_2316, %swap3A_2317] {strides = array<i32>} : memref<2x1000xf32, #tpu.memory_space<vmem>>, vector<1x16xf32>,
      %swap3A_2319 = vector.shape_cast %swap3A_2318 : vector<1x16xf32> to vector<16xf32>
      %swap3A_2320 = vector.shape_cast %get3A_2314 : vector<16xf32> to vector<1x16xf32>
      tpu.vector_store %arg9[%swap3A_2316, %swap3A_2317], %swap3A_2320 {strides = array<i32>} : memref<2x1000xf32, #tpu.memory_space<vmem>>, vector<1x16xf32>,
      %get3A_2321 = arith.constant 49 : i32
      %get3A_2322 = arith.index_cast %get3A_2321 : i32 to index
      %get3A_2323 = arith.constant 128 : index
      %get3A_2324 = tpu.vector_load %arg7[%get3A_2322, %get3A_2323] {strides = array<i32>} : memref<56x1024xf32, #tpu.memory_space<vmem>>, vector<1x16xf32>,
      %get3A_2325 = vector.shape_cast %get3A_2324 : vector<1x16xf32> to vector<16xf32>
      %swap3A_2326 = arith.constant 1 : i32
      %swap3A_2327 = arith.index_cast %swap3A_2326 : i32 to index
      %swap3A_2328 = arith.constant 128 : index
      %swap3A_2329 = tpu.vector_load %arg9[%swap3A_2327, %swap3A_2328] {strides = array<i32>} : memref<2x1000xf32, #tpu.memory_space<vmem>>, vector<1x16xf32>,
      %swap3A_2330 = vector.shape_cast %swap3A_2329 : vector<1x16xf32> to vector<16xf32>
      %swap3A_2331 = vector.shape_cast %get3A_2325 : vector<16xf32> to vector<1x16xf32>
      tpu.vector_store %arg9[%swap3A_2327, %swap3A_2328], %swap3A_2331 {strides = array<i32>} : memref<2x1000xf32, #tpu.memory_space<vmem>>, vector<1x16xf32>,
      %get3A_2332 = arith.constant 49 : i32
      %get3A_2333 = arith.index_cast %get3A_2332 : i32 to index
      %get3A_2334 = arith.constant 144 : index
      %get3A_2335 = tpu.vector_load %arg7[%get3A_2333, %get3A_2334] {strides = array<i32>} : memref<56x1024xf32, #tpu.memory_space<vmem>>, vector<1x16xf32>,
      %get3A_2336 = vector.shape_cast %get3A_2335 : vector<1x16xf32> to vector<16xf32>
      %swap3A_2337 = arith.constant 1 : i32
      %swap3A_2338 = arith.index_cast %swap3A_2337 : i32 to index
      %swap3A_2339 = arith.constant 144 : index
      %swap3A_2340 = tpu.vector_load %arg9[%swap3A_2338, %swap3A_2339] {strides = array<i32>} : memref<2x1000xf32, #tpu.memory_space<vmem>>, vector<1x16xf32>,
      %swap3A_2341 = vector.shape_cast %swap3A_2340 : vector<1x16xf32> to vector<16xf32>
      %swap3A_2342 = vector.shape_cast %get3A_2336 : vector<16xf32> to vector<1x16xf32>
      tpu.vector_store %arg9[%swap3A_2338, %swap3A_2339], %swap3A_2342 {strides = array<i32>} : memref<2x1000xf32, #tpu.memory_space<vmem>>, vector<1x16xf32>,
      %get3A_2343 = arith.constant 49 : i32
      %get3A_2344 = arith.index_cast %get3A_2343 : i32 to index
      %get3A_2345 = arith.constant 160 : index
      %get3A_2346 = tpu.vector_load %arg7[%get3A_2344, %get3A_2345] {strides = array<i32>} : memref<56x1024xf32, #tpu.memory_space<vmem>>, vector<1x16xf32>,
      %get3A_2347 = vector.shape_cast %get3A_2346 : vector<1x16xf32> to vector<16xf32>
      %swap3A_2348 = arith.constant 1 : i32
      %swap3A_2349 = arith.index_cast %swap3A_2348 : i32 to index
      %swap3A_2350 = arith.constant 160 : index
      %swap3A_2351 = tpu.vector_load %arg9[%swap3A_2349, %swap3A_2350] {strides = array<i32>} : memref<2x1000xf32, #tpu.memory_space<vmem>>, vector<1x16xf32>,
      %swap3A_2352 = vector.shape_cast %swap3A_2351 : vector<1x16xf32> to vector<16xf32>
      %swap3A_2353 = vector.shape_cast %get3A_2347 : vector<16xf32> to vector<1x16xf32>
      tpu.vector_store %arg9[%swap3A_2349, %swap3A_2350], %swap3A_2353 {strides = array<i32>} : memref<2x1000xf32, #tpu.memory_space<vmem>>, vector<1x16xf32>,
      %get3A_2354 = arith.constant 49 : i32
      %get3A_2355 = arith.index_cast %get3A_2354 : i32 to index
      %get3A_2356 = arith.constant 176 : index
      %get3A_2357 = tpu.vector_load %arg7[%get3A_2355, %get3A_2356] {strides = array<i32>} : memref<56x1024xf32, #tpu.memory_space<vmem>>, vector<1x16xf32>,
      %get3A_2358 = vector.shape_cast %get3A_2357 : vector<1x16xf32> to vector<16xf32>
      %swap3A_2359 = arith.constant 1 : i32
      %swap3A_2360 = arith.index_cast %swap3A_2359 : i32 to index
      %swap3A_2361 = arith.constant 176 : index
      %swap3A_2362 = tpu.vector_load %arg9[%swap3A_2360, %swap3A_2361] {strides = array<i32>} : memref<2x1000xf32, #tpu.memory_space<vmem>>, vector<1x16xf32>,
      %swap3A_2363 = vector.shape_cast %swap3A_2362 : vector<1x16xf32> to vector<16xf32>
      %swap3A_2364 = vector.shape_cast %get3A_2358 : vector<16xf32> to vector<1x16xf32>
      tpu.vector_store %arg9[%swap3A_2360, %swap3A_2361], %swap3A_2364 {strides = array<i32>} : memref<2x1000xf32, #tpu.memory_space<vmem>>, vector<1x16xf32>,
      %get3A_2365 = arith.constant 49 : i32
      %get3A_2366 = arith.index_cast %get3A_2365 : i32 to index
      %get3A_2367 = arith.constant 192 : index
      %get3A_2368 = tpu.vector_load %arg7[%get3A_2366, %get3A_2367] {strides = array<i32>} : memref<56x1024xf32, #tpu.memory_space<vmem>>, vector<1x16xf32>,
      %get3A_2369 = vector.shape_cast %get3A_2368 : vector<1x16xf32> to vector<16xf32>
      %swap3A_2370 = arith.constant 1 : i32
      %swap3A_2371 = arith.index_cast %swap3A_2370 : i32 to index
      %swap3A_2372 = arith.constant 192 : index
      %swap3A_2373 = tpu.vector_load %arg9[%swap3A_2371, %swap3A_2372] {strides = array<i32>} : memref<2x1000xf32, #tpu.memory_space<vmem>>, vector<1x16xf32>,
      %swap3A_2374 = vector.shape_cast %swap3A_2373 : vector<1x16xf32> to vector<16xf32>
      %swap3A_2375 = vector.shape_cast %get3A_2369 : vector<16xf32> to vector<1x16xf32>
      tpu.vector_store %arg9[%swap3A_2371, %swap3A_2372], %swap3A_2375 {strides = array<i32>} : memref<2x1000xf32, #tpu.memory_space<vmem>>, vector<1x16xf32>,
      %get3A_2376 = arith.constant 49 : i32
      %get3A_2377 = arith.index_cast %get3A_2376 : i32 to index
      %get3A_2378 = arith.constant 208 : index
      %get3A_2379 = tpu.vector_load %arg7[%get3A_2377, %get3A_2378] {strides = array<i32>} : memref<56x1024xf32, #tpu.memory_space<vmem>>, vector<1x16xf32>,
      %get3A_2380 = vector.shape_cast %get3A_2379 : vector<1x16xf32> to vector<16xf32>
      %swap3A_2381 = arith.constant 1 : i32
      %swap3A_2382 = arith.index_cast %swap3A_2381 : i32 to index
      %swap3A_2383 = arith.constant 208 : index
      %swap3A_2384 = tpu.vector_load %arg9[%swap3A_2382, %swap3A_2383] {strides = array<i32>} : memref<2x1000xf32, #tpu.memory_space<vmem>>, vector<1x16xf32>,
      %swap3A_2385 = vector.shape_cast %swap3A_2384 : vector<1x16xf32> to vector<16xf32>
      %swap3A_2386 = vector.shape_cast %get3A_2380 : vector<16xf32> to vector<1x16xf32>
      tpu.vector_store %arg9[%swap3A_2382, %swap3A_2383], %swap3A_2386 {strides = array<i32>} : memref<2x1000xf32, #tpu.memory_space<vmem>>, vector<1x16xf32>,
      %get3A_2387 = arith.constant 49 : i32
      %get3A_2388 = arith.index_cast %get3A_2387 : i32 to index
      %get3A_2389 = arith.constant 224 : index
      %get3A_2390 = tpu.vector_load %arg7[%get3A_2388, %get3A_2389] {strides = array<i32>} : memref<56x1024xf32, #tpu.memory_space<vmem>>, vector<1x16xf32>,
      %get3A_2391 = vector.shape_cast %get3A_2390 : vector<1x16xf32> to vector<16xf32>
      %swap3A_2392 = arith.constant 1 : i32
      %swap3A_2393 = arith.index_cast %swap3A_2392 : i32 to index
      %swap3A_2394 = arith.constant 224 : index
      %swap3A_2395 = tpu.vector_load %arg9[%swap3A_2393, %swap3A_2394] {strides = array<i32>} : memref<2x1000xf32, #tpu.memory_space<vmem>>, vector<1x16xf32>,
      %swap3A_2396 = vector.shape_cast %swap3A_2395 : vector<1x16xf32> to vector<16xf32>
      %swap3A_2397 = vector.shape_cast %get3A_2391 : vector<16xf32> to vector<1x16xf32>
      tpu.vector_store %arg9[%swap3A_2393, %swap3A_2394], %swap3A_2397 {strides = array<i32>} : memref<2x1000xf32, #tpu.memory_space<vmem>>, vector<1x16xf32>,
      %get3A_2398 = arith.constant 49 : i32
      %get3A_2399 = arith.index_cast %get3A_2398 : i32 to index
      %get3A_2400 = arith.constant 240 : index
      %get3A_2401 = tpu.vector_load %arg7[%get3A_2399, %get3A_2400] {strides = array<i32>} : memref<56x1024xf32, #tpu.memory_space<vmem>>, vector<1x16xf32>,
      %get3A_2402 = vector.shape_cast %get3A_2401 : vector<1x16xf32> to vector<16xf32>
      %swap3A_2403 = arith.constant 1 : i32
      %swap3A_2404 = arith.index_cast %swap3A_2403 : i32 to index
      %swap3A_2405 = arith.constant 240 : index
      %swap3A_2406 = tpu.vector_load %arg9[%swap3A_2404, %swap3A_2405] {strides = array<i32>} : memref<2x1000xf32, #tpu.memory_space<vmem>>, vector<1x16xf32>,
      %swap3A_2407 = vector.shape_cast %swap3A_2406 : vector<1x16xf32> to vector<16xf32>
      %swap3A_2408 = vector.shape_cast %get3A_2402 : vector<16xf32> to vector<1x16xf32>
      tpu.vector_store %arg9[%swap3A_2404, %swap3A_2405], %swap3A_2408 {strides = array<i32>} : memref<2x1000xf32, #tpu.memory_space<vmem>>, vector<1x16xf32>,
      %get3A_2409 = arith.constant 49 : i32
      %get3A_2410 = arith.index_cast %get3A_2409 : i32 to index
      %get3A_2411 = arith.constant 256 : index
      %get3A_2412 = tpu.vector_load %arg7[%get3A_2410, %get3A_2411] {strides = array<i32>} : memref<56x1024xf32, #tpu.memory_space<vmem>>, vector<1x16xf32>,
      %get3A_2413 = vector.shape_cast %get3A_2412 : vector<1x16xf32> to vector<16xf32>
      %swap3A_2414 = arith.constant 1 : i32
      %swap3A_2415 = arith.index_cast %swap3A_2414 : i32 to index
      %swap3A_2416 = arith.constant 256 : index
      %swap3A_2417 = tpu.vector_load %arg9[%swap3A_2415, %swap3A_2416] {strides = array<i32>} : memref<2x1000xf32, #tpu.memory_space<vmem>>, vector<1x16xf32>,
      %swap3A_2418 = vector.shape_cast %swap3A_2417 : vector<1x16xf32> to vector<16xf32>
      %swap3A_2419 = vector.shape_cast %get3A_2413 : vector<16xf32> to vector<1x16xf32>
      tpu.vector_store %arg9[%swap3A_2415, %swap3A_2416], %swap3A_2419 {strides = array<i32>} : memref<2x1000xf32, #tpu.memory_space<vmem>>, vector<1x16xf32>,
      %get3A_2420 = arith.constant 49 : i32
      %get3A_2421 = arith.index_cast %get3A_2420 : i32 to index
      %get3A_2422 = arith.constant 272 : index
      %get3A_2423 = tpu.vector_load %arg7[%get3A_2421, %get3A_2422] {strides = array<i32>} : memref<56x1024xf32, #tpu.memory_space<vmem>>, vector<1x16xf32>,
      %get3A_2424 = vector.shape_cast %get3A_2423 : vector<1x16xf32> to vector<16xf32>
      %swap3A_2425 = arith.constant 1 : i32
      %swap3A_2426 = arith.index_cast %swap3A_2425 : i32 to index
      %swap3A_2427 = arith.constant 272 : index
      %swap3A_2428 = tpu.vector_load %arg9[%swap3A_2426, %swap3A_2427] {strides = array<i32>} : memref<2x1000xf32, #tpu.memory_space<vmem>>, vector<1x16xf32>,
      %swap3A_2429 = vector.shape_cast %swap3A_2428 : vector<1x16xf32> to vector<16xf32>
      %swap3A_2430 = vector.shape_cast %get3A_2424 : vector<16xf32> to vector<1x16xf32>
      tpu.vector_store %arg9[%swap3A_2426, %swap3A_2427], %swap3A_2430 {strides = array<i32>} : memref<2x1000xf32, #tpu.memory_space<vmem>>, vector<1x16xf32>,
      %get3A_2431 = arith.constant 49 : i32
      %get3A_2432 = arith.index_cast %get3A_2431 : i32 to index
      %get3A_2433 = arith.constant 288 : index
      %get3A_2434 = tpu.vector_load %arg7[%get3A_2432, %get3A_2433] {strides = array<i32>} : memref<56x1024xf32, #tpu.memory_space<vmem>>, vector<1x16xf32>,
      %get3A_2435 = vector.shape_cast %get3A_2434 : vector<1x16xf32> to vector<16xf32>
      %swap3A_2436 = arith.constant 1 : i32
      %swap3A_2437 = arith.index_cast %swap3A_2436 : i32 to index
      %swap3A_2438 = arith.constant 288 : index
      %swap3A_2439 = tpu.vector_load %arg9[%swap3A_2437, %swap3A_2438] {strides = array<i32>} : memref<2x1000xf32, #tpu.memory_space<vmem>>, vector<1x16xf32>,
      %swap3A_2440 = vector.shape_cast %swap3A_2439 : vector<1x16xf32> to vector<16xf32>
      %swap3A_2441 = vector.shape_cast %get3A_2435 : vector<16xf32> to vector<1x16xf32>
      tpu.vector_store %arg9[%swap3A_2437, %swap3A_2438], %swap3A_2441 {strides = array<i32>} : memref<2x1000xf32, #tpu.memory_space<vmem>>, vector<1x16xf32>,
      %get3A_2442 = arith.constant 49 : i32
      %get3A_2443 = arith.index_cast %get3A_2442 : i32 to index
      %get3A_2444 = arith.constant 304 : index
      %get3A_2445 = tpu.vector_load %arg7[%get3A_2443, %get3A_2444] {strides = array<i32>} : memref<56x1024xf32, #tpu.memory_space<vmem>>, vector<1x16xf32>,
      %get3A_2446 = vector.shape_cast %get3A_2445 : vector<1x16xf32> to vector<16xf32>
      %swap3A_2447 = arith.constant 1 : i32
      %swap3A_2448 = arith.index_cast %swap3A_2447 : i32 to index
      %swap3A_2449 = arith.constant 304 : index
      %swap3A_2450 = tpu.vector_load %arg9[%swap3A_2448, %swap3A_2449] {strides = array<i32>} : memref<2x1000xf32, #tpu.memory_space<vmem>>, vector<1x16xf32>,
      %swap3A_2451 = vector.shape_cast %swap3A_2450 : vector<1x16xf32> to vector<16xf32>
      %swap3A_2452 = vector.shape_cast %get3A_2446 : vector<16xf32> to vector<1x16xf32>
      tpu.vector_store %arg9[%swap3A_2448, %swap3A_2449], %swap3A_2452 {strides = array<i32>} : memref<2x1000xf32, #tpu.memory_space<vmem>>, vector<1x16xf32>,
      %get3A_2453 = arith.constant 49 : i32
      %get3A_2454 = arith.index_cast %get3A_2453 : i32 to index
      %get3A_2455 = arith.constant 320 : index
      %get3A_2456 = tpu.vector_load %arg7[%get3A_2454, %get3A_2455] {strides = array<i32>} : memref<56x1024xf32, #tpu.memory_space<vmem>>, vector<1x16xf32>,
      %get3A_2457 = vector.shape_cast %get3A_2456 : vector<1x16xf32> to vector<16xf32>
      %swap3A_2458 = arith.constant 1 : i32
      %swap3A_2459 = arith.index_cast %swap3A_2458 : i32 to index
      %swap3A_2460 = arith.constant 320 : index
      %swap3A_2461 = tpu.vector_load %arg9[%swap3A_2459, %swap3A_2460] {strides = array<i32>} : memref<2x1000xf32, #tpu.memory_space<vmem>>, vector<1x16xf32>,
      %swap3A_2462 = vector.shape_cast %swap3A_2461 : vector<1x16xf32> to vector<16xf32>
      %swap3A_2463 = vector.shape_cast %get3A_2457 : vector<16xf32> to vector<1x16xf32>
      tpu.vector_store %arg9[%swap3A_2459, %swap3A_2460], %swap3A_2463 {strides = array<i32>} : memref<2x1000xf32, #tpu.memory_space<vmem>>, vector<1x16xf32>,
      %get3A_2464 = arith.constant 49 : i32
      %get3A_2465 = arith.index_cast %get3A_2464 : i32 to index
      %get3A_2466 = arith.constant 336 : index
      %get3A_2467 = tpu.vector_load %arg7[%get3A_2465, %get3A_2466] {strides = array<i32>} : memref<56x1024xf32, #tpu.memory_space<vmem>>, vector<1x16xf32>,
      %get3A_2468 = vector.shape_cast %get3A_2467 : vector<1x16xf32> to vector<16xf32>
      %swap3A_2469 = arith.constant 1 : i32
      %swap3A_2470 = arith.index_cast %swap3A_2469 : i32 to index
      %swap3A_2471 = arith.constant 336 : index
      %swap3A_2472 = tpu.vector_load %arg9[%swap3A_2470, %swap3A_2471] {strides = array<i32>} : memref<2x1000xf32, #tpu.memory_space<vmem>>, vector<1x16xf32>,
      %swap3A_2473 = vector.shape_cast %swap3A_2472 : vector<1x16xf32> to vector<16xf32>
      %swap3A_2474 = vector.shape_cast %get3A_2468 : vector<16xf32> to vector<1x16xf32>
      tpu.vector_store %arg9[%swap3A_2470, %swap3A_2471], %swap3A_2474 {strides = array<i32>} : memref<2x1000xf32, #tpu.memory_space<vmem>>, vector<1x16xf32>,
      %get3A_2475 = arith.constant 49 : i32
      %get3A_2476 = arith.index_cast %get3A_2475 : i32 to index
      %get3A_2477 = arith.constant 352 : index
      %get3A_2478 = tpu.vector_load %arg7[%get3A_2476, %get3A_2477] {strides = array<i32>} : memref<56x1024xf32, #tpu.memory_space<vmem>>, vector<1x16xf32>,
      %get3A_2479 = vector.shape_cast %get3A_2478 : vector<1x16xf32> to vector<16xf32>
      %swap3A_2480 = arith.constant 1 : i32
      %swap3A_2481 = arith.index_cast %swap3A_2480 : i32 to index
      %swap3A_2482 = arith.constant 352 : index
      %swap3A_2483 = tpu.vector_load %arg9[%swap3A_2481, %swap3A_2482] {strides = array<i32>} : memref<2x1000xf32, #tpu.memory_space<vmem>>, vector<1x16xf32>,
      %swap3A_2484 = vector.shape_cast %swap3A_2483 : vector<1x16xf32> to vector<16xf32>
      %swap3A_2485 = vector.shape_cast %get3A_2479 : vector<16xf32> to vector<1x16xf32>
      tpu.vector_store %arg9[%swap3A_2481, %swap3A_2482], %swap3A_2485 {strides = array<i32>} : memref<2x1000xf32, #tpu.memory_space<vmem>>, vector<1x16xf32>,
      %get3A_2486 = arith.constant 49 : i32
      %get3A_2487 = arith.index_cast %get3A_2486 : i32 to index
      %get3A_2488 = arith.constant 368 : index
      %get3A_2489 = tpu.vector_load %arg7[%get3A_2487, %get3A_2488] {strides = array<i32>} : memref<56x1024xf32, #tpu.memory_space<vmem>>, vector<1x16xf32>,
      %get3A_2490 = vector.shape_cast %get3A_2489 : vector<1x16xf32> to vector<16xf32>
      %swap3A_2491 = arith.constant 1 : i32
      %swap3A_2492 = arith.index_cast %swap3A_2491 : i32 to index
      %swap3A_2493 = arith.constant 368 : index
      %swap3A_2494 = tpu.vector_load %arg9[%swap3A_2492, %swap3A_2493] {strides = array<i32>} : memref<2x1000xf32, #tpu.memory_space<vmem>>, vector<1x16xf32>,
      %swap3A_2495 = vector.shape_cast %swap3A_2494 : vector<1x16xf32> to vector<16xf32>
      %swap3A_2496 = vector.shape_cast %get3A_2490 : vector<16xf32> to vector<1x16xf32>
      tpu.vector_store %arg9[%swap3A_2492, %swap3A_2493], %swap3A_2496 {strides = array<i32>} : memref<2x1000xf32, #tpu.memory_space<vmem>>, vector<1x16xf32>,
      %get3A_2497 = arith.constant 49 : i32
      %get3A_2498 = arith.index_cast %get3A_2497 : i32 to index
      %get3A_2499 = arith.constant 384 : index
      %get3A_2500 = tpu.vector_load %arg7[%get3A_2498, %get3A_2499] {strides = array<i32>} : memref<56x1024xf32, #tpu.memory_space<vmem>>, vector<1x16xf32>,
      %get3A_2501 = vector.shape_cast %get3A_2500 : vector<1x16xf32> to vector<16xf32>
      %swap3A_2502 = arith.constant 1 : i32
      %swap3A_2503 = arith.index_cast %swap3A_2502 : i32 to index
      %swap3A_2504 = arith.constant 384 : index
      %swap3A_2505 = tpu.vector_load %arg9[%swap3A_2503, %swap3A_2504] {strides = array<i32>} : memref<2x1000xf32, #tpu.memory_space<vmem>>, vector<1x16xf32>,
      %swap3A_2506 = vector.shape_cast %swap3A_2505 : vector<1x16xf32> to vector<16xf32>
      %swap3A_2507 = vector.shape_cast %get3A_2501 : vector<16xf32> to vector<1x16xf32>
      tpu.vector_store %arg9[%swap3A_2503, %swap3A_2504], %swap3A_2507 {strides = array<i32>} : memref<2x1000xf32, #tpu.memory_space<vmem>>, vector<1x16xf32>,
      %get3A_2508 = arith.constant 49 : i32
      %get3A_2509 = arith.index_cast %get3A_2508 : i32 to index
      %get3A_2510 = arith.constant 400 : index
      %get3A_2511 = tpu.vector_load %arg7[%get3A_2509, %get3A_2510] {strides = array<i32>} : memref<56x1024xf32, #tpu.memory_space<vmem>>, vector<1x16xf32>,
      %get3A_2512 = vector.shape_cast %get3A_2511 : vector<1x16xf32> to vector<16xf32>
      %swap3A_2513 = arith.constant 1 : i32
      %swap3A_2514 = arith.index_cast %swap3A_2513 : i32 to index
      %swap3A_2515 = arith.constant 400 : index
      %swap3A_2516 = tpu.vector_load %arg9[%swap3A_2514, %swap3A_2515] {strides = array<i32>} : memref<2x1000xf32, #tpu.memory_space<vmem>>, vector<1x16xf32>,
      %swap3A_2517 = vector.shape_cast %swap3A_2516 : vector<1x16xf32> to vector<16xf32>
      %swap3A_2518 = vector.shape_cast %get3A_2512 : vector<16xf32> to vector<1x16xf32>
      tpu.vector_store %arg9[%swap3A_2514, %swap3A_2515], %swap3A_2518 {strides = array<i32>} : memref<2x1000xf32, #tpu.memory_space<vmem>>, vector<1x16xf32>,
      %get3A_2519 = arith.constant 49 : i32
      %get3A_2520 = arith.index_cast %get3A_2519 : i32 to index
      %get3A_2521 = arith.constant 416 : index
      %get3A_2522 = tpu.vector_load %arg7[%get3A_2520, %get3A_2521] {strides = array<i32>} : memref<56x1024xf32, #tpu.memory_space<vmem>>, vector<1x16xf32>,
      %get3A_2523 = vector.shape_cast %get3A_2522 : vector<1x16xf32> to vector<16xf32>
      %swap3A_2524 = arith.constant 1 : i32
      %swap3A_2525 = arith.index_cast %swap3A_2524 : i32 to index
      %swap3A_2526 = arith.constant 416 : index
      %swap3A_2527 = tpu.vector_load %arg9[%swap3A_2525, %swap3A_2526] {strides = array<i32>} : memref<2x1000xf32, #tpu.memory_space<vmem>>, vector<1x16xf32>,
      %swap3A_2528 = vector.shape_cast %swap3A_2527 : vector<1x16xf32> to vector<16xf32>
      %swap3A_2529 = vector.shape_cast %get3A_2523 : vector<16xf32> to vector<1x16xf32>
      tpu.vector_store %arg9[%swap3A_2525, %swap3A_2526], %swap3A_2529 {strides = array<i32>} : memref<2x1000xf32, #tpu.memory_space<vmem>>, vector<1x16xf32>,
      %get3A_2530 = arith.constant 49 : i32
      %get3A_2531 = arith.index_cast %get3A_2530 : i32 to index
      %get3A_2532 = arith.constant 432 : index
      %get3A_2533 = tpu.vector_load %arg7[%get3A_2531, %get3A_2532] {strides = array<i32>} : memref<56x1024xf32, #tpu.memory_space<vmem>>, vector<1x16xf32>,
      %get3A_2534 = vector.shape_cast %get3A_2533 : vector<1x16xf32> to vector<16xf32>
      %swap3A_2535 = arith.constant 1 : i32
      %swap3A_2536 = arith.index_cast %swap3A_2535 : i32 to index
      %swap3A_2537 = arith.constant 432 : index
      %swap3A_2538 = tpu.vector_load %arg9[%swap3A_2536, %swap3A_2537] {strides = array<i32>} : memref<2x1000xf32, #tpu.memory_space<vmem>>, vector<1x16xf32>,
      %swap3A_2539 = vector.shape_cast %swap3A_2538 : vector<1x16xf32> to vector<16xf32>
      %swap3A_2540 = vector.shape_cast %get3A_2534 : vector<16xf32> to vector<1x16xf32>
      tpu.vector_store %arg9[%swap3A_2536, %swap3A_2537], %swap3A_2540 {strides = array<i32>} : memref<2x1000xf32, #tpu.memory_space<vmem>>, vector<1x16xf32>,
      %get3A_2541 = arith.constant 49 : i32
      %get3A_2542 = arith.index_cast %get3A_2541 : i32 to index
      %get3A_2543 = arith.constant 448 : index
      %get3A_2544 = tpu.vector_load %arg7[%get3A_2542, %get3A_2543] {strides = array<i32>} : memref<56x1024xf32, #tpu.memory_space<vmem>>, vector<1x16xf32>,
      %get3A_2545 = vector.shape_cast %get3A_2544 : vector<1x16xf32> to vector<16xf32>
      %swap3A_2546 = arith.constant 1 : i32
      %swap3A_2547 = arith.index_cast %swap3A_2546 : i32 to index
      %swap3A_2548 = arith.constant 448 : index
      %swap3A_2549 = tpu.vector_load %arg9[%swap3A_2547, %swap3A_2548] {strides = array<i32>} : memref<2x1000xf32, #tpu.memory_space<vmem>>, vector<1x16xf32>,
      %swap3A_2550 = vector.shape_cast %swap3A_2549 : vector<1x16xf32> to vector<16xf32>
      %swap3A_2551 = vector.shape_cast %get3A_2545 : vector<16xf32> to vector<1x16xf32>
      tpu.vector_store %arg9[%swap3A_2547, %swap3A_2548], %swap3A_2551 {strides = array<i32>} : memref<2x1000xf32, #tpu.memory_space<vmem>>, vector<1x16xf32>,
      %get3A_2552 = arith.constant 49 : i32
      %get3A_2553 = arith.index_cast %get3A_2552 : i32 to index
      %get3A_2554 = arith.constant 464 : index
      %get3A_2555 = tpu.vector_load %arg7[%get3A_2553, %get3A_2554] {strides = array<i32>} : memref<56x1024xf32, #tpu.memory_space<vmem>>, vector<1x16xf32>,
      %get3A_2556 = vector.shape_cast %get3A_2555 : vector<1x16xf32> to vector<16xf32>
      %swap3A_2557 = arith.constant 1 : i32
      %swap3A_2558 = arith.index_cast %swap3A_2557 : i32 to index
      %swap3A_2559 = arith.constant 464 : index
      %swap3A_2560 = tpu.vector_load %arg9[%swap3A_2558, %swap3A_2559] {strides = array<i32>} : memref<2x1000xf32, #tpu.memory_space<vmem>>, vector<1x16xf32>,
      %swap3A_2561 = vector.shape_cast %swap3A_2560 : vector<1x16xf32> to vector<16xf32>
      %swap3A_2562 = vector.shape_cast %get3A_2556 : vector<16xf32> to vector<1x16xf32>
      tpu.vector_store %arg9[%swap3A_2558, %swap3A_2559], %swap3A_2562 {strides = array<i32>} : memref<2x1000xf32, #tpu.memory_space<vmem>>, vector<1x16xf32>,
      %get3A_2563 = arith.constant 49 : i32
      %get3A_2564 = arith.index_cast %get3A_2563 : i32 to index
      %get3A_2565 = arith.constant 480 : index
      %get3A_2566 = tpu.vector_load %arg7[%get3A_2564, %get3A_2565] {strides = array<i32>} : memref<56x1024xf32, #tpu.memory_space<vmem>>, vector<1x16xf32>,
      %get3A_2567 = vector.shape_cast %get3A_2566 : vector<1x16xf32> to vector<16xf32>
      %swap3A_2568 = arith.constant 1 : i32
      %swap3A_2569 = arith.index_cast %swap3A_2568 : i32 to index
      %swap3A_2570 = arith.constant 480 : index
      %swap3A_2571 = tpu.vector_load %arg9[%swap3A_2569, %swap3A_2570] {strides = array<i32>} : memref<2x1000xf32, #tpu.memory_space<vmem>>, vector<1x16xf32>,
      %swap3A_2572 = vector.shape_cast %swap3A_2571 : vector<1x16xf32> to vector<16xf32>
      %swap3A_2573 = vector.shape_cast %get3A_2567 : vector<16xf32> to vector<1x16xf32>
      tpu.vector_store %arg9[%swap3A_2569, %swap3A_2570], %swap3A_2573 {strides = array<i32>} : memref<2x1000xf32, #tpu.memory_space<vmem>>, vector<1x16xf32>,
      %get3A_2574 = arith.constant 49 : i32
      %get3A_2575 = arith.index_cast %get3A_2574 : i32 to index
      %get3A_2576 = arith.constant 496 : index
      %get3A_2577 = tpu.vector_load %arg7[%get3A_2575, %get3A_2576] {strides = array<i32>} : memref<56x1024xf32, #tpu.memory_space<vmem>>, vector<1x16xf32>,
      %get3A_2578 = vector.shape_cast %get3A_2577 : vector<1x16xf32> to vector<16xf32>
      %swap3A_2579 = arith.constant 1 : i32
      %swap3A_2580 = arith.index_cast %swap3A_2579 : i32 to index
      %swap3A_2581 = arith.constant 496 : index
      %swap3A_2582 = tpu.vector_load %arg9[%swap3A_2580, %swap3A_2581] {strides = array<i32>} : memref<2x1000xf32, #tpu.memory_space<vmem>>, vector<1x16xf32>,
      %swap3A_2583 = vector.shape_cast %swap3A_2582 : vector<1x16xf32> to vector<16xf32>
      %swap3A_2584 = vector.shape_cast %get3A_2578 : vector<16xf32> to vector<1x16xf32>
      tpu.vector_store %arg9[%swap3A_2580, %swap3A_2581], %swap3A_2584 {strides = array<i32>} : memref<2x1000xf32, #tpu.memory_space<vmem>>, vector<1x16xf32>,
      %get3A_2585 = arith.constant 49 : i32
      %get3A_2586 = arith.index_cast %get3A_2585 : i32 to index
      %get3A_2587 = arith.constant 512 : index
      %get3A_2588 = tpu.vector_load %arg7[%get3A_2586, %get3A_2587] {strides = array<i32>} : memref<56x1024xf32, #tpu.memory_space<vmem>>, vector<1x16xf32>,
      %get3A_2589 = vector.shape_cast %get3A_2588 : vector<1x16xf32> to vector<16xf32>
      %swap3A_2590 = arith.constant 1 : i32
      %swap3A_2591 = arith.index_cast %swap3A_2590 : i32 to index
      %swap3A_2592 = arith.constant 512 : index
      %swap3A_2593 = tpu.vector_load %arg9[%swap3A_2591, %swap3A_2592] {strides = array<i32>} : memref<2x1000xf32, #tpu.memory_space<vmem>>, vector<1x16xf32>,
      %swap3A_2594 = vector.shape_cast %swap3A_2593 : vector<1x16xf32> to vector<16xf32>
      %swap3A_2595 = vector.shape_cast %get3A_2589 : vector<16xf32> to vector<1x16xf32>
      tpu.vector_store %arg9[%swap3A_2591, %swap3A_2592], %swap3A_2595 {strides = array<i32>} : memref<2x1000xf32, #tpu.memory_space<vmem>>, vector<1x16xf32>,
      %get3A_2596 = arith.constant 49 : i32
      %get3A_2597 = arith.index_cast %get3A_2596 : i32 to index
      %get3A_2598 = arith.constant 528 : index
      %get3A_2599 = tpu.vector_load %arg7[%get3A_2597, %get3A_2598] {strides = array<i32>} : memref<56x1024xf32, #tpu.memory_space<vmem>>, vector<1x16xf32>,
      %get3A_2600 = vector.shape_cast %get3A_2599 : vector<1x16xf32> to vector<16xf32>
      %swap3A_2601 = arith.constant 1 : i32
      %swap3A_2602 = arith.index_cast %swap3A_2601 : i32 to index
      %swap3A_2603 = arith.constant 528 : index
      %swap3A_2604 = tpu.vector_load %arg9[%swap3A_2602, %swap3A_2603] {strides = array<i32>} : memref<2x1000xf32, #tpu.memory_space<vmem>>, vector<1x16xf32>,
      %swap3A_2605 = vector.shape_cast %swap3A_2604 : vector<1x16xf32> to vector<16xf32>
      %swap3A_2606 = vector.shape_cast %get3A_2600 : vector<16xf32> to vector<1x16xf32>
      tpu.vector_store %arg9[%swap3A_2602, %swap3A_2603], %swap3A_2606 {strides = array<i32>} : memref<2x1000xf32, #tpu.memory_space<vmem>>, vector<1x16xf32>,
      %get3A_2607 = arith.constant 49 : i32
      %get3A_2608 = arith.index_cast %get3A_2607 : i32 to index
      %get3A_2609 = arith.constant 544 : index
      %get3A_2610 = tpu.vector_load %arg7[%get3A_2608, %get3A_2609] {strides = array<i32>} : memref<56x1024xf32, #tpu.memory_space<vmem>>, vector<1x16xf32>,
      %get3A_2611 = vector.shape_cast %get3A_2610 : vector<1x16xf32> to vector<16xf32>
      %swap3A_2612 = arith.constant 1 : i32
      %swap3A_2613 = arith.index_cast %swap3A_2612 : i32 to index
      %swap3A_2614 = arith.constant 544 : index
      %swap3A_2615 = tpu.vector_load %arg9[%swap3A_2613, %swap3A_2614] {strides = array<i32>} : memref<2x1000xf32, #tpu.memory_space<vmem>>, vector<1x16xf32>,
      %swap3A_2616 = vector.shape_cast %swap3A_2615 : vector<1x16xf32> to vector<16xf32>
      %swap3A_2617 = vector.shape_cast %get3A_2611 : vector<16xf32> to vector<1x16xf32>
      tpu.vector_store %arg9[%swap3A_2613, %swap3A_2614], %swap3A_2617 {strides = array<i32>} : memref<2x1000xf32, #tpu.memory_space<vmem>>, vector<1x16xf32>,
      %get3A_2618 = arith.constant 49 : i32
      %get3A_2619 = arith.index_cast %get3A_2618 : i32 to index
      %get3A_2620 = arith.constant 560 : index
      %get3A_2621 = tpu.vector_load %arg7[%get3A_2619, %get3A_2620] {strides = array<i32>} : memref<56x1024xf32, #tpu.memory_space<vmem>>, vector<1x16xf32>,
      %get3A_2622 = vector.shape_cast %get3A_2621 : vector<1x16xf32> to vector<16xf32>
      %swap3A_2623 = arith.constant 1 : i32
      %swap3A_2624 = arith.index_cast %swap3A_2623 : i32 to index
      %swap3A_2625 = arith.constant 560 : index
      %swap3A_2626 = tpu.vector_load %arg9[%swap3A_2624, %swap3A_2625] {strides = array<i32>} : memref<2x1000xf32, #tpu.memory_space<vmem>>, vector<1x16xf32>,
      %swap3A_2627 = vector.shape_cast %swap3A_2626 : vector<1x16xf32> to vector<16xf32>
      %swap3A_2628 = vector.shape_cast %get3A_2622 : vector<16xf32> to vector<1x16xf32>
      tpu.vector_store %arg9[%swap3A_2624, %swap3A_2625], %swap3A_2628 {strides = array<i32>} : memref<2x1000xf32, #tpu.memory_space<vmem>>, vector<1x16xf32>,
      %get3A_2629 = arith.constant 49 : i32
      %get3A_2630 = arith.index_cast %get3A_2629 : i32 to index
      %get3A_2631 = arith.constant 576 : index
      %get3A_2632 = tpu.vector_load %arg7[%get3A_2630, %get3A_2631] {strides = array<i32>} : memref<56x1024xf32, #tpu.memory_space<vmem>>, vector<1x16xf32>,
      %get3A_2633 = vector.shape_cast %get3A_2632 : vector<1x16xf32> to vector<16xf32>
      %swap3A_2634 = arith.constant 1 : i32
      %swap3A_2635 = arith.index_cast %swap3A_2634 : i32 to index
      %swap3A_2636 = arith.constant 576 : index
      %swap3A_2637 = tpu.vector_load %arg9[%swap3A_2635, %swap3A_2636] {strides = array<i32>} : memref<2x1000xf32, #tpu.memory_space<vmem>>, vector<1x16xf32>,
      %swap3A_2638 = vector.shape_cast %swap3A_2637 : vector<1x16xf32> to vector<16xf32>
      %swap3A_2639 = vector.shape_cast %get3A_2633 : vector<16xf32> to vector<1x16xf32>
      tpu.vector_store %arg9[%swap3A_2635, %swap3A_2636], %swap3A_2639 {strides = array<i32>} : memref<2x1000xf32, #tpu.memory_space<vmem>>, vector<1x16xf32>,
      %get3A_2640 = arith.constant 49 : i32
      %get3A_2641 = arith.index_cast %get3A_2640 : i32 to index
      %get3A_2642 = arith.constant 592 : index
      %get3A_2643 = tpu.vector_load %arg7[%get3A_2641, %get3A_2642] {strides = array<i32>} : memref<56x1024xf32, #tpu.memory_space<vmem>>, vector<1x16xf32>,
      %get3A_2644 = vector.shape_cast %get3A_2643 : vector<1x16xf32> to vector<16xf32>
      %swap3A_2645 = arith.constant 1 : i32
      %swap3A_2646 = arith.index_cast %swap3A_2645 : i32 to index
      %swap3A_2647 = arith.constant 592 : index
      %swap3A_2648 = tpu.vector_load %arg9[%swap3A_2646, %swap3A_2647] {strides = array<i32>} : memref<2x1000xf32, #tpu.memory_space<vmem>>, vector<1x16xf32>,
      %swap3A_2649 = vector.shape_cast %swap3A_2648 : vector<1x16xf32> to vector<16xf32>
      %swap3A_2650 = vector.shape_cast %get3A_2644 : vector<16xf32> to vector<1x16xf32>
      tpu.vector_store %arg9[%swap3A_2646, %swap3A_2647], %swap3A_2650 {strides = array<i32>} : memref<2x1000xf32, #tpu.memory_space<vmem>>, vector<1x16xf32>,
      %get3A_2651 = arith.constant 49 : i32
      %get3A_2652 = arith.index_cast %get3A_2651 : i32 to index
      %get3A_2653 = arith.constant 608 : index
      %get3A_2654 = tpu.vector_load %arg7[%get3A_2652, %get3A_2653] {strides = array<i32>} : memref<56x1024xf32, #tpu.memory_space<vmem>>, vector<1x16xf32>,
      %get3A_2655 = vector.shape_cast %get3A_2654 : vector<1x16xf32> to vector<16xf32>
      %swap3A_2656 = arith.constant 1 : i32
      %swap3A_2657 = arith.index_cast %swap3A_2656 : i32 to index
      %swap3A_2658 = arith.constant 608 : index
      %swap3A_2659 = tpu.vector_load %arg9[%swap3A_2657, %swap3A_2658] {strides = array<i32>} : memref<2x1000xf32, #tpu.memory_space<vmem>>, vector<1x16xf32>,
      %swap3A_2660 = vector.shape_cast %swap3A_2659 : vector<1x16xf32> to vector<16xf32>
      %swap3A_2661 = vector.shape_cast %get3A_2655 : vector<16xf32> to vector<1x16xf32>
      tpu.vector_store %arg9[%swap3A_2657, %swap3A_2658], %swap3A_2661 {strides = array<i32>} : memref<2x1000xf32, #tpu.memory_space<vmem>>, vector<1x16xf32>,
      %get3A_2662 = arith.constant 49 : i32
      %get3A_2663 = arith.index_cast %get3A_2662 : i32 to index
      %get3A_2664 = arith.constant 624 : index
      %get3A_2665 = tpu.vector_load %arg7[%get3A_2663, %get3A_2664] {strides = array<i32>} : memref<56x1024xf32, #tpu.memory_space<vmem>>, vector<1x16xf32>,
      %get3A_2666 = vector.shape_cast %get3A_2665 : vector<1x16xf32> to vector<16xf32>
      %swap3A_2667 = arith.constant 1 : i32
      %swap3A_2668 = arith.index_cast %swap3A_2667 : i32 to index
      %swap3A_2669 = arith.constant 624 : index
      %swap3A_2670 = tpu.vector_load %arg9[%swap3A_2668, %swap3A_2669] {strides = array<i32>} : memref<2x1000xf32, #tpu.memory_space<vmem>>, vector<1x16xf32>,
      %swap3A_2671 = vector.shape_cast %swap3A_2670 : vector<1x16xf32> to vector<16xf32>
      %swap3A_2672 = vector.shape_cast %get3A_2666 : vector<16xf32> to vector<1x16xf32>
      tpu.vector_store %arg9[%swap3A_2668, %swap3A_2669], %swap3A_2672 {strides = array<i32>} : memref<2x1000xf32, #tpu.memory_space<vmem>>, vector<1x16xf32>,
      %get3A_2673 = arith.constant 49 : i32
      %get3A_2674 = arith.index_cast %get3A_2673 : i32 to index
      %get3A_2675 = arith.constant 640 : index
      %get3A_2676 = tpu.vector_load %arg7[%get3A_2674, %get3A_2675] {strides = array<i32>} : memref<56x1024xf32, #tpu.memory_space<vmem>>, vector<1x16xf32>,
      %get3A_2677 = vector.shape_cast %get3A_2676 : vector<1x16xf32> to vector<16xf32>
      %swap3A_2678 = arith.constant 1 : i32
      %swap3A_2679 = arith.index_cast %swap3A_2678 : i32 to index
      %swap3A_2680 = arith.constant 640 : index
      %swap3A_2681 = tpu.vector_load %arg9[%swap3A_2679, %swap3A_2680] {strides = array<i32>} : memref<2x1000xf32, #tpu.memory_space<vmem>>, vector<1x16xf32>,
      %swap3A_2682 = vector.shape_cast %swap3A_2681 : vector<1x16xf32> to vector<16xf32>
      %swap3A_2683 = vector.shape_cast %get3A_2677 : vector<16xf32> to vector<1x16xf32>
      tpu.vector_store %arg9[%swap3A_2679, %swap3A_2680], %swap3A_2683 {strides = array<i32>} : memref<2x1000xf32, #tpu.memory_space<vmem>>, vector<1x16xf32>,
      %get3A_2684 = arith.constant 49 : i32
      %get3A_2685 = arith.index_cast %get3A_2684 : i32 to index
      %get3A_2686 = arith.constant 656 : index
      %get3A_2687 = tpu.vector_load %arg7[%get3A_2685, %get3A_2686] {strides = array<i32>} : memref<56x1024xf32, #tpu.memory_space<vmem>>, vector<1x16xf32>,
      %get3A_2688 = vector.shape_cast %get3A_2687 : vector<1x16xf32> to vector<16xf32>
      %swap3A_2689 = arith.constant 1 : i32
      %swap3A_2690 = arith.index_cast %swap3A_2689 : i32 to index
      %swap3A_2691 = arith.constant 656 : index
      %swap3A_2692 = tpu.vector_load %arg9[%swap3A_2690, %swap3A_2691] {strides = array<i32>} : memref<2x1000xf32, #tpu.memory_space<vmem>>, vector<1x16xf32>,
      %swap3A_2693 = vector.shape_cast %swap3A_2692 : vector<1x16xf32> to vector<16xf32>
      %swap3A_2694 = vector.shape_cast %get3A_2688 : vector<16xf32> to vector<1x16xf32>
      tpu.vector_store %arg9[%swap3A_2690, %swap3A_2691], %swap3A_2694 {strides = array<i32>} : memref<2x1000xf32, #tpu.memory_space<vmem>>, vector<1x16xf32>,
      %get3A_2695 = arith.constant 49 : i32
      %get3A_2696 = arith.index_cast %get3A_2695 : i32 to index
      %get3A_2697 = arith.constant 672 : index
      %get3A_2698 = tpu.vector_load %arg7[%get3A_2696, %get3A_2697] {strides = array<i32>} : memref<56x1024xf32, #tpu.memory_space<vmem>>, vector<1x16xf32>,
      %get3A_2699 = vector.shape_cast %get3A_2698 : vector<1x16xf32> to vector<16xf32>
      %swap3A_2700 = arith.constant 1 : i32
      %swap3A_2701 = arith.index_cast %swap3A_2700 : i32 to index
      %swap3A_2702 = arith.constant 672 : index
      %swap3A_2703 = tpu.vector_load %arg9[%swap3A_2701, %swap3A_2702] {strides = array<i32>} : memref<2x1000xf32, #tpu.memory_space<vmem>>, vector<1x16xf32>,
      %swap3A_2704 = vector.shape_cast %swap3A_2703 : vector<1x16xf32> to vector<16xf32>
      %swap3A_2705 = vector.shape_cast %get3A_2699 : vector<16xf32> to vector<1x16xf32>
      tpu.vector_store %arg9[%swap3A_2701, %swap3A_2702], %swap3A_2705 {strides = array<i32>} : memref<2x1000xf32, #tpu.memory_space<vmem>>, vector<1x16xf32>,
      %get3A_2706 = arith.constant 49 : i32
      %get3A_2707 = arith.index_cast %get3A_2706 : i32 to index
      %get3A_2708 = arith.constant 688 : index
      %get3A_2709 = tpu.vector_load %arg7[%get3A_2707, %get3A_2708] {strides = array<i32>} : memref<56x1024xf32, #tpu.memory_space<vmem>>, vector<1x16xf32>,
      %get3A_2710 = vector.shape_cast %get3A_2709 : vector<1x16xf32> to vector<16xf32>
      %swap3A_2711 = arith.constant 1 : i32
      %swap3A_2712 = arith.index_cast %swap3A_2711 : i32 to index
      %swap3A_2713 = arith.constant 688 : index
      %swap3A_2714 = tpu.vector_load %arg9[%swap3A_2712, %swap3A_2713] {strides = array<i32>} : memref<2x1000xf32, #tpu.memory_space<vmem>>, vector<1x16xf32>,
      %swap3A_2715 = vector.shape_cast %swap3A_2714 : vector<1x16xf32> to vector<16xf32>
      %swap3A_2716 = vector.shape_cast %get3A_2710 : vector<16xf32> to vector<1x16xf32>
      tpu.vector_store %arg9[%swap3A_2712, %swap3A_2713], %swap3A_2716 {strides = array<i32>} : memref<2x1000xf32, #tpu.memory_space<vmem>>, vector<1x16xf32>,
      %get3A_2717 = arith.constant 49 : i32
      %get3A_2718 = arith.index_cast %get3A_2717 : i32 to index
      %get3A_2719 = arith.constant 704 : index
      %get3A_2720 = tpu.vector_load %arg7[%get3A_2718, %get3A_2719] {strides = array<i32>} : memref<56x1024xf32, #tpu.memory_space<vmem>>, vector<1x16xf32>,
      %get3A_2721 = vector.shape_cast %get3A_2720 : vector<1x16xf32> to vector<16xf32>
      %swap3A_2722 = arith.constant 1 : i32
      %swap3A_2723 = arith.index_cast %swap3A_2722 : i32 to index
      %swap3A_2724 = arith.constant 704 : index
      %swap3A_2725 = tpu.vector_load %arg9[%swap3A_2723, %swap3A_2724] {strides = array<i32>} : memref<2x1000xf32, #tpu.memory_space<vmem>>, vector<1x16xf32>,
      %swap3A_2726 = vector.shape_cast %swap3A_2725 : vector<1x16xf32> to vector<16xf32>
      %swap3A_2727 = vector.shape_cast %get3A_2721 : vector<16xf32> to vector<1x16xf32>
      tpu.vector_store %arg9[%swap3A_2723, %swap3A_2724], %swap3A_2727 {strides = array<i32>} : memref<2x1000xf32, #tpu.memory_space<vmem>>, vector<1x16xf32>,
      %get3A_2728 = arith.constant 49 : i32
      %get3A_2729 = arith.index_cast %get3A_2728 : i32 to index
      %get3A_2730 = arith.constant 720 : index
      %get3A_2731 = tpu.vector_load %arg7[%get3A_2729, %get3A_2730] {strides = array<i32>} : memref<56x1024xf32, #tpu.memory_space<vmem>>, vector<1x16xf32>,
      %get3A_2732 = vector.shape_cast %get3A_2731 : vector<1x16xf32> to vector<16xf32>
      %swap3A_2733 = arith.constant 1 : i32
      %swap3A_2734 = arith.index_cast %swap3A_2733 : i32 to index
      %swap3A_2735 = arith.constant 720 : index
      %swap3A_2736 = tpu.vector_load %arg9[%swap3A_2734, %swap3A_2735] {strides = array<i32>} : memref<2x1000xf32, #tpu.memory_space<vmem>>, vector<1x16xf32>,
      %swap3A_2737 = vector.shape_cast %swap3A_2736 : vector<1x16xf32> to vector<16xf32>
      %swap3A_2738 = vector.shape_cast %get3A_2732 : vector<16xf32> to vector<1x16xf32>
      tpu.vector_store %arg9[%swap3A_2734, %swap3A_2735], %swap3A_2738 {strides = array<i32>} : memref<2x1000xf32, #tpu.memory_space<vmem>>, vector<1x16xf32>,
      %get3A_2739 = arith.constant 49 : i32
      %get3A_2740 = arith.index_cast %get3A_2739 : i32 to index
      %get3A_2741 = arith.constant 736 : index
      %get3A_2742 = tpu.vector_load %arg7[%get3A_2740, %get3A_2741] {strides = array<i32>} : memref<56x1024xf32, #tpu.memory_space<vmem>>, vector<1x16xf32>,
      %get3A_2743 = vector.shape_cast %get3A_2742 : vector<1x16xf32> to vector<16xf32>
      %swap3A_2744 = arith.constant 1 : i32
      %swap3A_2745 = arith.index_cast %swap3A_2744 : i32 to index
      %swap3A_2746 = arith.constant 736 : index
      %swap3A_2747 = tpu.vector_load %arg9[%swap3A_2745, %swap3A_2746] {strides = array<i32>} : memref<2x1000xf32, #tpu.memory_space<vmem>>, vector<1x16xf32>,
      %swap3A_2748 = vector.shape_cast %swap3A_2747 : vector<1x16xf32> to vector<16xf32>
      %swap3A_2749 = vector.shape_cast %get3A_2743 : vector<16xf32> to vector<1x16xf32>
      tpu.vector_store %arg9[%swap3A_2745, %swap3A_2746], %swap3A_2749 {strides = array<i32>} : memref<2x1000xf32, #tpu.memory_space<vmem>>, vector<1x16xf32>,
      %get3A_2750 = arith.constant 49 : i32
      %get3A_2751 = arith.index_cast %get3A_2750 : i32 to index
      %get3A_2752 = arith.constant 752 : index
      %get3A_2753 = tpu.vector_load %arg7[%get3A_2751, %get3A_2752] {strides = array<i32>} : memref<56x1024xf32, #tpu.memory_space<vmem>>, vector<1x16xf32>,
      %get3A_2754 = vector.shape_cast %get3A_2753 : vector<1x16xf32> to vector<16xf32>
      %swap3A_2755 = arith.constant 1 : i32
      %swap3A_2756 = arith.index_cast %swap3A_2755 : i32 to index
      %swap3A_2757 = arith.constant 752 : index
      %swap3A_2758 = tpu.vector_load %arg9[%swap3A_2756, %swap3A_2757] {strides = array<i32>} : memref<2x1000xf32, #tpu.memory_space<vmem>>, vector<1x16xf32>,
      %swap3A_2759 = vector.shape_cast %swap3A_2758 : vector<1x16xf32> to vector<16xf32>
      %swap3A_2760 = vector.shape_cast %get3A_2754 : vector<16xf32> to vector<1x16xf32>
      tpu.vector_store %arg9[%swap3A_2756, %swap3A_2757], %swap3A_2760 {strides = array<i32>} : memref<2x1000xf32, #tpu.memory_space<vmem>>, vector<1x16xf32>,
      %get3A_2761 = arith.constant 49 : i32
      %get3A_2762 = arith.index_cast %get3A_2761 : i32 to index
      %get3A_2763 = arith.constant 768 : index
      %get3A_2764 = tpu.vector_load %arg7[%get3A_2762, %get3A_2763] {strides = array<i32>} : memref<56x1024xf32, #tpu.memory_space<vmem>>, vector<1x16xf32>,
      %get3A_2765 = vector.shape_cast %get3A_2764 : vector<1x16xf32> to vector<16xf32>
      %swap3A_2766 = arith.constant 1 : i32
      %swap3A_2767 = arith.index_cast %swap3A_2766 : i32 to index
      %swap3A_2768 = arith.constant 768 : index
      %swap3A_2769 = tpu.vector_load %arg9[%swap3A_2767, %swap3A_2768] {strides = array<i32>} : memref<2x1000xf32, #tpu.memory_space<vmem>>, vector<1x16xf32>,
      %swap3A_2770 = vector.shape_cast %swap3A_2769 : vector<1x16xf32> to vector<16xf32>
      %swap3A_2771 = vector.shape_cast %get3A_2765 : vector<16xf32> to vector<1x16xf32>
      tpu.vector_store %arg9[%swap3A_2767, %swap3A_2768], %swap3A_2771 {strides = array<i32>} : memref<2x1000xf32, #tpu.memory_space<vmem>>, vector<1x16xf32>,
      %get3A_2772 = arith.constant 49 : i32
      %get3A_2773 = arith.index_cast %get3A_2772 : i32 to index
      %get3A_2774 = arith.constant 784 : index
      %get3A_2775 = tpu.vector_load %arg7[%get3A_2773, %get3A_2774] {strides = array<i32>} : memref<56x1024xf32, #tpu.memory_space<vmem>>, vector<1x16xf32>,
      %get3A_2776 = vector.shape_cast %get3A_2775 : vector<1x16xf32> to vector<16xf32>
      %swap3A_2777 = arith.constant 1 : i32
      %swap3A_2778 = arith.index_cast %swap3A_2777 : i32 to index
      %swap3A_2779 = arith.constant 784 : index
      %swap3A_2780 = tpu.vector_load %arg9[%swap3A_2778, %swap3A_2779] {strides = array<i32>} : memref<2x1000xf32, #tpu.memory_space<vmem>>, vector<1x16xf32>,
      %swap3A_2781 = vector.shape_cast %swap3A_2780 : vector<1x16xf32> to vector<16xf32>
      %swap3A_2782 = vector.shape_cast %get3A_2776 : vector<16xf32> to vector<1x16xf32>
      tpu.vector_store %arg9[%swap3A_2778, %swap3A_2779], %swap3A_2782 {strides = array<i32>} : memref<2x1000xf32, #tpu.memory_space<vmem>>, vector<1x16xf32>,
      %get3A_2783 = arith.constant 49 : i32
      %get3A_2784 = arith.index_cast %get3A_2783 : i32 to index
      %get3A_2785 = arith.constant 800 : index
      %get3A_2786 = tpu.vector_load %arg7[%get3A_2784, %get3A_2785] {strides = array<i32>} : memref<56x1024xf32, #tpu.memory_space<vmem>>, vector<1x16xf32>,
      %get3A_2787 = vector.shape_cast %get3A_2786 : vector<1x16xf32> to vector<16xf32>
      %swap3A_2788 = arith.constant 1 : i32
      %swap3A_2789 = arith.index_cast %swap3A_2788 : i32 to index
      %swap3A_2790 = arith.constant 800 : index
      %swap3A_2791 = tpu.vector_load %arg9[%swap3A_2789, %swap3A_2790] {strides = array<i32>} : memref<2x1000xf32, #tpu.memory_space<vmem>>, vector<1x16xf32>,
      %swap3A_2792 = vector.shape_cast %swap3A_2791 : vector<1x16xf32> to vector<16xf32>
      %swap3A_2793 = vector.shape_cast %get3A_2787 : vector<16xf32> to vector<1x16xf32>
      tpu.vector_store %arg9[%swap3A_2789, %swap3A_2790], %swap3A_2793 {strides = array<i32>} : memref<2x1000xf32, #tpu.memory_space<vmem>>, vector<1x16xf32>,
      %get3A_2794 = arith.constant 49 : i32
      %get3A_2795 = arith.index_cast %get3A_2794 : i32 to index
      %get3A_2796 = arith.constant 816 : index
      %get3A_2797 = tpu.vector_load %arg7[%get3A_2795, %get3A_2796] {strides = array<i32>} : memref<56x1024xf32, #tpu.memory_space<vmem>>, vector<1x16xf32>,
      %get3A_2798 = vector.shape_cast %get3A_2797 : vector<1x16xf32> to vector<16xf32>
      %swap3A_2799 = arith.constant 1 : i32
      %swap3A_2800 = arith.index_cast %swap3A_2799 : i32 to index
      %swap3A_2801 = arith.constant 816 : index
      %swap3A_2802 = tpu.vector_load %arg9[%swap3A_2800, %swap3A_2801] {strides = array<i32>} : memref<2x1000xf32, #tpu.memory_space<vmem>>, vector<1x16xf32>,
      %swap3A_2803 = vector.shape_cast %swap3A_2802 : vector<1x16xf32> to vector<16xf32>
      %swap3A_2804 = vector.shape_cast %get3A_2798 : vector<16xf32> to vector<1x16xf32>
      tpu.vector_store %arg9[%swap3A_2800, %swap3A_2801], %swap3A_2804 {strides = array<i32>} : memref<2x1000xf32, #tpu.memory_space<vmem>>, vector<1x16xf32>,
      %get3A_2805 = arith.constant 49 : i32
      %get3A_2806 = arith.index_cast %get3A_2805 : i32 to index
      %get3A_2807 = arith.constant 832 : index
      %get3A_2808 = tpu.vector_load %arg7[%get3A_2806, %get3A_2807] {strides = array<i32>} : memref<56x1024xf32, #tpu.memory_space<vmem>>, vector<1x16xf32>,
      %get3A_2809 = vector.shape_cast %get3A_2808 : vector<1x16xf32> to vector<16xf32>
      %swap3A_2810 = arith.constant 1 : i32
      %swap3A_2811 = arith.index_cast %swap3A_2810 : i32 to index
      %swap3A_2812 = arith.constant 832 : index
      %swap3A_2813 = tpu.vector_load %arg9[%swap3A_2811, %swap3A_2812] {strides = array<i32>} : memref<2x1000xf32, #tpu.memory_space<vmem>>, vector<1x16xf32>,
      %swap3A_2814 = vector.shape_cast %swap3A_2813 : vector<1x16xf32> to vector<16xf32>
      %swap3A_2815 = vector.shape_cast %get3A_2809 : vector<16xf32> to vector<1x16xf32>
      tpu.vector_store %arg9[%swap3A_2811, %swap3A_2812], %swap3A_2815 {strides = array<i32>} : memref<2x1000xf32, #tpu.memory_space<vmem>>, vector<1x16xf32>,
      %get3A_2816 = arith.constant 49 : i32
      %get3A_2817 = arith.index_cast %get3A_2816 : i32 to index
      %get3A_2818 = arith.constant 848 : index
      %get3A_2819 = tpu.vector_load %arg7[%get3A_2817, %get3A_2818] {strides = array<i32>} : memref<56x1024xf32, #tpu.memory_space<vmem>>, vector<1x16xf32>,
      %get3A_2820 = vector.shape_cast %get3A_2819 : vector<1x16xf32> to vector<16xf32>
      %swap3A_2821 = arith.constant 1 : i32
      %swap3A_2822 = arith.index_cast %swap3A_2821 : i32 to index
      %swap3A_2823 = arith.constant 848 : index
      %swap3A_2824 = tpu.vector_load %arg9[%swap3A_2822, %swap3A_2823] {strides = array<i32>} : memref<2x1000xf32, #tpu.memory_space<vmem>>, vector<1x16xf32>,
      %swap3A_2825 = vector.shape_cast %swap3A_2824 : vector<1x16xf32> to vector<16xf32>
      %swap3A_2826 = vector.shape_cast %get3A_2820 : vector<16xf32> to vector<1x16xf32>
      tpu.vector_store %arg9[%swap3A_2822, %swap3A_2823], %swap3A_2826 {strides = array<i32>} : memref<2x1000xf32, #tpu.memory_space<vmem>>, vector<1x16xf32>,
      %get3A_2827 = arith.constant 49 : i32
      %get3A_2828 = arith.index_cast %get3A_2827 : i32 to index
      %get3A_2829 = arith.constant 864 : index
      %get3A_2830 = tpu.vector_load %arg7[%get3A_2828, %get3A_2829] {strides = array<i32>} : memref<56x1024xf32, #tpu.memory_space<vmem>>, vector<1x16xf32>,
      %get3A_2831 = vector.shape_cast %get3A_2830 : vector<1x16xf32> to vector<16xf32>
      %swap3A_2832 = arith.constant 1 : i32
      %swap3A_2833 = arith.index_cast %swap3A_2832 : i32 to index
      %swap3A_2834 = arith.constant 864 : index
      %swap3A_2835 = tpu.vector_load %arg9[%swap3A_2833, %swap3A_2834] {strides = array<i32>} : memref<2x1000xf32, #tpu.memory_space<vmem>>, vector<1x16xf32>,
      %swap3A_2836 = vector.shape_cast %swap3A_2835 : vector<1x16xf32> to vector<16xf32>
      %swap3A_2837 = vector.shape_cast %get3A_2831 : vector<16xf32> to vector<1x16xf32>
      tpu.vector_store %arg9[%swap3A_2833, %swap3A_2834], %swap3A_2837 {strides = array<i32>} : memref<2x1000xf32, #tpu.memory_space<vmem>>, vector<1x16xf32>,
      %get3A_2838 = arith.constant 49 : i32
      %get3A_2839 = arith.index_cast %get3A_2838 : i32 to index
      %get3A_2840 = arith.constant 880 : index
      %get3A_2841 = tpu.vector_load %arg7[%get3A_2839, %get3A_2840] {strides = array<i32>} : memref<56x1024xf32, #tpu.memory_space<vmem>>, vector<1x16xf32>,
      %get3A_2842 = vector.shape_cast %get3A_2841 : vector<1x16xf32> to vector<16xf32>
      %swap3A_2843 = arith.constant 1 : i32
      %swap3A_2844 = arith.index_cast %swap3A_2843 : i32 to index
      %swap3A_2845 = arith.constant 880 : index
      %swap3A_2846 = tpu.vector_load %arg9[%swap3A_2844, %swap3A_2845] {strides = array<i32>} : memref<2x1000xf32, #tpu.memory_space<vmem>>, vector<1x16xf32>,
      %swap3A_2847 = vector.shape_cast %swap3A_2846 : vector<1x16xf32> to vector<16xf32>
      %swap3A_2848 = vector.shape_cast %get3A_2842 : vector<16xf32> to vector<1x16xf32>
      tpu.vector_store %arg9[%swap3A_2844, %swap3A_2845], %swap3A_2848 {strides = array<i32>} : memref<2x1000xf32, #tpu.memory_space<vmem>>, vector<1x16xf32>,
      %get3A_2849 = arith.constant 49 : i32
      %get3A_2850 = arith.index_cast %get3A_2849 : i32 to index
      %get3A_2851 = arith.constant 896 : index
      %get3A_2852 = tpu.vector_load %arg7[%get3A_2850, %get3A_2851] {strides = array<i32>} : memref<56x1024xf32, #tpu.memory_space<vmem>>, vector<1x16xf32>,
      %get3A_2853 = vector.shape_cast %get3A_2852 : vector<1x16xf32> to vector<16xf32>
      %swap3A_2854 = arith.constant 1 : i32
      %swap3A_2855 = arith.index_cast %swap3A_2854 : i32 to index
      %swap3A_2856 = arith.constant 896 : index
      %swap3A_2857 = tpu.vector_load %arg9[%swap3A_2855, %swap3A_2856] {strides = array<i32>} : memref<2x1000xf32, #tpu.memory_space<vmem>>, vector<1x16xf32>,
      %swap3A_2858 = vector.shape_cast %swap3A_2857 : vector<1x16xf32> to vector<16xf32>
      %swap3A_2859 = vector.shape_cast %get3A_2853 : vector<16xf32> to vector<1x16xf32>
      tpu.vector_store %arg9[%swap3A_2855, %swap3A_2856], %swap3A_2859 {strides = array<i32>} : memref<2x1000xf32, #tpu.memory_space<vmem>>, vector<1x16xf32>,
      %get3A_2860 = arith.constant 49 : i32
      %get3A_2861 = arith.index_cast %get3A_2860 : i32 to index
      %get3A_2862 = arith.constant 912 : index
      %get3A_2863 = tpu.vector_load %arg7[%get3A_2861, %get3A_2862] {strides = array<i32>} : memref<56x1024xf32, #tpu.memory_space<vmem>>, vector<1x16xf32>,
      %get3A_2864 = vector.shape_cast %get3A_2863 : vector<1x16xf32> to vector<16xf32>
      %swap3A_2865 = arith.constant 1 : i32
      %swap3A_2866 = arith.index_cast %swap3A_2865 : i32 to index
      %swap3A_2867 = arith.constant 912 : index
      %swap3A_2868 = tpu.vector_load %arg9[%swap3A_2866, %swap3A_2867] {strides = array<i32>} : memref<2x1000xf32, #tpu.memory_space<vmem>>, vector<1x16xf32>,
      %swap3A_2869 = vector.shape_cast %swap3A_2868 : vector<1x16xf32> to vector<16xf32>
      %swap3A_2870 = vector.shape_cast %get3A_2864 : vector<16xf32> to vector<1x16xf32>
      tpu.vector_store %arg9[%swap3A_2866, %swap3A_2867], %swap3A_2870 {strides = array<i32>} : memref<2x1000xf32, #tpu.memory_space<vmem>>, vector<1x16xf32>,
      %get3A_2871 = arith.constant 49 : i32
      %get3A_2872 = arith.index_cast %get3A_2871 : i32 to index
      %get3A_2873 = arith.constant 928 : index
      %get3A_2874 = tpu.vector_load %arg7[%get3A_2872, %get3A_2873] {strides = array<i32>} : memref<56x1024xf32, #tpu.memory_space<vmem>>, vector<1x16xf32>,
      %get3A_2875 = vector.shape_cast %get3A_2874 : vector<1x16xf32> to vector<16xf32>
      %swap3A_2876 = arith.constant 1 : i32
      %swap3A_2877 = arith.index_cast %swap3A_2876 : i32 to index
      %swap3A_2878 = arith.constant 928 : index
      %swap3A_2879 = tpu.vector_load %arg9[%swap3A_2877, %swap3A_2878] {strides = array<i32>} : memref<2x1000xf32, #tpu.memory_space<vmem>>, vector<1x16xf32>,
      %swap3A_2880 = vector.shape_cast %swap3A_2879 : vector<1x16xf32> to vector<16xf32>
      %swap3A_2881 = vector.shape_cast %get3A_2875 : vector<16xf32> to vector<1x16xf32>
      tpu.vector_store %arg9[%swap3A_2877, %swap3A_2878], %swap3A_2881 {strides = array<i32>} : memref<2x1000xf32, #tpu.memory_space<vmem>>, vector<1x16xf32>,
      %get3A_2882 = arith.constant 49 : i32
      %get3A_2883 = arith.index_cast %get3A_2882 : i32 to index
      %get3A_2884 = arith.constant 944 : index
      %get3A_2885 = tpu.vector_load %arg7[%get3A_2883, %get3A_2884] {strides = array<i32>} : memref<56x1024xf32, #tpu.memory_space<vmem>>, vector<1x16xf32>,
      %get3A_2886 = vector.shape_cast %get3A_2885 : vector<1x16xf32> to vector<16xf32>
      %swap3A_2887 = arith.constant 1 : i32
      %swap3A_2888 = arith.index_cast %swap3A_2887 : i32 to index
      %swap3A_2889 = arith.constant 944 : index
      %swap3A_2890 = tpu.vector_load %arg9[%swap3A_2888, %swap3A_2889] {strides = array<i32>} : memref<2x1000xf32, #tpu.memory_space<vmem>>, vector<1x16xf32>,
      %swap3A_2891 = vector.shape_cast %swap3A_2890 : vector<1x16xf32> to vector<16xf32>
      %swap3A_2892 = vector.shape_cast %get3A_2886 : vector<16xf32> to vector<1x16xf32>
      tpu.vector_store %arg9[%swap3A_2888, %swap3A_2889], %swap3A_2892 {strides = array<i32>} : memref<2x1000xf32, #tpu.memory_space<vmem>>, vector<1x16xf32>,
      %get3A_2893 = arith.constant 49 : i32
      %get3A_2894 = arith.index_cast %get3A_2893 : i32 to index
      %get3A_2895 = arith.constant 960 : index
      %get3A_2896 = tpu.vector_load %arg7[%get3A_2894, %get3A_2895] {strides = array<i32>} : memref<56x1024xf32, #tpu.memory_space<vmem>>, vector<1x16xf32>,
      %get3A_2897 = vector.shape_cast %get3A_2896 : vector<1x16xf32> to vector<16xf32>
      %swap3A_2898 = arith.constant 1 : i32
      %swap3A_2899 = arith.index_cast %swap3A_2898 : i32 to index
      %swap3A_2900 = arith.constant 960 : index
      %swap3A_2901 = tpu.vector_load %arg9[%swap3A_2899, %swap3A_2900] {strides = array<i32>} : memref<2x1000xf32, #tpu.memory_space<vmem>>, vector<1x16xf32>,
      %swap3A_2902 = vector.shape_cast %swap3A_2901 : vector<1x16xf32> to vector<16xf32>
      %swap3A_2903 = vector.shape_cast %get3A_2897 : vector<16xf32> to vector<1x16xf32>
      tpu.vector_store %arg9[%swap3A_2899, %swap3A_2900], %swap3A_2903 {strides = array<i32>} : memref<2x1000xf32, #tpu.memory_space<vmem>>, vector<1x16xf32>,
      %get3A_2904 = arith.constant 49 : i32
      %get3A_2905 = arith.index_cast %get3A_2904 : i32 to index
      %get3A_2906 = arith.constant 976 : index
      %get3A_2907 = tpu.vector_load %arg7[%get3A_2905, %get3A_2906] {strides = array<i32>} : memref<56x1024xf32, #tpu.memory_space<vmem>>, vector<1x16xf32>,
      %get3A_2908 = vector.shape_cast %get3A_2907 : vector<1x16xf32> to vector<16xf32>
      %swap3A_2909 = arith.constant 1 : i32
      %swap3A_2910 = arith.index_cast %swap3A_2909 : i32 to index
      %swap3A_2911 = arith.constant 976 : index
      %swap3A_2912 = tpu.vector_load %arg9[%swap3A_2910, %swap3A_2911] {strides = array<i32>} : memref<2x1000xf32, #tpu.memory_space<vmem>>, vector<1x16xf32>,
      %swap3A_2913 = vector.shape_cast %swap3A_2912 : vector<1x16xf32> to vector<16xf32>
      %swap3A_2914 = vector.shape_cast %get3A_2908 : vector<16xf32> to vector<1x16xf32>
      tpu.vector_store %arg9[%swap3A_2910, %swap3A_2911], %swap3A_2914 {strides = array<i32>} : memref<2x1000xf32, #tpu.memory_space<vmem>>, vector<1x16xf32>,
      %get3A_2915 = arith.constant 49 : i32
      %get3A_2916 = arith.index_cast %get3A_2915 : i32 to index
      %get3A_2917 = arith.constant 984 : index
      %get3A_2918 = tpu.vector_load %arg7[%get3A_2916, %get3A_2917] {strides = array<i32>} : memref<56x1024xf32, #tpu.memory_space<vmem>>, vector<1x16xf32>,
      %get3A_2919 = vector.shape_cast %get3A_2918 : vector<1x16xf32> to vector<16xf32>
      %swap3A_2920 = arith.constant 1 : i32
      %swap3A_2921 = arith.index_cast %swap3A_2920 : i32 to index
      %swap3A_2922 = arith.constant 984 : index
      %swap3A_2923 = tpu.vector_load %arg9[%swap3A_2921, %swap3A_2922] {strides = array<i32>} : memref<2x1000xf32, #tpu.memory_space<vmem>>, vector<1x16xf32>,
      %swap3A_2924 = vector.shape_cast %swap3A_2923 : vector<1x16xf32> to vector<16xf32>
      %swap3A_2925 = vector.shape_cast %get3A_2919 : vector<16xf32> to vector<1x16xf32>
      tpu.vector_store %arg9[%swap3A_2921, %swap3A_2922], %swap3A_2925 {strides = array<i32>} : memref<2x1000xf32, #tpu.memory_space<vmem>>, vector<1x16xf32>,
      %add3A_2926 = arith.addi %mul3A_2, %add3A_1497 : i32
      %dma_start3A_2927 = arith.constant 0 : i32
      %dma_start3A_2928 = arith.constant 896 : i32
      %dma_start3A_2929 = tpu.memref_slice %arg4[%add3A_2926, %dma_start3A_2927, %dma_start3A_2928] : memref<1024x50x1000xf32, #tpu.memory_space<hbm>> -> memref<1x48x104xf32, #tpu.memory_space<hbm>>
      %dma_start3A_2930 = tpu.memref_squeeze %dma_start3A_2929 : memref<1x48x104xf32, #tpu.memory_space<hbm>> -> memref<48x104xf32, #tpu.memory_space<hbm>>
      %dma_start3A_2931 = arith.constant 0 : i32
      %dma_start3A_2932 = arith.constant 896 : i32
      %dma_start3A_2933 = tpu.memref_slice %arg4[%add3A_2926, %dma_start3A_2931, %dma_start3A_2932] : memref<1024x50x1000xf32, #tpu.memory_space<hbm>> -> memref<1x48x104xf32, #tpu.memory_space<hbm>>
      %dma_start3A_2934 = tpu.memref_squeeze %dma_start3A_2933 : memref<1x48x104xf32, #tpu.memory_space<hbm>> -> memref<48x104xf32, #tpu.memory_space<hbm>>
      tpu.enqueue_dma source(%arg8 : memref<48x104xf32, #tpu.memory_space<vmem>>) target(%dma_start3A_2934 : memref<48x104xf32, #tpu.memory_space<hbm>>) target_semaphore(%arg12 : memref<!tpu.dma_semaphore, #tpu.memory_space<semaphore_mem>>)
      %add3A_2935 = arith.addi %mul3A_2, %add3A_1497 : i32
      %dma_start3A_2936 = arith.constant 48 : i32
      %dma_start3A_2937 = arith.constant 0 : i32
      %dma_start3A_2938 = tpu.memref_slice %arg4[%add3A_2935, %dma_start3A_2936, %dma_start3A_2937] : memref<1024x50x1000xf32, #tpu.memory_space<hbm>> -> memref<1x2x1000xf32, #tpu.memory_space<hbm>>
      %dma_start3A_2939 = tpu.memref_squeeze %dma_start3A_2938 : memref<1x2x1000xf32, #tpu.memory_space<hbm>> -> memref<2x1000xf32, #tpu.memory_space<hbm>>
      %dma_start3A_2940 = arith.constant 48 : i32
      %dma_start3A_2941 = arith.constant 0 : i32
      %dma_start3A_2942 = tpu.memref_slice %arg4[%add3A_2935, %dma_start3A_2940, %dma_start3A_2941] : memref<1024x50x1000xf32, #tpu.memory_space<hbm>> -> memref<1x2x1000xf32, #tpu.memory_space<hbm>>
      %dma_start3A_2943 = tpu.memref_squeeze %dma_start3A_2942 : memref<1x2x1000xf32, #tpu.memory_space<hbm>> -> memref<2x1000xf32, #tpu.memory_space<hbm>>
      tpu.enqueue_dma source(%arg9 : memref<2x1000xf32, #tpu.memory_space<vmem>>) target(%dma_start3A_2943 : memref<2x1000xf32, #tpu.memory_space<hbm>>) target_semaphore(%arg12 : memref<!tpu.dma_semaphore, #tpu.memory_space<semaphore_mem>>)
    }
    %scan3A_13 = arith.constant 16 : i32
    %add3A_14 = arith.constant 31 : i32
    %add3A_15 = arith.addi %mul3A_2, %add3A_14 : i32
    %dma_wait3A = arith.constant 0 : i32
    %dma_wait3A_16 = arith.constant 0 : i32
    %dma_wait3A_17 = tpu.memref_slice %arg7[%dma_wait3A, %dma_wait3A_16] : memref<56x1024xf32, #tpu.memory_space<vmem>> -> memref<48x896xf32, #tpu.memory_space<vmem>>
    %dma_wait3A_18 = arith.constant 0 : i32
    %dma_wait3A_19 = arith.constant 0 : i32
    %dma_wait3A_20 = tpu.memref_slice %arg4[%add3A_15, %dma_wait3A_18, %dma_wait3A_19] : memref<1024x50x1000xf32, #tpu.memory_space<hbm>> -> memref<1x48x896xf32, #tpu.memory_space<hbm>>
    %dma_wait3A_21 = tpu.memref_squeeze %dma_wait3A_20 : memref<1x48x896xf32, #tpu.memory_space<hbm>> -> memref<48x896xf32, #tpu.memory_space<hbm>>
    %dma_wait3A_22 = arith.constant 0 : i32
    %dma_wait3A_23 = arith.constant 0 : i32
    %dma_wait3A_24 = tpu.memref_slice %arg4[%add3A_15, %dma_wait3A_22, %dma_wait3A_23] : memref<1024x50x1000xf32, #tpu.memory_space<hbm>> -> memref<1x48x896xf32, #tpu.memory_space<hbm>>
    %dma_wait3A_25 = tpu.memref_squeeze %dma_wait3A_24 : memref<1x48x896xf32, #tpu.memory_space<hbm>> -> memref<48x896xf32, #tpu.memory_space<hbm>>
    %dma_wait3A_26 = arith.constant 0 : i32
    %dma_wait3A_27 = arith.constant 0 : i32
    %dma_wait3A_28 = tpu.memref_slice %arg7[%dma_wait3A_26, %dma_wait3A_27] : memref<56x1024xf32, #tpu.memory_space<vmem>> -> memref<48x896xf32, #tpu.memory_space<vmem>>
    tpu.wait_dma2 semaphore(%arg11 : memref<!tpu.dma_semaphore, #tpu.memory_space<semaphore_mem>>) src(%dma_wait3A_28 : memref<48x896xf32, #tpu.memory_space<vmem>>) dst(%dma_wait3A_25 : memref<48x896xf32, #tpu.memory_space<hbm>>)
    %add3A_29 = arith.constant 31 : i32
    %add3A_30 = arith.addi %mul3A_2, %add3A_29 : i32
    %dma_wait3A_31 = arith.constant 0 : i32
    %dma_wait3A_32 = arith.constant 896 : i32
    %dma_wait3A_33 = tpu.memref_slice %arg4[%add3A_30, %dma_wait3A_31, %dma_wait3A_32] : memref<1024x50x1000xf32, #tpu.memory_space<hbm>> -> memref<1x48x104xf32, #tpu.memory_space<hbm>>
    %dma_wait3A_34 = tpu.memref_squeeze %dma_wait3A_33 : memref<1x48x104xf32, #tpu.memory_space<hbm>> -> memref<48x104xf32, #tpu.memory_space<hbm>>
    %dma_wait3A_35 = arith.constant 0 : i32
    %dma_wait3A_36 = arith.constant 896 : i32
    %dma_wait3A_37 = tpu.memref_slice %arg4[%add3A_30, %dma_wait3A_35, %dma_wait3A_36] : memref<1024x50x1000xf32, #tpu.memory_space<hbm>> -> memref<1x48x104xf32, #tpu.memory_space<hbm>>
    %dma_wait3A_38 = tpu.memref_squeeze %dma_wait3A_37 : memref<1x48x104xf32, #tpu.memory_space<hbm>> -> memref<48x104xf32, #tpu.memory_space<hbm>>
    tpu.wait_dma2 semaphore(%arg12 : memref<!tpu.dma_semaphore, #tpu.memory_space<semaphore_mem>>) src(%arg8 : memref<48x104xf32, #tpu.memory_space<vmem>>) dst(%dma_wait3A_38 : memref<48x104xf32, #tpu.memory_space<hbm>>)
    %add3A_39 = arith.constant 31 : i32
    %add3A_40 = arith.addi %mul3A_2, %add3A_39 : i32
    %dma_wait3A_41 = arith.constant 48 : i32
    %dma_wait3A_42 = arith.constant 0 : i32
    %dma_wait3A_43 = tpu.memref_slice %arg4[%add3A_40, %dma_wait3A_41, %dma_wait3A_42] : memref<1024x50x1000xf32, #tpu.memory_space<hbm>> -> memref<1x2x1000xf32, #tpu.memory_space<hbm>>
    %dma_wait3A_44 = tpu.memref_squeeze %dma_wait3A_43 : memref<1x2x1000xf32, #tpu.memory_space<hbm>> -> memref<2x1000xf32, #tpu.memory_space<hbm>>
    %dma_wait3A_45 = arith.constant 48 : i32
    %dma_wait3A_46 = arith.constant 0 : i32
    %dma_wait3A_47 = tpu.memref_slice %arg4[%add3A_40, %dma_wait3A_45, %dma_wait3A_46] : memref<1024x50x1000xf32, #tpu.memory_space<hbm>> -> memref<1x2x1000xf32, #tpu.memory_space<hbm>>
    %dma_wait3A_48 = tpu.memref_squeeze %dma_wait3A_47 : memref<1x2x1000xf32, #tpu.memory_space<hbm>> -> memref<2x1000xf32, #tpu.memory_space<hbm>>
    tpu.wait_dma2 semaphore(%arg12 : memref<!tpu.dma_semaphore, #tpu.memory_space<semaphore_mem>>) src(%arg9 : memref<2x1000xf32, #tpu.memory_space<vmem>>) dst(%dma_wait3A_48 : memref<2x1000xf32, #tpu.memory_space<hbm>>)
    return
  }
}

module attributes {stable_mosaic.version = 14 : i64} {
  func.func @_logit_table_body(%arg0: memref<1000x128xf32, #tpu.memory_space<vmem>>, %arg1: memref<1024x128xf32, #tpu.memory_space<vmem>>, %arg2: memref<1x1024xf32, #tpu.memory_space<vmem>>, %arg3: memref<1000x1024xf32, #tpu.memory_space<vmem>>) attributes {dimension_semantics = [], scalar_prefetch = 0 : i64, scratch_operands = 0 : i64, tpu.core_type = #tpu.core_type<tc>} {
    %get3A = arith.constant 0 : index
    %get3A_0 = arith.constant 0 : index
    %get3A_1 = vector.load %arg0[%get3A, %get3A_0] : memref<1000x128xf32, #tpu.memory_space<vmem>>, vector<1000x128xf32>
    %get3A_2 = arith.constant 0 : index
    %get3A_3 = arith.constant 0 : index
    %get3A_4 = vector.load %arg1[%get3A_2, %get3A_3] : memref<1024x128xf32, #tpu.memory_space<vmem>>, vector<1024x128xf32>
    %dot_general3A = arith.constant dense<0.000000e+00> : vector<1000x1024xf32>
    %dot_general3A_5 = tpu.matmul %get3A_1, %get3A_4, %dot_general3A {dimension_numbers = #tpu.dot_dimension_numbers<[1], [1], [0], [0], [0, 0, 1, 0], [], []>, transpose_lhs_hint = false} : vector<1000x128xf32>, vector<1024x128xf32>, vector<1000x1024xf32> -> vector<1000x1024xf32>
    %get3A_6 = arith.constant 0 : index
    %get3A_7 = arith.constant 0 : index
    %get3A_8 = vector.load %arg2[%get3A_6, %get3A_7] : memref<1x1024xf32, #tpu.memory_space<vmem>>, vector<1x1024xf32>
    %add3A = vector.broadcast %get3A_8 : vector<1x1024xf32> to vector<1000x1024xf32>
    %add3A_9 = arith.addf %dot_general3A_5, %add3A : vector<1000x1024xf32>
    %swap3A = arith.constant 0 : index
    %swap3A_10 = arith.constant 0 : index
    %swap3A_11 = vector.load %arg3[%swap3A, %swap3A_10] : memref<1000x1024xf32, #tpu.memory_space<vmem>>, vector<1000x1024xf32>
    tpu.vector_store %arg3[%swap3A, %swap3A_10], %add3A_9 {strides = array<i32>} : memref<1000x1024xf32, #tpu.memory_space<vmem>>, vector<1000x1024xf32>,
    return
  }
}

</mosaic_0001>

<sc_bundles>
// kernel: kernel.4.cloned.1.call-start
scs
__scs_entry_jumppad:
0x0: {  	(pc) =	sbr.rel $0x88, $3  }
0x1: {  	(tag) =	ssettag $0x0;
	lr =	simm.s32 $0x1  }
0x2: {  	[smem:$0x3F9D] =	sst lr;
	_ =	strace $0xD0000000  }
0x3: {  	_ = 	snop  }
0x4: {  	_ = 	snop  }
0x5: {  	_ = 	snop  }
0x6: {  	_ = 	snop  }
0x7: {  	_ = 	snop  }
__scs_overlays_trampoline_lowered:
0x8: {  	[smem:$0x3FAC] =	sst s0  }
0x9: {  	[smem:$0x3FAD] =	sst s1  }
0xa: {  	[smem:$0x3FAE] =	sst s2  }
0xb: {  	[smem:$0x3FAF] =	sst s3  }
0xc: {  	[smem:$0x3FB0] =	sst s4  }
0xd: {  	[smem:$0x3FB1] =	sst s5  }
0xe: {  	[smem:$0x3FB2] =	sst s6  }
0xf: {  	[smem:$0x3FB3] =	sst s7  }
0x10: {  	[smem:$0x3FB4] =	sst s8  }
0x11: {  	[smem:$0x3FB5] =	sst s9;
	s0 =	simm.s32 @!p0 $0x0  }
0x12: {  	s1 =	sld [smem:$0x3F9B];
	s0 =	simm.s32 @p0 $0x1  }
0x13: {  	[smem:$0x3FB6] =	sst s0;
	s0 =	simm.s32 @!p1 $0x0  }
0x14: {  	s2 =	sld [smem:$0x3F9A];
	s0 =	simm.s32 @p1 $0x1  }
0x15: {  	[smem:$0x3FB7] =	sst s0;
	s0 =	simm.s32 @!p2 $0x0  }
0x16: {  	s3 =	sld [smem:$0x3FDB];
	s0 =	simm.s32 @p2 $0x1  }
0x17: {  	s4 =	simm.s32 $0x1BF5;
	[smem:$0x3FB9] =	sst s0  }
0x18: {  	s0 =	sld [smem:$0x3F9C];
	_ =	swait.ge [sflag:s4], $0x0  }
0x19: {  	s7 =	sld [smem:$0x3F9D]  }
0x1a: {  	s8 =	sadd.s32 $0xFFFFE003, lr  }
0x1b: {  	s9 =	sadd.s32 $0xFFFFFEF7, lr;
	s5 =	simm.s32 $0xFFFFFFFF;
	p2 =	slt.u32 s8, $0xFFFFF086  }
0x1c: {  	p1 =	slt.u32 s9, $0xF7A;
	s5 =	simm.s32 @!p2 $0x0  }
0x1d: {  	s5 =	simm.s32 @p1 $0x1;
	p0 =	seq.s32 s7, s2  }
0x1e: {  	s7 =	smul.u32 @!p0 $0xF7A, s2;
	p2 =	seq.s32 @!p0 s5, $0x0  }
0x1f: {  	s9 =	smul.u32 $0xF7A, s1;
	s8 =	simm.s32 @!p0 $0x1BF5;
	p2 =	por !p2, p0  }
0x20: {  	[sflag:s8] =	ssyncset.s32 @!p0 $0xFFFFF086;
	s6 =	sadd.s32 @!p0 s3, s7;
	s7 =	simm.s32 @!p0 $0x108  }
0x21: {  	s3 =	sadd.s32 s3, s9;
	s6 =	sadd.s32 @!p0 $0x88, s6;
	s7 =	simm.s32 @p2 $0x1082  }
0x22: {  	[simem:s7], [sflag:s8] =	dma.local @!p0 [hbm:s6], $0xF7A  }
0x23: {  	s9 =	sor.u32 $0xD0000000, s2;
	s6 =	simm.s32 $0x108;
	_ =	swait.ge @!p0 [sflag:s8], $0x0  }
0x24: {  	s3 =	sadd.s32 $0x88, s3;
	s6 =	simm.s32 @!p1 $0x1082;
	[sflag:s4] =	ssyncset.s32 $0xFFFFF086  }
0x25: {  	[simem:s6], [sflag:s4] =	dma.local [hbm:s3], $0xF7A  }
0x26: {  	[smem:$0x3F9D] =	sst s1;
	(tag) =	ssettag s2;
	_ =	strace s9  }
0x27: {  	s1 =	sld [smem:$0x3FAD]  }
0x28: {  	s2 =	sld [smem:$0x3FAE]  }
0x29: {  	s4 =	sld [smem:$0x3FB0]  }
0x2a: {  	p0 =	seq.s32 s5, $0x0;
	s5 =	sld [smem:$0x3FB1]  }
0x2b: {  	s6 =	sld [smem:$0x3FB2]  }
0x2c: {  	s7 =	sld [smem:$0x3FB3]  }
0x2d: {  	s3 =	simm.s32 $0x108;
	s8 =	sld [smem:$0x3FB4]  }
0x2e: {  	s3 =	simm.s32 @!p0 $0x1082;
	s9 =	sld [smem:$0x3FB5]  }
0x2f: {  	lr =	sadd.s32 s0, s3;
	s0 =	sld [smem:$0x3FAC]  }
0x30: {  	s3 =	sld [smem:$0x3FAF]  }
0x31: {  	[smem:$0x3FB8] =	sst s10  }
0x32: {  	s10 =	sld [smem:$0x3FB6];
	_ =	sdelay $0x3  }
0x33: {  	p0 =	seq.s32 s10, $0x1;
	s10 =	sld [smem:$0x3FB8];
	_ =	sdelay $0x3  }
0x34: {  	[smem:$0x3FB8] =	sst s10  }
0x35: {  	s10 =	sld [smem:$0x3FB7];
	_ =	sdelay $0x3  }
0x36: {  	p1 =	seq.s32 s10, $0x1;
	s10 =	sld [smem:$0x3FB8];
	_ =	sdelay $0x3  }
0x37: {  	[smem:$0x3FB8] =	sst s10  }
0x38: {  	s10 =	sld [smem:$0x3FB9]  }
0x39: {  	_ = 	snop;
	(pc) =	sbr.ind lr, $3  }
0x3a: {  	_ = 	snop  }
0x3b: {  	_ = 	snop  }
0x3c: {  	p2 =	seq.s32 s10, $0x1;
	s10 =	sld [smem:$0x3FB8]  }
0x3d: {  	_ =	shalt  }
0x3e: {  	_ =	shalt  }
0x3f: {  	_ =	shalt  }
0x40: {  	_ =	shalt  }
0x41: {  	_ =	shalt  }
0x42: {  	_ =	shalt  }
0x43: {  	_ =	shalt  }
0x44: {  	_ =	shalt  }
0x45: {  	_ =	shalt  }
0x46: {  	_ =	shalt  }
0x47: {  	_ =	shalt  }
0x48: {  	_ =	shalt  }
0x49: {  	_ =	shalt  }
0x4a: {  	_ =	shalt  }
0x4b: {  	_ =	shalt  }
0x4c: {  	_ =	shalt  }
0x4d: {  	_ =	shalt  }
0x4e: {  	_ =	shalt  }
0x4f: {  	_ =	shalt  }
0x50: {  	_ =	shalt  }
0x51: {  	_ =	shalt  }
0x52: {  	_ =	shalt  }
0x53: {  	_ =	shalt  }
0x54: {  	_ =	shalt  }
0x55: {  	_ =	shalt  }
0x56: {  	_ =	shalt  }
0x57: {  	_ =	shalt  }
0x58: {  	_ =	shalt  }
0x59: {  	_ =	shalt  }
0x5a: {  	_ =	shalt  }
0x5b: {  	_ =	shalt  }
0x5c: {  	_ =	shalt  }
0x5d: {  	_ =	shalt  }
0x5e: {  	_ =	shalt  }
0x5f: {  	_ =	shalt  }
0x60: {  	_ =	shalt  }
0x61: {  	_ =	shalt  }
0x62: {  	_ =	shalt  }
0x63: {  	_ =	shalt  }
0x64: {  	_ =	shalt  }
0x65: {  	_ =	shalt  }
0x66: {  	_ =	shalt  }
0x67: {  	_ =	shalt  }
0x68: {  	_ =	shalt  }
0x69: {  	_ =	shalt  }
0x6a: {  	_ =	shalt  }
0x6b: {  	_ =	shalt  }
0x6c: {  	_ =	shalt  }
0x6d: {  	_ =	shalt  }
0x6e: {  	_ =	shalt  }
0x6f: {  	_ =	shalt  }
0x70: {  	_ =	shalt  }
0x71: {  	_ =	shalt  }
0x72: {  	_ =	shalt  }
0x73: {  	_ =	shalt  }
0x74: {  	_ =	shalt  }
0x75: {  	_ =	shalt  }
0x76: {  	_ =	shalt  }
0x77: {  	_ =	shalt  }
0x78: {  	_ =	shalt  }
0x79: {  	_ =	shalt  }
0x7a: {  	_ =	shalt  }
0x7b: {  	_ =	shalt  }
0x7c: {  	_ =	shalt  }
0x7d: {  	_ =	shalt  }
0x7e: {  	_ =	shalt  }
0x7f: {  	_ =	shalt  }
0x80: {  	_ =	shalt  }
0x81: {  	_ =	shalt  }
0x82: {  	_ =	shalt  }
0x83: {  	_ =	shalt  }
0x84: {  	_ =	shalt  }
0x85: {  	_ =	shalt  }
0x86: {  	_ =	shalt  }
0x87: {  	_ =	shalt  }
.Lfunc_end0:
.L_simem_size_0:
called_computation_lowered:
.L_overlay_start_0:
0x88: {  	s2 =	sld [smem:$0x3FD9]  }
0x89: {  	s3 =	sld [smem:$0x3FFE];
	_ =	sdelay $0x1  }
0x8a: {  	s1 =	srdreg.scid  }
0x8b: {  	s0 =	sand.u32 $0x1, s1  }
0x8c: {  	s17 =	sshll.u32 s0, $0xA;
	s2 =	sadd.s32 s3, s2  }
0x8d: {  	s2 =	sadd.s32 s2, s17  }
0x8e: {  	[smem:$0x3FC4] =	sst s2  }
0x8f: {  	_ = 	snop  }
0x90: {  	s2 =	sld [smem:$0x3FD0];
	(tm) =	ssettm $0x1  }
0x91: {  	s18 =	sld [smem:$0x3FFB];
	_ =	sdelay $0x3  }
0x92: {  	_ =	strace s18  }
0x93: {  	s3 =	sld [smem:$0x3FFC];
	_ =	sdelay $0x3  }
0x94: {  	_ =	strace s3  }
0x95: {  	s3 =	sld [smem:$0x3FFD];
	_ =	sdelay $0x3  }
0x96: {  	_ =	strace s3  }
0x97: {  	_ =	strace $0x8FFFFFFF  }
0x98: {  	s19 =	sld [smem:$0x3FDB];
	_ =	sdelay $0x1  }
0x99: {  	s4 =	simm.s32 $_scs_section_size  }
0x9a: {  	s5 =	simm.s32 $_size__tile_overlayer_lowered;
	s6 =	simm.s32 $_tile_overlayer_lowered  }
0x9b: {  	s22 =	simm.s32 $0x1BFF;
	s21 =	sshll.u32 s6, $0x1;
	s3 =	sadd.s32 s4, s19  }
0x9c: {  	s7 =	simm.s32 $0x0;
	s20 =	sshll.u32 s5, $0x1;
	s5 =	sadd.s32 s21, s3  }
0x9d: {  	[timem:s7], [sflag:s22] =	dma.local [hbm:s5], s20  }
0x9e: {  	_ =	swait.ge [sflag:s22], s20  }
0x9f: {  	s4 =	ssub.s32 $0x0, s20;
	[sflag:s22] =	ssyncset.done $0x0  }
0xa0: {  	[sflag:s22] =	ssyncadd.s32 s4;
	_ =	sdelay $0x1  }
0xa1: {  	s23 =	simm.s32 $0x1B8B  }
0xa2: {  	_ =	swait.ge [sflag:s23], $0x1  }
0xa3: {  	[sflag:s23] =	ssyncset.done $0x0  }
0xa4: {  	s25 =	simm.s32 $0x1B8E;
	s24 =	sld [smem:$0x3FFE];
	[sflag:s23] =	ssyncadd.s32 $0xFFFFFFFF  }
0xa5: {  	s26 =	simm.s32 $execute0_lowered;
	[smem:$0x3FD2] =	sst s25  }
0xa6: {  	s5 =	sshll.u32 s26, $0x1;
	_ =	strace $0x80000046;
	[dreg:$0x1] =	wrdreg $0xFFFFFFFF  }
0xa7: {  	s28 =	simm.s32 $_size_execute0_lowered;
	s3 =	sadd.s32 s3, s5;
	[dreg:$0x0] =	wrdreg $0x0  }
0xa8: {  	s5 =	sshll.u32 s28, $0x1;
	[dreg:$0x2] =	wrdreg s3  }
0xa9: {  	[dreg:$0x3] =	wrdreg s5  }
0xaa: {  	[dreg:$0x4] =	wrdreg $0xC0  }
0xab: {  	_ =	task [dreg:s7], $0x5FFFF  }
0xac: {  	[dreg:$0x1] =	wrdreg $0xFFFFFFFF  }
0xad: {  	[dreg:$0x0] =	wrdreg $0x60  }
0xae: {  	[dreg:$0x2] =	wrdreg s2  }
0xaf: {  	[dreg:$0x3] =	wrdreg s24  }
0xb0: {  	[dreg:$0x4] =	wrdreg $0x9  }
0xb1: {  	_ =	task.clear_ibuf [dreg:s7], $0x5FFFF;
	_ =	strace $0x90000046  }
0xb2: {  	s29 =	simm.s32 $0x9;
	_ =	strace $0x80000048  }
0xb3: {  	_ =	swait.ge [sflag:s29], $0x1  }
0xb4: {  	[sflag:s29] =	ssyncadd.s32 $0xFFFFFFFF  }
0xb5: {  	_ =	strace $0x90000048  }
0xb6: {  	_ =	sfence  }
0xb7: {  	s30 =	sld [smem:$0x0];
	_ =	sdelay $0x2  }
0xb8: {  	s31 =	sshll.u32 s1, $0xD;
	s1 =	sshrl.u32 s1, $0x2  }
0xb9: {  	s3 =	sand.u32 $0x4000, s31;
	s1 =	sadd.s32 s1, s30  }
0xba: {  	s0 =	sor.u32 s3, s0;
	s1 =	sshll.u32 s1, $0x11  }
0xbb: {  	s0 =	sor.u32 s1, s0  }
0xbc: {  	s0 =	sadd.s32 $0x8F2B, s0  }
0xbd: {  	[sflag:s0] =	ssyncadd.remote.s32 $0x1  }
0xbe: {  	_ =	sfence.sel $0xFFFF  }
0xbf: {  	[dreg:$0x0] =	wrdreg $0xFFFFFFFF;
	(pc) =	sbr.abs _section_cstart, $3  }
0xc0: {  	[dreg:$0x1] =	wrdreg $0xFFFFFFFF  }
0xc1: {  	_ =	task.clear_ibuf [dreg:s7], $0x2FFFF;
	_ =	strace $0x9FFFFFFF  }
0xc2: {  	(tm) =	ssettm $0x7FFFFFFF  }
0xc3: {  	_ =	shalt  }
tec
execute0_lowered:
.L_overlay_start_1:
0x0: {  	(tag) =	ssettag $0x1  }
0x1: {  	s2 =	rddreg [dreg:$0x0];
	s0 =	srdreg.scid  }
0x2: {  	s3 =	stileid.u32;
	s1 =	rddreg [dreg:$0x1]  }
0x3: {  	s20 =	simm.s32 $0x1;
	s28 =	simm.s32 $0xE700;
	s30 =	simm.s32 $0x10700  }
0x4: {  	s23 =	simm.s32 $0x16700;
	s31 =	simm.s32 $0x18700;
	s24 =	simm.s32 $0x1E660  }
0x5: {  	s29 =	simm.s32 $0x400;
	s11 =	simm.s32 $0x1C700;
	s12 =	simm.s32 $0x100  }
0x6: {  	s14 =	simm.s32 $0x1DF00;
	s16 =	simm.s32 $0x2;
	s18 =	simm.s32 $0x3  }
0x7: {  	s0 =	sand.u32 $0x1, s0;
	s4 =	sshll.u32 s3, $0x1;
	s3 =	simm.s32 $0x0  }
0x8: {  	v0 =	vimm.s32 $0xFEDCBA98;
	s8 =	sadd.s32 $0x200, s2;
	s9 =	sadd.s32 $0x300, s2;
	s10 =	sadd.s32 $0x2780, s1  }
0x9: {  	v1 =	vimm.s32 $0x76543210;
	v0 =	vunpack.c.l.s4.s8 v0;
	s5 =	sor.u32 s0, s4;
	[smem:$0x7FF] =	sst s3;
	s0 =	ssub.s32 $0x2, s0  }
0xa: {  	v1 =	vunpack.c.l.s4.s8 v1;
	s4 =	smul.u32 $0xE0, s5;
	_ =	strace $0x80000047;
	s6 =	sshrl.u32 s0, $0x1  }
0xb: {  	v2 =	vlaneseq.u32;
	s5 =	sshll.u32 s5, $0x5;
	v3 =	vunpack.c.0.s8.s32 v0;
	s0 =	ssub.s32 s0, s6;
	s6 =	simm.s32 $0x0  }
0xc: {  	vm0 =	vmmov $0xffff;
	vm1 =	vmmov $0xff;
	v5 =	vunpack.c.0.s8.s32 v1;
	s7 =	sadd.s32 s4, s1;
	s4 =	sadd.s32 $0x2400, s1;
	s0 =	smax.u32 s0, $0x1  }
0xd: {  	v4 =	vshrl.u32 v2, $0x3;
	v0 =	vand.u32 $0x7, v2;
	s1 =	simm.s32 $0x2000;
	v3 =	vand.u32 $0xF, v3;
	s26 =	sadd.s32 $0x800, s7;
	[dreg:$0x4] =	wrdreg s0  }
0xe: {  	v1 =	vmul.u32 $0x8, v4;
	v2 =	vor.u32 $0x8, v2;
	s7 =	sadd.s32 $0x100, s2;
	v3 =	vcombine.low v3, v5;
	[dreg:$0x3] =	wrdreg s26;
	s26 =	simm.s32 $0x1E6E0  }
.LBB2_1:
0xf: {  	[dreg:$0x5] =	wrdreg s6  }
0x10: {  	s0 =	rddreg [dreg:$0x3];
	s17 =	simm.s32 $0x4  }
0x11: {  	[tilespmem:s3], [sflag:$0x4] =	stream.linear.gather [hbm4b:s0+s3], $0x700, $0x38;
	[tilespmem:$0x1E700] =	vst v63  }
0x12: {  	_ =	swait.ge [sflag:s17], $0x700  }
0x13: {  	[sflag:s17] =	ssyncset.done $0x0  }
0x14: {  	[sflag:s17] =	ssyncadd.s32 $0xFFFFF900  }
0x15: {  	v4 =	vld [tilespmem:$0x0];
	_ =	sdelay $0x4  }
0x16: {  	v5 =	vshll.u32 v4, $0x3  }
0x17: {  	v4 =	vand.u32 $0x7, v4;
	v5 =	vand.u32 $0xFFFFFFC0, v5  }
0x18: {  	v4 =	vor.u32 v4, v5  }
0x19: {  	v5 =	vperm.xlane v4, v0;
	_ =	sdelay $0x1  }
0x1a: {  	v5 =	vadd.s32 v1, v5;
	_ =	sdelay $0x3  }
0x1b: {  	s19 =	simm.s32 $0x700  }
0x1c: {  	[tilespmem:s19], [sflag:$0x1] =	stream.indirect_vreg.gather [hbm4b:s2+s3], $0x80, v5, vm0, $0xb8;
	[tilespmem:$0x1E700] =	vst v63  }
0x1d: {  	s21 =	simm.s32 $0xF00;
	v4 =	vperm.xlane v4, v2  }
0x1e: {  	[tilespmem:s21], [sflag:$0x1] =	stream.indirect_vreg.gather [hbm4b:s7+s3], $0x80, v5, vm0, $0xb8;
	[tilespmem:$0x1E700] =	vst v63  }
0x1f: {  	s22 =	simm.s32 $0x1700;
	v4 =	vadd.s32 v1, v4  }
0x20: {  	[tilespmem:s22], [sflag:$0x1] =	stream.indirect_vreg.gather [hbm4b:s8+s3], $0x80, v5, vm0, $0xb8;
	[tilespmem:$0x1E700] =	vst v63  }
0x21: {  	s25 =	simm.s32 $0x1F00  }
0x22: {  	[tilespmem:s25], [sflag:$0x1] =	stream.indirect_vreg.gather [hbm4b:s9+s3], $0x80, v5, vm0, $0xb8;
	[tilespmem:$0x1E700] =	vst v63  }
0x23: {  	s6 =	simm.s32 $0x2700  }
0x24: {  	[tilespmem:s6], [sflag:$0x1] =	stream.indirect_vreg.gather [hbm4b:s2+s3], $0x80, v4, vm0, $0xb8;
	[tilespmem:$0x1E700] =	vst v63  }
0x25: {  	s13 =	simm.s32 $0x2F00  }
0x26: {  	[tilespmem:s13], [sflag:$0x1] =	stream.indirect_vreg.gather [hbm4b:s7+s3], $0x80, v4, vm0, $0xb8;
	[tilespmem:$0x1E700] =	vst v63  }
0x27: {  	s15 =	simm.s32 $0x3700  }
0x28: {  	[tilespmem:s15], [sflag:$0x1] =	stream.indirect_vreg.gather [hbm4b:s8+s3], $0x80, v4, vm0, $0xb8;
	[tilespmem:$0x1E700] =	vst v63  }
0x29: {  	s17 =	simm.s32 $0x3F00  }
0x2a: {  	[tilespmem:s17], [sflag:$0x1] =	stream.indirect_vreg.gather [hbm4b:s9+s3], $0x80, v4, vm0, $0xb8;
	[tilespmem:$0x1E700] =	vst v63  }
0x2b: {  	v4 =	vld [tilespmem:$0x10];
	_ =	sdelay $0x4  }
0x2c: {  	v5 =	vshll.u32 v4, $0x3  }
0x2d: {  	v4 =	vand.u32 $0x7, v4;
	v5 =	vand.u32 $0xFFFFFFC0, v5  }
0x2e: {  	v4 =	vor.u32 v4, v5  }
0x2f: {  	v5 =	vperm.xlane v4, v0;
	_ =	sdelay $0x1  }
0x30: {  	v5 =	vadd.s32 v1, v5;
	_ =	sdelay $0x3  }
0x31: {  	s19 =	simm.s32 $0x4700  }
0x32: {  	[tilespmem:s19], [sflag:$0x1] =	stream.indirect_vreg.gather [hbm4b:s2+s3], $0x80, v5, vm0, $0xb8;
	[tilespmem:$0x1E700] =	vst v63  }
0x33: {  	s21 =	simm.s32 $0x4F00;
	v4 =	vperm.xlane v4, v2  }
0x34: {  	[tilespmem:s21], [sflag:$0x1] =	stream.indirect_vreg.gather [hbm4b:s7+s3], $0x80, v5, vm0, $0xb8;
	[tilespmem:$0x1E700] =	vst v63  }
0x35: {  	s22 =	simm.s32 $0x5700;
	v4 =	vadd.s32 v1, v4  }
0x36: {  	[tilespmem:s22], [sflag:$0x1] =	stream.indirect_vreg.gather [hbm4b:s8+s3], $0x80, v5, vm0, $0xb8;
	[tilespmem:$0x1E700] =	vst v63  }
0x37: {  	s25 =	simm.s32 $0x5F00  }
0x38: {  	[tilespmem:s25], [sflag:$0x1] =	stream.indirect_vreg.gather [hbm4b:s9+s3], $0x80, v5, vm0, $0xb8;
	[tilespmem:$0x1E700] =	vst v63  }
0x39: {  	s6 =	simm.s32 $0x6700  }
0x3a: {  	[tilespmem:s6], [sflag:$0x1] =	stream.indirect_vreg.gather [hbm4b:s2+s3], $0x80, v4, vm0, $0xb8;
	[tilespmem:$0x1E700] =	vst v63  }
0x3b: {  	s13 =	simm.s32 $0x6F00  }
0x3c: {  	[tilespmem:s13], [sflag:$0x1] =	stream.indirect_vreg.gather [hbm4b:s7+s3], $0x80, v4, vm0, $0xb8;
	[tilespmem:$0x1E700] =	vst v63  }
0x3d: {  	s15 =	simm.s32 $0x7700  }
0x3e: {  	[tilespmem:s15], [sflag:$0x1] =	stream.indirect_vreg.gather [hbm4b:s8+s3], $0x80, v4, vm0, $0xb8;
	[tilespmem:$0x1E700] =	vst v63  }
0x3f: {  	s17 =	simm.s32 $0x7F00  }
0x40: {  	[tilespmem:s17], [sflag:$0x1] =	stream.indirect_vreg.gather [hbm4b:s9+s3], $0x80, v4, vm0, $0xb8;
	[tilespmem:$0x1E700] =	vst v63  }
0x41: {  	v4 =	vld [tilespmem:$0x20];
	_ =	sdelay $0x4  }
0x42: {  	v5 =	vshll.u32 v4, $0x3  }
0x43: {  	v4 =	vand.u32 $0x7, v4;
	v5 =	vand.u32 $0xFFFFFFC0, v5  }
0x44: {  	v4 =	vor.u32 v4, v5  }
0x45: {  	v5 =	vperm.xlane v4, v0;
	_ =	sdelay $0x1  }
0x46: {  	v5 =	vadd.s32 v1, v5;
	_ =	sdelay $0x3  }
0x47: {  	s19 =	simm.s32 $0x8700  }
0x48: {  	[tilespmem:s19], [sflag:$0x1] =	stream.indirect_vreg.gather [hbm4b:s2+s3], $0x80, v5, vm0, $0xb8;
	[tilespmem:$0x1E700] =	vst v63  }
0x49: {  	s21 =	simm.s32 $0x8F00;
	v4 =	vperm.xlane v4, v2  }
0x4a: {  	[tilespmem:s21], [sflag:$0x1] =	stream.indirect_vreg.gather [hbm4b:s7+s3], $0x80, v5, vm0, $0xb8;
	[tilespmem:$0x1E700] =	vst v63  }
0x4b: {  	s22 =	simm.s32 $0x9700;
	v4 =	vadd.s32 v1, v4  }
0x4c: {  	[tilespmem:s22], [sflag:$0x1] =	stream.indirect_vreg.gather [hbm4b:s8+s3], $0x80, v5, vm0, $0xb8;
	[tilespmem:$0x1E700] =	vst v63  }
0x4d: {  	s25 =	simm.s32 $0x9F00  }
0x4e: {  	[tilespmem:s25], [sflag:$0x1] =	stream.indirect_vreg.gather [hbm4b:s9+s3], $0x80, v5, vm0, $0xb8;
	[tilespmem:$0x1E700] =	vst v63  }
0x4f: {  	s6 =	simm.s32 $0xA700  }
0x50: {  	[tilespmem:s6], [sflag:$0x1] =	stream.indirect_vreg.gather [hbm4b:s2+s3], $0x80, v4, vm0, $0xb8;
	[tilespmem:$0x1E700] =	vst v63  }
0x51: {  	s13 =	simm.s32 $0xAF00  }
0x52: {  	[tilespmem:s13], [sflag:$0x1] =	stream.indirect_vreg.gather [hbm4b:s7+s3], $0x80, v4, vm0, $0xb8;
	[tilespmem:$0x1E700] =	vst v63  }
0x53: {  	s15 =	simm.s32 $0xB700  }
0x54: {  	[tilespmem:s15], [sflag:$0x1] =	stream.indirect_vreg.gather [hbm4b:s8+s3], $0x80, v4, vm0, $0xb8;
	[tilespmem:$0x1E700] =	vst v63  }
0x55: {  	s17 =	simm.s32 $0xBF00  }
0x56: {  	[tilespmem:s17], [sflag:$0x1] =	stream.indirect_vreg.gather [hbm4b:s9+s3], $0x80, v4, vm0, $0xb8;
	[tilespmem:$0x1E700] =	vst v63  }
0x57: {  	v4 =	vld.msk [tilespmem:$0x30], $0xff;
	_ =	sdelay $0x4  }
0x58: {  	v5 =	vshll.u32 v4, $0x3  }
0x59: {  	v4 =	vand.u32 $0x7, v4;
	v5 =	vand.u32 $0xFFFFFFC0, v5  }
0x5a: {  	v4 =	vor.u32 v4, v5  }
0x5b: {  	v4 =	vperm.xlane v4, v0;
	_ =	sdelay $0x1  }
0x5c: {  	v4 =	vadd.s32 v1, v4;
	_ =	sdelay $0x3  }
0x5d: {  	s19 =	simm.s32 $0xC700  }
0x5e: {  	[tilespmem:s19], [sflag:$0x1] =	stream.indirect_vreg.gather [hbm4b:s2+s3], $0x80, v4, vm0, $0xb8;
	[tilespmem:$0x1E700] =	vst v63  }
0x5f: {  	s21 =	simm.s32 $0xCF00  }
0x60: {  	[tilespmem:s21], [sflag:$0x1] =	stream.indirect_vreg.gather [hbm4b:s7+s3], $0x80, v4, vm0, $0xb8;
	[tilespmem:$0x1E700] =	vst v63  }
0x61: {  	s22 =	simm.s32 $0xD700  }
0x62: {  	[tilespmem:s22], [sflag:$0x1] =	stream.indirect_vreg.gather [hbm4b:s8+s3], $0x80, v4, vm0, $0xb8;
	[tilespmem:$0x1E700] =	vst v63  }
0x63: {  	s25 =	simm.s32 $0xDF00;
	s19 =	simm.s32 $0x0  }
0x64: {  	[tilespmem:s25], [sflag:$0x1] =	stream.indirect_vreg.gather [hbm4b:s9+s3], $0x80, v4, vm0, $0xb8;
	[tilespmem:$0x1E700] =	vst v63  }
.LBB2_2:
0x65: {  	_ =	swait.ge [sflag:s20], $0xE000  }
0x66: {  	p0 =	seq.s32 s19, $0x0;
	[sflag:s20] =	ssyncset.done $0x0  }
0x67: {  	s0 =	simm.s32 @!p0 $0x2;
	[sflag:s20] =	ssyncadd.s32 $0xFFFF2000  }
0x68: {  	s6 =	smul.u32 $0x1C0, s19;
	_ =	swait.ge @!p0 [sflag:s0], $0xA800  }
0x69: {  	[sflag:s0] =	ssyncset.done @!p0 $0x0  }
0x6a: {  	s13 =	sshra.s32 s6, $0x2;
	[sflag:s0] =	ssyncadd.s32 @!p0 $0xFFFF5800  }
0x6b: {  	v4 =	vld [tilespmem:s13+$0x38];
	_ =	sdelay $0x4  }
0x6c: {  	v5 =	vshll.u32 v4, $0x3  }
0x6d: {  	v4 =	vand.u32 $0x7, v4;
	v5 =	vand.u32 $0xFFFFFFC0, v5  }
0x6e: {  	v4 =	vor.u32 v4, v5  }
0x6f: {  	v5 =	vperm.xlane v4, v0;
	_ =	sdelay $0x1  }
0x70: {  	v5 =	vadd.s32 v1, v5;
	_ =	sdelay $0x4  }
0x71: {  	[tilespmem:s28], [sflag:$0x1] =	stream.indirect_vreg.gather [hbm4b:s2+s3], $0x80, v5, vm0, $0xb8;
	[tilespmem:$0x1E700] =	vst v63  }
0x72: {  	s25 =	simm.s32 $0xEF00;
	v4 =	vperm.xlane v4, v2  }
0x73: {  	[tilespmem:s25], [sflag:$0x1] =	stream.indirect_vreg.gather [hbm4b:s7+s3], $0x80, v5, vm0, $0xb8;
	[tilespmem:$0x1E700] =	vst v63  }
0x74: {  	s6 =	simm.s32 $0xF700;
	v4 =	vadd.s32 v1, v4  }
0x75: {  	[tilespmem:s6], [sflag:$0x1] =	stream.indirect_vreg.gather [hbm4b:s8+s3], $0x80, v5, vm0, $0xb8;
	[tilespmem:$0x1E700] =	vst v63  }
0x76: {  	s15 =	simm.s32 $0xFF00  }
0x77: {  	[tilespmem:s15], [sflag:$0x1] =	stream.indirect_vreg.gather [hbm4b:s9+s3], $0x80, v5, vm0, $0xb8;
	[tilespmem:$0x1E700] =	vst v63  }
0x78: {  	_ = 	snop  }
0x79: {  	[tilespmem:s30], [sflag:$0x1] =	stream.indirect_vreg.gather [hbm4b:s2+s3], $0x80, v4, vm0, $0xb8;
	[tilespmem:$0x1E700] =	vst v63  }
0x7a: {  	s17 =	simm.s32 $0x10F00  }
0x7b: {  	[tilespmem:s17], [sflag:$0x1] =	stream.indirect_vreg.gather [hbm4b:s7+s3], $0x80, v4, vm0, $0xb8;
	[tilespmem:$0x1E700] =	vst v63  }
0x7c: {  	s21 =	simm.s32 $0x11700  }
0x7d: {  	[tilespmem:s21], [sflag:$0x1] =	stream.indirect_vreg.gather [hbm4b:s8+s3], $0x80, v4, vm0, $0xb8;
	[tilespmem:$0x1E700] =	vst v63  }
0x7e: {  	s22 =	simm.s32 $0x11F00  }
0x7f: {  	[tilespmem:s22], [sflag:$0x1] =	stream.indirect_vreg.gather [hbm4b:s9+s3], $0x80, v4, vm0, $0xb8;
	[tilespmem:$0x1E700] =	vst v63  }
0x80: {  	v4 =	vld [tilespmem:s13+$0x48];
	_ =	sdelay $0x4  }
0x81: {  	v5 =	vshll.u32 v4, $0x3  }
0x82: {  	v4 =	vand.u32 $0x7, v4;
	v5 =	vand.u32 $0xFFFFFFC0, v5  }
0x83: {  	v4 =	vor.u32 v4, v5  }
0x84: {  	v5 =	vperm.xlane v4, v0;
	_ =	sdelay $0x1  }
0x85: {  	v5 =	vadd.s32 v1, v5;
	_ =	sdelay $0x3  }
0x86: {  	s25 =	simm.s32 $0x12700  }
0x87: {  	[tilespmem:s25], [sflag:$0x1] =	stream.indirect_vreg.gather [hbm4b:s2+s3], $0x80, v5, vm0, $0xb8;
	[tilespmem:$0x1E700] =	vst v63  }
0x88: {  	s6 =	simm.s32 $0x12F00;
	v4 =	vperm.xlane v4, v2  }
0x89: {  	[tilespmem:s6], [sflag:$0x1] =	stream.indirect_vreg.gather [hbm4b:s7+s3], $0x80, v5, vm0, $0xb8;
	[tilespmem:$0x1E700] =	vst v63  }
0x8a: {  	s15 =	simm.s32 $0x13700;
	v4 =	vadd.s32 v1, v4  }
0x8b: {  	[tilespmem:s15], [sflag:$0x1] =	stream.indirect_vreg.gather [hbm4b:s8+s3], $0x80, v5, vm0, $0xb8;
	[tilespmem:$0x1E700] =	vst v63  }
0x8c: {  	s17 =	simm.s32 $0x13F00  }
0x8d: {  	[tilespmem:s17], [sflag:$0x1] =	stream.indirect_vreg.gather [hbm4b:s9+s3], $0x80, v5, vm0, $0xb8;
	[tilespmem:$0x1E700] =	vst v63  }
0x8e: {  	s21 =	simm.s32 $0x14700  }
0x8f: {  	[tilespmem:s21], [sflag:$0x1] =	stream.indirect_vreg.gather [hbm4b:s2+s3], $0x80, v4, vm0, $0xb8;
	[tilespmem:$0x1E700] =	vst v63  }
0x90: {  	s22 =	simm.s32 $0x14F00  }
0x91: {  	[tilespmem:s22], [sflag:$0x1] =	stream.indirect_vreg.gather [hbm4b:s7+s3], $0x80, v4, vm0, $0xb8;
	[tilespmem:$0x1E700] =	vst v63  }
0x92: {  	s25 =	simm.s32 $0x15700  }
0x93: {  	[tilespmem:s25], [sflag:$0x1] =	stream.indirect_vreg.gather [hbm4b:s8+s3], $0x80, v4, vm0, $0xb8;
	[tilespmem:$0x1E700] =	vst v63  }
0x94: {  	s6 =	simm.s32 $0x15F00  }
0x95: {  	[tilespmem:s6], [sflag:$0x1] =	stream.indirect_vreg.gather [hbm4b:s9+s3], $0x80, v4, vm0, $0xb8;
	[tilespmem:$0x1E700] =	vst v63  }
0x96: {  	v4 =	vld [tilespmem:s13+$0x58];
	_ =	sdelay $0x4  }
0x97: {  	v5 =	vshll.u32 v4, $0x3  }
0x98: {  	v4 =	vand.u32 $0x7, v4;
	v5 =	vand.u32 $0xFFFFFFC0, v5  }
0x99: {  	v4 =	vor.u32 v4, v5  }
0x9a: {  	v5 =	vperm.xlane v4, v0;
	_ =	sdelay $0x1  }
0x9b: {  	v5 =	vadd.s32 v1, v5;
	_ =	sdelay $0x4  }
0x9c: {  	[tilespmem:s23], [sflag:$0x1] =	stream.indirect_vreg.gather [hbm4b:s2+s3], $0x80, v5, vm0, $0xb8;
	[tilespmem:$0x1E700] =	vst v63  }
0x9d: {  	s15 =	simm.s32 $0x16F00;
	v4 =	vperm.xlane v4, v2  }
0x9e: {  	[tilespmem:s15], [sflag:$0x1] =	stream.indirect_vreg.gather [hbm4b:s7+s3], $0x80, v5, vm0, $0xb8;
	[tilespmem:$0x1E700] =	vst v63  }
0x9f: {  	s17 =	simm.s32 $0x17700;
	v4 =	vadd.s32 v1, v4  }
0xa0: {  	[tilespmem:s17], [sflag:$0x1] =	stream.indirect_vreg.gather [hbm4b:s8+s3], $0x80, v5, vm0, $0xb8;
	[tilespmem:$0x1E700] =	vst v63  }
0xa1: {  	s21 =	simm.s32 $0x17F00  }
0xa2: {  	[tilespmem:s21], [sflag:$0x1] =	stream.indirect_vreg.gather [hbm4b:s9+s3], $0x80, v5, vm0, $0xb8;
	[tilespmem:$0x1E700] =	vst v63  }
0xa3: {  	_ = 	snop  }
0xa4: {  	[tilespmem:s31], [sflag:$0x1] =	stream.indirect_vreg.gather [hbm4b:s2+s3], $0x80, v4, vm0, $0xb8;
	[tilespmem:$0x1E700] =	vst v63  }
0xa5: {  	s22 =	simm.s32 $0x18F00  }
0xa6: {  	[tilespmem:s22], [sflag:$0x1] =	stream.indirect_vreg.gather [hbm4b:s7+s3], $0x80, v4, vm0, $0xb8;
	[tilespmem:$0x1E700] =	vst v63  }
0xa7: {  	s25 =	simm.s32 $0x19700  }
0xa8: {  	[tilespmem:s25], [sflag:$0x1] =	stream.indirect_vreg.gather [hbm4b:s8+s3], $0x80, v4, vm0, $0xb8;
	[tilespmem:$0x1E700] =	vst v63  }
0xa9: {  	s6 =	simm.s32 $0x19F00  }
0xaa: {  	[tilespmem:s6], [sflag:$0x1] =	stream.indirect_vreg.gather [hbm4b:s9+s3], $0x80, v4, vm0, $0xb8;
	[tilespmem:$0x1E700] =	vst v63  }
0xab: {  	v4 =	vld.msk [tilespmem:s13+$0x68], $0xff;
	_ =	sdelay $0x4  }
0xac: {  	v5 =	vshll.u32 v4, $0x3  }
0xad: {  	v4 =	vand.u32 $0x7, v4;
	v5 =	vand.u32 $0xFFFFFFC0, v5  }
0xae: {  	v4 =	vor.u32 v4, v5  }
0xaf: {  	v4 =	vperm.xlane v4, v0;
	_ =	sdelay $0x1  }
0xb0: {  	v4 =	vadd.s32 v1, v4;
	_ =	sdelay $0x3  }
0xb1: {  	s15 =	simm.s32 $0x1A700  }
0xb2: {  	[tilespmem:s15], [sflag:$0x1] =	stream.indirect_vreg.gather [hbm4b:s2+s3], $0x80, v4, vm0, $0xb8;
	[tilespmem:$0x1E700] =	vst v63  }
0xb3: {  	s17 =	simm.s32 $0x1AF00  }
0xb4: {  	[tilespmem:s17], [sflag:$0x1] =	stream.indirect_vreg.gather [hbm4b:s7+s3], $0x80, v4, vm0, $0xb8;
	[tilespmem:$0x1E700] =	vst v63  }
0xb5: {  	s17 =	sshll.u32 s19, $0x1  }
0xb6: {  	s21 =	simm.s32 $0x1B700;
	s22 =	sor.u32 s5, s17  }
0xb7: {  	[tilespmem:s21], [sflag:$0x1] =	stream.indirect_vreg.gather [hbm4b:s8+s3], $0x80, v4, vm0, $0xb8;
	[tilespmem:$0x1E700] =	vst v63  }
0xb8: {  	s25 =	simm.s32 $0x1BF00;
	s0 =	smul.u32 $0xE000, s22  }
0xb9: {  	[tilespmem:s25], [sflag:$0x1] =	stream.indirect_vreg.gather [hbm4b:s9+s3], $0x80, v4, vm0, $0xb8;
	[tilespmem:$0x1E700] =	vst v63  }
0xba: {  	s25 =	sshrl.u32 s0, $0x3  }
0xbb: {  	s6 =	simm.s32 $0x700;
	s21 =	sadd.s32 s4, s25  }
0xbc: {  	[hbm4b:s21+s3] =	stream.linear.scatter [tilespmem:s6], [sflag:$0x2], $0x1C00, $0x38;
	[tilespmem:$0x1E700] =	vst v63  }
0xbd: {  	s22 =	simm.s32 $0x2700;
	s15 =	sadd.s32 $0x400, s21  }
0xbe: {  	[hbm4b:s15+s3] =	stream.linear.scatter [tilespmem:s22], [sflag:$0x2], $0x1C00, $0x38;
	[tilespmem:$0x1E700] =	vst v63  }
0xbf: {  	s15 =	sadd.s32 $0x800, s21;
	s22 =	simm.s32 $0x4700  }
0xc0: {  	[hbm4b:s15+s3] =	stream.linear.scatter [tilespmem:s22], [sflag:$0x2], $0x1C00, $0x38;
	[tilespmem:$0x1E700] =	vst v63  }
0xc1: {  	s15 =	sadd.s32 $0xC00, s21;
	s22 =	simm.s32 $0x6700  }
0xc2: {  	[hbm4b:s15+s3] =	stream.linear.scatter [tilespmem:s22], [sflag:$0x2], $0x1C00, $0x38;
	[tilespmem:$0x1E700] =	vst v63  }
0xc3: {  	s15 =	sadd.s32 $0x1000, s21;
	s22 =	simm.s32 $0x8700  }
0xc4: {  	[hbm4b:s15+s3] =	stream.linear.scatter [tilespmem:s22], [sflag:$0x2], $0x1C00, $0x38;
	[tilespmem:$0x1E700] =	vst v63  }
0xc5: {  	s0 =	simm.s32 @!p0 $0x3;
	s6 =	sadd.s32 $0x1400, s21;
	s15 =	simm.s32 $0xA700  }
0xc6: {  	[hbm4b:s6+s3] =	stream.linear.scatter [tilespmem:s15], [sflag:$0x2], $0x1C00, $0x38;
	[tilespmem:$0x1E700] =	vst v63  }
0xc7: {  	_ =	swait.ge @!p0 [sflag:s0], $0x1800  }
0xc8: {  	s30 =	simm.s32 $0x0;
	[sflag:s0] =	ssyncset.done @!p0 $0x0  }
0xc9: {  	s22 =	sand.u32 $0x7, s30;
	[sflag:s0] =	ssyncadd.s32 @!p0 $0xFFFFE800  }
0xca: {  	s6 =	sshll.u32 s22, $0x7;
	_ =	swait.ge @!p0 [sflag:s0], $0x800  }
0xcb: {  	s22 =	sadd.s32 $0x0, s6;
	[sflag:s0] =	ssyncset.done @!p0 $0x0  }
0xcc: {  	s6 =	sor.u32 $0x1C00, s22;
	[sflag:s0] =	ssyncadd.s32 @!p0 $0xFFFFF800  }
0xcd: {  	v4 =	vld [tilespmem:s6+$0x700];
	_ =	sdelay $0x3  }
0xce: {  	s6 =	simm.s32 $0x1C730  }
0xcf: {  	s15 =	sor.u32 $0x1C10, s22;
	[tilespmem:s6+$0xFFFFFFD0] =	vst v4  }
0xd0: {  	v4 =	vld [tilespmem:s15+$0x700];
	_ =	sdelay $0x4  }
0xd1: {  	s15 =	sor.u32 $0x1C20, s22;
	[tilespmem:s6+$0xFFFFFFE0] =	vst v4  }
0xd2: {  	v4 =	vld [tilespmem:s15+$0x700];
	_ =	sdelay $0x4  }
0xd3: {  	s15 =	sor.u32 $0x1C30, s22;
	[tilespmem:s6+$0xFFFFFFF0] =	vst v4  }
0xd4: {  	v4 =	vld [tilespmem:s15+$0x700];
	_ =	sdelay $0x4  }
0xd5: {  	s15 =	sor.u32 $0x1C40, s22;
	[tilespmem:s6+$0x0] =	vst v4  }
0xd6: {  	v4 =	vld [tilespmem:s15+$0x700];
	_ =	sdelay $0x4  }
0xd7: {  	s15 =	sor.u32 $0x1C50, s22;
	[tilespmem:s6+$0x10] =	vst v4  }
0xd8: {  	v4 =	vld [tilespmem:s15+$0x700];
	_ =	sdelay $0x4  }
0xd9: {  	s22 =	sor.u32 $0x1C60, s22;
	[tilespmem:s6+$0x20] =	vst v4  }
0xda: {  	v5 =	vld.msk [tilespmem:s22+$0x700], $0xff;
	_ =	sdelay $0x3  }
0xdb: {  	s22 =	simm.s32 $0x1  }
0xdc: {  	s28 =	simm.s32 $0x100;
	v4 =	vperm.xlane v4, v3;
	s0 =	sand.u32 $0x7, s22;
	v5 =	vperm.xlane v5, v3  }
.LBB2_3:
0xdd: {  	p0 =	sne.s32 s28, $0x1780;
	s0 =	sshll.u32 s0, $0x7;
	s30 =	sadd.s32 $0x400, s30  }
0xde: {  	s0 =	sadd.s32 s0, s30;
	v4 =	vsel vm1, v4, v5  }
0xdf: {  	s15 =	sor.u32 $0x1C00, s0;
	[tilespmem:s6+$0x28] =	vst v4  }
0xe0: {  	v4 =	vld [tilespmem:s15+$0x700];
	_ =	sdelay $0x3  }
0xe1: {  	s6 =	sadd.s32 $0x80, s6  }
0xe2: {  	s15 =	sor.u32 $0x1C10, s0;
	[tilespmem:s6+$0xFFFFFFD0] =	vst v4  }
0xe3: {  	v4 =	vld [tilespmem:s15+$0x700];
	_ =	sdelay $0x4  }
0xe4: {  	s15 =	sor.u32 $0x1C20, s0;
	[tilespmem:s6+$0xFFFFFFE0] =	vst v4  }
0xe5: {  	v4 =	vld [tilespmem:s15+$0x700];
	_ =	sdelay $0x4  }
0xe6: {  	s15 =	sor.u32 $0x1C30, s0;
	[tilespmem:s6+$0xFFFFFFF0] =	vst v4  }
0xe7: {  	v4 =	vld [tilespmem:s15+$0x700];
	_ =	sdelay $0x4  }
0xe8: {  	s15 =	sor.u32 $0x1C40, s0;
	[tilespmem:s6+$0x0] =	vst v4  }
0xe9: {  	v4 =	vld [tilespmem:s15+$0x700];
	_ =	sdelay $0x4  }
0xea: {  	s15 =	sor.u32 $0x1C50, s0;
	[tilespmem:s6+$0x10] =	vst v4  }
0xeb: {  	v4 =	vld [tilespmem:s15+$0x700];
	_ =	sdelay $0x4  }
0xec: {  	s0 =	sor.u32 $0x1C60, s0;
	[tilespmem:s6+$0x20] =	vst v4;
	v4 =	vperm.xlane v4, v3  }
0xed: {  	v5 =	vld.msk [tilespmem:s0+$0x700], $0xff  }
.Ltmp0:
0xee: {  	(pc) =	sbr.rel @p0 .LBB2_3-.Ltmp0, $3  }
0xef: {  	_ =	sdelay $0x1  }
0xf0: {  	s22 =	sadd.s32 $0x1, s22  }
0xf1: {  	s28 =	sadd.s32 $0x80, s28;
	s0 =	sand.u32 $0x7, s22;
	v5 =	vperm.xlane v5, v3  }
0xf2: {  	s0 =	sshll.u32 s0, $0x7;
	s15 =	sadd.s32 $0x400, s30  }
0xf3: {  	s0 =	sadd.s32 s0, s15;
	v4 =	vsel vm1, v4, v5  }
0xf4: {  	s15 =	sor.u32 $0x1C00, s0;
	[tilespmem:s6+$0x28] =	vst v4  }
0xf5: {  	v4 =	vld [tilespmem:s15+$0x700];
	_ =	sdelay $0x3  }
0xf6: {  	s6 =	sadd.s32 $0x80, s6  }
0xf7: {  	s30 =	sor.u32 $0x1C10, s0;
	[tilespmem:s6+$0xFFFFFFD0] =	vst v4  }
0xf8: {  	v4 =	vld [tilespmem:s30+$0x700];
	_ =	sdelay $0x4  }
0xf9: {  	s22 =	sor.u32 $0x1C20, s0;
	[tilespmem:s6+$0xFFFFFFE0] =	vst v4  }
0xfa: {  	v4 =	vld [tilespmem:s22+$0x700];
	_ =	sdelay $0x4  }
0xfb: {  	s28 =	sor.u32 $0x1C30, s0;
	[tilespmem:s6+$0xFFFFFFF0] =	vst v4  }
0xfc: {  	v4 =	vld [tilespmem:s28+$0x700];
	_ =	sdelay $0x4  }
0xfd: {  	s30 =	sor.u32 $0x1C40, s0;
	[tilespmem:s6+$0x0] =	vst v4  }
0xfe: {  	v4 =	vld [tilespmem:s30+$0x700];
	_ =	sdelay $0x4  }
0xff: {  	s22 =	sor.u32 $0x1C50, s0;
	[tilespmem:s6+$0x10] =	vst v4  }
0x100: {  	v4 =	vld [tilespmem:s22+$0x700];
	_ =	sdelay $0x4  }
0x101: {  	s0 =	sor.u32 $0x1C60, s0;
	[tilespmem:s6+$0x20] =	vst v4  }
0x102: {  	v5 =	vld.msk [tilespmem:s0+$0x700], $0xff;
	_ =	sdelay $0x4  }
0x103: {  	v4 =	vperm.xlane v4, v3;
	v5 =	vperm.xlane v5, v3;
	_ =	sdelay $0x1  }
0x104: {  	v4 =	vsel vm1, v4, v5  }
0x105: {  	[tilespmem:s6+$0x28] =	vst v4  }
0x106: {  	v4 =	vld [tilespmem:$0xC700]  }
0x107: {  	v5 =	vld [tilespmem:$0xC710]  }
0x108: {  	v6 =	vld [tilespmem:$0xC720]  }
0x109: {  	v7 =	vld [tilespmem:$0xC730]  }
0x10a: {  	v8 =	vld [tilespmem:$0xC740]  }
0x10b: {  	[tilespmem:$0x1DF00] =	vst v4;
	v4 =	vld [tilespmem:$0xC750]  }
0x10c: {  	[tilespmem:$0x1DF10] =	vst v5;
	v5 =	vld [tilespmem:$0xC760]  }
0x10d: {  	v46 =	vld [tilespmem:$0xC770];
	[tilespmem:$0x1DF20] =	vst v6  }
0x10e: {  	v47 =	vld [tilespmem:$0xCB00];
	[tilespmem:$0x1DF30] =	vst v7  }
0x10f: {  	v48 =	vld [tilespmem:$0xCB10];
	[tilespmem:$0x1DF40] =	vst v8  }
0x110: {  	[tilespmem:$0x1DF50] =	vst v4;
	v4 =	vld [tilespmem:$0xCB20]  }
0x111: {  	[tilespmem:$0x1DF60] =	vst v5;
	v5 =	vld [tilespmem:$0xCB30]  }
0x112: {  	v49 =	vld [tilespmem:$0xCB40];
	[tilespmem:$0x1DF70] =	vst v46  }
0x113: {  	v50 =	vld [tilespmem:$0xCB50];
	[tilespmem:$0x1E000] =	vst v47  }
0x114: {  	v51 =	vld [tilespmem:$0xCB60];
	[tilespmem:$0x1E010] =	vst v48  }
0x115: {  	[tilespmem:$0x1E020] =	vst v4;
	v4 =	vld [tilespmem:$0xCB70]  }
0x116: {  	[tilespmem:$0x1E030] =	vst v5;
	v5 =	vld [tilespmem:$0xCF00]  }
0x117: {  	v52 =	vld [tilespmem:$0xCF10];
	[tilespmem:$0x1E040] =	vst v49  }
0x118: {  	v53 =	vld [tilespmem:$0xCF20];
	[tilespmem:$0x1E050] =	vst v50  }
0x119: {  	v54 =	vld [tilespmem:$0xCF30];
	[tilespmem:$0x1E060] =	vst v51  }
0x11a: {  	[tilespmem:$0x1E070] =	vst v4;
	v4 =	vld [tilespmem:$0xCF40]  }
0x11b: {  	[tilespmem:$0x1E100] =	vst v5;
	v5 =	vld [tilespmem:$0xCF50]  }
0x11c: {  	v55 =	vld [tilespmem:$0xCF60];
	[tilespmem:$0x1E110] =	vst v52  }
0x11d: {  	v56 =	vld [tilespmem:$0xCF70];
	[tilespmem:$0x1E120] =	vst v53  }
0x11e: {  	v57 =	vld [tilespmem:$0xD300];
	[tilespmem:$0x1E130] =	vst v54  }
0x11f: {  	[tilespmem:$0x1E140] =	vst v4;
	v4 =	vld [tilespmem:$0xD310]  }
0x120: {  	[tilespmem:$0x1E150] =	vst v5;
	v5 =	vld [tilespmem:$0xD320]  }
0x121: {  	v58 =	vld [tilespmem:$0xD330];
	[tilespmem:$0x1E160] =	vst v55  }
0x122: {  	v59 =	vld [tilespmem:$0xD340];
	[tilespmem:$0x1E170] =	vst v56  }
0x123: {  	v60 =	vld [tilespmem:$0xD350];
	[tilespmem:$0x1E200] =	vst v57  }
0x124: {  	[tilespmem:$0x1E210] =	vst v4;
	v4 =	vld [tilespmem:$0xD360]  }
0x125: {  	[tilespmem:$0x1E220] =	vst v5;
	v5 =	vld [tilespmem:$0xD370]  }
0x126: {  	v61 =	vld [tilespmem:$0xD700];
	[tilespmem:$0x1E230] =	vst v58  }
0x127: {  	v62 =	vld [tilespmem:$0xD710];
	[tilespmem:$0x1E240] =	vst v59  }
0x128: {  	v63 =	vld [tilespmem:$0xD720];
	[tilespmem:$0x1E250] =	vst v60  }
0x129: {  	[tilespmem:$0x1E260] =	vst v4;
	v4 =	vld [tilespmem:$0xD730]  }
0x12a: {  	[tilespmem:$0x1E270] =	vst v5;
	v5 =	vld [tilespmem:$0xD740]  }
0x12b: {  	v12 =	vld [tilespmem:$0xD750];
	[tilespmem:$0x1E300] =	vst v61  }
0x12c: {  	v13 =	vld [tilespmem:$0xD760];
	[tilespmem:$0x1E310] =	vst v62  }
0x12d: {  	v14 =	vld [tilespmem:$0xD770];
	[tilespmem:$0x1E320] =	vst v63  }
0x12e: {  	[tilespmem:$0x1E330] =	vst v4;
	v4 =	vld [tilespmem:$0xDB00]  }
0x12f: {  	[tilespmem:$0x1E340] =	vst v5;
	v5 =	vld [tilespmem:$0xDB10]  }
0x130: {  	v15 =	vld [tilespmem:$0xDB20];
	[tilespmem:$0x1E350] =	vst v12  }
0x131: {  	v16 =	vld [tilespmem:$0xDB30];
	[tilespmem:$0x1E360] =	vst v13  }
0x132: {  	v17 =	vld [tilespmem:$0xDB40];
	[tilespmem:$0x1E370] =	vst v14  }
0x133: {  	[tilespmem:$0x1E400] =	vst v4;
	v4 =	vld [tilespmem:$0xDB50]  }
0x134: {  	[tilespmem:$0x1E410] =	vst v5;
	v5 =	vld [tilespmem:$0xDB60]  }
0x135: {  	v18 =	vld [tilespmem:$0xDB70];
	[tilespmem:$0x1E420] =	vst v15  }
0x136: {  	v19 =	vld [tilespmem:$0xDF00];
	[tilespmem:$0x1E430] =	vst v16  }
0x137: {  	v20 =	vld [tilespmem:$0xDF10];
	[tilespmem:$0x1E440] =	vst v17  }
0x138: {  	[tilespmem:$0x1E450] =	vst v4;
	v4 =	vld [tilespmem:$0xDF20]  }
0x139: {  	[tilespmem:$0x1E460] =	vst v5;
	v5 =	vld [tilespmem:$0xDF30]  }
0x13a: {  	v21 =	vld [tilespmem:$0xDF40];
	[tilespmem:$0x1E470] =	vst v18  }
0x13b: {  	v22 =	vld [tilespmem:$0xDF50];
	[tilespmem:$0x1E500] =	vst v19  }
0x13c: {  	v23 =	vld [tilespmem:$0xDF60];
	[tilespmem:$0x1E510] =	vst v20  }
0x13d: {  	[tilespmem:$0x1E520] =	vst v4;
	v4 =	vld [tilespmem:$0xDF70]  }
0x13e: {  	[tilespmem:$0x1E530] =	vst v5;
	v5 =	vld [tilespmem:$0xE300]  }
0x13f: {  	v24 =	vld [tilespmem:$0xE310];
	[tilespmem:$0x1E540] =	vst v21  }
0x140: {  	v25 =	vld [tilespmem:$0xE320];
	[tilespmem:$0x1E550] =	vst v22  }
0x141: {  	v26 =	vld [tilespmem:$0xE330];
	[tilespmem:$0x1E560] =	vst v23  }
0x142: {  	[tilespmem:$0x1E570] =	vst v4;
	v4 =	vld [tilespmem:$0xE340]  }
0x143: {  	[tilespmem:$0x1E600] =	vst v5;
	v5 =	vld [tilespmem:$0xE350]  }
0x144: {  	v27 =	vld.msk [tilespmem:$0xE360], $0xff;
	[tilespmem:$0x1E610] =	vst v24  }
0x145: {  	[tilespmem:$0x1E620] =	vst v25  }
0x146: {  	[tilespmem:$0x1E630] =	vst v26  }
0x147: {  	[tilespmem:$0x1E640] =	vst v4  }
0x148: {  	[tilespmem:$0x1E650] =	vst v5  }
0x149: {  	[tilespmem:s24+$0x0] =	vst.msk $0xff, v27  }
0x14a: {  	v4 =	vld [tilespmem:$0xC780]  }
0x14b: {  	v5 =	vld [tilespmem:$0xC790]  }
0x14c: {  	v6 =	vld [tilespmem:$0xC7A0]  }
0x14d: {  	v28 =	vld [tilespmem:$0xC7B0]  }
0x14e: {  	v29 =	vld [tilespmem:$0xC7C0]  }
0x14f: {  	[tilespmem:$0x1DF80] =	vst v4;
	v4 =	vld [tilespmem:$0xC7D0]  }
0x150: {  	[tilespmem:$0x1DF90] =	vst v5;
	v5 =	vld [tilespmem:$0xC7E0]  }
0x151: {  	v30 =	vld [tilespmem:$0xC7F0];
	[tilespmem:$0x1DFA0] =	vst v6  }
0x152: {  	v31 =	vld [tilespmem:$0xCB80];
	[tilespmem:$0x1DFB0] =	vst v28  }
0x153: {  	v32 =	vld [tilespmem:$0xCB90];
	[tilespmem:$0x1DFC0] =	vst v29  }
0x154: {  	[tilespmem:$0x1DFD0] =	vst v4;
	v4 =	vld [tilespmem:$0xCBA0]  }
0x155: {  	[tilespmem:$0x1DFE0] =	vst v5;
	v5 =	vld [tilespmem:$0xCBB0]  }
0x156: {  	v33 =	vld [tilespmem:$0xCBC0];
	[tilespmem:$0x1DFF0] =	vst v30  }
0x157: {  	v34 =	vld [tilespmem:$0xCBD0];
	[tilespmem:$0x1E080] =	vst v31  }
0x158: {  	v35 =	vld [tilespmem:$0xCBE0];
	[tilespmem:$0x1E090] =	vst v32  }
0x159: {  	[tilespmem:$0x1E0A0] =	vst v4;
	v4 =	vld [tilespmem:$0xCBF0]  }
0x15a: {  	[tilespmem:$0x1E0B0] =	vst v5;
	v5 =	vld [tilespmem:$0xCF80]  }
0x15b: {  	v36 =	vld [tilespmem:$0xCF90];
	[tilespmem:$0x1E0C0] =	vst v33  }
0x15c: {  	v37 =	vld [tilespmem:$0xCFA0];
	[tilespmem:$0x1E0D0] =	vst v34  }
0x15d: {  	v38 =	vld [tilespmem:$0xCFB0];
	[tilespmem:$0x1E0E0] =	vst v35  }
0x15e: {  	[tilespmem:$0x1E0F0] =	vst v4;
	v4 =	vld [tilespmem:$0xCFC0]  }
0x15f: {  	[tilespmem:$0x1E180] =	vst v5;
	v5 =	vld [tilespmem:$0xCFD0]  }
0x160: {  	v39 =	vld [tilespmem:$0xCFE0];
	[tilespmem:$0x1E190] =	vst v36  }
0x161: {  	v40 =	vld [tilespmem:$0xCFF0];
	[tilespmem:$0x1E1A0] =	vst v37  }
0x162: {  	v41 =	vld [tilespmem:$0xD380];
	[tilespmem:$0x1E1B0] =	vst v38  }
0x163: {  	[tilespmem:$0x1E1C0] =	vst v4;
	v4 =	vld [tilespmem:$0xD390]  }
0x164: {  	[tilespmem:$0x1E1D0] =	vst v5;
	v5 =	vld [tilespmem:$0xD3A0]  }
0x165: {  	v42 =	vld [tilespmem:$0xD3B0];
	[tilespmem:$0x1E1E0] =	vst v39  }
0x166: {  	v43 =	vld [tilespmem:$0xD3C0];
	[tilespmem:$0x1E1F0] =	vst v40  }
0x167: {  	v44 =	vld [tilespmem:$0xD3D0];
	[tilespmem:$0x1E280] =	vst v41  }
0x168: {  	[tilespmem:$0x1E290] =	vst v4;
	v4 =	vld [tilespmem:$0xD3E0]  }
0x169: {  	[tilespmem:$0x1E2A0] =	vst v5;
	v5 =	vld [tilespmem:$0xD3F0]  }
0x16a: {  	v45 =	vld [tilespmem:$0xD780];
	[tilespmem:$0x1E2B0] =	vst v42  }
0x16b: {  	v46 =	vld [tilespmem:$0xD790];
	[tilespmem:$0x1E2C0] =	vst v43  }
0x16c: {  	v47 =	vld [tilespmem:$0xD7A0];
	[tilespmem:$0x1E2D0] =	vst v44  }
0x16d: {  	[tilespmem:$0x1E2E0] =	vst v4;
	v4 =	vld [tilespmem:$0xD7B0]  }
0x16e: {  	[tilespmem:$0x1E2F0] =	vst v5;
	v5 =	vld [tilespmem:$0xD7C0]  }
0x16f: {  	v48 =	vld [tilespmem:$0xD7D0];
	[tilespmem:$0x1E380] =	vst v45  }
0x170: {  	v49 =	vld [tilespmem:$0xD7E0];
	[tilespmem:$0x1E390] =	vst v46  }
0x171: {  	v50 =	vld [tilespmem:$0xD7F0];
	[tilespmem:$0x1E3A0] =	vst v47  }
0x172: {  	[tilespmem:$0x1E3B0] =	vst v4;
	v4 =	vld [tilespmem:$0xDB80]  }
0x173: {  	[tilespmem:$0x1E3C0] =	vst v5;
	v5 =	vld [tilespmem:$0xDB90]  }
0x174: {  	v51 =	vld [tilespmem:$0xDBA0];
	[tilespmem:$0x1E3D0] =	vst v48  }
0x175: {  	v52 =	vld [tilespmem:$0xDBB0];
	[tilespmem:$0x1E3E0] =	vst v49  }
0x176: {  	v53 =	vld [tilespmem:$0xDBC0];
	[tilespmem:$0x1E3F0] =	vst v50  }
0x177: {  	[tilespmem:$0x1E480] =	vst v4;
	v4 =	vld [tilespmem:$0xDBD0]  }
0x178: {  	[tilespmem:$0x1E490] =	vst v5;
	v5 =	vld [tilespmem:$0xDBE0]  }
0x179: {  	v54 =	vld [tilespmem:$0xDBF0];
	[tilespmem:$0x1E4A0] =	vst v51  }
0x17a: {  	v55 =	vld [tilespmem:$0xDF80];
	[tilespmem:$0x1E4B0] =	vst v52  }
0x17b: {  	v56 =	vld [tilespmem:$0xDF90];
	[tilespmem:$0x1E4C0] =	vst v53  }
0x17c: {  	[tilespmem:$0x1E4D0] =	vst v4;
	v4 =	vld [tilespmem:$0xDFA0]  }
0x17d: {  	[tilespmem:$0x1E4E0] =	vst v5;
	v5 =	vld [tilespmem:$0xDFB0]  }
0x17e: {  	v57 =	vld [tilespmem:$0xDFC0];
	[tilespmem:$0x1E4F0] =	vst v54  }
0x17f: {  	v58 =	vld [tilespmem:$0xDFD0];
	[tilespmem:$0x1E580] =	vst v55  }
0x180: {  	v59 =	vld [tilespmem:$0xDFE0];
	[tilespmem:$0x1E590] =	vst v56  }
0x181: {  	[tilespmem:$0x1E5A0] =	vst v4;
	v4 =	vld [tilespmem:$0xDFF0]  }
0x182: {  	[tilespmem:$0x1E5B0] =	vst v5;
	v5 =	vld [tilespmem:$0xE380]  }
0x183: {  	v60 =	vld [tilespmem:$0xE390];
	[tilespmem:$0x1E5C0] =	vst v57  }
0x184: {  	v61 =	vld [tilespmem:$0xE3A0];
	[tilespmem:$0x1E5D0] =	vst v58  }
0x185: {  	v62 =	vld [tilespmem:$0xE3B0];
	[tilespmem:$0x1E5E0] =	vst v59  }
0x186: {  	[tilespmem:$0x1E5F0] =	vst v4;
	v4 =	vld [tilespmem:$0xE3C0]  }
0x187: {  	[tilespmem:$0x1E680] =	vst v5;
	v5 =	vld [tilespmem:$0xE3D0]  }
0x188: {  	v63 =	vld.msk [tilespmem:$0xE3E0], $0xff;
	[tilespmem:$0x1E690] =	vst v60  }
0x189: {  	[tilespmem:$0x1E6A0] =	vst v61  }
0x18a: {  	[tilespmem:$0x1E6B0] =	vst v62  }
0x18b: {  	[tilespmem:$0x1E6C0] =	vst v4  }
0x18c: {  	[tilespmem:$0x1E6D0] =	vst v5  }
0x18d: {  	s28 =	sadd.s32 s25, s10;
	[tilespmem:s26+$0x0] =	vst.msk $0xff, v63  }
0x18e: {  	[hbm4b:s28+s29] =	stream.strided.scatter [tilespmem:s11], [sflag:$0x3], $0x1800, s1, s29, $0x38;
	[tilespmem:$0x1E700] =	vst v63  }
0x18f: {  	s30 =	sadd.s32 $0x1800, s21;
	s6 =	sor.u32 $0x1, s17  }
0x190: {  	[hbm4b:s30+s12] =	stream.strided.scatter [tilespmem:s14], [sflag:$0x3], $0x800, s29, s12, $0x38;
	[tilespmem:$0x1E700] =	vst v63  }
0x191: {  	p0 =	sgt.u32 s6, $0x1E;
	_ =	swait.ge [sflag:s20], $0xE000  }
.Ltmp1:
0x192: {  	[sflag:s20] =	ssyncset.done $0x0;
	(pc) =	sbr.rel @p0 .LBB2_6-.Ltmp1, $4  }
0x193: {  	[sflag:s20] =	ssyncadd.s32 $0xFFFF2000  }
0x194: {  	_ =	swait.ge [sflag:s16], $0xA800  }
0x195: {  	[sflag:s16] =	ssyncset.done $0x0  }
0x196: {  	[sflag:s16] =	ssyncadd.s32 $0xFFFF5800  }
0x197: {  	v4 =	vld [tilespmem:s13+$0x70];
	_ =	sdelay $0x4  }
0x198: {  	v5 =	vshll.u32 v4, $0x3  }
0x199: {  	v4 =	vand.u32 $0x7, v4;
	v5 =	vand.u32 $0xFFFFFFC0, v5  }
0x19a: {  	v4 =	vor.u32 v4, v5  }
0x19b: {  	v5 =	vperm.xlane v4, v0;
	_ =	sdelay $0x1  }
0x19c: {  	v5 =	vadd.s32 v1, v5;
	_ =	sdelay $0x3  }
0x19d: {  	s0 =	simm.s32 $0x700  }
0x19e: {  	[tilespmem:s0], [sflag:$0x1] =	stream.indirect_vreg.gather [hbm4b:s2+s3], $0x80, v5, vm0, $0xb8;
	[tilespmem:$0x1E700] =	vst v63  }
0x19f: {  	s17 =	simm.s32 $0xF00;
	v4 =	vperm.xlane v4, v2  }
0x1a0: {  	[tilespmem:s17], [sflag:$0x1] =	stream.indirect_vreg.gather [hbm4b:s7+s3], $0x80, v5, vm0, $0xb8;
	[tilespmem:$0x1E700] =	vst v63  }
0x1a1: {  	s21 =	simm.s32 $0x1700;
	v4 =	vadd.s32 v1, v4  }
0x1a2: {  	[tilespmem:s21], [sflag:$0x1] =	stream.indirect_vreg.gather [hbm4b:s8+s3], $0x80, v5, vm0, $0xb8;
	[tilespmem:$0x1E700] =	vst v63  }
0x1a3: {  	s22 =	simm.s32 $0x1F00  }
0x1a4: {  	[tilespmem:s22], [sflag:$0x1] =	stream.indirect_vreg.gather [hbm4b:s9+s3], $0x80, v5, vm0, $0xb8;
	[tilespmem:$0x1E700] =	vst v63  }
0x1a5: {  	s25 =	simm.s32 $0x2700  }
0x1a6: {  	[tilespmem:s25], [sflag:$0x1] =	stream.indirect_vreg.gather [hbm4b:s2+s3], $0x80, v4, vm0, $0xb8;
	[tilespmem:$0x1E700] =	vst v63  }
0x1a7: {  	s28 =	simm.s32 $0x2F00  }
0x1a8: {  	[tilespmem:s28], [sflag:$0x1] =	stream.indirect_vreg.gather [hbm4b:s7+s3], $0x80, v4, vm0, $0xb8;
	[tilespmem:$0x1E700] =	vst v63  }
0x1a9: {  	s30 =	simm.s32 $0x3700  }
0x1aa: {  	[tilespmem:s30], [sflag:$0x1] =	stream.indirect_vreg.gather [hbm4b:s8+s3], $0x80, v4, vm0, $0xb8;
	[tilespmem:$0x1E700] =	vst v63  }
0x1ab: {  	s15 =	simm.s32 $0x3F00  }
0x1ac: {  	[tilespmem:s15], [sflag:$0x1] =	stream.indirect_vreg.gather [hbm4b:s9+s3], $0x80, v4, vm0, $0xb8;
	[tilespmem:$0x1E700] =	vst v63  }
0x1ad: {  	v4 =	vld [tilespmem:s13+$0x80];
	_ =	sdelay $0x4  }
0x1ae: {  	v5 =	vshll.u32 v4, $0x3  }
0x1af: {  	v4 =	vand.u32 $0x7, v4;
	v5 =	vand.u32 $0xFFFFFFC0, v5  }
0x1b0: {  	v4 =	vor.u32 v4, v5  }
0x1b1: {  	v5 =	vperm.xlane v4, v0;
	_ =	sdelay $0x1  }
0x1b2: {  	v5 =	vadd.s32 v1, v5;
	_ =	sdelay $0x3  }
0x1b3: {  	s17 =	simm.s32 $0x4700  }
0x1b4: {  	[tilespmem:s17], [sflag:$0x1] =	stream.indirect_vreg.gather [hbm4b:s2+s3], $0x80, v5, vm0, $0xb8;
	[tilespmem:$0x1E700] =	vst v63  }
0x1b5: {  	s21 =	simm.s32 $0x4F00;
	v4 =	vperm.xlane v4, v2  }
0x1b6: {  	[tilespmem:s21], [sflag:$0x1] =	stream.indirect_vreg.gather [hbm4b:s7+s3], $0x80, v5, vm0, $0xb8;
	[tilespmem:$0x1E700] =	vst v63  }
0x1b7: {  	s22 =	simm.s32 $0x5700;
	v4 =	vadd.s32 v1, v4  }
0x1b8: {  	[tilespmem:s22], [sflag:$0x1] =	stream.indirect_vreg.gather [hbm4b:s8+s3], $0x80, v5, vm0, $0xb8;
	[tilespmem:$0x1E700] =	vst v63  }
0x1b9: {  	s25 =	simm.s32 $0x5F00  }
0x1ba: {  	[tilespmem:s25], [sflag:$0x1] =	stream.indirect_vreg.gather [hbm4b:s9+s3], $0x80, v5, vm0, $0xb8;
	[tilespmem:$0x1E700] =	vst v63  }
0x1bb: {  	s28 =	simm.s32 $0x6700  }
0x1bc: {  	[tilespmem:s28], [sflag:$0x1] =	stream.indirect_vreg.gather [hbm4b:s2+s3], $0x80, v4, vm0, $0xb8;
	[tilespmem:$0x1E700] =	vst v63  }
0x1bd: {  	s30 =	simm.s32 $0x6F00  }
0x1be: {  	[tilespmem:s30], [sflag:$0x1] =	stream.indirect_vreg.gather [hbm4b:s7+s3], $0x80, v4, vm0, $0xb8;
	[tilespmem:$0x1E700] =	vst v63  }
0x1bf: {  	s15 =	simm.s32 $0x7700  }
0x1c0: {  	[tilespmem:s15], [sflag:$0x1] =	stream.indirect_vreg.gather [hbm4b:s8+s3], $0x80, v4, vm0, $0xb8;
	[tilespmem:$0x1E700] =	vst v63  }
0x1c1: {  	s17 =	simm.s32 $0x7F00  }
0x1c2: {  	[tilespmem:s17], [sflag:$0x1] =	stream.indirect_vreg.gather [hbm4b:s9+s3], $0x80, v4, vm0, $0xb8;
	[tilespmem:$0x1E700] =	vst v63  }
0x1c3: {  	v4 =	vld [tilespmem:s13+$0x90];
	_ =	sdelay $0x4  }
0x1c4: {  	v5 =	vshll.u32 v4, $0x3  }
0x1c5: {  	v4 =	vand.u32 $0x7, v4;
	v5 =	vand.u32 $0xFFFFFFC0, v5  }
0x1c6: {  	v4 =	vor.u32 v4, v5  }
0x1c7: {  	v5 =	vperm.xlane v4, v0;
	_ =	sdelay $0x1  }
0x1c8: {  	v5 =	vadd.s32 v1, v5;
	_ =	sdelay $0x3  }
0x1c9: {  	s21 =	simm.s32 $0x8700  }
0x1ca: {  	[tilespmem:s21], [sflag:$0x1] =	stream.indirect_vreg.gather [hbm4b:s2+s3], $0x80, v5, vm0, $0xb8;
	[tilespmem:$0x1E700] =	vst v63  }
0x1cb: {  	s22 =	simm.s32 $0x8F00;
	v4 =	vperm.xlane v4, v2  }
0x1cc: {  	[tilespmem:s22], [sflag:$0x1] =	stream.indirect_vreg.gather [hbm4b:s7+s3], $0x80, v5, vm0, $0xb8;
	[tilespmem:$0x1E700] =	vst v63  }
0x1cd: {  	s25 =	simm.s32 $0x9700;
	v4 =	vadd.s32 v1, v4  }
0x1ce: {  	[tilespmem:s25], [sflag:$0x1] =	stream.indirect_vreg.gather [hbm4b:s8+s3], $0x80, v5, vm0, $0xb8;
	[tilespmem:$0x1E700] =	vst v63  }
0x1cf: {  	s28 =	simm.s32 $0x9F00  }
0x1d0: {  	[tilespmem:s28], [sflag:$0x1] =	stream.indirect_vreg.gather [hbm4b:s9+s3], $0x80, v5, vm0, $0xb8;
	[tilespmem:$0x1E700] =	vst v63  }
0x1d1: {  	s30 =	simm.s32 $0xA700  }
0x1d2: {  	[tilespmem:s30], [sflag:$0x1] =	stream.indirect_vreg.gather [hbm4b:s2+s3], $0x80, v4, vm0, $0xb8;
	[tilespmem:$0x1E700] =	vst v63  }
0x1d3: {  	s15 =	simm.s32 $0xAF00  }
0x1d4: {  	[tilespmem:s15], [sflag:$0x1] =	stream.indirect_vreg.gather [hbm4b:s7+s3], $0x80, v4, vm0, $0xb8;
	[tilespmem:$0x1E700] =	vst v63  }
0x1d5: {  	s17 =	simm.s32 $0xB700  }
0x1d6: {  	[tilespmem:s17], [sflag:$0x1] =	stream.indirect_vreg.gather [hbm4b:s8+s3], $0x80, v4, vm0, $0xb8;
	[tilespmem:$0x1E700] =	vst v63  }
0x1d7: {  	s21 =	simm.s32 $0xBF00  }
0x1d8: {  	[tilespmem:s21], [sflag:$0x1] =	stream.indirect_vreg.gather [hbm4b:s9+s3], $0x80, v4, vm0, $0xb8;
	[tilespmem:$0x1E700] =	vst v63  }
0x1d9: {  	v4 =	vld.msk [tilespmem:s13+$0xA0], $0xff;
	_ =	sdelay $0x4  }
0x1da: {  	v5 =	vshll.u32 v4, $0x3  }
0x1db: {  	v4 =	vand.u32 $0x7, v4;
	v5 =	vand.u32 $0xFFFFFFC0, v5  }
0x1dc: {  	v4 =	vor.u32 v4, v5  }
0x1dd: {  	v4 =	vperm.xlane v4, v0;
	_ =	sdelay $0x1  }
0x1de: {  	v4 =	vadd.s32 v1, v4;
	_ =	sdelay $0x3  }
0x1df: {  	s22 =	simm.s32 $0xC700  }
0x1e0: {  	[tilespmem:s22], [sflag:$0x1] =	stream.indirect_vreg.gather [hbm4b:s2+s3], $0x80, v4, vm0, $0xb8;
	[tilespmem:$0x1E700] =	vst v63  }
0x1e1: {  	s25 =	simm.s32 $0xCF00  }
0x1e2: {  	[tilespmem:s25], [sflag:$0x1] =	stream.indirect_vreg.gather [hbm4b:s7+s3], $0x80, v4, vm0, $0xb8;
	[tilespmem:$0x1E700] =	vst v63  }
0x1e3: {  	s28 =	simm.s32 $0xD700  }
0x1e4: {  	[tilespmem:s28], [sflag:$0x1] =	stream.indirect_vreg.gather [hbm4b:s8+s3], $0x80, v4, vm0, $0xb8;
	[tilespmem:$0x1E700] =	vst v63  }
0x1e5: {  	s30 =	simm.s32 $0xDF00  }
0x1e6: {  	[tilespmem:s30], [sflag:$0x1] =	stream.indirect_vreg.gather [hbm4b:s9+s3], $0x80, v4, vm0, $0xb8;
	[tilespmem:$0x1E700] =	vst v63  }
.LBB2_6:
0x1e7: {  	s0 =	sor.u32 s5, s6  }
0x1e8: {  	s0 =	smul.u32 $0xE000, s0;
	_ =	sdelay $0x1  }
0x1e9: {  	s17 =	sshrl.u32 s0, $0x3  }
0x1ea: {  	s21 =	simm.s32 $0x0;
	s28 =	simm.s32 $0xE700;
	s13 =	sadd.s32 s4, s17  }
0x1eb: {  	[hbm4b:s13+s21] =	stream.linear.scatter [tilespmem:s28], [sflag:$0x2], $0x1C00, $0x38;
	[tilespmem:$0x1E700] =	vst v63  }
0x1ec: {  	s30 =	simm.s32 $0x10700;
	s15 =	sadd.s32 $0x400, s13  }
0x1ed: {  	[hbm4b:s15+s21] =	stream.linear.scatter [tilespmem:s30], [sflag:$0x2], $0x1C00, $0x38;
	[tilespmem:$0x1E700] =	vst v63  }
0x1ee: {  	s25 =	simm.s32 $0x12700;
	s22 =	sadd.s32 $0x800, s13  }
0x1ef: {  	[hbm4b:s22+s21] =	stream.linear.scatter [tilespmem:s25], [sflag:$0x2], $0x1C00, $0x38;
	[tilespmem:$0x1E700] =	vst v63  }
0x1f0: {  	s6 =	sadd.s32 $0xC00, s13;
	s15 =	simm.s32 $0x14700  }
0x1f1: {  	[hbm4b:s6+s21] =	stream.linear.scatter [tilespmem:s15], [sflag:$0x2], $0x1C00, $0x38;
	[tilespmem:$0x1E700] =	vst v63  }
0x1f2: {  	s22 =	sadd.s32 $0x1000, s13  }
0x1f3: {  	[hbm4b:s22+s21] =	stream.linear.scatter [tilespmem:s23], [sflag:$0x2], $0x1C00, $0x38;
	[tilespmem:$0x1E700] =	vst v63  }
0x1f4: {  	s25 =	sadd.s32 $0x1400, s13  }
0x1f5: {  	[hbm4b:s25+s21] =	stream.linear.scatter [tilespmem:s31], [sflag:$0x2], $0x1C00, $0x38;
	[tilespmem:$0x1E700] =	vst v63  }
0x1f6: {  	_ =	swait.ge [sflag:s18], $0x1800  }
0x1f7: {  	[sflag:s18] =	ssyncset.done $0x0  }
0x1f8: {  	s6 =	sand.u32 $0x7, s21;
	[sflag:s18] =	ssyncadd.s32 $0xFFFFE800  }
0x1f9: {  	s0 =	sshll.u32 s6, $0x7;
	_ =	swait.ge [sflag:s18], $0x800  }
0x1fa: {  	s0 =	sadd.s32 $0x0, s0;
	[sflag:s18] =	ssyncset.done $0x0  }
0x1fb: {  	s15 =	sor.u32 $0x1C00, s0;
	[sflag:s18] =	ssyncadd.s32 $0xFFFFF800  }
0x1fc: {  	v4 =	vld [tilespmem:s15+$0xE700];
	_ =	sdelay $0x3  }
0x1fd: {  	s6 =	simm.s32 $0x1C730  }
0x1fe: {  	s15 =	sor.u32 $0x1C10, s0;
	[tilespmem:s6+$0xFFFFFFD0] =	vst v4  }
0x1ff: {  	v4 =	vld [tilespmem:s15+$0xE700];
	_ =	sdelay $0x4  }
0x200: {  	s22 =	sor.u32 $0x1C20, s0;
	[tilespmem:s6+$0xFFFFFFE0] =	vst v4  }
0x201: {  	v4 =	vld [tilespmem:s22+$0xE700];
	_ =	sdelay $0x4  }
0x202: {  	s25 =	sor.u32 $0x1C30, s0;
	[tilespmem:s6+$0xFFFFFFF0] =	vst v4  }
0x203: {  	v4 =	vld [tilespmem:s25+$0xE700];
	_ =	sdelay $0x4  }
0x204: {  	s22 =	sor.u32 $0x1C40, s0;
	[tilespmem:s6+$0x0] =	vst v4  }
0x205: {  	v4 =	vld [tilespmem:s22+$0xE700];
	_ =	sdelay $0x4  }
0x206: {  	s25 =	sor.u32 $0x1C50, s0;
	[tilespmem:s6+$0x10] =	vst v4  }
0x207: {  	v4 =	vld [tilespmem:s25+$0xE700];
	_ =	sdelay $0x4  }
0x208: {  	s0 =	sor.u32 $0x1C60, s0;
	[tilespmem:s6+$0x20] =	vst v4  }
0x209: {  	v5 =	vld.msk [tilespmem:s0+$0xE700], $0xff;
	_ =	sdelay $0x3  }
0x20a: {  	s22 =	simm.s32 $0x1  }
0x20b: {  	s25 =	simm.s32 $0x100;
	v4 =	vperm.xlane v4, v3;
	s0 =	sand.u32 $0x7, s22;
	v5 =	vperm.xlane v5, v3  }
.LBB2_7:
0x20c: {  	p0 =	sne.s32 s25, $0x1780;
	s0 =	sshll.u32 s0, $0x7;
	s21 =	sadd.s32 $0x400, s21  }
0x20d: {  	s0 =	sadd.s32 s0, s21;
	v4 =	vsel vm1, v4, v5  }
0x20e: {  	s15 =	sor.u32 $0x1C00, s0;
	[tilespmem:s6+$0x28] =	vst v4  }
0x20f: {  	v4 =	vld [tilespmem:s15+$0xE700];
	_ =	sdelay $0x3  }
0x210: {  	s6 =	sadd.s32 $0x80, s6  }
0x211: {  	s15 =	sor.u32 $0x1C10, s0;
	[tilespmem:s6+$0xFFFFFFD0] =	vst v4  }
0x212: {  	v4 =	vld [tilespmem:s15+$0xE700];
	_ =	sdelay $0x4  }
0x213: {  	s15 =	sor.u32 $0x1C20, s0;
	[tilespmem:s6+$0xFFFFFFE0] =	vst v4  }
0x214: {  	v4 =	vld [tilespmem:s15+$0xE700];
	_ =	sdelay $0x4  }
0x215: {  	s15 =	sor.u32 $0x1C30, s0;
	[tilespmem:s6+$0xFFFFFFF0] =	vst v4  }
0x216: {  	v4 =	vld [tilespmem:s15+$0xE700];
	_ =	sdelay $0x4  }
0x217: {  	s15 =	sor.u32 $0x1C40, s0;
	[tilespmem:s6+$0x0] =	vst v4  }
0x218: {  	v4 =	vld [tilespmem:s15+$0xE700];
	_ =	sdelay $0x4  }
0x219: {  	s15 =	sor.u32 $0x1C50, s0;
	[tilespmem:s6+$0x10] =	vst v4  }
0x21a: {  	v4 =	vld [tilespmem:s15+$0xE700];
	_ =	sdelay $0x4  }
0x21b: {  	s0 =	sor.u32 $0x1C60, s0;
	[tilespmem:s6+$0x20] =	vst v4;
	v4 =	vperm.xlane v4, v3  }
0x21c: {  	v5 =	vld.msk [tilespmem:s0+$0xE700], $0xff  }
.Ltmp2:
0x21d: {  	(pc) =	sbr.rel @p0 .LBB2_7-.Ltmp2, $3  }
0x21e: {  	_ =	sdelay $0x1  }
0x21f: {  	s22 =	sadd.s32 $0x1, s22  }
0x220: {  	s25 =	sadd.s32 $0x80, s25;
	s0 =	sand.u32 $0x7, s22;
	v5 =	vperm.xlane v5, v3  }
0x221: {  	s0 =	sshll.u32 s0, $0x7;
	s15 =	sadd.s32 $0x400, s21  }
0x222: {  	s0 =	sadd.s32 s0, s15;
	v4 =	vsel vm1, v4, v5  }
0x223: {  	s15 =	sor.u32 $0x1C00, s0;
	[tilespmem:s6+$0x28] =	vst v4  }
0x224: {  	v4 =	vld [tilespmem:s15+$0xE700];
	_ =	sdelay $0x3  }
0x225: {  	s6 =	sadd.s32 $0x80, s6  }
0x226: {  	s25 =	sor.u32 $0x1C10, s0;
	[tilespmem:s6+$0xFFFFFFD0] =	vst v4  }
0x227: {  	v4 =	vld [tilespmem:s25+$0xE700];
	_ =	sdelay $0x4  }
0x228: {  	s21 =	sor.u32 $0x1C20, s0;
	[tilespmem:s6+$0xFFFFFFE0] =	vst v4  }
0x229: {  	v4 =	vld [tilespmem:s21+$0xE700];
	_ =	sdelay $0x4  }
0x22a: {  	s22 =	sor.u32 $0x1C30, s0;
	[tilespmem:s6+$0xFFFFFFF0] =	vst v4  }
0x22b: {  	v4 =	vld [tilespmem:s22+$0xE700];
	_ =	sdelay $0x4  }
0x22c: {  	s25 =	sor.u32 $0x1C40, s0;
	[tilespmem:s6+$0x0] =	vst v4  }
0x22d: {  	v4 =	vld [tilespmem:s25+$0xE700];
	_ =	sdelay $0x4  }
0x22e: {  	s21 =	sor.u32 $0x1C50, s0;
	[tilespmem:s6+$0x10] =	vst v4  }
0x22f: {  	v4 =	vld [tilespmem:s21+$0xE700];
	_ =	sdelay $0x4  }
0x230: {  	s0 =	sor.u32 $0x1C60, s0;
	[tilespmem:s6+$0x20] =	vst v4  }
0x231: {  	v5 =	vld.msk [tilespmem:s0+$0xE700], $0xff;
	_ =	sdelay $0x4  }
0x232: {  	v4 =	vperm.xlane v4, v3;
	v5 =	vperm.xlane v5, v3;
	_ =	sdelay $0x1  }
0x233: {  	v4 =	vsel vm1, v4, v5  }
0x234: {  	[tilespmem:s6+$0x28] =	vst v4  }
0x235: {  	v4 =	vld [tilespmem:$0x1A700]  }
0x236: {  	v5 =	vld [tilespmem:$0x1A710]  }
0x237: {  	v6 =	vld [tilespmem:$0x1A720]  }
0x238: {  	v7 =	vld [tilespmem:$0x1A730]  }
0x239: {  	v8 =	vld [tilespmem:$0x1A740]  }
0x23a: {  	[tilespmem:$0x1DF00] =	vst v4;
	v4 =	vld [tilespmem:$0x1A750]  }
0x23b: {  	[tilespmem:$0x1DF10] =	vst v5;
	v5 =	vld [tilespmem:$0x1A760]  }
0x23c: {  	v46 =	vld [tilespmem:$0x1A770];
	[tilespmem:$0x1DF20] =	vst v6  }
0x23d: {  	v47 =	vld [tilespmem:$0x1AB00];
	[tilespmem:$0x1DF30] =	vst v7  }
0x23e: {  	v48 =	vld [tilespmem:$0x1AB10];
	[tilespmem:$0x1DF40] =	vst v8  }
0x23f: {  	[tilespmem:$0x1DF50] =	vst v4;
	v4 =	vld [tilespmem:$0x1AB20]  }
0x240: {  	[tilespmem:$0x1DF60] =	vst v5;
	v5 =	vld [tilespmem:$0x1AB30]  }
0x241: {  	v49 =	vld [tilespmem:$0x1AB40];
	[tilespmem:$0x1DF70] =	vst v46  }
0x242: {  	v50 =	vld [tilespmem:$0x1AB50];
	[tilespmem:$0x1E000] =	vst v47  }
0x243: {  	v51 =	vld [tilespmem:$0x1AB60];
	[tilespmem:$0x1E010] =	vst v48  }
0x244: {  	[tilespmem:$0x1E020] =	vst v4;
	v4 =	vld [tilespmem:$0x1AB70]  }
0x245: {  	[tilespmem:$0x1E030] =	vst v5;
	v5 =	vld [tilespmem:$0x1AF00]  }
0x246: {  	v52 =	vld [tilespmem:$0x1AF10];
	[tilespmem:$0x1E040] =	vst v49  }
0x247: {  	v53 =	vld [tilespmem:$0x1AF20];
	[tilespmem:$0x1E050] =	vst v50  }
0x248: {  	v54 =	vld [tilespmem:$0x1AF30];
	[tilespmem:$0x1E060] =	vst v51  }
0x249: {  	[tilespmem:$0x1E070] =	vst v4;
	v4 =	vld [tilespmem:$0x1AF40]  }
0x24a: {  	[tilespmem:$0x1E100] =	vst v5;
	v5 =	vld [tilespmem:$0x1AF50]  }
0x24b: {  	v55 =	vld [tilespmem:$0x1AF60];
	[tilespmem:$0x1E110] =	vst v52  }
0x24c: {  	v56 =	vld [tilespmem:$0x1AF70];
	[tilespmem:$0x1E120] =	vst v53  }
0x24d: {  	v57 =	vld [tilespmem:$0x1B300];
	[tilespmem:$0x1E130] =	vst v54  }
0x24e: {  	[tilespmem:$0x1E140] =	vst v4;
	v4 =	vld [tilespmem:$0x1B310]  }
0x24f: {  	[tilespmem:$0x1E150] =	vst v5;
	v5 =	vld [tilespmem:$0x1B320]  }
0x250: {  	v58 =	vld [tilespmem:$0x1B330];
	[tilespmem:$0x1E160] =	vst v55  }
0x251: {  	v59 =	vld [tilespmem:$0x1B340];
	[tilespmem:$0x1E170] =	vst v56  }
0x252: {  	v60 =	vld [tilespmem:$0x1B350];
	[tilespmem:$0x1E200] =	vst v57  }
0x253: {  	[tilespmem:$0x1E210] =	vst v4;
	v4 =	vld [tilespmem:$0x1B360]  }
0x254: {  	[tilespmem:$0x1E220] =	vst v5;
	v5 =	vld [tilespmem:$0x1B370]  }
0x255: {  	v61 =	vld [tilespmem:$0x1B700];
	[tilespmem:$0x1E230] =	vst v58  }
0x256: {  	v62 =	vld [tilespmem:$0x1B710];
	[tilespmem:$0x1E240] =	vst v59  }
0x257: {  	v63 =	vld [tilespmem:$0x1B720];
	[tilespmem:$0x1E250] =	vst v60  }
0x258: {  	[tilespmem:$0x1E260] =	vst v4;
	v4 =	vld [tilespmem:$0x1B730]  }
0x259: {  	[tilespmem:$0x1E270] =	vst v5;
	v5 =	vld [tilespmem:$0x1B740]  }
0x25a: {  	v12 =	vld [tilespmem:$0x1B750];
	[tilespmem:$0x1E300] =	vst v61  }
0x25b: {  	v13 =	vld [tilespmem:$0x1B760];
	[tilespmem:$0x1E310] =	vst v62  }
0x25c: {  	v14 =	vld [tilespmem:$0x1B770];
	[tilespmem:$0x1E320] =	vst v63  }
0x25d: {  	[tilespmem:$0x1E330] =	vst v4;
	v4 =	vld [tilespmem:$0x1BB00]  }
0x25e: {  	[tilespmem:$0x1E340] =	vst v5;
	v5 =	vld [tilespmem:$0x1BB10]  }
0x25f: {  	v15 =	vld [tilespmem:$0x1BB20];
	[tilespmem:$0x1E350] =	vst v12  }
0x260: {  	v16 =	vld [tilespmem:$0x1BB30];
	[tilespmem:$0x1E360] =	vst v13  }
0x261: {  	v17 =	vld [tilespmem:$0x1BB40];
	[tilespmem:$0x1E370] =	vst v14  }
0x262: {  	[tilespmem:$0x1E400] =	vst v4;
	v4 =	vld [tilespmem:$0x1BB50]  }
0x263: {  	[tilespmem:$0x1E410] =	vst v5;
	v5 =	vld [tilespmem:$0x1BB60]  }
0x264: {  	v18 =	vld [tilespmem:$0x1BB70];
	[tilespmem:$0x1E420] =	vst v15  }
0x265: {  	v19 =	vld [tilespmem:$0x1BF00];
	[tilespmem:$0x1E430] =	vst v16  }
0x266: {  	v20 =	vld [tilespmem:$0x1BF10];
	[tilespmem:$0x1E440] =	vst v17  }
0x267: {  	[tilespmem:$0x1E450] =	vst v4;
	v4 =	vld [tilespmem:$0x1BF20]  }
0x268: {  	[tilespmem:$0x1E460] =	vst v5;
	v5 =	vld [tilespmem:$0x1BF30]  }
0x269: {  	v21 =	vld [tilespmem:$0x1BF40];
	[tilespmem:$0x1E470] =	vst v18  }
0x26a: {  	v22 =	vld [tilespmem:$0x1BF50];
	[tilespmem:$0x1E500] =	vst v19  }
0x26b: {  	v23 =	vld [tilespmem:$0x1BF60];
	[tilespmem:$0x1E510] =	vst v20  }
0x26c: {  	[tilespmem:$0x1E520] =	vst v4;
	v4 =	vld [tilespmem:$0x1BF70]  }
0x26d: {  	[tilespmem:$0x1E530] =	vst v5;
	v5 =	vld [tilespmem:$0x1C300]  }
0x26e: {  	v24 =	vld [tilespmem:$0x1C310];
	[tilespmem:$0x1E540] =	vst v21  }
0x26f: {  	v25 =	vld [tilespmem:$0x1C320];
	[tilespmem:$0x1E550] =	vst v22  }
0x270: {  	v26 =	vld [tilespmem:$0x1C330];
	[tilespmem:$0x1E560] =	vst v23  }
0x271: {  	[tilespmem:$0x1E570] =	vst v4;
	v4 =	vld [tilespmem:$0x1C340]  }
0x272: {  	[tilespmem:$0x1E600] =	vst v5;
	v5 =	vld [tilespmem:$0x1C350]  }
0x273: {  	v27 =	vld.msk [tilespmem:$0x1C360], $0xff;
	[tilespmem:$0x1E610] =	vst v24  }
0x274: {  	[tilespmem:$0x1E620] =	vst v25  }
0x275: {  	[tilespmem:$0x1E630] =	vst v26  }
0x276: {  	[tilespmem:$0x1E640] =	vst v4  }
0x277: {  	[tilespmem:$0x1E650] =	vst v5  }
0x278: {  	[tilespmem:s24+$0x0] =	vst.msk $0xff, v27  }
0x279: {  	v4 =	vld [tilespmem:$0x1A780]  }
0x27a: {  	v5 =	vld [tilespmem:$0x1A790]  }
0x27b: {  	v6 =	vld [tilespmem:$0x1A7A0]  }
0x27c: {  	v28 =	vld [tilespmem:$0x1A7B0]  }
0x27d: {  	v29 =	vld [tilespmem:$0x1A7C0]  }
0x27e: {  	[tilespmem:$0x1DF80] =	vst v4;
	v4 =	vld [tilespmem:$0x1A7D0]  }
0x27f: {  	[tilespmem:$0x1DF90] =	vst v5;
	v5 =	vld [tilespmem:$0x1A7E0]  }
0x280: {  	v30 =	vld [tilespmem:$0x1A7F0];
	[tilespmem:$0x1DFA0] =	vst v6  }
0x281: {  	v31 =	vld [tilespmem:$0x1AB80];
	[tilespmem:$0x1DFB0] =	vst v28  }
0x282: {  	v32 =	vld [tilespmem:$0x1AB90];
	[tilespmem:$0x1DFC0] =	vst v29  }
0x283: {  	[tilespmem:$0x1DFD0] =	vst v4;
	v4 =	vld [tilespmem:$0x1ABA0]  }
0x284: {  	[tilespmem:$0x1DFE0] =	vst v5;
	v5 =	vld [tilespmem:$0x1ABB0]  }
0x285: {  	v33 =	vld [tilespmem:$0x1ABC0];
	[tilespmem:$0x1DFF0] =	vst v30  }
0x286: {  	v34 =	vld [tilespmem:$0x1ABD0];
	[tilespmem:$0x1E080] =	vst v31  }
0x287: {  	v35 =	vld [tilespmem:$0x1ABE0];
	[tilespmem:$0x1E090] =	vst v32  }
0x288: {  	[tilespmem:$0x1E0A0] =	vst v4;
	v4 =	vld [tilespmem:$0x1ABF0]  }
0x289: {  	[tilespmem:$0x1E0B0] =	vst v5;
	v5 =	vld [tilespmem:$0x1AF80]  }
0x28a: {  	v36 =	vld [tilespmem:$0x1AF90];
	[tilespmem:$0x1E0C0] =	vst v33  }
0x28b: {  	v37 =	vld [tilespmem:$0x1AFA0];
	[tilespmem:$0x1E0D0] =	vst v34  }
0x28c: {  	v38 =	vld [tilespmem:$0x1AFB0];
	[tilespmem:$0x1E0E0] =	vst v35  }
0x28d: {  	[tilespmem:$0x1E0F0] =	vst v4;
	v4 =	vld [tilespmem:$0x1AFC0]  }
0x28e: {  	[tilespmem:$0x1E180] =	vst v5;
	v5 =	vld [tilespmem:$0x1AFD0]  }
0x28f: {  	v39 =	vld [tilespmem:$0x1AFE0];
	[tilespmem:$0x1E190] =	vst v36  }
0x290: {  	v40 =	vld [tilespmem:$0x1AFF0];
	[tilespmem:$0x1E1A0] =	vst v37  }
0x291: {  	v41 =	vld [tilespmem:$0x1B380];
	[tilespmem:$0x1E1B0] =	vst v38  }
0x292: {  	[tilespmem:$0x1E1C0] =	vst v4;
	v4 =	vld [tilespmem:$0x1B390]  }
0x293: {  	[tilespmem:$0x1E1D0] =	vst v5;
	v5 =	vld [tilespmem:$0x1B3A0]  }
0x294: {  	v42 =	vld [tilespmem:$0x1B3B0];
	[tilespmem:$0x1E1E0] =	vst v39  }
0x295: {  	v43 =	vld [tilespmem:$0x1B3C0];
	[tilespmem:$0x1E1F0] =	vst v40  }
0x296: {  	v44 =	vld [tilespmem:$0x1B3D0];
	[tilespmem:$0x1E280] =	vst v41  }
0x297: {  	[tilespmem:$0x1E290] =	vst v4;
	v4 =	vld [tilespmem:$0x1B3E0]  }
0x298: {  	[tilespmem:$0x1E2A0] =	vst v5;
	v5 =	vld [tilespmem:$0x1B3F0]  }
0x299: {  	v45 =	vld [tilespmem:$0x1B780];
	[tilespmem:$0x1E2B0] =	vst v42  }
0x29a: {  	v46 =	vld [tilespmem:$0x1B790];
	[tilespmem:$0x1E2C0] =	vst v43  }
0x29b: {  	v47 =	vld [tilespmem:$0x1B7A0];
	[tilespmem:$0x1E2D0] =	vst v44  }
0x29c: {  	[tilespmem:$0x1E2E0] =	vst v4;
	v4 =	vld [tilespmem:$0x1B7B0]  }
0x29d: {  	[tilespmem:$0x1E2F0] =	vst v5;
	v5 =	vld [tilespmem:$0x1B7C0]  }
0x29e: {  	v48 =	vld [tilespmem:$0x1B7D0];
	[tilespmem:$0x1E380] =	vst v45  }
0x29f: {  	v49 =	vld [tilespmem:$0x1B7E0];
	[tilespmem:$0x1E390] =	vst v46  }
0x2a0: {  	v50 =	vld [tilespmem:$0x1B7F0];
	[tilespmem:$0x1E3A0] =	vst v47  }
0x2a1: {  	[tilespmem:$0x1E3B0] =	vst v4;
	v4 =	vld [tilespmem:$0x1BB80]  }
0x2a2: {  	[tilespmem:$0x1E3C0] =	vst v5;
	v5 =	vld [tilespmem:$0x1BB90]  }
0x2a3: {  	v51 =	vld [tilespmem:$0x1BBA0];
	[tilespmem:$0x1E3D0] =	vst v48  }
0x2a4: {  	v52 =	vld [tilespmem:$0x1BBB0];
	[tilespmem:$0x1E3E0] =	vst v49  }
0x2a5: {  	v53 =	vld [tilespmem:$0x1BBC0];
	[tilespmem:$0x1E3F0] =	vst v50  }
0x2a6: {  	[tilespmem:$0x1E480] =	vst v4;
	v4 =	vld [tilespmem:$0x1BBD0]  }
0x2a7: {  	[tilespmem:$0x1E490] =	vst v5;
	v5 =	vld [tilespmem:$0x1BBE0]  }
0x2a8: {  	v54 =	vld [tilespmem:$0x1BBF0];
	[tilespmem:$0x1E4A0] =	vst v51  }
0x2a9: {  	v55 =	vld [tilespmem:$0x1BF80];
	[tilespmem:$0x1E4B0] =	vst v52  }
0x2aa: {  	v56 =	vld [tilespmem:$0x1BF90];
	[tilespmem:$0x1E4C0] =	vst v53  }
0x2ab: {  	[tilespmem:$0x1E4D0] =	vst v4;
	v4 =	vld [tilespmem:$0x1BFA0]  }
0x2ac: {  	[tilespmem:$0x1E4E0] =	vst v5;
	v5 =	vld [tilespmem:$0x1BFB0]  }
0x2ad: {  	v57 =	vld [tilespmem:$0x1BFC0];
	[tilespmem:$0x1E4F0] =	vst v54  }
0x2ae: {  	v58 =	vld [tilespmem:$0x1BFD0];
	[tilespmem:$0x1E580] =	vst v55  }
0x2af: {  	v59 =	vld [tilespmem:$0x1BFE0];
	[tilespmem:$0x1E590] =	vst v56  }
0x2b0: {  	[tilespmem:$0x1E5A0] =	vst v4;
	v4 =	vld [tilespmem:$0x1BFF0]  }
0x2b1: {  	[tilespmem:$0x1E5B0] =	vst v5;
	v5 =	vld [tilespmem:$0x1C380]  }
0x2b2: {  	v60 =	vld [tilespmem:$0x1C390];
	[tilespmem:$0x1E5C0] =	vst v57  }
0x2b3: {  	v61 =	vld [tilespmem:$0x1C3A0];
	[tilespmem:$0x1E5D0] =	vst v58  }
0x2b4: {  	v62 =	vld [tilespmem:$0x1C3B0];
	[tilespmem:$0x1E5E0] =	vst v59  }
0x2b5: {  	[tilespmem:$0x1E5F0] =	vst v4;
	v4 =	vld [tilespmem:$0x1C3C0]  }
0x2b6: {  	[tilespmem:$0x1E680] =	vst v5;
	v5 =	vld [tilespmem:$0x1C3D0]  }
0x2b7: {  	v63 =	vld.msk [tilespmem:$0x1C3E0], $0xff;
	[tilespmem:$0x1E690] =	vst v60  }
0x2b8: {  	[tilespmem:$0x1E6A0] =	vst v61  }
0x2b9: {  	s19 =	sadd.s32 $0x1, s19;
	[tilespmem:$0x1E6B0] =	vst v62  }
0x2ba: {  	p0 =	sne.s32 s19, $0x10;
	[tilespmem:$0x1E6C0] =	vst v4  }
.Ltmp3:
0x2bb: {  	[tilespmem:$0x1E6D0] =	vst v5;
	(pc) =	sbr.rel @p0 .LBB2_2-.Ltmp3, $4  }
0x2bc: {  	s22 =	sadd.s32 s17, s10;
	[tilespmem:s26+$0x0] =	vst.msk $0xff, v63  }
0x2bd: {  	[hbm4b:s22+s29] =	stream.strided.scatter [tilespmem:s11], [sflag:$0x3], $0x1800, s1, s29, $0x38;
	[tilespmem:$0x1E700] =	vst v63  }
0x2be: {  	s25 =	sadd.s32 $0x1800, s13  }
0x2bf: {  	[hbm4b:s25+s12] =	stream.strided.scatter [tilespmem:s14], [sflag:$0x3], $0x800, s29, s12, $0x38;
	[tilespmem:$0x1E700] =	vst v63  }
0x2c0: {  	_ =	swait.ge [sflag:s16], $0xA800  }
0x2c1: {  	[sflag:s16] =	ssyncset.done $0x0  }
0x2c2: {  	[sflag:s16] =	ssyncadd.s32 $0xFFFF5800  }
0x2c3: {  	_ =	swait.ge [sflag:s18], $0x1800  }
0x2c4: {  	[sflag:s18] =	ssyncset.done $0x0  }
0x2c5: {  	[sflag:s18] =	ssyncadd.s32 $0xFFFFE800  }
0x2c6: {  	_ =	swait.ge [sflag:s18], $0x800  }
0x2c7: {  	s6 =	rddreg [dreg:$0x5]  }
0x2c8: {  	s0 =	rddreg [dreg:$0x4];
	s6 =	sadd.s32 $0x1, s6  }
0x2c9: {  	p0 =	sne.s32 s6, s0  }
.Ltmp4:
0x2ca: {  	_ = 	snop;
	(pc) =	sbr.rel @p0 .LBB2_1-.Ltmp4, $3  }
0x2cb: {  	_ =	sdelay $0x1  }
0x2cc: {  	[sflag:s18] =	ssyncset.done $0x0  }
0x2cd: {  	[sflag:s18] =	ssyncadd.s32 $0xFFFFF800  }
0x2ce: {  	_ =	sfence.sel $0x180000  }
0x2cf: {  	[bflag:$0x0] =	sbarrier.arrive $0xFFFF  }
0x2d0: {  	_ =	strace $0x90000047  }
0x2d1: {  	s0 =	stileid.u32;
	[bflag:$0x2] =	sbarrier.arrive $0xFFFF  }
0x2d2: {  	p0 =	sne.s32 s0, $0x0;
	s0 =	rddreg [dreg:$0x2]  }
0x2d3: {  	s0 =	sadd.s32 @!p0 $0x100000, s0  }
0x2d4: {  	[sflag:s0] =	ssyncadd.tile.s32 @!p0 $0x1;
	_ =	shalt  }
.Lfunc_end2:
_tile_overlayer_lowered:
.L_overlay_start_2:
0x2d5: {  	(tag) =	ssettag $0x2  }
0x2d6: {  	s0 =	rddreg [dreg:$0x0];
	s2 =	stileid.u32  }
0x2d7: {  	s1 =	rddreg [dreg:$0x1];
	p0 =	sne.s32 s2, $0x0  }
0x2d8: {  	s3 =	rddreg [dreg:$0x2];
	[bflag:$0x3] =	sbarrier.arrive $0xFFFF;
	s2 =	simm.s32 @!p0 $0x1C04  }
0x2d9: {  	[timem:s3], [sflag:s2] =	dma.local @!p0 [hbm:s0], s1  }
0x2da: {  	s0 =	simm.s32 @!p0 $0x4  }
0x2db: {  	_ =	swait.ge @!p0 [sflag:s0], s1  }
0x2dc: {  	s1 =	ssub.s32 @!p0 $0x0, s1;
	[sflag:s0] =	ssyncset.done @!p0 $0x0  }
0x2dd: {  	[sflag:s0] =	ssyncadd.s32 @!p0 s1  }
0x2de: {  	[bflag:$0x3] =	sbarrier.arrive $0xFFFF  }
0x2df: {  	_ =	shalt  }

</sc_bundles>
